<compile_context>
chip_gen: v7x
topology: tpu7x:2x2x1
jax: 0.10.2.dev20260603
libtpu: 0.0.44.dev20260713+nightly
codegen_flags: <defaults>
</compile_context>

<pallas_src>
import functools

import jax
import jax.numpy as jnp
from jax import lax
from jax.experimental import pallas as pl
from jax.experimental.pallas import tpu as pltpu
from jax.experimental.pallas import tpu_sc as plsc

N_NODES = 100000
NP = 100352
NPK = NP * 16 // 128
NE = 1600000
EP = 1638400
EPK = EP * 16 // 128
NW = 32
ROWS = EP // NW // 128
EC = 512
NCC = ROWS * 128 // EC
EG = 1024
NCH = ROWS * 128 // EG
SLICE = NP // 16
F = 16

_mesh = plsc.VectorSubcoreMesh(core_axis_name="c", subcore_axis_name="s")
_sc_params = pltpu.CompilerParams(use_tc_tiling_on_sc=False)



def _sc_deg_body(src_hbm, part_hbm, src_v, srcb_v, ones_v, zrow_v, acc_sh,
                 sem, semb):
    cid = lax.axis_index("c")
    sid = lax.axis_index("s")
    wid = cid * 16 + sid

    def zrow(i, _):
        zrow_v[i, :] = jnp.zeros((F,), jnp.float32)
        return 0
    lax.fori_loop(0, 128, zrow, 0)

    def zslice(c, _):
        pltpu.sync_copy(zrow_v, acc_sh.at[pl.ds(sid * SLICE + c * 128, 128)])
        return 0
    lax.fori_loop(0, SLICE // 128, zslice, 0)

    def fill(g, _):
        ones_v[g, :] = jnp.full((F,), 1.0, jnp.float32)
        return 0
    lax.fori_loop(0, EC, fill, 0)
    plsc.subcore_barrier()

    def one_chunk(c, idx_v, ssem):
        @pl.when(c >= 2)
        def _():
            pltpu.make_async_copy(ones_v, acc_sh.at[idx_v], ssem).wait()
        pltpu.sync_copy(src_hbm.at[wid, c], idx_v)
        pltpu.async_copy(ones_v, acc_sh.at[idx_v], ssem, add=True)

    def chunk(c, _):
        @pl.when(c % 2 == 0)
        def _():
            one_chunk(c, src_v, sem)
        @pl.when(c % 2 == 1)
        def _():
            one_chunk(c, srcb_v, semb)
        return 0
    lax.fori_loop(0, NCC, chunk, 0)
    pltpu.make_async_copy(ones_v, acc_sh.at[src_v], sem).wait()
    pltpu.make_async_copy(ones_v, acc_sh.at[srcb_v], semb).wait()
    plsc.subcore_barrier()
    pltpu.sync_copy(acc_sh.at[pl.ds(sid * SLICE, SLICE)],
                    part_hbm.at[cid, pl.ds(sid * SLICE, SLICE)])


_sc_deg = pl.kernel(
    _sc_deg_body,
    out_type=jax.ShapeDtypeStruct((2, NP, F), jnp.float32),
    mesh=_mesh,
    scratch_types=[
        pltpu.VMEM((EC,), jnp.int32),
        pltpu.VMEM((EC,), jnp.int32),
        pltpu.VMEM((EC, F), jnp.float32),
        pltpu.VMEM((128, F), jnp.float32),
        pltpu.VMEM_SHARED((NP, F), jnp.float32),
        pltpu.SemaphoreType.DMA,
        pltpu.SemaphoreType.DMA,
    ],
    compiler_params=_sc_params,
)


def _sc_prop_body(y_hbm, src_hbm, dst_hbm, part_hbm,
                  src_a, dst_a, rows_a, src_b, dst_b, rows_b,
                  zrow_v, acc_sh, gsem_a, ssem_a, gsem_b, ssem_b):
    cid = lax.axis_index("c")
    sid = lax.axis_index("s")
    wid = cid * 16 + sid

    def zrow(i, _):
        zrow_v[i, :] = jnp.zeros((F,), jnp.float32)
        return 0
    lax.fori_loop(0, 128, zrow, 0)

    def zslice(c, _):
        pltpu.sync_copy(zrow_v, acc_sh.at[pl.ds(sid * SLICE + c * 128, 128)])
        return 0
    lax.fori_loop(0, SLICE // 128, zslice, 0)
    plsc.subcore_barrier()

    def one_chunk(c, src_v, dst_v, rows_v, gsem, ssem):
        @pl.when(c >= 2)
        def _():
            pltpu.make_async_copy(rows_v, acc_sh.at[dst_v], ssem).wait()
        pltpu.sync_copy(src_hbm.at[wid, c], src_v)
        pltpu.sync_copy(dst_hbm.at[wid, c], dst_v)
        pltpu.async_copy(y_hbm.at[src_v], rows_v, gsem).wait()
        pltpu.async_copy(rows_v, acc_sh.at[dst_v], ssem, add=True)

    def chunk(c, _):
        @pl.when(c % 2 == 0)
        def _():
            one_chunk(c, src_a, dst_a, rows_a, gsem_a, ssem_a)
        @pl.when(c % 2 == 1)
        def _():
            one_chunk(c, src_b, dst_b, rows_b, gsem_b, ssem_b)
        return 0
    lax.fori_loop(0, NCC, chunk, 0)
    pltpu.make_async_copy(rows_a, acc_sh.at[dst_a], ssem_a).wait()
    pltpu.make_async_copy(rows_b, acc_sh.at[dst_b], ssem_b).wait()
    plsc.subcore_barrier()
    pltpu.sync_copy(acc_sh.at[pl.ds(sid * SLICE, SLICE)],
                    part_hbm.at[cid, pl.ds(sid * SLICE, SLICE)])


_sc_prop = pl.kernel(
    _sc_prop_body,
    out_type=jax.ShapeDtypeStruct((2, NP, F), jnp.float32),
    mesh=_mesh,
    scratch_types=[
        pltpu.VMEM((EC,), jnp.int32),
        pltpu.VMEM((EC,), jnp.int32),
        pltpu.VMEM((EC, F), jnp.float32),
        pltpu.VMEM((EC,), jnp.int32),
        pltpu.VMEM((EC,), jnp.int32),
        pltpu.VMEM((EC, F), jnp.float32),
        pltpu.VMEM((128, F), jnp.float32),
        pltpu.VMEM_SHARED((NP, F), jnp.float32),
        pltpu.SemaphoreType.DMA,
        pltpu.SemaphoreType.DMA,
        pltpu.SemaphoreType.DMA,
        pltpu.SemaphoreType.DMA,
    ],
    compiler_params=_sc_params,
)


def _sc_gather_body(c_hbm, src_hbm, dst_hbm, cs_hbm, cd_hbm,
                    src_a, dst_a, rows_a, rowd_a,
                    src_b, dst_b, rows_b, rowd_b,
                    gs_a, gd_a, ws_a, wd_a, gs_b, gd_b, ws_b, wd_b):
    cid = lax.axis_index("c")
    sid = lax.axis_index("s")
    wid = cid * 16 + sid
    base = wid * (ROWS * 128)

    def one_chunk(c, src_v, dst_v, rows_v, rowd_v, gs, gd, ws, wd):
        @pl.when(c >= 2)
        def _():
            pltpu.make_async_copy(
                rows_v, cs_hbm.at[pl.ds(base, EG)], ws).wait()
            pltpu.make_async_copy(
                rowd_v, cd_hbm.at[pl.ds(base, EG)], wd).wait()
        pltpu.sync_copy(src_hbm.at[wid, c], src_v)
        pltpu.sync_copy(dst_hbm.at[wid, c], dst_v)
        cps = pltpu.async_copy(c_hbm.at[src_v], rows_v, gs)
        cpd = pltpu.async_copy(c_hbm.at[dst_v], rowd_v, gd)
        cps.wait()
        pltpu.async_copy(rows_v, cs_hbm.at[pl.ds(base + c * EG, EG)], ws)
        cpd.wait()
        pltpu.async_copy(rowd_v, cd_hbm.at[pl.ds(base + c * EG, EG)], wd)

    def chunk(c, _):
        @pl.when(c % 2 == 0)
        def _():
            one_chunk(c, src_a, dst_a, rows_a, rowd_a, gs_a, gd_a, ws_a, wd_a)
        @pl.when(c % 2 == 1)
        def _():
            one_chunk(c, src_b, dst_b, rows_b, rowd_b, gs_b, gd_b, ws_b, wd_b)
        return 0
    lax.fori_loop(0, NCH, chunk, 0)
    pltpu.make_async_copy(rows_a, cs_hbm.at[pl.ds(base, EG)], ws_a).wait()
    pltpu.make_async_copy(rowd_a, cd_hbm.at[pl.ds(base, EG)], wd_a).wait()
    pltpu.make_async_copy(rows_b, cs_hbm.at[pl.ds(base, EG)], ws_b).wait()
    pltpu.make_async_copy(rowd_b, cd_hbm.at[pl.ds(base, EG)], wd_b).wait()


_sc_gather = pl.kernel(
    _sc_gather_body,
    out_type=(jax.ShapeDtypeStruct((EP, F), jnp.float32),
              jax.ShapeDtypeStruct((EP, F), jnp.float32)),
    mesh=_mesh,
    scratch_types=(
        [pltpu.VMEM((EG,), jnp.int32), pltpu.VMEM((EG,), jnp.int32),
         pltpu.VMEM((EG, F), jnp.float32), pltpu.VMEM((EG, F), jnp.float32)] * 2
        + [pltpu.SemaphoreType.DMA] * 8),
    compiler_params=_sc_params,
)



_NBLK = 49


def _tc_prep_body(part_ref, x_ref, d16_ref, y0_ref):
    d = part_ref[0] + part_ref[1]
    d16 = jnp.where(d > 0, lax.rsqrt(jnp.maximum(d, 1e-12)), 0.0)
    d16_ref[...] = d16
    y0_ref[...] = d16 * x_ref[...]


def _tc_prep(part, x_pack):
    return pl.pallas_call(
        _tc_prep_body,
        grid=(_NBLK,),
        in_specs=[
            pl.BlockSpec((2, 256, 128), lambda i: (0, i, 0)),
            pl.BlockSpec((256, 128), lambda i: (i, 0)),
        ],
        out_specs=[
            pl.BlockSpec((256, 128), lambda i: (i, 0)),
            pl.BlockSpec((256, 128), lambda i: (i, 0)),
        ],
        out_shape=[jax.ShapeDtypeStruct((NPK, 128), jnp.float32),
                   jax.ShapeDtypeStruct((NPK, 128), jnp.float32)],
    )(part, x_pack)


def _tc_comb_body(alpha, beta, a_ref, d16_ref, tprev_ref, t_ref, y_ref):
    s = a_ref[0] + a_ref[1]
    d16 = d16_ref[...]
    t = (-alpha) * d16 * s - beta * tprev_ref[...]
    t_ref[...] = t
    y_ref[...] = d16 * t


def _tc_comb(alpha, beta, a, d16, tprev):
    return pl.pallas_call(
        functools.partial(_tc_comb_body, alpha, beta),
        grid=(_NBLK,),
        in_specs=[
            pl.BlockSpec((2, 256, 128), lambda i: (0, i, 0)),
            pl.BlockSpec((256, 128), lambda i: (i, 0)),
            pl.BlockSpec((256, 128), lambda i: (i, 0)),
        ],
        out_specs=[
            pl.BlockSpec((256, 128), lambda i: (i, 0)),
            pl.BlockSpec((256, 128), lambda i: (i, 0)),
        ],
        out_shape=[jax.ShapeDtypeStruct((NPK, 128), jnp.float32),
                   jax.ShapeDtypeStruct((NPK, 128), jnp.float32)],
    )(a, d16, tprev)


def _tc_gates_body(t0, t1, t2, t3, t4, wz, wh, wc, bz, bh, c_ref):
    ts = (t0[...], t1[...], t2[...], t3[...], t4[...])
    sz = jnp.broadcast_to(bz[...], (256, 128))
    sh = jnp.broadcast_to(bh[...], (256, 128))
    for k in range(5):
        sz = sz + jnp.dot(ts[k], wz[k], preferred_element_type=jnp.float32)
        sh = sh + jnp.dot(ts[k], wh[k], preferred_element_type=jnp.float32)
    z = jax.nn.sigmoid(sz)
    ht = jnp.tanh(sh)
    h = jax.nn.relu((1.0 - z) * ht)
    c_ref[...] = jnp.dot(h, wc[...], preferred_element_type=jnp.float32)


def _tc_gates(t0, t1, t2, t3, t4, wz, wh, wc, bz, bh):
    blk = pl.BlockSpec((256, 128), lambda i: (i, 0))
    wspec3 = pl.BlockSpec((5, 128, 128), lambda i: (0, 0, 0))
    wspec2 = pl.BlockSpec((128, 128), lambda i: (0, 0))
    bspec = pl.BlockSpec((1, 128), lambda i: (0, 0))
    return pl.pallas_call(
        _tc_gates_body,
        grid=(_NBLK,),
        in_specs=[blk, blk, blk, blk, blk, wspec3, wspec3, wspec2, bspec, bspec],
        out_specs=blk,
        out_shape=jax.ShapeDtypeStruct((NPK, 128), jnp.float32),
    )(t0, t1, t2, t3, t4, wz, wh, wc, bz, bh)


_EBLK = EPK // 512


def _tc_mlp_body(cs, cd, pa, pb, w14, w5, bt, out_ref):
    x = jnp.dot(cs[...], pa[...], preferred_element_type=jnp.float32)
    x = x + jnp.dot(cd[...], pb[...], preferred_element_type=jnp.float32)
    x = jax.nn.relu(x + bt[0])
    for l in range(4):
        x = jax.nn.relu(
            jnp.dot(x, w14[l], preferred_element_type=jnp.float32) + bt[l + 1])
    x = jax.nn.relu(jnp.dot(x, w5[...], preferred_element_type=jnp.float32)
                    + bt[5])
    m = x
    for sh in (1, 2, 126, 127):
        m = jnp.maximum(m, pltpu.roll(x, sh, 1))
    lane = lax.broadcasted_iota(jnp.int32, (512, 128), 1)
    e = jnp.where(lane % 16 < 3, jnp.exp(x - m), 0.0)
    s = e
    for sh in (1, 2, 126, 127):
        s = s + pltpu.roll(e, sh, 1)
    s = jnp.where(s > 0, s, 1.0)
    out_ref[...] = e / s


def _tc_mlp(cs_pack, cd_pack, pa, pb, w14, w5, bt):
    blk = pl.BlockSpec((512, 128), lambda i: (i, 0))
    wspec3 = pl.BlockSpec((4, 128, 128), lambda i: (0, 0, 0))
    wspec2 = pl.BlockSpec((128, 128), lambda i: (0, 0))
    bspec = pl.BlockSpec((6, 128), lambda i: (0, 0))
    return pl.pallas_call(
        _tc_mlp_body,
        grid=(_EBLK,),
        in_specs=[blk, blk, wspec2, wspec2, wspec3, wspec2, bspec],
        out_specs=blk,
        out_shape=jax.ShapeDtypeStruct((EPK, 128), jnp.float32),
    )(cs_pack, cd_pack, pa, pb, w14, w5, bt)



def _bd8(w16):
    return jnp.kron(jnp.eye(8, dtype=jnp.float32), w16)


def _tile8(v16):
    return jnp.tile(v16, 8).reshape(1, 128)


def kernel(edge_index, params):
    p = params
    src = edge_index[0]
    dst = edge_index[1]
    pad = jnp.full((EP - NE,), N_NODES, jnp.int32)
    srcp = jnp.concatenate([src, pad])
    dstp = jnp.concatenate([dst, pad])
    src3 = srcp.reshape(NW, NCC, EC)
    dst3 = dstp.reshape(NW, NCC, EC)
    src3g = srcp.reshape(NW, NCH, EG)
    dst3g = dstp.reshape(NW, NCH, EG)

    x_pad = jnp.zeros((NP, F), jnp.float32).at[:N_NODES].set(p["emb"])
    x_pack = x_pad.reshape(NPK, 128)

    wz = jnp.stack([_bd8(p["W_xz"][k]) for k in range(5)])
    wh = jnp.stack([_bd8(p["W_xh"][k]) for k in range(5)])
    w0 = p["lin0_w"]
    wc = _bd8(jnp.concatenate([w0[:16], w0[16:]], axis=1))
    bz = _tile8(p["b_xz"] + p["b_hz"])
    bh = _tile8(p["b_xh"] + p["b_hh"])
    eye8 = jnp.eye(8, dtype=jnp.float32)
    zz = jnp.zeros((8, 8), jnp.float32)
    pa = _bd8(jnp.block([[eye8, zz], [zz, zz]]))
    pb = _bd8(jnp.block([[zz, zz], [eye8, zz]]))
    w14 = jnp.stack([
        _bd8(jnp.zeros((16, 16), jnp.float32).at[:8, :8].set(p["lin%d_w" % j]))
        for j in range(1, 5)])
    w5 = _bd8(jnp.zeros((16, 16), jnp.float32).at[:8, :3].set(p["lin5_w"]))
    bt = jnp.concatenate([
        _tile8(jnp.concatenate([p["lin0_b"], jnp.zeros((8,), jnp.float32)])),
        _tile8(jnp.concatenate([p["lin1_b"], jnp.zeros((8,), jnp.float32)])),
        _tile8(jnp.concatenate([p["lin2_b"], jnp.zeros((8,), jnp.float32)])),
        _tile8(jnp.concatenate([p["lin3_b"], jnp.zeros((8,), jnp.float32)])),
        _tile8(jnp.concatenate([p["lin4_b"], jnp.zeros((8,), jnp.float32)])),
        _tile8(jnp.concatenate([p["lin5_b"], jnp.zeros((13,), jnp.float32)])),
    ], axis=0)

    deg_part = _sc_deg(src3)
    d16, y0 = _tc_prep(deg_part.reshape(2, NPK, 128), x_pack)

    t0 = x_pack
    a = _sc_prop(y0.reshape(NP, F), src3, dst3)
    t1, y1 = _tc_comb(1.0, 0.0, a.reshape(2, NPK, 128), d16, t0)
    a = _sc_prop(y1.reshape(NP, F), src3, dst3)
    t2, y2 = _tc_comb(2.0, 1.0, a.reshape(2, NPK, 128), d16, t0)
    a = _sc_prop(y2.reshape(NP, F), src3, dst3)
    t3, y3 = _tc_comb(2.0, 1.0, a.reshape(2, NPK, 128), d16, t1)
    a = _sc_prop(y3.reshape(NP, F), src3, dst3)
    t4, _ = _tc_comb(2.0, 1.0, a.reshape(2, NPK, 128), d16, t2)

    c = _tc_gates(t0, t1, t2, t3, t4, wz, wh, wc, bz, bh)
    cs, cd = _sc_gather(c.reshape(NP, F), src3g, dst3g)
    out = _tc_mlp(cs.reshape(EPK, 128), cd.reshape(EPK, 128),
                  pa, pb, w14, w5, bt)
    return out.reshape(EP, F)[:NE, :3]

# --- scband reference (transcript-rebuilt; emitter-appended) ---
"""Pipeline reference for scband-gconvcheb-24026047054158 (READ-ONLY COPY).

The authoritative reference and input builder live on the scoring server;
editing this copy changes nothing except your own understanding.
"""

import jax, jax.numpy as jnp
import numpy as np

TEAM_COUNT = 100000
N_EDGES = 1600000
EMBED_DIM = 16
CONV_OUT = 16
K = 5
DENSE_DIMS = (8, 8, 8, 8, 8)
TARGET_DIM = 3


def _uniform(key, shape, fan_in):
    lim = 1.0 / np.sqrt(fan_in)
    return jax.random.uniform(key, shape, minval=-lim, maxval=lim, dtype=jnp.float32)


def setup_inputs(seed: int = 0):
    key = jax.random.key(seed)
    ks = jax.random.split(key, 64)
    edge_index = jax.random.randint(ks[0], (2, N_EDGES), 0, TEAM_COUNT, dtype=jnp.int32)
    params = {}
    params["emb"] = jax.random.normal(ks[1], (TEAM_COUNT, EMBED_DIM), dtype=jnp.float32)
    conv_specs = [("xz", EMBED_DIM), ("hz", CONV_OUT), ("xr", EMBED_DIM), ("hr", CONV_OUT), ("xh", EMBED_DIM), ("hh", CONV_OUT)]
    i = 2
    for name, fin in conv_specs:
        params["W_" + name] = _uniform(ks[i], (K, fin, CONV_OUT), fin * K); i += 1
        params["b_" + name] = jnp.zeros((CONV_OUT,), dtype=jnp.float32)
    dims = [CONV_OUT * 2] + list(DENSE_DIMS) + [TARGET_DIM]
    for j in range(len(dims) - 1):
        params["lin%d_w" % j] = _uniform(ks[i], (dims[j], dims[j + 1]), dims[j]); i += 1
        params["lin%d_b" % j] = _uniform(ks[i], (dims[j + 1],), dims[j]); i += 1
    return {"edge_index": edge_index, "params": params}


def _cheb(x, W, b, src, dst, norm, n):
    # ChebConv with normalization='sym', lambda_max=2.0 -> L_hat = -D^{-1/2} A D^{-1/2}
    Tx0 = x
    out = Tx0 @ W[0]
    Tx1 = jax.ops.segment_sum(norm[:, None] * Tx0[src], dst, num_segments=n)
    out = out + Tx1 @ W[1]
    for k in range(2, W.shape[0]):
        Tx2 = 2.0 * jax.ops.segment_sum(norm[:, None] * Tx1[src], dst, num_segments=n) - Tx0
        out = out + Tx2 @ W[k]
        Tx0, Tx1 = Tx1, Tx2
    return out + b


def _forward(edge_index, p):
    src, dst = edge_index[0], edge_index[1]
    n = TEAM_COUNT
    deg = jax.ops.segment_sum(jnp.ones(src.shape[0], dtype=jnp.float32), src, num_segments=n)
    dis = jnp.where(deg > 0, jax.lax.rsqrt(jnp.maximum(deg, 1e-12)), 0.0)
    norm = -(dis[src] * dis[dst])
    X = p["emb"]  # embedding(arange(team_count)) == full table
    H = jnp.zeros((n, CONV_OUT), dtype=jnp.float32)
    # GConvGRU single step
    Z = jax.nn.sigmoid(_cheb(X, p["W_xz"], p["b_xz"], src, dst, norm, n) + _cheb(H, p["W_hz"], p["b_hz"], src, dst, norm, n))
    R = jax.nn.sigmoid(_cheb(X, p["W_xr"], p["b_xr"], src, dst, norm, n) + _cheb(H, p["W_hr"], p["b_hr"], src, dst, norm, n))
    Ht = jnp.tanh(_cheb(X, p["W_xh"], p["b_xh"], src, dst, norm, n) + _cheb(H * R, p["W_hh"], p["b_hh"], src, dst, norm, n))
    H = Z * H + (1.0 - Z) * Ht
    h = jax.nn.relu(H)
    feat = jnp.concatenate([h[src], h[dst]], axis=1)
    for j in range(6):
        feat = jax.nn.relu(feat @ p["lin%d_w" % j] + p["lin%d_b" % j])
    return jax.nn.softmax(feat, axis=1)


def reference(edge_index, params):
    return _forward(edge_index, params)

if __name__ == "__main__":
    import jax
    _d = setup_inputs()
    print(jax.jit(kernel)(*tuple(_d.values())))

</pallas_src>

<mosaic_0001>
#map = affine_map<(d0, d1) -> (0, 0, 0)>
module attributes {stable_mosaic.version = 14 : i64} {
  func.func @_sc_deg_body(%arg0: i32, %arg1: i32, %arg2: memref<32x100x512xi32, #tpu.memory_space<hbm>>, %arg3: memref<2x100352x16xf32, #tpu.memory_space<hbm>>, %arg4: memref<512xi32, #tpu.memory_space<vmem>>, %arg5: memref<512xi32, #tpu.memory_space<vmem>>, %arg6: memref<512x16xf32, #tpu.memory_space<vmem>>, %arg7: memref<128x16xf32, #tpu.memory_space<vmem>>, %arg8: memref<100352x16xf32, #tpu.memory_space<vmem_shared>>, %arg9: memref<!tpu.dma_semaphore, #tpu.memory_space<semaphore_mem>>, %arg10: memref<!tpu.dma_semaphore, #tpu.memory_space<semaphore_mem>>) attributes {dimension_semantics = [#tpu.dimension_semantics<core_parallel>, #tpu.dimension_semantics<subcore_parallel>], iteration_bounds = array<i64: 2, 16>, scalar_prefetch = 0 : i64, scratch_operands = 7 : i64, tpu.core_type = #tpu.core_type<sc_vector_subcore>, window_params = [{transform_indices = #map}, {transform_indices = #map}]} {
    %mul3A = arith.constant 16 : i32
    %mul3A_0 = arith.muli %arg0, %mul3A : i32
    %add3A = arith.addi %mul3A_0, %arg1 : i32
    %scan3A = arith.constant 0 : i32
    %scan3A_1 = arith.constant 0 : i32
    %scan3A_2 = arith.constant 128 : i32
    %scan3A_3 = arith.addi %scan3A_1, %scan3A_2 : i32
    %scan3A_4 = arith.constant 1 : i32
    %scan3A_5 = scf.for %scan3A_38 = %scan3A_1 to %scan3A_3 step %scan3A_4 iter_args(%scan3A_39 = %scan3A) -> (i32)  : i32 {
      %broadcast_in_dim3A = arith.constant 0.000000e+00 : f32
      %broadcast_in_dim3A_40 = vector.broadcast %broadcast_in_dim3A : f32 to vector<16xf32>
      %swap3A = arith.index_cast %scan3A_38 : i32 to index
      %swap3A_41 = arith.constant 0 : index
      %swap3A_42 = tpu.vector_load %arg7[%swap3A, %swap3A_41] {strides = array<i32>} : memref<128x16xf32, #tpu.memory_space<vmem>>, vector<1x16xf32>,
      %swap3A_43 = vector.shape_cast %swap3A_42 : vector<1x16xf32> to vector<16xf32>
      %swap3A_44 = vector.shape_cast %broadcast_in_dim3A_40 : vector<16xf32> to vector<1x16xf32>
      tpu.vector_store %arg7[%swap3A, %swap3A_41], %swap3A_44 {strides = array<i32>} : memref<128x16xf32, #tpu.memory_space<vmem>>, vector<1x16xf32>,
      %scan3A_45 = arith.constant 0 : i32
      scf.yield %scan3A_45 : i32
    }
    %scan3A_6 = arith.constant 128 : i32
    %scan3A_7 = arith.constant 0 : i32
    %scan3A_8 = arith.constant 0 : i32
    %scan3A_9 = arith.constant 49 : i32
    %scan3A_10 = arith.addi %scan3A_8, %scan3A_9 : i32
    %scan3A_11 = arith.constant 1 : i32
    %scan3A_12 = scf.for %scan3A_38 = %scan3A_8 to %scan3A_10 step %scan3A_11 iter_args(%scan3A_39 = %scan3A_7) -> (i32)  : i32 {
      %mul3A_40 = arith.constant 6272 : i32
      %mul3A_41 = arith.muli %arg1, %mul3A_40 : i32
      %mul3A_42 = arith.constant 128 : i32
      %mul3A_43 = arith.muli %scan3A_38, %mul3A_42 : i32
      %add3A_44 = arith.addi %mul3A_41, %mul3A_43 : i32
      "tpu.region"() ({
        %run_scoped3A = tpu.sem_alloc : memref<!tpu.dma_semaphore, #tpu.memory_space<semaphore_mem>>
        %dma_start3A = arith.constant 0 : i32
        %dma_start3A_46 = tpu.memref_slice %arg8[%add3A_44, %dma_start3A] : memref<100352x16xf32, #tpu.memory_space<vmem_shared>> -> memref<128x16xf32, #tpu.memory_space<vmem_shared>>
        %dma_start3A_47 = arith.constant 0 : i32
        %dma_start3A_48 = tpu.memref_slice %arg8[%add3A_44, %dma_start3A_47] : memref<100352x16xf32, #tpu.memory_space<vmem_shared>> -> memref<128x16xf32, #tpu.memory_space<vmem_shared>>
        tpu.enqueue_dma source(%arg7 : memref<128x16xf32, #tpu.memory_space<vmem>>) target(%dma_start3A_48 : memref<128x16xf32, #tpu.memory_space<vmem_shared>>) target_semaphore(%run_scoped3A : memref<!tpu.dma_semaphore, #tpu.memory_space<semaphore_mem>>)
        %dma_wait3A_49 = arith.constant 0 : i32
        %dma_wait3A_50 = tpu.memref_slice %arg8[%add3A_44, %dma_wait3A_49] : memref<100352x16xf32, #tpu.memory_space<vmem_shared>> -> memref<128x16xf32, #tpu.memory_space<vmem_shared>>
        %dma_wait3A_51 = arith.constant 0 : i32
        %dma_wait3A_52 = tpu.memref_slice %arg8[%add3A_44, %dma_wait3A_51] : memref<100352x16xf32, #tpu.memory_space<vmem_shared>> -> memref<128x16xf32, #tpu.memory_space<vmem_shared>>
        tpu.wait_dma2 semaphore(%run_scoped3A : memref<!tpu.dma_semaphore, #tpu.memory_space<semaphore_mem>>) src(%arg7 : memref<128x16xf32, #tpu.memory_space<vmem>>) dst(%dma_wait3A_52 : memref<128x16xf32, #tpu.memory_space<vmem_shared>>)
        tpu.yield
      }) : () -> ()
      %scan3A_45 = arith.constant 0 : i32
      scf.yield %scan3A_45 : i32
    }
    %scan3A_13 = arith.constant 49 : i32
    %scan3A_14 = arith.constant 0 : i32
    %scan3A_15 = arith.constant 0 : i32
    %scan3A_16 = arith.constant 512 : i32
    %scan3A_17 = arith.addi %scan3A_15, %scan3A_16 : i32
    %scan3A_18 = arith.constant 1 : i32
    %scan3A_19 = scf.for %scan3A_38 = %scan3A_15 to %scan3A_17 step %scan3A_18 iter_args(%scan3A_39 = %scan3A_14) -> (i32)  : i32 {
      %broadcast_in_dim3A = arith.constant 1.000000e+00 : f32
      %broadcast_in_dim3A_40 = vector.broadcast %broadcast_in_dim3A : f32 to vector<16xf32>
      %swap3A = arith.index_cast %scan3A_38 : i32 to index
      %swap3A_41 = arith.constant 0 : index
      %swap3A_42 = tpu.vector_load %arg6[%swap3A, %swap3A_41] {strides = array<i32>} : memref<512x16xf32, #tpu.memory_space<vmem>>, vector<1x16xf32>,
      %swap3A_43 = vector.shape_cast %swap3A_42 : vector<1x16xf32> to vector<16xf32>
      %swap3A_44 = vector.shape_cast %broadcast_in_dim3A_40 : vector<16xf32> to vector<1x16xf32>
      tpu.vector_store %arg6[%swap3A, %swap3A_41], %swap3A_44 {strides = array<i32>} : memref<512x16xf32, #tpu.memory_space<vmem>>, vector<1x16xf32>,
      %scan3A_45 = arith.constant 0 : i32
      scf.yield %scan3A_45 : i32
    }
    %scan3A_20 = arith.constant 512 : i32
    %barrier3A = arith.constant 0 : index
    tpu.barrier barrier_id(%barrier3A)
    %scan3A_21 = arith.constant 0 : i32
    %scan3A_22 = arith.constant 0 : i32
    %scan3A_23 = arith.constant 100 : i32
    %scan3A_24 = arith.addi %scan3A_22, %scan3A_23 : i32
    %scan3A_25 = arith.constant 1 : i32
    %scan3A_26 = scf.for %scan3A_38 = %scan3A_22 to %scan3A_24 step %scan3A_25 iter_args(%scan3A_39 = %scan3A_21) -> (i32)  : i32 {
      %jit3A = arith.constant 2 : i32
      %eq3A = arith.constant 0 : i32
      %eq3A_40 = arith.cmpi eq, %jit3A, %eq3A : i32
      %jit3A_41 = arith.constant 1 : i32
      %select_n3A = arith.select %eq3A_40, %jit3A_41, %jit3A : i32
      %rem3A = arith.remsi %scan3A_38, %select_n3A : i32
      %ne3A = arith.constant 0 : i32
      %ne3A_42 = arith.cmpi ne, %rem3A, %ne3A : i32
      %lt3A = arith.constant 0 : i32
      %lt3A_43 = arith.cmpi slt, %rem3A, %lt3A : i32
      %lt3A_44 = arith.constant 0 : i32
      %lt3A_45 = arith.cmpi slt, %select_n3A, %lt3A_44 : i32
      %ne3A_46 = arith.xori %lt3A_43, %lt3A_45 : i1
      %and3A = arith.andi %ne3A_46, %ne3A_42 : i1
      %add3A_47 = arith.addi %rem3A, %select_n3A : i32
      %select_n3A_48 = arith.select %and3A, %add3A_47, %rem3A : i32
      %eq3A_49 = arith.constant 0 : i32
      %eq3A_50 = arith.cmpi eq, %select_n3A_48, %eq3A_49 : i32
      %convert_element_type3A = arith.extui %eq3A_50 : i1 to i32
      %cond3A = arith.constant 0 : i32
      %cond3A_51 = arith.cmpi ne, %convert_element_type3A, %cond3A : i32
      scf.if %cond3A_51 {
        %ge3A = arith.constant 2 : i32
        %ge3A_74 = arith.cmpi sge, %scan3A_38, %ge3A : i32
        %convert_element_type3A_75 = arith.extui %ge3A_74 : i1 to i32
        %cond3A_76 = arith.constant 0 : i32
        %cond3A_77 = arith.cmpi ne, %convert_element_type3A_75, %cond3A_76 : i32
        scf.if %cond3A_77 {
          %dma_wait3A_80 = arith.constant 0 : i32
          %dma_wait3A_81 = arith.constant 0 : i32
          %dma_wait3A_82 = tpu.memref_slice %arg8[%dma_wait3A_80, %dma_wait3A_81] : memref<100352x16xf32, #tpu.memory_space<vmem_shared>> -> memref<100352x16xf32, #tpu.memory_space<vmem_shared>>
          tpu.wait_indirect_dma semaphore(%arg9 : memref<!tpu.dma_semaphore, #tpu.memory_space<semaphore_mem>>) src(%arg6 : memref<512x16xf32, #tpu.memory_space<vmem>>) dst(%dma_wait3A_82 : memref<100352x16xf32, #tpu.memory_space<vmem_shared>>)
        } else {
        }
        "tpu.region"() ({
          %run_scoped3A = tpu.sem_alloc : memref<!tpu.dma_semaphore, #tpu.memory_space<semaphore_mem>>
          %dma_start3A_80 = arith.constant 0 : i32
          %dma_start3A_81 = tpu.memref_slice %arg2[%add3A, %scan3A_38, %dma_start3A_80] : memref<32x100x512xi32, #tpu.memory_space<hbm>> -> memref<1x1x512xi32, #tpu.memory_space<hbm>>
          %dma_start3A_82 = tpu.memref_squeeze %dma_start3A_81 : memref<1x1x512xi32, #tpu.memory_space<hbm>> -> memref<512xi32, #tpu.memory_space<hbm>>
          %dma_start3A_83 = arith.constant 0 : i32
          %dma_start3A_84 = tpu.memref_slice %arg2[%add3A, %scan3A_38, %dma_start3A_83] : memref<32x100x512xi32, #tpu.memory_space<hbm>> -> memref<1x1x512xi32, #tpu.memory_space<hbm>>
          %dma_start3A_85 = tpu.memref_squeeze %dma_start3A_84 : memref<1x1x512xi32, #tpu.memory_space<hbm>> -> memref<512xi32, #tpu.memory_space<hbm>>
          tpu.enqueue_dma source(%dma_start3A_85 : memref<512xi32, #tpu.memory_space<hbm>>) target(%arg4 : memref<512xi32, #tpu.memory_space<vmem>>) target_semaphore(%run_scoped3A : memref<!tpu.dma_semaphore, #tpu.memory_space<semaphore_mem>>)
          %dma_wait3A_86 = arith.constant 0 : i32
          %dma_wait3A_87 = tpu.memref_slice %arg2[%add3A, %scan3A_38, %dma_wait3A_86] : memref<32x100x512xi32, #tpu.memory_space<hbm>> -> memref<1x1x512xi32, #tpu.memory_space<hbm>>
          %dma_wait3A_88 = tpu.memref_squeeze %dma_wait3A_87 : memref<1x1x512xi32, #tpu.memory_space<hbm>> -> memref<512xi32, #tpu.memory_space<hbm>>
          %dma_wait3A_89 = arith.constant 0 : i32
          %dma_wait3A_90 = tpu.memref_slice %arg2[%add3A, %scan3A_38, %dma_wait3A_89] : memref<32x100x512xi32, #tpu.memory_space<hbm>> -> memref<1x1x512xi32, #tpu.memory_space<hbm>>
          %dma_wait3A_91 = tpu.memref_squeeze %dma_wait3A_90 : memref<1x1x512xi32, #tpu.memory_space<hbm>> -> memref<512xi32, #tpu.memory_space<hbm>>
          tpu.wait_dma2 semaphore(%run_scoped3A : memref<!tpu.dma_semaphore, #tpu.memory_space<semaphore_mem>>) src(%dma_wait3A_91 : memref<512xi32, #tpu.memory_space<hbm>>) dst(%arg4 : memref<512xi32, #tpu.memory_space<vmem>>)
          tpu.yield
        }) : () -> ()
        %dma_start3A = arith.constant 0 : i32
        %dma_start3A_78 = arith.constant 0 : i32
        %dma_start3A_79 = tpu.memref_slice %arg8[%dma_start3A, %dma_start3A_78] : memref<100352x16xf32, #tpu.memory_space<vmem_shared>> -> memref<100352x16xf32, #tpu.memory_space<vmem_shared>>
        tpu.enqueue_indirect_dma source(%arg6 : memref<512x16xf32, #tpu.memory_space<vmem>>) target(%dma_start3A_79 : memref<100352x16xf32, #tpu.memory_space<vmem_shared>>) offsets(%arg4 : memref<512xi32, #tpu.memory_space<vmem>>) semaphore(%arg9 : memref<!tpu.dma_semaphore, #tpu.memory_space<semaphore_mem>>) {add = true}
      } else {
      }
      %jit3A_52 = arith.constant 2 : i32
      %eq3A_53 = arith.constant 0 : i32
      %eq3A_54 = arith.cmpi eq, %jit3A_52, %eq3A_53 : i32
      %jit3A_55 = arith.constant 1 : i32
      %select_n3A_56 = arith.select %eq3A_54, %jit3A_55, %jit3A_52 : i32
      %rem3A_57 = arith.remsi %scan3A_38, %select_n3A_56 : i32
      %ne3A_58 = arith.constant 0 : i32
      %ne3A_59 = arith.cmpi ne, %rem3A_57, %ne3A_58 : i32
      %lt3A_60 = arith.constant 0 : i32
      %lt3A_61 = arith.cmpi slt, %rem3A_57, %lt3A_60 : i32
      %lt3A_62 = arith.constant 0 : i32
      %lt3A_63 = arith.cmpi slt, %select_n3A_56, %lt3A_62 : i32
      %ne3A_64 = arith.xori %lt3A_61, %lt3A_63 : i1
      %and3A_65 = arith.andi %ne3A_64, %ne3A_59 : i1
      %add3A_66 = arith.addi %rem3A_57, %select_n3A_56 : i32
      %select_n3A_67 = arith.select %and3A_65, %add3A_66, %rem3A_57 : i32
      %eq3A_68 = arith.constant 1 : i32
      %eq3A_69 = arith.cmpi eq, %select_n3A_67, %eq3A_68 : i32
      %convert_element_type3A_70 = arith.extui %eq3A_69 : i1 to i32
      %cond3A_71 = arith.constant 0 : i32
      %cond3A_72 = arith.cmpi ne, %convert_element_type3A_70, %cond3A_71 : i32
      scf.if %cond3A_72 {
        %ge3A = arith.constant 2 : i32
        %ge3A_74 = arith.cmpi sge, %scan3A_38, %ge3A : i32
        %convert_element_type3A_75 = arith.extui %ge3A_74 : i1 to i32
        %cond3A_76 = arith.constant 0 : i32
        %cond3A_77 = arith.cmpi ne, %convert_element_type3A_75, %cond3A_76 : i32
        scf.if %cond3A_77 {
          %dma_wait3A_80 = arith.constant 0 : i32
          %dma_wait3A_81 = arith.constant 0 : i32
          %dma_wait3A_82 = tpu.memref_slice %arg8[%dma_wait3A_80, %dma_wait3A_81] : memref<100352x16xf32, #tpu.memory_space<vmem_shared>> -> memref<100352x16xf32, #tpu.memory_space<vmem_shared>>
          tpu.wait_indirect_dma semaphore(%arg10 : memref<!tpu.dma_semaphore, #tpu.memory_space<semaphore_mem>>) src(%arg6 : memref<512x16xf32, #tpu.memory_space<vmem>>) dst(%dma_wait3A_82 : memref<100352x16xf32, #tpu.memory_space<vmem_shared>>)
        } else {
        }
        "tpu.region"() ({
          %run_scoped3A = tpu.sem_alloc : memref<!tpu.dma_semaphore, #tpu.memory_space<semaphore_mem>>
          %dma_start3A_80 = arith.constant 0 : i32
          %dma_start3A_81 = tpu.memref_slice %arg2[%add3A, %scan3A_38, %dma_start3A_80] : memref<32x100x512xi32, #tpu.memory_space<hbm>> -> memref<1x1x512xi32, #tpu.memory_space<hbm>>
          %dma_start3A_82 = tpu.memref_squeeze %dma_start3A_81 : memref<1x1x512xi32, #tpu.memory_space<hbm>> -> memref<512xi32, #tpu.memory_space<hbm>>
          %dma_start3A_83 = arith.constant 0 : i32
          %dma_start3A_84 = tpu.memref_slice %arg2[%add3A, %scan3A_38, %dma_start3A_83] : memref<32x100x512xi32, #tpu.memory_space<hbm>> -> memref<1x1x512xi32, #tpu.memory_space<hbm>>
          %dma_start3A_85 = tpu.memref_squeeze %dma_start3A_84 : memref<1x1x512xi32, #tpu.memory_space<hbm>> -> memref<512xi32, #tpu.memory_space<hbm>>
          tpu.enqueue_dma source(%dma_start3A_85 : memref<512xi32, #tpu.memory_space<hbm>>) target(%arg5 : memref<512xi32, #tpu.memory_space<vmem>>) target_semaphore(%run_scoped3A : memref<!tpu.dma_semaphore, #tpu.memory_space<semaphore_mem>>)
          %dma_wait3A_86 = arith.constant 0 : i32
          %dma_wait3A_87 = tpu.memref_slice %arg2[%add3A, %scan3A_38, %dma_wait3A_86] : memref<32x100x512xi32, #tpu.memory_space<hbm>> -> memref<1x1x512xi32, #tpu.memory_space<hbm>>
          %dma_wait3A_88 = tpu.memref_squeeze %dma_wait3A_87 : memref<1x1x512xi32, #tpu.memory_space<hbm>> -> memref<512xi32, #tpu.memory_space<hbm>>
          %dma_wait3A_89 = arith.constant 0 : i32
          %dma_wait3A_90 = tpu.memref_slice %arg2[%add3A, %scan3A_38, %dma_wait3A_89] : memref<32x100x512xi32, #tpu.memory_space<hbm>> -> memref<1x1x512xi32, #tpu.memory_space<hbm>>
          %dma_wait3A_91 = tpu.memref_squeeze %dma_wait3A_90 : memref<1x1x512xi32, #tpu.memory_space<hbm>> -> memref<512xi32, #tpu.memory_space<hbm>>
          tpu.wait_dma2 semaphore(%run_scoped3A : memref<!tpu.dma_semaphore, #tpu.memory_space<semaphore_mem>>) src(%dma_wait3A_91 : memref<512xi32, #tpu.memory_space<hbm>>) dst(%arg5 : memref<512xi32, #tpu.memory_space<vmem>>)
          tpu.yield
        }) : () -> ()
        %dma_start3A = arith.constant 0 : i32
        %dma_start3A_78 = arith.constant 0 : i32
        %dma_start3A_79 = tpu.memref_slice %arg8[%dma_start3A, %dma_start3A_78] : memref<100352x16xf32, #tpu.memory_space<vmem_shared>> -> memref<100352x16xf32, #tpu.memory_space<vmem_shared>>
        tpu.enqueue_indirect_dma source(%arg6 : memref<512x16xf32, #tpu.memory_space<vmem>>) target(%dma_start3A_79 : memref<100352x16xf32, #tpu.memory_space<vmem_shared>>) offsets(%arg5 : memref<512xi32, #tpu.memory_space<vmem>>) semaphore(%arg10 : memref<!tpu.dma_semaphore, #tpu.memory_space<semaphore_mem>>) {add = true}
      } else {
      }
      %scan3A_73 = arith.constant 0 : i32
      scf.yield %scan3A_73 : i32
    }
    %scan3A_27 = arith.constant 100 : i32
    %dma_wait3A = arith.constant 0 : i32
    %dma_wait3A_28 = arith.constant 0 : i32
    %dma_wait3A_29 = tpu.memref_slice %arg8[%dma_wait3A, %dma_wait3A_28] : memref<100352x16xf32, #tpu.memory_space<vmem_shared>> -> memref<100352x16xf32, #tpu.memory_space<vmem_shared>>
    tpu.wait_indirect_dma semaphore(%arg9 : memref<!tpu.dma_semaphore, #tpu.memory_space<semaphore_mem>>) src(%arg6 : memref<512x16xf32, #tpu.memory_space<vmem>>) dst(%dma_wait3A_29 : memref<100352x16xf32, #tpu.memory_space<vmem_shared>>)
    %dma_wait3A_30 = arith.constant 0 : i32
    %dma_wait3A_31 = arith.constant 0 : i32
    %dma_wait3A_32 = tpu.memref_slice %arg8[%dma_wait3A_30, %dma_wait3A_31] : memref<100352x16xf32, #tpu.memory_space<vmem_shared>> -> memref<100352x16xf32, #tpu.memory_space<vmem_shared>>
    tpu.wait_indirect_dma semaphore(%arg10 : memref<!tpu.dma_semaphore, #tpu.memory_space<semaphore_mem>>) src(%arg6 : memref<512x16xf32, #tpu.memory_space<vmem>>) dst(%dma_wait3A_32 : memref<100352x16xf32, #tpu.memory_space<vmem_shared>>)
    %barrier3A_33 = arith.constant 0 : index
    tpu.barrier barrier_id(%barrier3A_33)
    %mul3A_34 = arith.constant 6272 : i32
    %mul3A_35 = arith.muli %arg1, %mul3A_34 : i32
    %mul3A_36 = arith.constant 6272 : i32
    %mul3A_37 = arith.muli %arg1, %mul3A_36 : i32
    "tpu.region"() ({
      %run_scoped3A = tpu.sem_alloc : memref<!tpu.dma_semaphore, #tpu.memory_space<semaphore_mem>>
      %dma_start3A = arith.constant 0 : i32
      %dma_start3A_38 = tpu.memref_slice %arg3[%arg0, %mul3A_37, %dma_start3A] : memref<2x100352x16xf32, #tpu.memory_space<hbm>> -> memref<1x6272x16xf32, #tpu.memory_space<hbm>>
      %dma_start3A_39 = tpu.memref_squeeze %dma_start3A_38 : memref<1x6272x16xf32, #tpu.memory_space<hbm>> -> memref<6272x16xf32, #tpu.memory_space<hbm>>
      %dma_start3A_40 = arith.constant 0 : i32
      %dma_start3A_41 = tpu.memref_slice %arg8[%mul3A_35, %dma_start3A_40] : memref<100352x16xf32, #tpu.memory_space<vmem_shared>> -> memref<6272x16xf32, #tpu.memory_space<vmem_shared>>
      tpu.enqueue_dma source(%dma_start3A_41 : memref<6272x16xf32, #tpu.memory_space<vmem_shared>>) target(%dma_start3A_39 : memref<6272x16xf32, #tpu.memory_space<hbm>>) target_semaphore(%run_scoped3A : memref<!tpu.dma_semaphore, #tpu.memory_space<semaphore_mem>>)
      %dma_wait3A_42 = arith.constant 0 : i32
      %dma_wait3A_43 = tpu.memref_slice %arg3[%arg0, %mul3A_37, %dma_wait3A_42] : memref<2x100352x16xf32, #tpu.memory_space<hbm>> -> memref<1x6272x16xf32, #tpu.memory_space<hbm>>
      %dma_wait3A_44 = tpu.memref_squeeze %dma_wait3A_43 : memref<1x6272x16xf32, #tpu.memory_space<hbm>> -> memref<6272x16xf32, #tpu.memory_space<hbm>>
      %dma_wait3A_45 = arith.constant 0 : i32
      %dma_wait3A_46 = tpu.memref_slice %arg8[%mul3A_35, %dma_wait3A_45] : memref<100352x16xf32, #tpu.memory_space<vmem_shared>> -> memref<6272x16xf32, #tpu.memory_space<vmem_shared>>
      tpu.wait_dma2 semaphore(%run_scoped3A : memref<!tpu.dma_semaphore, #tpu.memory_space<semaphore_mem>>) src(%dma_wait3A_46 : memref<6272x16xf32, #tpu.memory_space<vmem_shared>>) dst(%dma_wait3A_44 : memref<6272x16xf32, #tpu.memory_space<hbm>>)
      tpu.yield
    }) : () -> ()
    return
  }
}

#map = affine_map<(d0, d1) -> (0, 0)>
#map1 = affine_map<(d0, d1) -> (0, 0, 0)>
module attributes {stable_mosaic.version = 14 : i64} {
  func.func @_sc_prop_body(%arg0: i32, %arg1: i32, %arg2: memref<100352x16xf32, #tpu.memory_space<hbm>>, %arg3: memref<32x100x512xi32, #tpu.memory_space<hbm>>, %arg4: memref<32x100x512xi32, #tpu.memory_space<hbm>>, %arg5: memref<2x100352x16xf32, #tpu.memory_space<hbm>>, %arg6: memref<512xi32, #tpu.memory_space<vmem>>, %arg7: memref<512xi32, #tpu.memory_space<vmem>>, %arg8: memref<512x16xf32, #tpu.memory_space<vmem>>, %arg9: memref<512xi32, #tpu.memory_space<vmem>>, %arg10: memref<512xi32, #tpu.memory_space<vmem>>, %arg11: memref<512x16xf32, #tpu.memory_space<vmem>>, %arg12: memref<128x16xf32, #tpu.memory_space<vmem>>, %arg13: memref<100352x16xf32, #tpu.memory_space<vmem_shared>>, %arg14: memref<!tpu.dma_semaphore, #tpu.memory_space<semaphore_mem>>, %arg15: memref<!tpu.dma_semaphore, #tpu.memory_space<semaphore_mem>>, %arg16: memref<!tpu.dma_semaphore, #tpu.memory_space<semaphore_mem>>, %arg17: memref<!tpu.dma_semaphore, #tpu.memory_space<semaphore_mem>>) attributes {dimension_semantics = [#tpu.dimension_semantics<core_parallel>, #tpu.dimension_semantics<subcore_parallel>], iteration_bounds = array<i64: 2, 16>, scalar_prefetch = 0 : i64, scratch_operands = 12 : i64, tpu.core_type = #tpu.core_type<sc_vector_subcore>, window_params = [{transform_indices = #map}, {transform_indices = #map1}, {transform_indices = #map1}, {transform_indices = #map1}]} {
    %mul3A = arith.constant 16 : i32
    %mul3A_0 = arith.muli %arg0, %mul3A : i32
    %add3A = arith.addi %mul3A_0, %arg1 : i32
    %scan3A = arith.constant 0 : i32
    %scan3A_1 = arith.constant 0 : i32
    %scan3A_2 = arith.constant 128 : i32
    %scan3A_3 = arith.addi %scan3A_1, %scan3A_2 : i32
    %scan3A_4 = arith.constant 1 : i32
    %scan3A_5 = scf.for %scan3A_31 = %scan3A_1 to %scan3A_3 step %scan3A_4 iter_args(%scan3A_32 = %scan3A) -> (i32)  : i32 {
      %broadcast_in_dim3A = arith.constant 0.000000e+00 : f32
      %broadcast_in_dim3A_33 = vector.broadcast %broadcast_in_dim3A : f32 to vector<16xf32>
      %swap3A = arith.index_cast %scan3A_31 : i32 to index
      %swap3A_34 = arith.constant 0 : index
      %swap3A_35 = tpu.vector_load %arg12[%swap3A, %swap3A_34] {strides = array<i32>} : memref<128x16xf32, #tpu.memory_space<vmem>>, vector<1x16xf32>,
      %swap3A_36 = vector.shape_cast %swap3A_35 : vector<1x16xf32> to vector<16xf32>
      %swap3A_37 = vector.shape_cast %broadcast_in_dim3A_33 : vector<16xf32> to vector<1x16xf32>
      tpu.vector_store %arg12[%swap3A, %swap3A_34], %swap3A_37 {strides = array<i32>} : memref<128x16xf32, #tpu.memory_space<vmem>>, vector<1x16xf32>,
      %scan3A_38 = arith.constant 0 : i32
      scf.yield %scan3A_38 : i32
    }
    %scan3A_6 = arith.constant 128 : i32
    %scan3A_7 = arith.constant 0 : i32
    %scan3A_8 = arith.constant 0 : i32
    %scan3A_9 = arith.constant 49 : i32
    %scan3A_10 = arith.addi %scan3A_8, %scan3A_9 : i32
    %scan3A_11 = arith.constant 1 : i32
    %scan3A_12 = scf.for %scan3A_31 = %scan3A_8 to %scan3A_10 step %scan3A_11 iter_args(%scan3A_32 = %scan3A_7) -> (i32)  : i32 {
      %mul3A_33 = arith.constant 6272 : i32
      %mul3A_34 = arith.muli %arg1, %mul3A_33 : i32
      %mul3A_35 = arith.constant 128 : i32
      %mul3A_36 = arith.muli %scan3A_31, %mul3A_35 : i32
      %add3A_37 = arith.addi %mul3A_34, %mul3A_36 : i32
      "tpu.region"() ({
        %run_scoped3A = tpu.sem_alloc : memref<!tpu.dma_semaphore, #tpu.memory_space<semaphore_mem>>
        %dma_start3A = arith.constant 0 : i32
        %dma_start3A_39 = tpu.memref_slice %arg13[%add3A_37, %dma_start3A] : memref<100352x16xf32, #tpu.memory_space<vmem_shared>> -> memref<128x16xf32, #tpu.memory_space<vmem_shared>>
        %dma_start3A_40 = arith.constant 0 : i32
        %dma_start3A_41 = tpu.memref_slice %arg13[%add3A_37, %dma_start3A_40] : memref<100352x16xf32, #tpu.memory_space<vmem_shared>> -> memref<128x16xf32, #tpu.memory_space<vmem_shared>>
        tpu.enqueue_dma source(%arg12 : memref<128x16xf32, #tpu.memory_space<vmem>>) target(%dma_start3A_41 : memref<128x16xf32, #tpu.memory_space<vmem_shared>>) target_semaphore(%run_scoped3A : memref<!tpu.dma_semaphore, #tpu.memory_space<semaphore_mem>>)
        %dma_wait3A_42 = arith.constant 0 : i32
        %dma_wait3A_43 = tpu.memref_slice %arg13[%add3A_37, %dma_wait3A_42] : memref<100352x16xf32, #tpu.memory_space<vmem_shared>> -> memref<128x16xf32, #tpu.memory_space<vmem_shared>>
        %dma_wait3A_44 = arith.constant 0 : i32
        %dma_wait3A_45 = tpu.memref_slice %arg13[%add3A_37, %dma_wait3A_44] : memref<100352x16xf32, #tpu.memory_space<vmem_shared>> -> memref<128x16xf32, #tpu.memory_space<vmem_shared>>
        tpu.wait_dma2 semaphore(%run_scoped3A : memref<!tpu.dma_semaphore, #tpu.memory_space<semaphore_mem>>) src(%arg12 : memref<128x16xf32, #tpu.memory_space<vmem>>) dst(%dma_wait3A_45 : memref<128x16xf32, #tpu.memory_space<vmem_shared>>)
        tpu.yield
      }) : () -> ()
      %scan3A_38 = arith.constant 0 : i32
      scf.yield %scan3A_38 : i32
    }
    %scan3A_13 = arith.constant 49 : i32
    %barrier3A = arith.constant 0 : index
    tpu.barrier barrier_id(%barrier3A)
    %scan3A_14 = arith.constant 0 : i32
    %scan3A_15 = arith.constant 0 : i32
    %scan3A_16 = arith.constant 100 : i32
    %scan3A_17 = arith.addi %scan3A_15, %scan3A_16 : i32
    %scan3A_18 = arith.constant 1 : i32
    %scan3A_19 = scf.for %scan3A_31 = %scan3A_15 to %scan3A_17 step %scan3A_18 iter_args(%scan3A_32 = %scan3A_14) -> (i32)  : i32 {
      %jit3A = arith.constant 2 : i32
      %eq3A = arith.constant 0 : i32
      %eq3A_33 = arith.cmpi eq, %jit3A, %eq3A : i32
      %jit3A_34 = arith.constant 1 : i32
      %select_n3A = arith.select %eq3A_33, %jit3A_34, %jit3A : i32
      %rem3A = arith.remsi %scan3A_31, %select_n3A : i32
      %ne3A = arith.constant 0 : i32
      %ne3A_35 = arith.cmpi ne, %rem3A, %ne3A : i32
      %lt3A = arith.constant 0 : i32
      %lt3A_36 = arith.cmpi slt, %rem3A, %lt3A : i32
      %lt3A_37 = arith.constant 0 : i32
      %lt3A_38 = arith.cmpi slt, %select_n3A, %lt3A_37 : i32
      %ne3A_39 = arith.xori %lt3A_36, %lt3A_38 : i1
      %and3A = arith.andi %ne3A_39, %ne3A_35 : i1
      %add3A_40 = arith.addi %rem3A, %select_n3A : i32
      %select_n3A_41 = arith.select %and3A, %add3A_40, %rem3A : i32
      %eq3A_42 = arith.constant 0 : i32
      %eq3A_43 = arith.cmpi eq, %select_n3A_41, %eq3A_42 : i32
      %convert_element_type3A = arith.extui %eq3A_43 : i1 to i32
      %cond3A = arith.constant 0 : i32
      %cond3A_44 = arith.cmpi ne, %convert_element_type3A, %cond3A : i32
      scf.if %cond3A_44 {
        %ge3A = arith.constant 2 : i32
        %ge3A_67 = arith.cmpi sge, %scan3A_31, %ge3A : i32
        %convert_element_type3A_68 = arith.extui %ge3A_67 : i1 to i32
        %cond3A_69 = arith.constant 0 : i32
        %cond3A_70 = arith.cmpi ne, %convert_element_type3A_68, %cond3A_69 : i32
        scf.if %cond3A_70 {
          %dma_wait3A_79 = arith.constant 0 : i32
          %dma_wait3A_80 = arith.constant 0 : i32
          %dma_wait3A_81 = tpu.memref_slice %arg13[%dma_wait3A_79, %dma_wait3A_80] : memref<100352x16xf32, #tpu.memory_space<vmem_shared>> -> memref<100352x16xf32, #tpu.memory_space<vmem_shared>>
          tpu.wait_indirect_dma semaphore(%arg15 : memref<!tpu.dma_semaphore, #tpu.memory_space<semaphore_mem>>) src(%arg8 : memref<512x16xf32, #tpu.memory_space<vmem>>) dst(%dma_wait3A_81 : memref<100352x16xf32, #tpu.memory_space<vmem_shared>>)
        } else {
        }
        "tpu.region"() ({
          %run_scoped3A = tpu.sem_alloc : memref<!tpu.dma_semaphore, #tpu.memory_space<semaphore_mem>>
          %dma_start3A_79 = arith.constant 0 : i32
          %dma_start3A_80 = tpu.memref_slice %arg3[%add3A, %scan3A_31, %dma_start3A_79] : memref<32x100x512xi32, #tpu.memory_space<hbm>> -> memref<1x1x512xi32, #tpu.memory_space<hbm>>
          %dma_start3A_81 = tpu.memref_squeeze %dma_start3A_80 : memref<1x1x512xi32, #tpu.memory_space<hbm>> -> memref<512xi32, #tpu.memory_space<hbm>>
          %dma_start3A_82 = arith.constant 0 : i32
          %dma_start3A_83 = tpu.memref_slice %arg3[%add3A, %scan3A_31, %dma_start3A_82] : memref<32x100x512xi32, #tpu.memory_space<hbm>> -> memref<1x1x512xi32, #tpu.memory_space<hbm>>
          %dma_start3A_84 = tpu.memref_squeeze %dma_start3A_83 : memref<1x1x512xi32, #tpu.memory_space<hbm>> -> memref<512xi32, #tpu.memory_space<hbm>>
          tpu.enqueue_dma source(%dma_start3A_84 : memref<512xi32, #tpu.memory_space<hbm>>) target(%arg6 : memref<512xi32, #tpu.memory_space<vmem>>) target_semaphore(%run_scoped3A : memref<!tpu.dma_semaphore, #tpu.memory_space<semaphore_mem>>)
          %dma_wait3A_85 = arith.constant 0 : i32
          %dma_wait3A_86 = tpu.memref_slice %arg3[%add3A, %scan3A_31, %dma_wait3A_85] : memref<32x100x512xi32, #tpu.memory_space<hbm>> -> memref<1x1x512xi32, #tpu.memory_space<hbm>>
          %dma_wait3A_87 = tpu.memref_squeeze %dma_wait3A_86 : memref<1x1x512xi32, #tpu.memory_space<hbm>> -> memref<512xi32, #tpu.memory_space<hbm>>
          %dma_wait3A_88 = arith.constant 0 : i32
          %dma_wait3A_89 = tpu.memref_slice %arg3[%add3A, %scan3A_31, %dma_wait3A_88] : memref<32x100x512xi32, #tpu.memory_space<hbm>> -> memref<1x1x512xi32, #tpu.memory_space<hbm>>
          %dma_wait3A_90 = tpu.memref_squeeze %dma_wait3A_89 : memref<1x1x512xi32, #tpu.memory_space<hbm>> -> memref<512xi32, #tpu.memory_space<hbm>>
          tpu.wait_dma2 semaphore(%run_scoped3A : memref<!tpu.dma_semaphore, #tpu.memory_space<semaphore_mem>>) src(%dma_wait3A_90 : memref<512xi32, #tpu.memory_space<hbm>>) dst(%arg6 : memref<512xi32, #tpu.memory_space<vmem>>)
          tpu.yield
        }) : () -> ()
        "tpu.region"() ({
          %run_scoped3A = tpu.sem_alloc : memref<!tpu.dma_semaphore, #tpu.memory_space<semaphore_mem>>
          %dma_start3A_79 = arith.constant 0 : i32
          %dma_start3A_80 = tpu.memref_slice %arg4[%add3A, %scan3A_31, %dma_start3A_79] : memref<32x100x512xi32, #tpu.memory_space<hbm>> -> memref<1x1x512xi32, #tpu.memory_space<hbm>>
          %dma_start3A_81 = tpu.memref_squeeze %dma_start3A_80 : memref<1x1x512xi32, #tpu.memory_space<hbm>> -> memref<512xi32, #tpu.memory_space<hbm>>
          %dma_start3A_82 = arith.constant 0 : i32
          %dma_start3A_83 = tpu.memref_slice %arg4[%add3A, %scan3A_31, %dma_start3A_82] : memref<32x100x512xi32, #tpu.memory_space<hbm>> -> memref<1x1x512xi32, #tpu.memory_space<hbm>>
          %dma_start3A_84 = tpu.memref_squeeze %dma_start3A_83 : memref<1x1x512xi32, #tpu.memory_space<hbm>> -> memref<512xi32, #tpu.memory_space<hbm>>
          tpu.enqueue_dma source(%dma_start3A_84 : memref<512xi32, #tpu.memory_space<hbm>>) target(%arg7 : memref<512xi32, #tpu.memory_space<vmem>>) target_semaphore(%run_scoped3A : memref<!tpu.dma_semaphore, #tpu.memory_space<semaphore_mem>>)
          %dma_wait3A_85 = arith.constant 0 : i32
          %dma_wait3A_86 = tpu.memref_slice %arg4[%add3A, %scan3A_31, %dma_wait3A_85] : memref<32x100x512xi32, #tpu.memory_space<hbm>> -> memref<1x1x512xi32, #tpu.memory_space<hbm>>
          %dma_wait3A_87 = tpu.memref_squeeze %dma_wait3A_86 : memref<1x1x512xi32, #tpu.memory_space<hbm>> -> memref<512xi32, #tpu.memory_space<hbm>>
          %dma_wait3A_88 = arith.constant 0 : i32
          %dma_wait3A_89 = tpu.memref_slice %arg4[%add3A, %scan3A_31, %dma_wait3A_88] : memref<32x100x512xi32, #tpu.memory_space<hbm>> -> memref<1x1x512xi32, #tpu.memory_space<hbm>>
          %dma_wait3A_90 = tpu.memref_squeeze %dma_wait3A_89 : memref<1x1x512xi32, #tpu.memory_space<hbm>> -> memref<512xi32, #tpu.memory_space<hbm>>
          tpu.wait_dma2 semaphore(%run_scoped3A : memref<!tpu.dma_semaphore, #tpu.memory_space<semaphore_mem>>) src(%dma_wait3A_90 : memref<512xi32, #tpu.memory_space<hbm>>) dst(%arg7 : memref<512xi32, #tpu.memory_space<vmem>>)
          tpu.yield
        }) : () -> ()
        %dma_start3A = arith.constant 0 : i32
        %dma_start3A_71 = arith.constant 0 : i32
        %dma_start3A_72 = tpu.memref_slice %arg2[%dma_start3A, %dma_start3A_71] : memref<100352x16xf32, #tpu.memory_space<hbm>> -> memref<100352x16xf32, #tpu.memory_space<hbm>>
        tpu.enqueue_indirect_dma source(%dma_start3A_72 : memref<100352x16xf32, #tpu.memory_space<hbm>>) target(%arg8 : memref<512x16xf32, #tpu.memory_space<vmem>>) offsets(%arg6 : memref<512xi32, #tpu.memory_space<vmem>>) semaphore(%arg14 : memref<!tpu.dma_semaphore, #tpu.memory_space<semaphore_mem>>)
        %dma_wait3A_73 = arith.constant 0 : i32
        %dma_wait3A_74 = arith.constant 0 : i32
        %dma_wait3A_75 = tpu.memref_slice %arg2[%dma_wait3A_73, %dma_wait3A_74] : memref<100352x16xf32, #tpu.memory_space<hbm>> -> memref<100352x16xf32, #tpu.memory_space<hbm>>
        tpu.wait_indirect_dma semaphore(%arg14 : memref<!tpu.dma_semaphore, #tpu.memory_space<semaphore_mem>>) src(%dma_wait3A_75 : memref<100352x16xf32, #tpu.memory_space<hbm>>) dst(%arg8 : memref<512x16xf32, #tpu.memory_space<vmem>>)
        %dma_start3A_76 = arith.constant 0 : i32
        %dma_start3A_77 = arith.constant 0 : i32
        %dma_start3A_78 = tpu.memref_slice %arg13[%dma_start3A_76, %dma_start3A_77] : memref<100352x16xf32, #tpu.memory_space<vmem_shared>> -> memref<100352x16xf32, #tpu.memory_space<vmem_shared>>
        tpu.enqueue_indirect_dma source(%arg8 : memref<512x16xf32, #tpu.memory_space<vmem>>) target(%dma_start3A_78 : memref<100352x16xf32, #tpu.memory_space<vmem_shared>>) offsets(%arg7 : memref<512xi32, #tpu.memory_space<vmem>>) semaphore(%arg15 : memref<!tpu.dma_semaphore, #tpu.memory_space<semaphore_mem>>) {add = true}
      } else {
      }
      %jit3A_45 = arith.constant 2 : i32
      %eq3A_46 = arith.constant 0 : i32
      %eq3A_47 = arith.cmpi eq, %jit3A_45, %eq3A_46 : i32
      %jit3A_48 = arith.constant 1 : i32
      %select_n3A_49 = arith.select %eq3A_47, %jit3A_48, %jit3A_45 : i32
      %rem3A_50 = arith.remsi %scan3A_31, %select_n3A_49 : i32
      %ne3A_51 = arith.constant 0 : i32
      %ne3A_52 = arith.cmpi ne, %rem3A_50, %ne3A_51 : i32
      %lt3A_53 = arith.constant 0 : i32
      %lt3A_54 = arith.cmpi slt, %rem3A_50, %lt3A_53 : i32
      %lt3A_55 = arith.constant 0 : i32
      %lt3A_56 = arith.cmpi slt, %select_n3A_49, %lt3A_55 : i32
      %ne3A_57 = arith.xori %lt3A_54, %lt3A_56 : i1
      %and3A_58 = arith.andi %ne3A_57, %ne3A_52 : i1
      %add3A_59 = arith.addi %rem3A_50, %select_n3A_49 : i32
      %select_n3A_60 = arith.select %and3A_58, %add3A_59, %rem3A_50 : i32
      %eq3A_61 = arith.constant 1 : i32
      %eq3A_62 = arith.cmpi eq, %select_n3A_60, %eq3A_61 : i32
      %convert_element_type3A_63 = arith.extui %eq3A_62 : i1 to i32
      %cond3A_64 = arith.constant 0 : i32
      %cond3A_65 = arith.cmpi ne, %convert_element_type3A_63, %cond3A_64 : i32
      scf.if %cond3A_65 {
        %ge3A = arith.constant 2 : i32
        %ge3A_67 = arith.cmpi sge, %scan3A_31, %ge3A : i32
        %convert_element_type3A_68 = arith.extui %ge3A_67 : i1 to i32
        %cond3A_69 = arith.constant 0 : i32
        %cond3A_70 = arith.cmpi ne, %convert_element_type3A_68, %cond3A_69 : i32
        scf.if %cond3A_70 {
          %dma_wait3A_79 = arith.constant 0 : i32
          %dma_wait3A_80 = arith.constant 0 : i32
          %dma_wait3A_81 = tpu.memref_slice %arg13[%dma_wait3A_79, %dma_wait3A_80] : memref<100352x16xf32, #tpu.memory_space<vmem_shared>> -> memref<100352x16xf32, #tpu.memory_space<vmem_shared>>
          tpu.wait_indirect_dma semaphore(%arg17 : memref<!tpu.dma_semaphore, #tpu.memory_space<semaphore_mem>>) src(%arg11 : memref<512x16xf32, #tpu.memory_space<vmem>>) dst(%dma_wait3A_81 : memref<100352x16xf32, #tpu.memory_space<vmem_shared>>)
        } else {
        }
        "tpu.region"() ({
          %run_scoped3A = tpu.sem_alloc : memref<!tpu.dma_semaphore, #tpu.memory_space<semaphore_mem>>
          %dma_start3A_79 = arith.constant 0 : i32
          %dma_start3A_80 = tpu.memref_slice %arg3[%add3A, %scan3A_31, %dma_start3A_79] : memref<32x100x512xi32, #tpu.memory_space<hbm>> -> memref<1x1x512xi32, #tpu.memory_space<hbm>>
          %dma_start3A_81 = tpu.memref_squeeze %dma_start3A_80 : memref<1x1x512xi32, #tpu.memory_space<hbm>> -> memref<512xi32, #tpu.memory_space<hbm>>
          %dma_start3A_82 = arith.constant 0 : i32
          %dma_start3A_83 = tpu.memref_slice %arg3[%add3A, %scan3A_31, %dma_start3A_82] : memref<32x100x512xi32, #tpu.memory_space<hbm>> -> memref<1x1x512xi32, #tpu.memory_space<hbm>>
          %dma_start3A_84 = tpu.memref_squeeze %dma_start3A_83 : memref<1x1x512xi32, #tpu.memory_space<hbm>> -> memref<512xi32, #tpu.memory_space<hbm>>
          tpu.enqueue_dma source(%dma_start3A_84 : memref<512xi32, #tpu.memory_space<hbm>>) target(%arg9 : memref<512xi32, #tpu.memory_space<vmem>>) target_semaphore(%run_scoped3A : memref<!tpu.dma_semaphore, #tpu.memory_space<semaphore_mem>>)
          %dma_wait3A_85 = arith.constant 0 : i32
          %dma_wait3A_86 = tpu.memref_slice %arg3[%add3A, %scan3A_31, %dma_wait3A_85] : memref<32x100x512xi32, #tpu.memory_space<hbm>> -> memref<1x1x512xi32, #tpu.memory_space<hbm>>
          %dma_wait3A_87 = tpu.memref_squeeze %dma_wait3A_86 : memref<1x1x512xi32, #tpu.memory_space<hbm>> -> memref<512xi32, #tpu.memory_space<hbm>>
          %dma_wait3A_88 = arith.constant 0 : i32
          %dma_wait3A_89 = tpu.memref_slice %arg3[%add3A, %scan3A_31, %dma_wait3A_88] : memref<32x100x512xi32, #tpu.memory_space<hbm>> -> memref<1x1x512xi32, #tpu.memory_space<hbm>>
          %dma_wait3A_90 = tpu.memref_squeeze %dma_wait3A_89 : memref<1x1x512xi32, #tpu.memory_space<hbm>> -> memref<512xi32, #tpu.memory_space<hbm>>
          tpu.wait_dma2 semaphore(%run_scoped3A : memref<!tpu.dma_semaphore, #tpu.memory_space<semaphore_mem>>) src(%dma_wait3A_90 : memref<512xi32, #tpu.memory_space<hbm>>) dst(%arg9 : memref<512xi32, #tpu.memory_space<vmem>>)
          tpu.yield
        }) : () -> ()
        "tpu.region"() ({
          %run_scoped3A = tpu.sem_alloc : memref<!tpu.dma_semaphore, #tpu.memory_space<semaphore_mem>>
          %dma_start3A_79 = arith.constant 0 : i32
          %dma_start3A_80 = tpu.memref_slice %arg4[%add3A, %scan3A_31, %dma_start3A_79] : memref<32x100x512xi32, #tpu.memory_space<hbm>> -> memref<1x1x512xi32, #tpu.memory_space<hbm>>
          %dma_start3A_81 = tpu.memref_squeeze %dma_start3A_80 : memref<1x1x512xi32, #tpu.memory_space<hbm>> -> memref<512xi32, #tpu.memory_space<hbm>>
          %dma_start3A_82 = arith.constant 0 : i32
          %dma_start3A_83 = tpu.memref_slice %arg4[%add3A, %scan3A_31, %dma_start3A_82] : memref<32x100x512xi32, #tpu.memory_space<hbm>> -> memref<1x1x512xi32, #tpu.memory_space<hbm>>
          %dma_start3A_84 = tpu.memref_squeeze %dma_start3A_83 : memref<1x1x512xi32, #tpu.memory_space<hbm>> -> memref<512xi32, #tpu.memory_space<hbm>>
          tpu.enqueue_dma source(%dma_start3A_84 : memref<512xi32, #tpu.memory_space<hbm>>) target(%arg10 : memref<512xi32, #tpu.memory_space<vmem>>) target_semaphore(%run_scoped3A : memref<!tpu.dma_semaphore, #tpu.memory_space<semaphore_mem>>)
          %dma_wait3A_85 = arith.constant 0 : i32
          %dma_wait3A_86 = tpu.memref_slice %arg4[%add3A, %scan3A_31, %dma_wait3A_85] : memref<32x100x512xi32, #tpu.memory_space<hbm>> -> memref<1x1x512xi32, #tpu.memory_space<hbm>>
          %dma_wait3A_87 = tpu.memref_squeeze %dma_wait3A_86 : memref<1x1x512xi32, #tpu.memory_space<hbm>> -> memref<512xi32, #tpu.memory_space<hbm>>
          %dma_wait3A_88 = arith.constant 0 : i32
          %dma_wait3A_89 = tpu.memref_slice %arg4[%add3A, %scan3A_31, %dma_wait3A_88] : memref<32x100x512xi32, #tpu.memory_space<hbm>> -> memref<1x1x512xi32, #tpu.memory_space<hbm>>
          %dma_wait3A_90 = tpu.memref_squeeze %dma_wait3A_89 : memref<1x1x512xi32, #tpu.memory_space<hbm>> -> memref<512xi32, #tpu.memory_space<hbm>>
          tpu.wait_dma2 semaphore(%run_scoped3A : memref<!tpu.dma_semaphore, #tpu.memory_space<semaphore_mem>>) src(%dma_wait3A_90 : memref<512xi32, #tpu.memory_space<hbm>>) dst(%arg10 : memref<512xi32, #tpu.memory_space<vmem>>)
          tpu.yield
        }) : () -> ()
        %dma_start3A = arith.constant 0 : i32
        %dma_start3A_71 = arith.constant 0 : i32
        %dma_start3A_72 = tpu.memref_slice %arg2[%dma_start3A, %dma_start3A_71] : memref<100352x16xf32, #tpu.memory_space<hbm>> -> memref<100352x16xf32, #tpu.memory_space<hbm>>
        tpu.enqueue_indirect_dma source(%dma_start3A_72 : memref<100352x16xf32, #tpu.memory_space<hbm>>) target(%arg11 : memref<512x16xf32, #tpu.memory_space<vmem>>) offsets(%arg9 : memref<512xi32, #tpu.memory_space<vmem>>) semaphore(%arg16 : memref<!tpu.dma_semaphore, #tpu.memory_space<semaphore_mem>>)
        %dma_wait3A_73 = arith.constant 0 : i32
        %dma_wait3A_74 = arith.constant 0 : i32
        %dma_wait3A_75 = tpu.memref_slice %arg2[%dma_wait3A_73, %dma_wait3A_74] : memref<100352x16xf32, #tpu.memory_space<hbm>> -> memref<100352x16xf32, #tpu.memory_space<hbm>>
        tpu.wait_indirect_dma semaphore(%arg16 : memref<!tpu.dma_semaphore, #tpu.memory_space<semaphore_mem>>) src(%dma_wait3A_75 : memref<100352x16xf32, #tpu.memory_space<hbm>>) dst(%arg11 : memref<512x16xf32, #tpu.memory_space<vmem>>)
        %dma_start3A_76 = arith.constant 0 : i32
        %dma_start3A_77 = arith.constant 0 : i32
        %dma_start3A_78 = tpu.memref_slice %arg13[%dma_start3A_76, %dma_start3A_77] : memref<100352x16xf32, #tpu.memory_space<vmem_shared>> -> memref<100352x16xf32, #tpu.memory_space<vmem_shared>>
        tpu.enqueue_indirect_dma source(%arg11 : memref<512x16xf32, #tpu.memory_space<vmem>>) target(%dma_start3A_78 : memref<100352x16xf32, #tpu.memory_space<vmem_shared>>) offsets(%arg10 : memref<512xi32, #tpu.memory_space<vmem>>) semaphore(%arg17 : memref<!tpu.dma_semaphore, #tpu.memory_space<semaphore_mem>>) {add = true}
      } else {
      }
      %scan3A_66 = arith.constant 0 : i32
      scf.yield %scan3A_66 : i32
    }
    %scan3A_20 = arith.constant 100 : i32
    %dma_wait3A = arith.constant 0 : i32
    %dma_wait3A_21 = arith.constant 0 : i32
    %dma_wait3A_22 = tpu.memref_slice %arg13[%dma_wait3A, %dma_wait3A_21] : memref<100352x16xf32, #tpu.memory_space<vmem_shared>> -> memref<100352x16xf32, #tpu.memory_space<vmem_shared>>
    tpu.wait_indirect_dma semaphore(%arg15 : memref<!tpu.dma_semaphore, #tpu.memory_space<semaphore_mem>>) src(%arg8 : memref<512x16xf32, #tpu.memory_space<vmem>>) dst(%dma_wait3A_22 : memref<100352x16xf32, #tpu.memory_space<vmem_shared>>)
    %dma_wait3A_23 = arith.constant 0 : i32
    %dma_wait3A_24 = arith.constant 0 : i32
    %dma_wait3A_25 = tpu.memref_slice %arg13[%dma_wait3A_23, %dma_wait3A_24] : memref<100352x16xf32, #tpu.memory_space<vmem_shared>> -> memref<100352x16xf32, #tpu.memory_space<vmem_shared>>
    tpu.wait_indirect_dma semaphore(%arg17 : memref<!tpu.dma_semaphore, #tpu.memory_space<semaphore_mem>>) src(%arg11 : memref<512x16xf32, #tpu.memory_space<vmem>>) dst(%dma_wait3A_25 : memref<100352x16xf32, #tpu.memory_space<vmem_shared>>)
    %barrier3A_26 = arith.constant 0 : index
    tpu.barrier barrier_id(%barrier3A_26)
    %mul3A_27 = arith.constant 6272 : i32
    %mul3A_28 = arith.muli %arg1, %mul3A_27 : i32
    %mul3A_29 = arith.constant 6272 : i32
    %mul3A_30 = arith.muli %arg1, %mul3A_29 : i32
    "tpu.region"() ({
      %run_scoped3A = tpu.sem_alloc : memref<!tpu.dma_semaphore, #tpu.memory_space<semaphore_mem>>
      %dma_start3A = arith.constant 0 : i32
      %dma_start3A_31 = tpu.memref_slice %arg5[%arg0, %mul3A_30, %dma_start3A] : memref<2x100352x16xf32, #tpu.memory_space<hbm>> -> memref<1x6272x16xf32, #tpu.memory_space<hbm>>
      %dma_start3A_32 = tpu.memref_squeeze %dma_start3A_31 : memref<1x6272x16xf32, #tpu.memory_space<hbm>> -> memref<6272x16xf32, #tpu.memory_space<hbm>>
      %dma_start3A_33 = arith.constant 0 : i32
      %dma_start3A_34 = tpu.memref_slice %arg13[%mul3A_28, %dma_start3A_33] : memref<100352x16xf32, #tpu.memory_space<vmem_shared>> -> memref<6272x16xf32, #tpu.memory_space<vmem_shared>>
      tpu.enqueue_dma source(%dma_start3A_34 : memref<6272x16xf32, #tpu.memory_space<vmem_shared>>) target(%dma_start3A_32 : memref<6272x16xf32, #tpu.memory_space<hbm>>) target_semaphore(%run_scoped3A : memref<!tpu.dma_semaphore, #tpu.memory_space<semaphore_mem>>)
      %dma_wait3A_35 = arith.constant 0 : i32
      %dma_wait3A_36 = tpu.memref_slice %arg5[%arg0, %mul3A_30, %dma_wait3A_35] : memref<2x100352x16xf32, #tpu.memory_space<hbm>> -> memref<1x6272x16xf32, #tpu.memory_space<hbm>>
      %dma_wait3A_37 = tpu.memref_squeeze %dma_wait3A_36 : memref<1x6272x16xf32, #tpu.memory_space<hbm>> -> memref<6272x16xf32, #tpu.memory_space<hbm>>
      %dma_wait3A_38 = arith.constant 0 : i32
      %dma_wait3A_39 = tpu.memref_slice %arg13[%mul3A_28, %dma_wait3A_38] : memref<100352x16xf32, #tpu.memory_space<vmem_shared>> -> memref<6272x16xf32, #tpu.memory_space<vmem_shared>>
      tpu.wait_dma2 semaphore(%run_scoped3A : memref<!tpu.dma_semaphore, #tpu.memory_space<semaphore_mem>>) src(%dma_wait3A_39 : memref<6272x16xf32, #tpu.memory_space<vmem_shared>>) dst(%dma_wait3A_37 : memref<6272x16xf32, #tpu.memory_space<hbm>>)
      tpu.yield
    }) : () -> ()
    return
  }
}

#map = affine_map<(d0, d1) -> (0, 0)>
#map1 = affine_map<(d0, d1) -> (0, 0, 0)>
module attributes {stable_mosaic.version = 14 : i64} {
  func.func @_sc_prop_body(%arg0: i32, %arg1: i32, %arg2: memref<100352x16xf32, #tpu.memory_space<hbm>>, %arg3: memref<32x100x512xi32, #tpu.memory_space<hbm>>, %arg4: memref<32x100x512xi32, #tpu.memory_space<hbm>>, %arg5: memref<2x100352x16xf32, #tpu.memory_space<hbm>>, %arg6: memref<512xi32, #tpu.memory_space<vmem>>, %arg7: memref<512xi32, #tpu.memory_space<vmem>>, %arg8: memref<512x16xf32, #tpu.memory_space<vmem>>, %arg9: memref<512xi32, #tpu.memory_space<vmem>>, %arg10: memref<512xi32, #tpu.memory_space<vmem>>, %arg11: memref<512x16xf32, #tpu.memory_space<vmem>>, %arg12: memref<128x16xf32, #tpu.memory_space<vmem>>, %arg13: memref<100352x16xf32, #tpu.memory_space<vmem_shared>>, %arg14: memref<!tpu.dma_semaphore, #tpu.memory_space<semaphore_mem>>, %arg15: memref<!tpu.dma_semaphore, #tpu.memory_space<semaphore_mem>>, %arg16: memref<!tpu.dma_semaphore, #tpu.memory_space<semaphore_mem>>, %arg17: memref<!tpu.dma_semaphore, #tpu.memory_space<semaphore_mem>>) attributes {dimension_semantics = [#tpu.dimension_semantics<core_parallel>, #tpu.dimension_semantics<subcore_parallel>], iteration_bounds = array<i64: 2, 16>, scalar_prefetch = 0 : i64, scratch_operands = 12 : i64, tpu.core_type = #tpu.core_type<sc_vector_subcore>, window_params = [{transform_indices = #map}, {transform_indices = #map1}, {transform_indices = #map1}, {transform_indices = #map1}]} {
    %mul3A = arith.constant 16 : i32
    %mul3A_0 = arith.muli %arg0, %mul3A : i32
    %add3A = arith.addi %mul3A_0, %arg1 : i32
    %scan3A = arith.constant 0 : i32
    %scan3A_1 = arith.constant 0 : i32
    %scan3A_2 = arith.constant 128 : i32
    %scan3A_3 = arith.addi %scan3A_1, %scan3A_2 : i32
    %scan3A_4 = arith.constant 1 : i32
    %scan3A_5 = scf.for %scan3A_31 = %scan3A_1 to %scan3A_3 step %scan3A_4 iter_args(%scan3A_32 = %scan3A) -> (i32)  : i32 {
      %broadcast_in_dim3A = arith.constant 0.000000e+00 : f32
      %broadcast_in_dim3A_33 = vector.broadcast %broadcast_in_dim3A : f32 to vector<16xf32>
      %swap3A = arith.index_cast %scan3A_31 : i32 to index
      %swap3A_34 = arith.constant 0 : index
      %swap3A_35 = tpu.vector_load %arg12[%swap3A, %swap3A_34] {strides = array<i32>} : memref<128x16xf32, #tpu.memory_space<vmem>>, vector<1x16xf32>,
      %swap3A_36 = vector.shape_cast %swap3A_35 : vector<1x16xf32> to vector<16xf32>
      %swap3A_37 = vector.shape_cast %broadcast_in_dim3A_33 : vector<16xf32> to vector<1x16xf32>
      tpu.vector_store %arg12[%swap3A, %swap3A_34], %swap3A_37 {strides = array<i32>} : memref<128x16xf32, #tpu.memory_space<vmem>>, vector<1x16xf32>,
      %scan3A_38 = arith.constant 0 : i32
      scf.yield %scan3A_38 : i32
    }
    %scan3A_6 = arith.constant 128 : i32
    %scan3A_7 = arith.constant 0 : i32
    %scan3A_8 = arith.constant 0 : i32
    %scan3A_9 = arith.constant 49 : i32
    %scan3A_10 = arith.addi %scan3A_8, %scan3A_9 : i32
    %scan3A_11 = arith.constant 1 : i32
    %scan3A_12 = scf.for %scan3A_31 = %scan3A_8 to %scan3A_10 step %scan3A_11 iter_args(%scan3A_32 = %scan3A_7) -> (i32)  : i32 {
      %mul3A_33 = arith.constant 6272 : i32
      %mul3A_34 = arith.muli %arg1, %mul3A_33 : i32
      %mul3A_35 = arith.constant 128 : i32
      %mul3A_36 = arith.muli %scan3A_31, %mul3A_35 : i32
      %add3A_37 = arith.addi %mul3A_34, %mul3A_36 : i32
      "tpu.region"() ({
        %run_scoped3A = tpu.sem_alloc : memref<!tpu.dma_semaphore, #tpu.memory_space<semaphore_mem>>
        %dma_start3A = arith.constant 0 : i32
        %dma_start3A_39 = tpu.memref_slice %arg13[%add3A_37, %dma_start3A] : memref<100352x16xf32, #tpu.memory_space<vmem_shared>> -> memref<128x16xf32, #tpu.memory_space<vmem_shared>>
        %dma_start3A_40 = arith.constant 0 : i32
        %dma_start3A_41 = tpu.memref_slice %arg13[%add3A_37, %dma_start3A_40] : memref<100352x16xf32, #tpu.memory_space<vmem_shared>> -> memref<128x16xf32, #tpu.memory_space<vmem_shared>>
        tpu.enqueue_dma source(%arg12 : memref<128x16xf32, #tpu.memory_space<vmem>>) target(%dma_start3A_41 : memref<128x16xf32, #tpu.memory_space<vmem_shared>>) target_semaphore(%run_scoped3A : memref<!tpu.dma_semaphore, #tpu.memory_space<semaphore_mem>>)
        %dma_wait3A_42 = arith.constant 0 : i32
        %dma_wait3A_43 = tpu.memref_slice %arg13[%add3A_37, %dma_wait3A_42] : memref<100352x16xf32, #tpu.memory_space<vmem_shared>> -> memref<128x16xf32, #tpu.memory_space<vmem_shared>>
        %dma_wait3A_44 = arith.constant 0 : i32
        %dma_wait3A_45 = tpu.memref_slice %arg13[%add3A_37, %dma_wait3A_44] : memref<100352x16xf32, #tpu.memory_space<vmem_shared>> -> memref<128x16xf32, #tpu.memory_space<vmem_shared>>
        tpu.wait_dma2 semaphore(%run_scoped3A : memref<!tpu.dma_semaphore, #tpu.memory_space<semaphore_mem>>) src(%arg12 : memref<128x16xf32, #tpu.memory_space<vmem>>) dst(%dma_wait3A_45 : memref<128x16xf32, #tpu.memory_space<vmem_shared>>)
        tpu.yield
      }) : () -> ()
      %scan3A_38 = arith.constant 0 : i32
      scf.yield %scan3A_38 : i32
    }
    %scan3A_13 = arith.constant 49 : i32
    %barrier3A = arith.constant 0 : index
    tpu.barrier barrier_id(%barrier3A)
    %scan3A_14 = arith.constant 0 : i32
    %scan3A_15 = arith.constant 0 : i32
    %scan3A_16 = arith.constant 100 : i32
    %scan3A_17 = arith.addi %scan3A_15, %scan3A_16 : i32
    %scan3A_18 = arith.constant 1 : i32
    %scan3A_19 = scf.for %scan3A_31 = %scan3A_15 to %scan3A_17 step %scan3A_18 iter_args(%scan3A_32 = %scan3A_14) -> (i32)  : i32 {
      %jit3A = arith.constant 2 : i32
      %eq3A = arith.constant 0 : i32
      %eq3A_33 = arith.cmpi eq, %jit3A, %eq3A : i32
      %jit3A_34 = arith.constant 1 : i32
      %select_n3A = arith.select %eq3A_33, %jit3A_34, %jit3A : i32
      %rem3A = arith.remsi %scan3A_31, %select_n3A : i32
      %ne3A = arith.constant 0 : i32
      %ne3A_35 = arith.cmpi ne, %rem3A, %ne3A : i32
      %lt3A = arith.constant 0 : i32
      %lt3A_36 = arith.cmpi slt, %rem3A, %lt3A : i32
      %lt3A_37 = arith.constant 0 : i32
      %lt3A_38 = arith.cmpi slt, %select_n3A, %lt3A_37 : i32
      %ne3A_39 = arith.xori %lt3A_36, %lt3A_38 : i1
      %and3A = arith.andi %ne3A_39, %ne3A_35 : i1
      %add3A_40 = arith.addi %rem3A, %select_n3A : i32
      %select_n3A_41 = arith.select %and3A, %add3A_40, %rem3A : i32
      %eq3A_42 = arith.constant 0 : i32
      %eq3A_43 = arith.cmpi eq, %select_n3A_41, %eq3A_42 : i32
      %convert_element_type3A = arith.extui %eq3A_43 : i1 to i32
      %cond3A = arith.constant 0 : i32
      %cond3A_44 = arith.cmpi ne, %convert_element_type3A, %cond3A : i32
      scf.if %cond3A_44 {
        %ge3A = arith.constant 2 : i32
        %ge3A_67 = arith.cmpi sge, %scan3A_31, %ge3A : i32
        %convert_element_type3A_68 = arith.extui %ge3A_67 : i1 to i32
        %cond3A_69 = arith.constant 0 : i32
        %cond3A_70 = arith.cmpi ne, %convert_element_type3A_68, %cond3A_69 : i32
        scf.if %cond3A_70 {
          %dma_wait3A_79 = arith.constant 0 : i32
          %dma_wait3A_80 = arith.constant 0 : i32
          %dma_wait3A_81 = tpu.memref_slice %arg13[%dma_wait3A_79, %dma_wait3A_80] : memref<100352x16xf32, #tpu.memory_space<vmem_shared>> -> memref<100352x16xf32, #tpu.memory_space<vmem_shared>>
          tpu.wait_indirect_dma semaphore(%arg15 : memref<!tpu.dma_semaphore, #tpu.memory_space<semaphore_mem>>) src(%arg8 : memref<512x16xf32, #tpu.memory_space<vmem>>) dst(%dma_wait3A_81 : memref<100352x16xf32, #tpu.memory_space<vmem_shared>>)
        } else {
        }
        "tpu.region"() ({
          %run_scoped3A = tpu.sem_alloc : memref<!tpu.dma_semaphore, #tpu.memory_space<semaphore_mem>>
          %dma_start3A_79 = arith.constant 0 : i32
          %dma_start3A_80 = tpu.memref_slice %arg3[%add3A, %scan3A_31, %dma_start3A_79] : memref<32x100x512xi32, #tpu.memory_space<hbm>> -> memref<1x1x512xi32, #tpu.memory_space<hbm>>
          %dma_start3A_81 = tpu.memref_squeeze %dma_start3A_80 : memref<1x1x512xi32, #tpu.memory_space<hbm>> -> memref<512xi32, #tpu.memory_space<hbm>>
          %dma_start3A_82 = arith.constant 0 : i32
          %dma_start3A_83 = tpu.memref_slice %arg3[%add3A, %scan3A_31, %dma_start3A_82] : memref<32x100x512xi32, #tpu.memory_space<hbm>> -> memref<1x1x512xi32, #tpu.memory_space<hbm>>
          %dma_start3A_84 = tpu.memref_squeeze %dma_start3A_83 : memref<1x1x512xi32, #tpu.memory_space<hbm>> -> memref<512xi32, #tpu.memory_space<hbm>>
          tpu.enqueue_dma source(%dma_start3A_84 : memref<512xi32, #tpu.memory_space<hbm>>) target(%arg6 : memref<512xi32, #tpu.memory_space<vmem>>) target_semaphore(%run_scoped3A : memref<!tpu.dma_semaphore, #tpu.memory_space<semaphore_mem>>)
          %dma_wait3A_85 = arith.constant 0 : i32
          %dma_wait3A_86 = tpu.memref_slice %arg3[%add3A, %scan3A_31, %dma_wait3A_85] : memref<32x100x512xi32, #tpu.memory_space<hbm>> -> memref<1x1x512xi32, #tpu.memory_space<hbm>>
          %dma_wait3A_87 = tpu.memref_squeeze %dma_wait3A_86 : memref<1x1x512xi32, #tpu.memory_space<hbm>> -> memref<512xi32, #tpu.memory_space<hbm>>
          %dma_wait3A_88 = arith.constant 0 : i32
          %dma_wait3A_89 = tpu.memref_slice %arg3[%add3A, %scan3A_31, %dma_wait3A_88] : memref<32x100x512xi32, #tpu.memory_space<hbm>> -> memref<1x1x512xi32, #tpu.memory_space<hbm>>
          %dma_wait3A_90 = tpu.memref_squeeze %dma_wait3A_89 : memref<1x1x512xi32, #tpu.memory_space<hbm>> -> memref<512xi32, #tpu.memory_space<hbm>>
          tpu.wait_dma2 semaphore(%run_scoped3A : memref<!tpu.dma_semaphore, #tpu.memory_space<semaphore_mem>>) src(%dma_wait3A_90 : memref<512xi32, #tpu.memory_space<hbm>>) dst(%arg6 : memref<512xi32, #tpu.memory_space<vmem>>)
          tpu.yield
        }) : () -> ()
        "tpu.region"() ({
          %run_scoped3A = tpu.sem_alloc : memref<!tpu.dma_semaphore, #tpu.memory_space<semaphore_mem>>
          %dma_start3A_79 = arith.constant 0 : i32
          %dma_start3A_80 = tpu.memref_slice %arg4[%add3A, %scan3A_31, %dma_start3A_79] : memref<32x100x512xi32, #tpu.memory_space<hbm>> -> memref<1x1x512xi32, #tpu.memory_space<hbm>>
          %dma_start3A_81 = tpu.memref_squeeze %dma_start3A_80 : memref<1x1x512xi32, #tpu.memory_space<hbm>> -> memref<512xi32, #tpu.memory_space<hbm>>
          %dma_start3A_82 = arith.constant 0 : i32
          %dma_start3A_83 = tpu.memref_slice %arg4[%add3A, %scan3A_31, %dma_start3A_82] : memref<32x100x512xi32, #tpu.memory_space<hbm>> -> memref<1x1x512xi32, #tpu.memory_space<hbm>>
          %dma_start3A_84 = tpu.memref_squeeze %dma_start3A_83 : memref<1x1x512xi32, #tpu.memory_space<hbm>> -> memref<512xi32, #tpu.memory_space<hbm>>
          tpu.enqueue_dma source(%dma_start3A_84 : memref<512xi32, #tpu.memory_space<hbm>>) target(%arg7 : memref<512xi32, #tpu.memory_space<vmem>>) target_semaphore(%run_scoped3A : memref<!tpu.dma_semaphore, #tpu.memory_space<semaphore_mem>>)
          %dma_wait3A_85 = arith.constant 0 : i32
          %dma_wait3A_86 = tpu.memref_slice %arg4[%add3A, %scan3A_31, %dma_wait3A_85] : memref<32x100x512xi32, #tpu.memory_space<hbm>> -> memref<1x1x512xi32, #tpu.memory_space<hbm>>
          %dma_wait3A_87 = tpu.memref_squeeze %dma_wait3A_86 : memref<1x1x512xi32, #tpu.memory_space<hbm>> -> memref<512xi32, #tpu.memory_space<hbm>>
          %dma_wait3A_88 = arith.constant 0 : i32
          %dma_wait3A_89 = tpu.memref_slice %arg4[%add3A, %scan3A_31, %dma_wait3A_88] : memref<32x100x512xi32, #tpu.memory_space<hbm>> -> memref<1x1x512xi32, #tpu.memory_space<hbm>>
          %dma_wait3A_90 = tpu.memref_squeeze %dma_wait3A_89 : memref<1x1x512xi32, #tpu.memory_space<hbm>> -> memref<512xi32, #tpu.memory_space<hbm>>
          tpu.wait_dma2 semaphore(%run_scoped3A : memref<!tpu.dma_semaphore, #tpu.memory_space<semaphore_mem>>) src(%dma_wait3A_90 : memref<512xi32, #tpu.memory_space<hbm>>) dst(%arg7 : memref<512xi32, #tpu.memory_space<vmem>>)
          tpu.yield
        }) : () -> ()
        %dma_start3A = arith.constant 0 : i32
        %dma_start3A_71 = arith.constant 0 : i32
        %dma_start3A_72 = tpu.memref_slice %arg2[%dma_start3A, %dma_start3A_71] : memref<100352x16xf32, #tpu.memory_space<hbm>> -> memref<100352x16xf32, #tpu.memory_space<hbm>>
        tpu.enqueue_indirect_dma source(%dma_start3A_72 : memref<100352x16xf32, #tpu.memory_space<hbm>>) target(%arg8 : memref<512x16xf32, #tpu.memory_space<vmem>>) offsets(%arg6 : memref<512xi32, #tpu.memory_space<vmem>>) semaphore(%arg14 : memref<!tpu.dma_semaphore, #tpu.memory_space<semaphore_mem>>)
        %dma_wait3A_73 = arith.constant 0 : i32
        %dma_wait3A_74 = arith.constant 0 : i32
        %dma_wait3A_75 = tpu.memref_slice %arg2[%dma_wait3A_73, %dma_wait3A_74] : memref<100352x16xf32, #tpu.memory_space<hbm>> -> memref<100352x16xf32, #tpu.memory_space<hbm>>
        tpu.wait_indirect_dma semaphore(%arg14 : memref<!tpu.dma_semaphore, #tpu.memory_space<semaphore_mem>>) src(%dma_wait3A_75 : memref<100352x16xf32, #tpu.memory_space<hbm>>) dst(%arg8 : memref<512x16xf32, #tpu.memory_space<vmem>>)
        %dma_start3A_76 = arith.constant 0 : i32
        %dma_start3A_77 = arith.constant 0 : i32
        %dma_start3A_78 = tpu.memref_slice %arg13[%dma_start3A_76, %dma_start3A_77] : memref<100352x16xf32, #tpu.memory_space<vmem_shared>> -> memref<100352x16xf32, #tpu.memory_space<vmem_shared>>
        tpu.enqueue_indirect_dma source(%arg8 : memref<512x16xf32, #tpu.memory_space<vmem>>) target(%dma_start3A_78 : memref<100352x16xf32, #tpu.memory_space<vmem_shared>>) offsets(%arg7 : memref<512xi32, #tpu.memory_space<vmem>>) semaphore(%arg15 : memref<!tpu.dma_semaphore, #tpu.memory_space<semaphore_mem>>) {add = true}
      } else {
      }
      %jit3A_45 = arith.constant 2 : i32
      %eq3A_46 = arith.constant 0 : i32
      %eq3A_47 = arith.cmpi eq, %jit3A_45, %eq3A_46 : i32
      %jit3A_48 = arith.constant 1 : i32
      %select_n3A_49 = arith.select %eq3A_47, %jit3A_48, %jit3A_45 : i32
      %rem3A_50 = arith.remsi %scan3A_31, %select_n3A_49 : i32
      %ne3A_51 = arith.constant 0 : i32
      %ne3A_52 = arith.cmpi ne, %rem3A_50, %ne3A_51 : i32
      %lt3A_53 = arith.constant 0 : i32
      %lt3A_54 = arith.cmpi slt, %rem3A_50, %lt3A_53 : i32
      %lt3A_55 = arith.constant 0 : i32
      %lt3A_56 = arith.cmpi slt, %select_n3A_49, %lt3A_55 : i32
      %ne3A_57 = arith.xori %lt3A_54, %lt3A_56 : i1
      %and3A_58 = arith.andi %ne3A_57, %ne3A_52 : i1
      %add3A_59 = arith.addi %rem3A_50, %select_n3A_49 : i32
      %select_n3A_60 = arith.select %and3A_58, %add3A_59, %rem3A_50 : i32
      %eq3A_61 = arith.constant 1 : i32
      %eq3A_62 = arith.cmpi eq, %select_n3A_60, %eq3A_61 : i32
      %convert_element_type3A_63 = arith.extui %eq3A_62 : i1 to i32
      %cond3A_64 = arith.constant 0 : i32
      %cond3A_65 = arith.cmpi ne, %convert_element_type3A_63, %cond3A_64 : i32
      scf.if %cond3A_65 {
        %ge3A = arith.constant 2 : i32
        %ge3A_67 = arith.cmpi sge, %scan3A_31, %ge3A : i32
        %convert_element_type3A_68 = arith.extui %ge3A_67 : i1 to i32
        %cond3A_69 = arith.constant 0 : i32
        %cond3A_70 = arith.cmpi ne, %convert_element_type3A_68, %cond3A_69 : i32
        scf.if %cond3A_70 {
          %dma_wait3A_79 = arith.constant 0 : i32
          %dma_wait3A_80 = arith.constant 0 : i32
          %dma_wait3A_81 = tpu.memref_slice %arg13[%dma_wait3A_79, %dma_wait3A_80] : memref<100352x16xf32, #tpu.memory_space<vmem_shared>> -> memref<100352x16xf32, #tpu.memory_space<vmem_shared>>
          tpu.wait_indirect_dma semaphore(%arg17 : memref<!tpu.dma_semaphore, #tpu.memory_space<semaphore_mem>>) src(%arg11 : memref<512x16xf32, #tpu.memory_space<vmem>>) dst(%dma_wait3A_81 : memref<100352x16xf32, #tpu.memory_space<vmem_shared>>)
        } else {
        }
        "tpu.region"() ({
          %run_scoped3A = tpu.sem_alloc : memref<!tpu.dma_semaphore, #tpu.memory_space<semaphore_mem>>
          %dma_start3A_79 = arith.constant 0 : i32
          %dma_start3A_80 = tpu.memref_slice %arg3[%add3A, %scan3A_31, %dma_start3A_79] : memref<32x100x512xi32, #tpu.memory_space<hbm>> -> memref<1x1x512xi32, #tpu.memory_space<hbm>>
          %dma_start3A_81 = tpu.memref_squeeze %dma_start3A_80 : memref<1x1x512xi32, #tpu.memory_space<hbm>> -> memref<512xi32, #tpu.memory_space<hbm>>
          %dma_start3A_82 = arith.constant 0 : i32
          %dma_start3A_83 = tpu.memref_slice %arg3[%add3A, %scan3A_31, %dma_start3A_82] : memref<32x100x512xi32, #tpu.memory_space<hbm>> -> memref<1x1x512xi32, #tpu.memory_space<hbm>>
          %dma_start3A_84 = tpu.memref_squeeze %dma_start3A_83 : memref<1x1x512xi32, #tpu.memory_space<hbm>> -> memref<512xi32, #tpu.memory_space<hbm>>
          tpu.enqueue_dma source(%dma_start3A_84 : memref<512xi32, #tpu.memory_space<hbm>>) target(%arg9 : memref<512xi32, #tpu.memory_space<vmem>>) target_semaphore(%run_scoped3A : memref<!tpu.dma_semaphore, #tpu.memory_space<semaphore_mem>>)
          %dma_wait3A_85 = arith.constant 0 : i32
          %dma_wait3A_86 = tpu.memref_slice %arg3[%add3A, %scan3A_31, %dma_wait3A_85] : memref<32x100x512xi32, #tpu.memory_space<hbm>> -> memref<1x1x512xi32, #tpu.memory_space<hbm>>
          %dma_wait3A_87 = tpu.memref_squeeze %dma_wait3A_86 : memref<1x1x512xi32, #tpu.memory_space<hbm>> -> memref<512xi32, #tpu.memory_space<hbm>>
          %dma_wait3A_88 = arith.constant 0 : i32
          %dma_wait3A_89 = tpu.memref_slice %arg3[%add3A, %scan3A_31, %dma_wait3A_88] : memref<32x100x512xi32, #tpu.memory_space<hbm>> -> memref<1x1x512xi32, #tpu.memory_space<hbm>>
          %dma_wait3A_90 = tpu.memref_squeeze %dma_wait3A_89 : memref<1x1x512xi32, #tpu.memory_space<hbm>> -> memref<512xi32, #tpu.memory_space<hbm>>
          tpu.wait_dma2 semaphore(%run_scoped3A : memref<!tpu.dma_semaphore, #tpu.memory_space<semaphore_mem>>) src(%dma_wait3A_90 : memref<512xi32, #tpu.memory_space<hbm>>) dst(%arg9 : memref<512xi32, #tpu.memory_space<vmem>>)
          tpu.yield
        }) : () -> ()
        "tpu.region"() ({
          %run_scoped3A = tpu.sem_alloc : memref<!tpu.dma_semaphore, #tpu.memory_space<semaphore_mem>>
          %dma_start3A_79 = arith.constant 0 : i32
          %dma_start3A_80 = tpu.memref_slice %arg4[%add3A, %scan3A_31, %dma_start3A_79] : memref<32x100x512xi32, #tpu.memory_space<hbm>> -> memref<1x1x512xi32, #tpu.memory_space<hbm>>
          %dma_start3A_81 = tpu.memref_squeeze %dma_start3A_80 : memref<1x1x512xi32, #tpu.memory_space<hbm>> -> memref<512xi32, #tpu.memory_space<hbm>>
          %dma_start3A_82 = arith.constant 0 : i32
          %dma_start3A_83 = tpu.memref_slice %arg4[%add3A, %scan3A_31, %dma_start3A_82] : memref<32x100x512xi32, #tpu.memory_space<hbm>> -> memref<1x1x512xi32, #tpu.memory_space<hbm>>
          %dma_start3A_84 = tpu.memref_squeeze %dma_start3A_83 : memref<1x1x512xi32, #tpu.memory_space<hbm>> -> memref<512xi32, #tpu.memory_space<hbm>>
          tpu.enqueue_dma source(%dma_start3A_84 : memref<512xi32, #tpu.memory_space<hbm>>) target(%arg10 : memref<512xi32, #tpu.memory_space<vmem>>) target_semaphore(%run_scoped3A : memref<!tpu.dma_semaphore, #tpu.memory_space<semaphore_mem>>)
          %dma_wait3A_85 = arith.constant 0 : i32
          %dma_wait3A_86 = tpu.memref_slice %arg4[%add3A, %scan3A_31, %dma_wait3A_85] : memref<32x100x512xi32, #tpu.memory_space<hbm>> -> memref<1x1x512xi32, #tpu.memory_space<hbm>>
          %dma_wait3A_87 = tpu.memref_squeeze %dma_wait3A_86 : memref<1x1x512xi32, #tpu.memory_space<hbm>> -> memref<512xi32, #tpu.memory_space<hbm>>
          %dma_wait3A_88 = arith.constant 0 : i32
          %dma_wait3A_89 = tpu.memref_slice %arg4[%add3A, %scan3A_31, %dma_wait3A_88] : memref<32x100x512xi32, #tpu.memory_space<hbm>> -> memref<1x1x512xi32, #tpu.memory_space<hbm>>
          %dma_wait3A_90 = tpu.memref_squeeze %dma_wait3A_89 : memref<1x1x512xi32, #tpu.memory_space<hbm>> -> memref<512xi32, #tpu.memory_space<hbm>>
          tpu.wait_dma2 semaphore(%run_scoped3A : memref<!tpu.dma_semaphore, #tpu.memory_space<semaphore_mem>>) src(%dma_wait3A_90 : memref<512xi32, #tpu.memory_space<hbm>>) dst(%arg10 : memref<512xi32, #tpu.memory_space<vmem>>)
          tpu.yield
        }) : () -> ()
        %dma_start3A = arith.constant 0 : i32
        %dma_start3A_71 = arith.constant 0 : i32
        %dma_start3A_72 = tpu.memref_slice %arg2[%dma_start3A, %dma_start3A_71] : memref<100352x16xf32, #tpu.memory_space<hbm>> -> memref<100352x16xf32, #tpu.memory_space<hbm>>
        tpu.enqueue_indirect_dma source(%dma_start3A_72 : memref<100352x16xf32, #tpu.memory_space<hbm>>) target(%arg11 : memref<512x16xf32, #tpu.memory_space<vmem>>) offsets(%arg9 : memref<512xi32, #tpu.memory_space<vmem>>) semaphore(%arg16 : memref<!tpu.dma_semaphore, #tpu.memory_space<semaphore_mem>>)
        %dma_wait3A_73 = arith.constant 0 : i32
        %dma_wait3A_74 = arith.constant 0 : i32
        %dma_wait3A_75 = tpu.memref_slice %arg2[%dma_wait3A_73, %dma_wait3A_74] : memref<100352x16xf32, #tpu.memory_space<hbm>> -> memref<100352x16xf32, #tpu.memory_space<hbm>>
        tpu.wait_indirect_dma semaphore(%arg16 : memref<!tpu.dma_semaphore, #tpu.memory_space<semaphore_mem>>) src(%dma_wait3A_75 : memref<100352x16xf32, #tpu.memory_space<hbm>>) dst(%arg11 : memref<512x16xf32, #tpu.memory_space<vmem>>)
        %dma_start3A_76 = arith.constant 0 : i32
        %dma_start3A_77 = arith.constant 0 : i32
        %dma_start3A_78 = tpu.memref_slice %arg13[%dma_start3A_76, %dma_start3A_77] : memref<100352x16xf32, #tpu.memory_space<vmem_shared>> -> memref<100352x16xf32, #tpu.memory_space<vmem_shared>>
        tpu.enqueue_indirect_dma source(%arg11 : memref<512x16xf32, #tpu.memory_space<vmem>>) target(%dma_start3A_78 : memref<100352x16xf32, #tpu.memory_space<vmem_shared>>) offsets(%arg10 : memref<512xi32, #tpu.memory_space<vmem>>) semaphore(%arg17 : memref<!tpu.dma_semaphore, #tpu.memory_space<semaphore_mem>>) {add = true}
      } else {
      }
      %scan3A_66 = arith.constant 0 : i32
      scf.yield %scan3A_66 : i32
    }
    %scan3A_20 = arith.constant 100 : i32
    %dma_wait3A = arith.constant 0 : i32
    %dma_wait3A_21 = arith.constant 0 : i32
    %dma_wait3A_22 = tpu.memref_slice %arg13[%dma_wait3A, %dma_wait3A_21] : memref<100352x16xf32, #tpu.memory_space<vmem_shared>> -> memref<100352x16xf32, #tpu.memory_space<vmem_shared>>
    tpu.wait_indirect_dma semaphore(%arg15 : memref<!tpu.dma_semaphore, #tpu.memory_space<semaphore_mem>>) src(%arg8 : memref<512x16xf32, #tpu.memory_space<vmem>>) dst(%dma_wait3A_22 : memref<100352x16xf32, #tpu.memory_space<vmem_shared>>)
    %dma_wait3A_23 = arith.constant 0 : i32
    %dma_wait3A_24 = arith.constant 0 : i32
    %dma_wait3A_25 = tpu.memref_slice %arg13[%dma_wait3A_23, %dma_wait3A_24] : memref<100352x16xf32, #tpu.memory_space<vmem_shared>> -> memref<100352x16xf32, #tpu.memory_space<vmem_shared>>
    tpu.wait_indirect_dma semaphore(%arg17 : memref<!tpu.dma_semaphore, #tpu.memory_space<semaphore_mem>>) src(%arg11 : memref<512x16xf32, #tpu.memory_space<vmem>>) dst(%dma_wait3A_25 : memref<100352x16xf32, #tpu.memory_space<vmem_shared>>)
    %barrier3A_26 = arith.constant 0 : index
    tpu.barrier barrier_id(%barrier3A_26)
    %mul3A_27 = arith.constant 6272 : i32
    %mul3A_28 = arith.muli %arg1, %mul3A_27 : i32
    %mul3A_29 = arith.constant 6272 : i32
    %mul3A_30 = arith.muli %arg1, %mul3A_29 : i32
    "tpu.region"() ({
      %run_scoped3A = tpu.sem_alloc : memref<!tpu.dma_semaphore, #tpu.memory_space<semaphore_mem>>
      %dma_start3A = arith.constant 0 : i32
      %dma_start3A_31 = tpu.memref_slice %arg5[%arg0, %mul3A_30, %dma_start3A] : memref<2x100352x16xf32, #tpu.memory_space<hbm>> -> memref<1x6272x16xf32, #tpu.memory_space<hbm>>
      %dma_start3A_32 = tpu.memref_squeeze %dma_start3A_31 : memref<1x6272x16xf32, #tpu.memory_space<hbm>> -> memref<6272x16xf32, #tpu.memory_space<hbm>>
      %dma_start3A_33 = arith.constant 0 : i32
      %dma_start3A_34 = tpu.memref_slice %arg13[%mul3A_28, %dma_start3A_33] : memref<100352x16xf32, #tpu.memory_space<vmem_shared>> -> memref<6272x16xf32, #tpu.memory_space<vmem_shared>>
      tpu.enqueue_dma source(%dma_start3A_34 : memref<6272x16xf32, #tpu.memory_space<vmem_shared>>) target(%dma_start3A_32 : memref<6272x16xf32, #tpu.memory_space<hbm>>) target_semaphore(%run_scoped3A : memref<!tpu.dma_semaphore, #tpu.memory_space<semaphore_mem>>)
      %dma_wait3A_35 = arith.constant 0 : i32
      %dma_wait3A_36 = tpu.memref_slice %arg5[%arg0, %mul3A_30, %dma_wait3A_35] : memref<2x100352x16xf32, #tpu.memory_space<hbm>> -> memref<1x6272x16xf32, #tpu.memory_space<hbm>>
      %dma_wait3A_37 = tpu.memref_squeeze %dma_wait3A_36 : memref<1x6272x16xf32, #tpu.memory_space<hbm>> -> memref<6272x16xf32, #tpu.memory_space<hbm>>
      %dma_wait3A_38 = arith.constant 0 : i32
      %dma_wait3A_39 = tpu.memref_slice %arg13[%mul3A_28, %dma_wait3A_38] : memref<100352x16xf32, #tpu.memory_space<vmem_shared>> -> memref<6272x16xf32, #tpu.memory_space<vmem_shared>>
      tpu.wait_dma2 semaphore(%run_scoped3A : memref<!tpu.dma_semaphore, #tpu.memory_space<semaphore_mem>>) src(%dma_wait3A_39 : memref<6272x16xf32, #tpu.memory_space<vmem_shared>>) dst(%dma_wait3A_37 : memref<6272x16xf32, #tpu.memory_space<hbm>>)
      tpu.yield
    }) : () -> ()
    return
  }
}

#map = affine_map<(d0, d1) -> (0, 0)>
#map1 = affine_map<(d0, d1) -> (0, 0, 0)>
module attributes {stable_mosaic.version = 14 : i64} {
  func.func @_sc_prop_body(%arg0: i32, %arg1: i32, %arg2: memref<100352x16xf32, #tpu.memory_space<hbm>>, %arg3: memref<32x100x512xi32, #tpu.memory_space<hbm>>, %arg4: memref<32x100x512xi32, #tpu.memory_space<hbm>>, %arg5: memref<2x100352x16xf32, #tpu.memory_space<hbm>>, %arg6: memref<512xi32, #tpu.memory_space<vmem>>, %arg7: memref<512xi32, #tpu.memory_space<vmem>>, %arg8: memref<512x16xf32, #tpu.memory_space<vmem>>, %arg9: memref<512xi32, #tpu.memory_space<vmem>>, %arg10: memref<512xi32, #tpu.memory_space<vmem>>, %arg11: memref<512x16xf32, #tpu.memory_space<vmem>>, %arg12: memref<128x16xf32, #tpu.memory_space<vmem>>, %arg13: memref<100352x16xf32, #tpu.memory_space<vmem_shared>>, %arg14: memref<!tpu.dma_semaphore, #tpu.memory_space<semaphore_mem>>, %arg15: memref<!tpu.dma_semaphore, #tpu.memory_space<semaphore_mem>>, %arg16: memref<!tpu.dma_semaphore, #tpu.memory_space<semaphore_mem>>, %arg17: memref<!tpu.dma_semaphore, #tpu.memory_space<semaphore_mem>>) attributes {dimension_semantics = [#tpu.dimension_semantics<core_parallel>, #tpu.dimension_semantics<subcore_parallel>], iteration_bounds = array<i64: 2, 16>, scalar_prefetch = 0 : i64, scratch_operands = 12 : i64, tpu.core_type = #tpu.core_type<sc_vector_subcore>, window_params = [{transform_indices = #map}, {transform_indices = #map1}, {transform_indices = #map1}, {transform_indices = #map1}]} {
    %mul3A = arith.constant 16 : i32
    %mul3A_0 = arith.muli %arg0, %mul3A : i32
    %add3A = arith.addi %mul3A_0, %arg1 : i32
    %scan3A = arith.constant 0 : i32
    %scan3A_1 = arith.constant 0 : i32
    %scan3A_2 = arith.constant 128 : i32
    %scan3A_3 = arith.addi %scan3A_1, %scan3A_2 : i32
    %scan3A_4 = arith.constant 1 : i32
    %scan3A_5 = scf.for %scan3A_31 = %scan3A_1 to %scan3A_3 step %scan3A_4 iter_args(%scan3A_32 = %scan3A) -> (i32)  : i32 {
      %broadcast_in_dim3A = arith.constant 0.000000e+00 : f32
      %broadcast_in_dim3A_33 = vector.broadcast %broadcast_in_dim3A : f32 to vector<16xf32>
      %swap3A = arith.index_cast %scan3A_31 : i32 to index
      %swap3A_34 = arith.constant 0 : index
      %swap3A_35 = tpu.vector_load %arg12[%swap3A, %swap3A_34] {strides = array<i32>} : memref<128x16xf32, #tpu.memory_space<vmem>>, vector<1x16xf32>,
      %swap3A_36 = vector.shape_cast %swap3A_35 : vector<1x16xf32> to vector<16xf32>
      %swap3A_37 = vector.shape_cast %broadcast_in_dim3A_33 : vector<16xf32> to vector<1x16xf32>
      tpu.vector_store %arg12[%swap3A, %swap3A_34], %swap3A_37 {strides = array<i32>} : memref<128x16xf32, #tpu.memory_space<vmem>>, vector<1x16xf32>,
      %scan3A_38 = arith.constant 0 : i32
      scf.yield %scan3A_38 : i32
    }
    %scan3A_6 = arith.constant 128 : i32
    %scan3A_7 = arith.constant 0 : i32
    %scan3A_8 = arith.constant 0 : i32
    %scan3A_9 = arith.constant 49 : i32
    %scan3A_10 = arith.addi %scan3A_8, %scan3A_9 : i32
    %scan3A_11 = arith.constant 1 : i32
    %scan3A_12 = scf.for %scan3A_31 = %scan3A_8 to %scan3A_10 step %scan3A_11 iter_args(%scan3A_32 = %scan3A_7) -> (i32)  : i32 {
      %mul3A_33 = arith.constant 6272 : i32
      %mul3A_34 = arith.muli %arg1, %mul3A_33 : i32
      %mul3A_35 = arith.constant 128 : i32
      %mul3A_36 = arith.muli %scan3A_31, %mul3A_35 : i32
      %add3A_37 = arith.addi %mul3A_34, %mul3A_36 : i32
      "tpu.region"() ({
        %run_scoped3A = tpu.sem_alloc : memref<!tpu.dma_semaphore, #tpu.memory_space<semaphore_mem>>
        %dma_start3A = arith.constant 0 : i32
        %dma_start3A_39 = tpu.memref_slice %arg13[%add3A_37, %dma_start3A] : memref<100352x16xf32, #tpu.memory_space<vmem_shared>> -> memref<128x16xf32, #tpu.memory_space<vmem_shared>>
        %dma_start3A_40 = arith.constant 0 : i32
        %dma_start3A_41 = tpu.memref_slice %arg13[%add3A_37, %dma_start3A_40] : memref<100352x16xf32, #tpu.memory_space<vmem_shared>> -> memref<128x16xf32, #tpu.memory_space<vmem_shared>>
        tpu.enqueue_dma source(%arg12 : memref<128x16xf32, #tpu.memory_space<vmem>>) target(%dma_start3A_41 : memref<128x16xf32, #tpu.memory_space<vmem_shared>>) target_semaphore(%run_scoped3A : memref<!tpu.dma_semaphore, #tpu.memory_space<semaphore_mem>>)
        %dma_wait3A_42 = arith.constant 0 : i32
        %dma_wait3A_43 = tpu.memref_slice %arg13[%add3A_37, %dma_wait3A_42] : memref<100352x16xf32, #tpu.memory_space<vmem_shared>> -> memref<128x16xf32, #tpu.memory_space<vmem_shared>>
        %dma_wait3A_44 = arith.constant 0 : i32
        %dma_wait3A_45 = tpu.memref_slice %arg13[%add3A_37, %dma_wait3A_44] : memref<100352x16xf32, #tpu.memory_space<vmem_shared>> -> memref<128x16xf32, #tpu.memory_space<vmem_shared>>
        tpu.wait_dma2 semaphore(%run_scoped3A : memref<!tpu.dma_semaphore, #tpu.memory_space<semaphore_mem>>) src(%arg12 : memref<128x16xf32, #tpu.memory_space<vmem>>) dst(%dma_wait3A_45 : memref<128x16xf32, #tpu.memory_space<vmem_shared>>)
        tpu.yield
      }) : () -> ()
      %scan3A_38 = arith.constant 0 : i32
      scf.yield %scan3A_38 : i32
    }
    %scan3A_13 = arith.constant 49 : i32
    %barrier3A = arith.constant 0 : index
    tpu.barrier barrier_id(%barrier3A)
    %scan3A_14 = arith.constant 0 : i32
    %scan3A_15 = arith.constant 0 : i32
    %scan3A_16 = arith.constant 100 : i32
    %scan3A_17 = arith.addi %scan3A_15, %scan3A_16 : i32
    %scan3A_18 = arith.constant 1 : i32
    %scan3A_19 = scf.for %scan3A_31 = %scan3A_15 to %scan3A_17 step %scan3A_18 iter_args(%scan3A_32 = %scan3A_14) -> (i32)  : i32 {
      %jit3A = arith.constant 2 : i32
      %eq3A = arith.constant 0 : i32
      %eq3A_33 = arith.cmpi eq, %jit3A, %eq3A : i32
      %jit3A_34 = arith.constant 1 : i32
      %select_n3A = arith.select %eq3A_33, %jit3A_34, %jit3A : i32
      %rem3A = arith.remsi %scan3A_31, %select_n3A : i32
      %ne3A = arith.constant 0 : i32
      %ne3A_35 = arith.cmpi ne, %rem3A, %ne3A : i32
      %lt3A = arith.constant 0 : i32
      %lt3A_36 = arith.cmpi slt, %rem3A, %lt3A : i32
      %lt3A_37 = arith.constant 0 : i32
      %lt3A_38 = arith.cmpi slt, %select_n3A, %lt3A_37 : i32
      %ne3A_39 = arith.xori %lt3A_36, %lt3A_38 : i1
      %and3A = arith.andi %ne3A_39, %ne3A_35 : i1
      %add3A_40 = arith.addi %rem3A, %select_n3A : i32
      %select_n3A_41 = arith.select %and3A, %add3A_40, %rem3A : i32
      %eq3A_42 = arith.constant 0 : i32
      %eq3A_43 = arith.cmpi eq, %select_n3A_41, %eq3A_42 : i32
      %convert_element_type3A = arith.extui %eq3A_43 : i1 to i32
      %cond3A = arith.constant 0 : i32
      %cond3A_44 = arith.cmpi ne, %convert_element_type3A, %cond3A : i32
      scf.if %cond3A_44 {
        %ge3A = arith.constant 2 : i32
        %ge3A_67 = arith.cmpi sge, %scan3A_31, %ge3A : i32
        %convert_element_type3A_68 = arith.extui %ge3A_67 : i1 to i32
        %cond3A_69 = arith.constant 0 : i32
        %cond3A_70 = arith.cmpi ne, %convert_element_type3A_68, %cond3A_69 : i32
        scf.if %cond3A_70 {
          %dma_wait3A_79 = arith.constant 0 : i32
          %dma_wait3A_80 = arith.constant 0 : i32
          %dma_wait3A_81 = tpu.memref_slice %arg13[%dma_wait3A_79, %dma_wait3A_80] : memref<100352x16xf32, #tpu.memory_space<vmem_shared>> -> memref<100352x16xf32, #tpu.memory_space<vmem_shared>>
          tpu.wait_indirect_dma semaphore(%arg15 : memref<!tpu.dma_semaphore, #tpu.memory_space<semaphore_mem>>) src(%arg8 : memref<512x16xf32, #tpu.memory_space<vmem>>) dst(%dma_wait3A_81 : memref<100352x16xf32, #tpu.memory_space<vmem_shared>>)
        } else {
        }
        "tpu.region"() ({
          %run_scoped3A = tpu.sem_alloc : memref<!tpu.dma_semaphore, #tpu.memory_space<semaphore_mem>>
          %dma_start3A_79 = arith.constant 0 : i32
          %dma_start3A_80 = tpu.memref_slice %arg3[%add3A, %scan3A_31, %dma_start3A_79] : memref<32x100x512xi32, #tpu.memory_space<hbm>> -> memref<1x1x512xi32, #tpu.memory_space<hbm>>
          %dma_start3A_81 = tpu.memref_squeeze %dma_start3A_80 : memref<1x1x512xi32, #tpu.memory_space<hbm>> -> memref<512xi32, #tpu.memory_space<hbm>>
          %dma_start3A_82 = arith.constant 0 : i32
          %dma_start3A_83 = tpu.memref_slice %arg3[%add3A, %scan3A_31, %dma_start3A_82] : memref<32x100x512xi32, #tpu.memory_space<hbm>> -> memref<1x1x512xi32, #tpu.memory_space<hbm>>
          %dma_start3A_84 = tpu.memref_squeeze %dma_start3A_83 : memref<1x1x512xi32, #tpu.memory_space<hbm>> -> memref<512xi32, #tpu.memory_space<hbm>>
          tpu.enqueue_dma source(%dma_start3A_84 : memref<512xi32, #tpu.memory_space<hbm>>) target(%arg6 : memref<512xi32, #tpu.memory_space<vmem>>) target_semaphore(%run_scoped3A : memref<!tpu.dma_semaphore, #tpu.memory_space<semaphore_mem>>)
          %dma_wait3A_85 = arith.constant 0 : i32
          %dma_wait3A_86 = tpu.memref_slice %arg3[%add3A, %scan3A_31, %dma_wait3A_85] : memref<32x100x512xi32, #tpu.memory_space<hbm>> -> memref<1x1x512xi32, #tpu.memory_space<hbm>>
          %dma_wait3A_87 = tpu.memref_squeeze %dma_wait3A_86 : memref<1x1x512xi32, #tpu.memory_space<hbm>> -> memref<512xi32, #tpu.memory_space<hbm>>
          %dma_wait3A_88 = arith.constant 0 : i32
          %dma_wait3A_89 = tpu.memref_slice %arg3[%add3A, %scan3A_31, %dma_wait3A_88] : memref<32x100x512xi32, #tpu.memory_space<hbm>> -> memref<1x1x512xi32, #tpu.memory_space<hbm>>
          %dma_wait3A_90 = tpu.memref_squeeze %dma_wait3A_89 : memref<1x1x512xi32, #tpu.memory_space<hbm>> -> memref<512xi32, #tpu.memory_space<hbm>>
          tpu.wait_dma2 semaphore(%run_scoped3A : memref<!tpu.dma_semaphore, #tpu.memory_space<semaphore_mem>>) src(%dma_wait3A_90 : memref<512xi32, #tpu.memory_space<hbm>>) dst(%arg6 : memref<512xi32, #tpu.memory_space<vmem>>)
          tpu.yield
        }) : () -> ()
        "tpu.region"() ({
          %run_scoped3A = tpu.sem_alloc : memref<!tpu.dma_semaphore, #tpu.memory_space<semaphore_mem>>
          %dma_start3A_79 = arith.constant 0 : i32
          %dma_start3A_80 = tpu.memref_slice %arg4[%add3A, %scan3A_31, %dma_start3A_79] : memref<32x100x512xi32, #tpu.memory_space<hbm>> -> memref<1x1x512xi32, #tpu.memory_space<hbm>>
          %dma_start3A_81 = tpu.memref_squeeze %dma_start3A_80 : memref<1x1x512xi32, #tpu.memory_space<hbm>> -> memref<512xi32, #tpu.memory_space<hbm>>
          %dma_start3A_82 = arith.constant 0 : i32
          %dma_start3A_83 = tpu.memref_slice %arg4[%add3A, %scan3A_31, %dma_start3A_82] : memref<32x100x512xi32, #tpu.memory_space<hbm>> -> memref<1x1x512xi32, #tpu.memory_space<hbm>>
          %dma_start3A_84 = tpu.memref_squeeze %dma_start3A_83 : memref<1x1x512xi32, #tpu.memory_space<hbm>> -> memref<512xi32, #tpu.memory_space<hbm>>
          tpu.enqueue_dma source(%dma_start3A_84 : memref<512xi32, #tpu.memory_space<hbm>>) target(%arg7 : memref<512xi32, #tpu.memory_space<vmem>>) target_semaphore(%run_scoped3A : memref<!tpu.dma_semaphore, #tpu.memory_space<semaphore_mem>>)
          %dma_wait3A_85 = arith.constant 0 : i32
          %dma_wait3A_86 = tpu.memref_slice %arg4[%add3A, %scan3A_31, %dma_wait3A_85] : memref<32x100x512xi32, #tpu.memory_space<hbm>> -> memref<1x1x512xi32, #tpu.memory_space<hbm>>
          %dma_wait3A_87 = tpu.memref_squeeze %dma_wait3A_86 : memref<1x1x512xi32, #tpu.memory_space<hbm>> -> memref<512xi32, #tpu.memory_space<hbm>>
          %dma_wait3A_88 = arith.constant 0 : i32
          %dma_wait3A_89 = tpu.memref_slice %arg4[%add3A, %scan3A_31, %dma_wait3A_88] : memref<32x100x512xi32, #tpu.memory_space<hbm>> -> memref<1x1x512xi32, #tpu.memory_space<hbm>>
          %dma_wait3A_90 = tpu.memref_squeeze %dma_wait3A_89 : memref<1x1x512xi32, #tpu.memory_space<hbm>> -> memref<512xi32, #tpu.memory_space<hbm>>
          tpu.wait_dma2 semaphore(%run_scoped3A : memref<!tpu.dma_semaphore, #tpu.memory_space<semaphore_mem>>) src(%dma_wait3A_90 : memref<512xi32, #tpu.memory_space<hbm>>) dst(%arg7 : memref<512xi32, #tpu.memory_space<vmem>>)
          tpu.yield
        }) : () -> ()
        %dma_start3A = arith.constant 0 : i32
        %dma_start3A_71 = arith.constant 0 : i32
        %dma_start3A_72 = tpu.memref_slice %arg2[%dma_start3A, %dma_start3A_71] : memref<100352x16xf32, #tpu.memory_space<hbm>> -> memref<100352x16xf32, #tpu.memory_space<hbm>>
        tpu.enqueue_indirect_dma source(%dma_start3A_72 : memref<100352x16xf32, #tpu.memory_space<hbm>>) target(%arg8 : memref<512x16xf32, #tpu.memory_space<vmem>>) offsets(%arg6 : memref<512xi32, #tpu.memory_space<vmem>>) semaphore(%arg14 : memref<!tpu.dma_semaphore, #tpu.memory_space<semaphore_mem>>)
        %dma_wait3A_73 = arith.constant 0 : i32
        %dma_wait3A_74 = arith.constant 0 : i32
        %dma_wait3A_75 = tpu.memref_slice %arg2[%dma_wait3A_73, %dma_wait3A_74] : memref<100352x16xf32, #tpu.memory_space<hbm>> -> memref<100352x16xf32, #tpu.memory_space<hbm>>
        tpu.wait_indirect_dma semaphore(%arg14 : memref<!tpu.dma_semaphore, #tpu.memory_space<semaphore_mem>>) src(%dma_wait3A_75 : memref<100352x16xf32, #tpu.memory_space<hbm>>) dst(%arg8 : memref<512x16xf32, #tpu.memory_space<vmem>>)
        %dma_start3A_76 = arith.constant 0 : i32
        %dma_start3A_77 = arith.constant 0 : i32
        %dma_start3A_78 = tpu.memref_slice %arg13[%dma_start3A_76, %dma_start3A_77] : memref<100352x16xf32, #tpu.memory_space<vmem_shared>> -> memref<100352x16xf32, #tpu.memory_space<vmem_shared>>
        tpu.enqueue_indirect_dma source(%arg8 : memref<512x16xf32, #tpu.memory_space<vmem>>) target(%dma_start3A_78 : memref<100352x16xf32, #tpu.memory_space<vmem_shared>>) offsets(%arg7 : memref<512xi32, #tpu.memory_space<vmem>>) semaphore(%arg15 : memref<!tpu.dma_semaphore, #tpu.memory_space<semaphore_mem>>) {add = true}
      } else {
      }
      %jit3A_45 = arith.constant 2 : i32
      %eq3A_46 = arith.constant 0 : i32
      %eq3A_47 = arith.cmpi eq, %jit3A_45, %eq3A_46 : i32
      %jit3A_48 = arith.constant 1 : i32
      %select_n3A_49 = arith.select %eq3A_47, %jit3A_48, %jit3A_45 : i32
      %rem3A_50 = arith.remsi %scan3A_31, %select_n3A_49 : i32
      %ne3A_51 = arith.constant 0 : i32
      %ne3A_52 = arith.cmpi ne, %rem3A_50, %ne3A_51 : i32
      %lt3A_53 = arith.constant 0 : i32
      %lt3A_54 = arith.cmpi slt, %rem3A_50, %lt3A_53 : i32
      %lt3A_55 = arith.constant 0 : i32
      %lt3A_56 = arith.cmpi slt, %select_n3A_49, %lt3A_55 : i32
      %ne3A_57 = arith.xori %lt3A_54, %lt3A_56 : i1
      %and3A_58 = arith.andi %ne3A_57, %ne3A_52 : i1
      %add3A_59 = arith.addi %rem3A_50, %select_n3A_49 : i32
      %select_n3A_60 = arith.select %and3A_58, %add3A_59, %rem3A_50 : i32
      %eq3A_61 = arith.constant 1 : i32
      %eq3A_62 = arith.cmpi eq, %select_n3A_60, %eq3A_61 : i32
      %convert_element_type3A_63 = arith.extui %eq3A_62 : i1 to i32
      %cond3A_64 = arith.constant 0 : i32
      %cond3A_65 = arith.cmpi ne, %convert_element_type3A_63, %cond3A_64 : i32
      scf.if %cond3A_65 {
        %ge3A = arith.constant 2 : i32
        %ge3A_67 = arith.cmpi sge, %scan3A_31, %ge3A : i32
        %convert_element_type3A_68 = arith.extui %ge3A_67 : i1 to i32
        %cond3A_69 = arith.constant 0 : i32
        %cond3A_70 = arith.cmpi ne, %convert_element_type3A_68, %cond3A_69 : i32
        scf.if %cond3A_70 {
          %dma_wait3A_79 = arith.constant 0 : i32
          %dma_wait3A_80 = arith.constant 0 : i32
          %dma_wait3A_81 = tpu.memref_slice %arg13[%dma_wait3A_79, %dma_wait3A_80] : memref<100352x16xf32, #tpu.memory_space<vmem_shared>> -> memref<100352x16xf32, #tpu.memory_space<vmem_shared>>
          tpu.wait_indirect_dma semaphore(%arg17 : memref<!tpu.dma_semaphore, #tpu.memory_space<semaphore_mem>>) src(%arg11 : memref<512x16xf32, #tpu.memory_space<vmem>>) dst(%dma_wait3A_81 : memref<100352x16xf32, #tpu.memory_space<vmem_shared>>)
        } else {
        }
        "tpu.region"() ({
          %run_scoped3A = tpu.sem_alloc : memref<!tpu.dma_semaphore, #tpu.memory_space<semaphore_mem>>
          %dma_start3A_79 = arith.constant 0 : i32
          %dma_start3A_80 = tpu.memref_slice %arg3[%add3A, %scan3A_31, %dma_start3A_79] : memref<32x100x512xi32, #tpu.memory_space<hbm>> -> memref<1x1x512xi32, #tpu.memory_space<hbm>>
          %dma_start3A_81 = tpu.memref_squeeze %dma_start3A_80 : memref<1x1x512xi32, #tpu.memory_space<hbm>> -> memref<512xi32, #tpu.memory_space<hbm>>
          %dma_start3A_82 = arith.constant 0 : i32
          %dma_start3A_83 = tpu.memref_slice %arg3[%add3A, %scan3A_31, %dma_start3A_82] : memref<32x100x512xi32, #tpu.memory_space<hbm>> -> memref<1x1x512xi32, #tpu.memory_space<hbm>>
          %dma_start3A_84 = tpu.memref_squeeze %dma_start3A_83 : memref<1x1x512xi32, #tpu.memory_space<hbm>> -> memref<512xi32, #tpu.memory_space<hbm>>
          tpu.enqueue_dma source(%dma_start3A_84 : memref<512xi32, #tpu.memory_space<hbm>>) target(%arg9 : memref<512xi32, #tpu.memory_space<vmem>>) target_semaphore(%run_scoped3A : memref<!tpu.dma_semaphore, #tpu.memory_space<semaphore_mem>>)
          %dma_wait3A_85 = arith.constant 0 : i32
          %dma_wait3A_86 = tpu.memref_slice %arg3[%add3A, %scan3A_31, %dma_wait3A_85] : memref<32x100x512xi32, #tpu.memory_space<hbm>> -> memref<1x1x512xi32, #tpu.memory_space<hbm>>
          %dma_wait3A_87 = tpu.memref_squeeze %dma_wait3A_86 : memref<1x1x512xi32, #tpu.memory_space<hbm>> -> memref<512xi32, #tpu.memory_space<hbm>>
          %dma_wait3A_88 = arith.constant 0 : i32
          %dma_wait3A_89 = tpu.memref_slice %arg3[%add3A, %scan3A_31, %dma_wait3A_88] : memref<32x100x512xi32, #tpu.memory_space<hbm>> -> memref<1x1x512xi32, #tpu.memory_space<hbm>>
          %dma_wait3A_90 = tpu.memref_squeeze %dma_wait3A_89 : memref<1x1x512xi32, #tpu.memory_space<hbm>> -> memref<512xi32, #tpu.memory_space<hbm>>
          tpu.wait_dma2 semaphore(%run_scoped3A : memref<!tpu.dma_semaphore, #tpu.memory_space<semaphore_mem>>) src(%dma_wait3A_90 : memref<512xi32, #tpu.memory_space<hbm>>) dst(%arg9 : memref<512xi32, #tpu.memory_space<vmem>>)
          tpu.yield
        }) : () -> ()
        "tpu.region"() ({
          %run_scoped3A = tpu.sem_alloc : memref<!tpu.dma_semaphore, #tpu.memory_space<semaphore_mem>>
          %dma_start3A_79 = arith.constant 0 : i32
          %dma_start3A_80 = tpu.memref_slice %arg4[%add3A, %scan3A_31, %dma_start3A_79] : memref<32x100x512xi32, #tpu.memory_space<hbm>> -> memref<1x1x512xi32, #tpu.memory_space<hbm>>
          %dma_start3A_81 = tpu.memref_squeeze %dma_start3A_80 : memref<1x1x512xi32, #tpu.memory_space<hbm>> -> memref<512xi32, #tpu.memory_space<hbm>>
          %dma_start3A_82 = arith.constant 0 : i32
          %dma_start3A_83 = tpu.memref_slice %arg4[%add3A, %scan3A_31, %dma_start3A_82] : memref<32x100x512xi32, #tpu.memory_space<hbm>> -> memref<1x1x512xi32, #tpu.memory_space<hbm>>
          %dma_start3A_84 = tpu.memref_squeeze %dma_start3A_83 : memref<1x1x512xi32, #tpu.memory_space<hbm>> -> memref<512xi32, #tpu.memory_space<hbm>>
          tpu.enqueue_dma source(%dma_start3A_84 : memref<512xi32, #tpu.memory_space<hbm>>) target(%arg10 : memref<512xi32, #tpu.memory_space<vmem>>) target_semaphore(%run_scoped3A : memref<!tpu.dma_semaphore, #tpu.memory_space<semaphore_mem>>)
          %dma_wait3A_85 = arith.constant 0 : i32
          %dma_wait3A_86 = tpu.memref_slice %arg4[%add3A, %scan3A_31, %dma_wait3A_85] : memref<32x100x512xi32, #tpu.memory_space<hbm>> -> memref<1x1x512xi32, #tpu.memory_space<hbm>>
          %dma_wait3A_87 = tpu.memref_squeeze %dma_wait3A_86 : memref<1x1x512xi32, #tpu.memory_space<hbm>> -> memref<512xi32, #tpu.memory_space<hbm>>
          %dma_wait3A_88 = arith.constant 0 : i32
          %dma_wait3A_89 = tpu.memref_slice %arg4[%add3A, %scan3A_31, %dma_wait3A_88] : memref<32x100x512xi32, #tpu.memory_space<hbm>> -> memref<1x1x512xi32, #tpu.memory_space<hbm>>
          %dma_wait3A_90 = tpu.memref_squeeze %dma_wait3A_89 : memref<1x1x512xi32, #tpu.memory_space<hbm>> -> memref<512xi32, #tpu.memory_space<hbm>>
          tpu.wait_dma2 semaphore(%run_scoped3A : memref<!tpu.dma_semaphore, #tpu.memory_space<semaphore_mem>>) src(%dma_wait3A_90 : memref<512xi32, #tpu.memory_space<hbm>>) dst(%arg10 : memref<512xi32, #tpu.memory_space<vmem>>)
          tpu.yield
        }) : () -> ()
        %dma_start3A = arith.constant 0 : i32
        %dma_start3A_71 = arith.constant 0 : i32
        %dma_start3A_72 = tpu.memref_slice %arg2[%dma_start3A, %dma_start3A_71] : memref<100352x16xf32, #tpu.memory_space<hbm>> -> memref<100352x16xf32, #tpu.memory_space<hbm>>
        tpu.enqueue_indirect_dma source(%dma_start3A_72 : memref<100352x16xf32, #tpu.memory_space<hbm>>) target(%arg11 : memref<512x16xf32, #tpu.memory_space<vmem>>) offsets(%arg9 : memref<512xi32, #tpu.memory_space<vmem>>) semaphore(%arg16 : memref<!tpu.dma_semaphore, #tpu.memory_space<semaphore_mem>>)
        %dma_wait3A_73 = arith.constant 0 : i32
        %dma_wait3A_74 = arith.constant 0 : i32
        %dma_wait3A_75 = tpu.memref_slice %arg2[%dma_wait3A_73, %dma_wait3A_74] : memref<100352x16xf32, #tpu.memory_space<hbm>> -> memref<100352x16xf32, #tpu.memory_space<hbm>>
        tpu.wait_indirect_dma semaphore(%arg16 : memref<!tpu.dma_semaphore, #tpu.memory_space<semaphore_mem>>) src(%dma_wait3A_75 : memref<100352x16xf32, #tpu.memory_space<hbm>>) dst(%arg11 : memref<512x16xf32, #tpu.memory_space<vmem>>)
        %dma_start3A_76 = arith.constant 0 : i32
        %dma_start3A_77 = arith.constant 0 : i32
        %dma_start3A_78 = tpu.memref_slice %arg13[%dma_start3A_76, %dma_start3A_77] : memref<100352x16xf32, #tpu.memory_space<vmem_shared>> -> memref<100352x16xf32, #tpu.memory_space<vmem_shared>>
        tpu.enqueue_indirect_dma source(%arg11 : memref<512x16xf32, #tpu.memory_space<vmem>>) target(%dma_start3A_78 : memref<100352x16xf32, #tpu.memory_space<vmem_shared>>) offsets(%arg10 : memref<512xi32, #tpu.memory_space<vmem>>) semaphore(%arg17 : memref<!tpu.dma_semaphore, #tpu.memory_space<semaphore_mem>>) {add = true}
      } else {
      }
      %scan3A_66 = arith.constant 0 : i32
      scf.yield %scan3A_66 : i32
    }
    %scan3A_20 = arith.constant 100 : i32
    %dma_wait3A = arith.constant 0 : i32
    %dma_wait3A_21 = arith.constant 0 : i32
    %dma_wait3A_22 = tpu.memref_slice %arg13[%dma_wait3A, %dma_wait3A_21] : memref<100352x16xf32, #tpu.memory_space<vmem_shared>> -> memref<100352x16xf32, #tpu.memory_space<vmem_shared>>
    tpu.wait_indirect_dma semaphore(%arg15 : memref<!tpu.dma_semaphore, #tpu.memory_space<semaphore_mem>>) src(%arg8 : memref<512x16xf32, #tpu.memory_space<vmem>>) dst(%dma_wait3A_22 : memref<100352x16xf32, #tpu.memory_space<vmem_shared>>)
    %dma_wait3A_23 = arith.constant 0 : i32
    %dma_wait3A_24 = arith.constant 0 : i32
    %dma_wait3A_25 = tpu.memref_slice %arg13[%dma_wait3A_23, %dma_wait3A_24] : memref<100352x16xf32, #tpu.memory_space<vmem_shared>> -> memref<100352x16xf32, #tpu.memory_space<vmem_shared>>
    tpu.wait_indirect_dma semaphore(%arg17 : memref<!tpu.dma_semaphore, #tpu.memory_space<semaphore_mem>>) src(%arg11 : memref<512x16xf32, #tpu.memory_space<vmem>>) dst(%dma_wait3A_25 : memref<100352x16xf32, #tpu.memory_space<vmem_shared>>)
    %barrier3A_26 = arith.constant 0 : index
    tpu.barrier barrier_id(%barrier3A_26)
    %mul3A_27 = arith.constant 6272 : i32
    %mul3A_28 = arith.muli %arg1, %mul3A_27 : i32
    %mul3A_29 = arith.constant 6272 : i32
    %mul3A_30 = arith.muli %arg1, %mul3A_29 : i32
    "tpu.region"() ({
      %run_scoped3A = tpu.sem_alloc : memref<!tpu.dma_semaphore, #tpu.memory_space<semaphore_mem>>
      %dma_start3A = arith.constant 0 : i32
      %dma_start3A_31 = tpu.memref_slice %arg5[%arg0, %mul3A_30, %dma_start3A] : memref<2x100352x16xf32, #tpu.memory_space<hbm>> -> memref<1x6272x16xf32, #tpu.memory_space<hbm>>
      %dma_start3A_32 = tpu.memref_squeeze %dma_start3A_31 : memref<1x6272x16xf32, #tpu.memory_space<hbm>> -> memref<6272x16xf32, #tpu.memory_space<hbm>>
      %dma_start3A_33 = arith.constant 0 : i32
      %dma_start3A_34 = tpu.memref_slice %arg13[%mul3A_28, %dma_start3A_33] : memref<100352x16xf32, #tpu.memory_space<vmem_shared>> -> memref<6272x16xf32, #tpu.memory_space<vmem_shared>>
      tpu.enqueue_dma source(%dma_start3A_34 : memref<6272x16xf32, #tpu.memory_space<vmem_shared>>) target(%dma_start3A_32 : memref<6272x16xf32, #tpu.memory_space<hbm>>) target_semaphore(%run_scoped3A : memref<!tpu.dma_semaphore, #tpu.memory_space<semaphore_mem>>)
      %dma_wait3A_35 = arith.constant 0 : i32
      %dma_wait3A_36 = tpu.memref_slice %arg5[%arg0, %mul3A_30, %dma_wait3A_35] : memref<2x100352x16xf32, #tpu.memory_space<hbm>> -> memref<1x6272x16xf32, #tpu.memory_space<hbm>>
      %dma_wait3A_37 = tpu.memref_squeeze %dma_wait3A_36 : memref<1x6272x16xf32, #tpu.memory_space<hbm>> -> memref<6272x16xf32, #tpu.memory_space<hbm>>
      %dma_wait3A_38 = arith.constant 0 : i32
      %dma_wait3A_39 = tpu.memref_slice %arg13[%mul3A_28, %dma_wait3A_38] : memref<100352x16xf32, #tpu.memory_space<vmem_shared>> -> memref<6272x16xf32, #tpu.memory_space<vmem_shared>>
      tpu.wait_dma2 semaphore(%run_scoped3A : memref<!tpu.dma_semaphore, #tpu.memory_space<semaphore_mem>>) src(%dma_wait3A_39 : memref<6272x16xf32, #tpu.memory_space<vmem_shared>>) dst(%dma_wait3A_37 : memref<6272x16xf32, #tpu.memory_space<hbm>>)
      tpu.yield
    }) : () -> ()
    return
  }
}

#map = affine_map<(d0, d1) -> (0, 0)>
#map1 = affine_map<(d0, d1) -> (0, 0, 0)>
module attributes {stable_mosaic.version = 14 : i64} {
  func.func @_sc_prop_body(%arg0: i32, %arg1: i32, %arg2: memref<100352x16xf32, #tpu.memory_space<hbm>>, %arg3: memref<32x100x512xi32, #tpu.memory_space<hbm>>, %arg4: memref<32x100x512xi32, #tpu.memory_space<hbm>>, %arg5: memref<2x100352x16xf32, #tpu.memory_space<hbm>>, %arg6: memref<512xi32, #tpu.memory_space<vmem>>, %arg7: memref<512xi32, #tpu.memory_space<vmem>>, %arg8: memref<512x16xf32, #tpu.memory_space<vmem>>, %arg9: memref<512xi32, #tpu.memory_space<vmem>>, %arg10: memref<512xi32, #tpu.memory_space<vmem>>, %arg11: memref<512x16xf32, #tpu.memory_space<vmem>>, %arg12: memref<128x16xf32, #tpu.memory_space<vmem>>, %arg13: memref<100352x16xf32, #tpu.memory_space<vmem_shared>>, %arg14: memref<!tpu.dma_semaphore, #tpu.memory_space<semaphore_mem>>, %arg15: memref<!tpu.dma_semaphore, #tpu.memory_space<semaphore_mem>>, %arg16: memref<!tpu.dma_semaphore, #tpu.memory_space<semaphore_mem>>, %arg17: memref<!tpu.dma_semaphore, #tpu.memory_space<semaphore_mem>>) attributes {dimension_semantics = [#tpu.dimension_semantics<core_parallel>, #tpu.dimension_semantics<subcore_parallel>], iteration_bounds = array<i64: 2, 16>, scalar_prefetch = 0 : i64, scratch_operands = 12 : i64, tpu.core_type = #tpu.core_type<sc_vector_subcore>, window_params = [{transform_indices = #map}, {transform_indices = #map1}, {transform_indices = #map1}, {transform_indices = #map1}]} {
    %mul3A = arith.constant 16 : i32
    %mul3A_0 = arith.muli %arg0, %mul3A : i32
    %add3A = arith.addi %mul3A_0, %arg1 : i32
    %scan3A = arith.constant 0 : i32
    %scan3A_1 = arith.constant 0 : i32
    %scan3A_2 = arith.constant 128 : i32
    %scan3A_3 = arith.addi %scan3A_1, %scan3A_2 : i32
    %scan3A_4 = arith.constant 1 : i32
    %scan3A_5 = scf.for %scan3A_31 = %scan3A_1 to %scan3A_3 step %scan3A_4 iter_args(%scan3A_32 = %scan3A) -> (i32)  : i32 {
      %broadcast_in_dim3A = arith.constant 0.000000e+00 : f32
      %broadcast_in_dim3A_33 = vector.broadcast %broadcast_in_dim3A : f32 to vector<16xf32>
      %swap3A = arith.index_cast %scan3A_31 : i32 to index
      %swap3A_34 = arith.constant 0 : index
      %swap3A_35 = tpu.vector_load %arg12[%swap3A, %swap3A_34] {strides = array<i32>} : memref<128x16xf32, #tpu.memory_space<vmem>>, vector<1x16xf32>,
      %swap3A_36 = vector.shape_cast %swap3A_35 : vector<1x16xf32> to vector<16xf32>
      %swap3A_37 = vector.shape_cast %broadcast_in_dim3A_33 : vector<16xf32> to vector<1x16xf32>
      tpu.vector_store %arg12[%swap3A, %swap3A_34], %swap3A_37 {strides = array<i32>} : memref<128x16xf32, #tpu.memory_space<vmem>>, vector<1x16xf32>,
      %scan3A_38 = arith.constant 0 : i32
      scf.yield %scan3A_38 : i32
    }
    %scan3A_6 = arith.constant 128 : i32
    %scan3A_7 = arith.constant 0 : i32
    %scan3A_8 = arith.constant 0 : i32
    %scan3A_9 = arith.constant 49 : i32
    %scan3A_10 = arith.addi %scan3A_8, %scan3A_9 : i32
    %scan3A_11 = arith.constant 1 : i32
    %scan3A_12 = scf.for %scan3A_31 = %scan3A_8 to %scan3A_10 step %scan3A_11 iter_args(%scan3A_32 = %scan3A_7) -> (i32)  : i32 {
      %mul3A_33 = arith.constant 6272 : i32
      %mul3A_34 = arith.muli %arg1, %mul3A_33 : i32
      %mul3A_35 = arith.constant 128 : i32
      %mul3A_36 = arith.muli %scan3A_31, %mul3A_35 : i32
      %add3A_37 = arith.addi %mul3A_34, %mul3A_36 : i32
      "tpu.region"() ({
        %run_scoped3A = tpu.sem_alloc : memref<!tpu.dma_semaphore, #tpu.memory_space<semaphore_mem>>
        %dma_start3A = arith.constant 0 : i32
        %dma_start3A_39 = tpu.memref_slice %arg13[%add3A_37, %dma_start3A] : memref<100352x16xf32, #tpu.memory_space<vmem_shared>> -> memref<128x16xf32, #tpu.memory_space<vmem_shared>>
        %dma_start3A_40 = arith.constant 0 : i32
        %dma_start3A_41 = tpu.memref_slice %arg13[%add3A_37, %dma_start3A_40] : memref<100352x16xf32, #tpu.memory_space<vmem_shared>> -> memref<128x16xf32, #tpu.memory_space<vmem_shared>>
        tpu.enqueue_dma source(%arg12 : memref<128x16xf32, #tpu.memory_space<vmem>>) target(%dma_start3A_41 : memref<128x16xf32, #tpu.memory_space<vmem_shared>>) target_semaphore(%run_scoped3A : memref<!tpu.dma_semaphore, #tpu.memory_space<semaphore_mem>>)
        %dma_wait3A_42 = arith.constant 0 : i32
        %dma_wait3A_43 = tpu.memref_slice %arg13[%add3A_37, %dma_wait3A_42] : memref<100352x16xf32, #tpu.memory_space<vmem_shared>> -> memref<128x16xf32, #tpu.memory_space<vmem_shared>>
        %dma_wait3A_44 = arith.constant 0 : i32
        %dma_wait3A_45 = tpu.memref_slice %arg13[%add3A_37, %dma_wait3A_44] : memref<100352x16xf32, #tpu.memory_space<vmem_shared>> -> memref<128x16xf32, #tpu.memory_space<vmem_shared>>
        tpu.wait_dma2 semaphore(%run_scoped3A : memref<!tpu.dma_semaphore, #tpu.memory_space<semaphore_mem>>) src(%arg12 : memref<128x16xf32, #tpu.memory_space<vmem>>) dst(%dma_wait3A_45 : memref<128x16xf32, #tpu.memory_space<vmem_shared>>)
        tpu.yield
      }) : () -> ()
      %scan3A_38 = arith.constant 0 : i32
      scf.yield %scan3A_38 : i32
    }
    %scan3A_13 = arith.constant 49 : i32
    %barrier3A = arith.constant 0 : index
    tpu.barrier barrier_id(%barrier3A)
    %scan3A_14 = arith.constant 0 : i32
    %scan3A_15 = arith.constant 0 : i32
    %scan3A_16 = arith.constant 100 : i32
    %scan3A_17 = arith.addi %scan3A_15, %scan3A_16 : i32
    %scan3A_18 = arith.constant 1 : i32
    %scan3A_19 = scf.for %scan3A_31 = %scan3A_15 to %scan3A_17 step %scan3A_18 iter_args(%scan3A_32 = %scan3A_14) -> (i32)  : i32 {
      %jit3A = arith.constant 2 : i32
      %eq3A = arith.constant 0 : i32
      %eq3A_33 = arith.cmpi eq, %jit3A, %eq3A : i32
      %jit3A_34 = arith.constant 1 : i32
      %select_n3A = arith.select %eq3A_33, %jit3A_34, %jit3A : i32
      %rem3A = arith.remsi %scan3A_31, %select_n3A : i32
      %ne3A = arith.constant 0 : i32
      %ne3A_35 = arith.cmpi ne, %rem3A, %ne3A : i32
      %lt3A = arith.constant 0 : i32
      %lt3A_36 = arith.cmpi slt, %rem3A, %lt3A : i32
      %lt3A_37 = arith.constant 0 : i32
      %lt3A_38 = arith.cmpi slt, %select_n3A, %lt3A_37 : i32
      %ne3A_39 = arith.xori %lt3A_36, %lt3A_38 : i1
      %and3A = arith.andi %ne3A_39, %ne3A_35 : i1
      %add3A_40 = arith.addi %rem3A, %select_n3A : i32
      %select_n3A_41 = arith.select %and3A, %add3A_40, %rem3A : i32
      %eq3A_42 = arith.constant 0 : i32
      %eq3A_43 = arith.cmpi eq, %select_n3A_41, %eq3A_42 : i32
      %convert_element_type3A = arith.extui %eq3A_43 : i1 to i32
      %cond3A = arith.constant 0 : i32
      %cond3A_44 = arith.cmpi ne, %convert_element_type3A, %cond3A : i32
      scf.if %cond3A_44 {
        %ge3A = arith.constant 2 : i32
        %ge3A_67 = arith.cmpi sge, %scan3A_31, %ge3A : i32
        %convert_element_type3A_68 = arith.extui %ge3A_67 : i1 to i32
        %cond3A_69 = arith.constant 0 : i32
        %cond3A_70 = arith.cmpi ne, %convert_element_type3A_68, %cond3A_69 : i32
        scf.if %cond3A_70 {
          %dma_wait3A_79 = arith.constant 0 : i32
          %dma_wait3A_80 = arith.constant 0 : i32
          %dma_wait3A_81 = tpu.memref_slice %arg13[%dma_wait3A_79, %dma_wait3A_80] : memref<100352x16xf32, #tpu.memory_space<vmem_shared>> -> memref<100352x16xf32, #tpu.memory_space<vmem_shared>>
          tpu.wait_indirect_dma semaphore(%arg15 : memref<!tpu.dma_semaphore, #tpu.memory_space<semaphore_mem>>) src(%arg8 : memref<512x16xf32, #tpu.memory_space<vmem>>) dst(%dma_wait3A_81 : memref<100352x16xf32, #tpu.memory_space<vmem_shared>>)
        } else {
        }
        "tpu.region"() ({
          %run_scoped3A = tpu.sem_alloc : memref<!tpu.dma_semaphore, #tpu.memory_space<semaphore_mem>>
          %dma_start3A_79 = arith.constant 0 : i32
          %dma_start3A_80 = tpu.memref_slice %arg3[%add3A, %scan3A_31, %dma_start3A_79] : memref<32x100x512xi32, #tpu.memory_space<hbm>> -> memref<1x1x512xi32, #tpu.memory_space<hbm>>
          %dma_start3A_81 = tpu.memref_squeeze %dma_start3A_80 : memref<1x1x512xi32, #tpu.memory_space<hbm>> -> memref<512xi32, #tpu.memory_space<hbm>>
          %dma_start3A_82 = arith.constant 0 : i32
          %dma_start3A_83 = tpu.memref_slice %arg3[%add3A, %scan3A_31, %dma_start3A_82] : memref<32x100x512xi32, #tpu.memory_space<hbm>> -> memref<1x1x512xi32, #tpu.memory_space<hbm>>
          %dma_start3A_84 = tpu.memref_squeeze %dma_start3A_83 : memref<1x1x512xi32, #tpu.memory_space<hbm>> -> memref<512xi32, #tpu.memory_space<hbm>>
          tpu.enqueue_dma source(%dma_start3A_84 : memref<512xi32, #tpu.memory_space<hbm>>) target(%arg6 : memref<512xi32, #tpu.memory_space<vmem>>) target_semaphore(%run_scoped3A : memref<!tpu.dma_semaphore, #tpu.memory_space<semaphore_mem>>)
          %dma_wait3A_85 = arith.constant 0 : i32
          %dma_wait3A_86 = tpu.memref_slice %arg3[%add3A, %scan3A_31, %dma_wait3A_85] : memref<32x100x512xi32, #tpu.memory_space<hbm>> -> memref<1x1x512xi32, #tpu.memory_space<hbm>>
          %dma_wait3A_87 = tpu.memref_squeeze %dma_wait3A_86 : memref<1x1x512xi32, #tpu.memory_space<hbm>> -> memref<512xi32, #tpu.memory_space<hbm>>
          %dma_wait3A_88 = arith.constant 0 : i32
          %dma_wait3A_89 = tpu.memref_slice %arg3[%add3A, %scan3A_31, %dma_wait3A_88] : memref<32x100x512xi32, #tpu.memory_space<hbm>> -> memref<1x1x512xi32, #tpu.memory_space<hbm>>
          %dma_wait3A_90 = tpu.memref_squeeze %dma_wait3A_89 : memref<1x1x512xi32, #tpu.memory_space<hbm>> -> memref<512xi32, #tpu.memory_space<hbm>>
          tpu.wait_dma2 semaphore(%run_scoped3A : memref<!tpu.dma_semaphore, #tpu.memory_space<semaphore_mem>>) src(%dma_wait3A_90 : memref<512xi32, #tpu.memory_space<hbm>>) dst(%arg6 : memref<512xi32, #tpu.memory_space<vmem>>)
          tpu.yield
        }) : () -> ()
        "tpu.region"() ({
          %run_scoped3A = tpu.sem_alloc : memref<!tpu.dma_semaphore, #tpu.memory_space<semaphore_mem>>
          %dma_start3A_79 = arith.constant 0 : i32
          %dma_start3A_80 = tpu.memref_slice %arg4[%add3A, %scan3A_31, %dma_start3A_79] : memref<32x100x512xi32, #tpu.memory_space<hbm>> -> memref<1x1x512xi32, #tpu.memory_space<hbm>>
          %dma_start3A_81 = tpu.memref_squeeze %dma_start3A_80 : memref<1x1x512xi32, #tpu.memory_space<hbm>> -> memref<512xi32, #tpu.memory_space<hbm>>
          %dma_start3A_82 = arith.constant 0 : i32
          %dma_start3A_83 = tpu.memref_slice %arg4[%add3A, %scan3A_31, %dma_start3A_82] : memref<32x100x512xi32, #tpu.memory_space<hbm>> -> memref<1x1x512xi32, #tpu.memory_space<hbm>>
          %dma_start3A_84 = tpu.memref_squeeze %dma_start3A_83 : memref<1x1x512xi32, #tpu.memory_space<hbm>> -> memref<512xi32, #tpu.memory_space<hbm>>
          tpu.enqueue_dma source(%dma_start3A_84 : memref<512xi32, #tpu.memory_space<hbm>>) target(%arg7 : memref<512xi32, #tpu.memory_space<vmem>>) target_semaphore(%run_scoped3A : memref<!tpu.dma_semaphore, #tpu.memory_space<semaphore_mem>>)
          %dma_wait3A_85 = arith.constant 0 : i32
          %dma_wait3A_86 = tpu.memref_slice %arg4[%add3A, %scan3A_31, %dma_wait3A_85] : memref<32x100x512xi32, #tpu.memory_space<hbm>> -> memref<1x1x512xi32, #tpu.memory_space<hbm>>
          %dma_wait3A_87 = tpu.memref_squeeze %dma_wait3A_86 : memref<1x1x512xi32, #tpu.memory_space<hbm>> -> memref<512xi32, #tpu.memory_space<hbm>>
          %dma_wait3A_88 = arith.constant 0 : i32
          %dma_wait3A_89 = tpu.memref_slice %arg4[%add3A, %scan3A_31, %dma_wait3A_88] : memref<32x100x512xi32, #tpu.memory_space<hbm>> -> memref<1x1x512xi32, #tpu.memory_space<hbm>>
          %dma_wait3A_90 = tpu.memref_squeeze %dma_wait3A_89 : memref<1x1x512xi32, #tpu.memory_space<hbm>> -> memref<512xi32, #tpu.memory_space<hbm>>
          tpu.wait_dma2 semaphore(%run_scoped3A : memref<!tpu.dma_semaphore, #tpu.memory_space<semaphore_mem>>) src(%dma_wait3A_90 : memref<512xi32, #tpu.memory_space<hbm>>) dst(%arg7 : memref<512xi32, #tpu.memory_space<vmem>>)
          tpu.yield
        }) : () -> ()
        %dma_start3A = arith.constant 0 : i32
        %dma_start3A_71 = arith.constant 0 : i32
        %dma_start3A_72 = tpu.memref_slice %arg2[%dma_start3A, %dma_start3A_71] : memref<100352x16xf32, #tpu.memory_space<hbm>> -> memref<100352x16xf32, #tpu.memory_space<hbm>>
        tpu.enqueue_indirect_dma source(%dma_start3A_72 : memref<100352x16xf32, #tpu.memory_space<hbm>>) target(%arg8 : memref<512x16xf32, #tpu.memory_space<vmem>>) offsets(%arg6 : memref<512xi32, #tpu.memory_space<vmem>>) semaphore(%arg14 : memref<!tpu.dma_semaphore, #tpu.memory_space<semaphore_mem>>)
        %dma_wait3A_73 = arith.constant 0 : i32
        %dma_wait3A_74 = arith.constant 0 : i32
        %dma_wait3A_75 = tpu.memref_slice %arg2[%dma_wait3A_73, %dma_wait3A_74] : memref<100352x16xf32, #tpu.memory_space<hbm>> -> memref<100352x16xf32, #tpu.memory_space<hbm>>
        tpu.wait_indirect_dma semaphore(%arg14 : memref<!tpu.dma_semaphore, #tpu.memory_space<semaphore_mem>>) src(%dma_wait3A_75 : memref<100352x16xf32, #tpu.memory_space<hbm>>) dst(%arg8 : memref<512x16xf32, #tpu.memory_space<vmem>>)
        %dma_start3A_76 = arith.constant 0 : i32
        %dma_start3A_77 = arith.constant 0 : i32
        %dma_start3A_78 = tpu.memref_slice %arg13[%dma_start3A_76, %dma_start3A_77] : memref<100352x16xf32, #tpu.memory_space<vmem_shared>> -> memref<100352x16xf32, #tpu.memory_space<vmem_shared>>
        tpu.enqueue_indirect_dma source(%arg8 : memref<512x16xf32, #tpu.memory_space<vmem>>) target(%dma_start3A_78 : memref<100352x16xf32, #tpu.memory_space<vmem_shared>>) offsets(%arg7 : memref<512xi32, #tpu.memory_space<vmem>>) semaphore(%arg15 : memref<!tpu.dma_semaphore, #tpu.memory_space<semaphore_mem>>) {add = true}
      } else {
      }
      %jit3A_45 = arith.constant 2 : i32
      %eq3A_46 = arith.constant 0 : i32
      %eq3A_47 = arith.cmpi eq, %jit3A_45, %eq3A_46 : i32
      %jit3A_48 = arith.constant 1 : i32
      %select_n3A_49 = arith.select %eq3A_47, %jit3A_48, %jit3A_45 : i32
      %rem3A_50 = arith.remsi %scan3A_31, %select_n3A_49 : i32
      %ne3A_51 = arith.constant 0 : i32
      %ne3A_52 = arith.cmpi ne, %rem3A_50, %ne3A_51 : i32
      %lt3A_53 = arith.constant 0 : i32
      %lt3A_54 = arith.cmpi slt, %rem3A_50, %lt3A_53 : i32
      %lt3A_55 = arith.constant 0 : i32
      %lt3A_56 = arith.cmpi slt, %select_n3A_49, %lt3A_55 : i32
      %ne3A_57 = arith.xori %lt3A_54, %lt3A_56 : i1
      %and3A_58 = arith.andi %ne3A_57, %ne3A_52 : i1
      %add3A_59 = arith.addi %rem3A_50, %select_n3A_49 : i32
      %select_n3A_60 = arith.select %and3A_58, %add3A_59, %rem3A_50 : i32
      %eq3A_61 = arith.constant 1 : i32
      %eq3A_62 = arith.cmpi eq, %select_n3A_60, %eq3A_61 : i32
      %convert_element_type3A_63 = arith.extui %eq3A_62 : i1 to i32
      %cond3A_64 = arith.constant 0 : i32
      %cond3A_65 = arith.cmpi ne, %convert_element_type3A_63, %cond3A_64 : i32
      scf.if %cond3A_65 {
        %ge3A = arith.constant 2 : i32
        %ge3A_67 = arith.cmpi sge, %scan3A_31, %ge3A : i32
        %convert_element_type3A_68 = arith.extui %ge3A_67 : i1 to i32
        %cond3A_69 = arith.constant 0 : i32
        %cond3A_70 = arith.cmpi ne, %convert_element_type3A_68, %cond3A_69 : i32
        scf.if %cond3A_70 {
          %dma_wait3A_79 = arith.constant 0 : i32
          %dma_wait3A_80 = arith.constant 0 : i32
          %dma_wait3A_81 = tpu.memref_slice %arg13[%dma_wait3A_79, %dma_wait3A_80] : memref<100352x16xf32, #tpu.memory_space<vmem_shared>> -> memref<100352x16xf32, #tpu.memory_space<vmem_shared>>
          tpu.wait_indirect_dma semaphore(%arg17 : memref<!tpu.dma_semaphore, #tpu.memory_space<semaphore_mem>>) src(%arg11 : memref<512x16xf32, #tpu.memory_space<vmem>>) dst(%dma_wait3A_81 : memref<100352x16xf32, #tpu.memory_space<vmem_shared>>)
        } else {
        }
        "tpu.region"() ({
          %run_scoped3A = tpu.sem_alloc : memref<!tpu.dma_semaphore, #tpu.memory_space<semaphore_mem>>
          %dma_start3A_79 = arith.constant 0 : i32
          %dma_start3A_80 = tpu.memref_slice %arg3[%add3A, %scan3A_31, %dma_start3A_79] : memref<32x100x512xi32, #tpu.memory_space<hbm>> -> memref<1x1x512xi32, #tpu.memory_space<hbm>>
          %dma_start3A_81 = tpu.memref_squeeze %dma_start3A_80 : memref<1x1x512xi32, #tpu.memory_space<hbm>> -> memref<512xi32, #tpu.memory_space<hbm>>
          %dma_start3A_82 = arith.constant 0 : i32
          %dma_start3A_83 = tpu.memref_slice %arg3[%add3A, %scan3A_31, %dma_start3A_82] : memref<32x100x512xi32, #tpu.memory_space<hbm>> -> memref<1x1x512xi32, #tpu.memory_space<hbm>>
          %dma_start3A_84 = tpu.memref_squeeze %dma_start3A_83 : memref<1x1x512xi32, #tpu.memory_space<hbm>> -> memref<512xi32, #tpu.memory_space<hbm>>
          tpu.enqueue_dma source(%dma_start3A_84 : memref<512xi32, #tpu.memory_space<hbm>>) target(%arg9 : memref<512xi32, #tpu.memory_space<vmem>>) target_semaphore(%run_scoped3A : memref<!tpu.dma_semaphore, #tpu.memory_space<semaphore_mem>>)
          %dma_wait3A_85 = arith.constant 0 : i32
          %dma_wait3A_86 = tpu.memref_slice %arg3[%add3A, %scan3A_31, %dma_wait3A_85] : memref<32x100x512xi32, #tpu.memory_space<hbm>> -> memref<1x1x512xi32, #tpu.memory_space<hbm>>
          %dma_wait3A_87 = tpu.memref_squeeze %dma_wait3A_86 : memref<1x1x512xi32, #tpu.memory_space<hbm>> -> memref<512xi32, #tpu.memory_space<hbm>>
          %dma_wait3A_88 = arith.constant 0 : i32
          %dma_wait3A_89 = tpu.memref_slice %arg3[%add3A, %scan3A_31, %dma_wait3A_88] : memref<32x100x512xi32, #tpu.memory_space<hbm>> -> memref<1x1x512xi32, #tpu.memory_space<hbm>>
          %dma_wait3A_90 = tpu.memref_squeeze %dma_wait3A_89 : memref<1x1x512xi32, #tpu.memory_space<hbm>> -> memref<512xi32, #tpu.memory_space<hbm>>
          tpu.wait_dma2 semaphore(%run_scoped3A : memref<!tpu.dma_semaphore, #tpu.memory_space<semaphore_mem>>) src(%dma_wait3A_90 : memref<512xi32, #tpu.memory_space<hbm>>) dst(%arg9 : memref<512xi32, #tpu.memory_space<vmem>>)
          tpu.yield
        }) : () -> ()
        "tpu.region"() ({
          %run_scoped3A = tpu.sem_alloc : memref<!tpu.dma_semaphore, #tpu.memory_space<semaphore_mem>>
          %dma_start3A_79 = arith.constant 0 : i32
          %dma_start3A_80 = tpu.memref_slice %arg4[%add3A, %scan3A_31, %dma_start3A_79] : memref<32x100x512xi32, #tpu.memory_space<hbm>> -> memref<1x1x512xi32, #tpu.memory_space<hbm>>
          %dma_start3A_81 = tpu.memref_squeeze %dma_start3A_80 : memref<1x1x512xi32, #tpu.memory_space<hbm>> -> memref<512xi32, #tpu.memory_space<hbm>>
          %dma_start3A_82 = arith.constant 0 : i32
          %dma_start3A_83 = tpu.memref_slice %arg4[%add3A, %scan3A_31, %dma_start3A_82] : memref<32x100x512xi32, #tpu.memory_space<hbm>> -> memref<1x1x512xi32, #tpu.memory_space<hbm>>
          %dma_start3A_84 = tpu.memref_squeeze %dma_start3A_83 : memref<1x1x512xi32, #tpu.memory_space<hbm>> -> memref<512xi32, #tpu.memory_space<hbm>>
          tpu.enqueue_dma source(%dma_start3A_84 : memref<512xi32, #tpu.memory_space<hbm>>) target(%arg10 : memref<512xi32, #tpu.memory_space<vmem>>) target_semaphore(%run_scoped3A : memref<!tpu.dma_semaphore, #tpu.memory_space<semaphore_mem>>)
          %dma_wait3A_85 = arith.constant 0 : i32
          %dma_wait3A_86 = tpu.memref_slice %arg4[%add3A, %scan3A_31, %dma_wait3A_85] : memref<32x100x512xi32, #tpu.memory_space<hbm>> -> memref<1x1x512xi32, #tpu.memory_space<hbm>>
          %dma_wait3A_87 = tpu.memref_squeeze %dma_wait3A_86 : memref<1x1x512xi32, #tpu.memory_space<hbm>> -> memref<512xi32, #tpu.memory_space<hbm>>
          %dma_wait3A_88 = arith.constant 0 : i32
          %dma_wait3A_89 = tpu.memref_slice %arg4[%add3A, %scan3A_31, %dma_wait3A_88] : memref<32x100x512xi32, #tpu.memory_space<hbm>> -> memref<1x1x512xi32, #tpu.memory_space<hbm>>
          %dma_wait3A_90 = tpu.memref_squeeze %dma_wait3A_89 : memref<1x1x512xi32, #tpu.memory_space<hbm>> -> memref<512xi32, #tpu.memory_space<hbm>>
          tpu.wait_dma2 semaphore(%run_scoped3A : memref<!tpu.dma_semaphore, #tpu.memory_space<semaphore_mem>>) src(%dma_wait3A_90 : memref<512xi32, #tpu.memory_space<hbm>>) dst(%arg10 : memref<512xi32, #tpu.memory_space<vmem>>)
          tpu.yield
        }) : () -> ()
        %dma_start3A = arith.constant 0 : i32
        %dma_start3A_71 = arith.constant 0 : i32
        %dma_start3A_72 = tpu.memref_slice %arg2[%dma_start3A, %dma_start3A_71] : memref<100352x16xf32, #tpu.memory_space<hbm>> -> memref<100352x16xf32, #tpu.memory_space<hbm>>
        tpu.enqueue_indirect_dma source(%dma_start3A_72 : memref<100352x16xf32, #tpu.memory_space<hbm>>) target(%arg11 : memref<512x16xf32, #tpu.memory_space<vmem>>) offsets(%arg9 : memref<512xi32, #tpu.memory_space<vmem>>) semaphore(%arg16 : memref<!tpu.dma_semaphore, #tpu.memory_space<semaphore_mem>>)
        %dma_wait3A_73 = arith.constant 0 : i32
        %dma_wait3A_74 = arith.constant 0 : i32
        %dma_wait3A_75 = tpu.memref_slice %arg2[%dma_wait3A_73, %dma_wait3A_74] : memref<100352x16xf32, #tpu.memory_space<hbm>> -> memref<100352x16xf32, #tpu.memory_space<hbm>>
        tpu.wait_indirect_dma semaphore(%arg16 : memref<!tpu.dma_semaphore, #tpu.memory_space<semaphore_mem>>) src(%dma_wait3A_75 : memref<100352x16xf32, #tpu.memory_space<hbm>>) dst(%arg11 : memref<512x16xf32, #tpu.memory_space<vmem>>)
        %dma_start3A_76 = arith.constant 0 : i32
        %dma_start3A_77 = arith.constant 0 : i32
        %dma_start3A_78 = tpu.memref_slice %arg13[%dma_start3A_76, %dma_start3A_77] : memref<100352x16xf32, #tpu.memory_space<vmem_shared>> -> memref<100352x16xf32, #tpu.memory_space<vmem_shared>>
        tpu.enqueue_indirect_dma source(%arg11 : memref<512x16xf32, #tpu.memory_space<vmem>>) target(%dma_start3A_78 : memref<100352x16xf32, #tpu.memory_space<vmem_shared>>) offsets(%arg10 : memref<512xi32, #tpu.memory_space<vmem>>) semaphore(%arg17 : memref<!tpu.dma_semaphore, #tpu.memory_space<semaphore_mem>>) {add = true}
      } else {
      }
      %scan3A_66 = arith.constant 0 : i32
      scf.yield %scan3A_66 : i32
    }
    %scan3A_20 = arith.constant 100 : i32
    %dma_wait3A = arith.constant 0 : i32
    %dma_wait3A_21 = arith.constant 0 : i32
    %dma_wait3A_22 = tpu.memref_slice %arg13[%dma_wait3A, %dma_wait3A_21] : memref<100352x16xf32, #tpu.memory_space<vmem_shared>> -> memref<100352x16xf32, #tpu.memory_space<vmem_shared>>
    tpu.wait_indirect_dma semaphore(%arg15 : memref<!tpu.dma_semaphore, #tpu.memory_space<semaphore_mem>>) src(%arg8 : memref<512x16xf32, #tpu.memory_space<vmem>>) dst(%dma_wait3A_22 : memref<100352x16xf32, #tpu.memory_space<vmem_shared>>)
    %dma_wait3A_23 = arith.constant 0 : i32
    %dma_wait3A_24 = arith.constant 0 : i32
    %dma_wait3A_25 = tpu.memref_slice %arg13[%dma_wait3A_23, %dma_wait3A_24] : memref<100352x16xf32, #tpu.memory_space<vmem_shared>> -> memref<100352x16xf32, #tpu.memory_space<vmem_shared>>
    tpu.wait_indirect_dma semaphore(%arg17 : memref<!tpu.dma_semaphore, #tpu.memory_space<semaphore_mem>>) src(%arg11 : memref<512x16xf32, #tpu.memory_space<vmem>>) dst(%dma_wait3A_25 : memref<100352x16xf32, #tpu.memory_space<vmem_shared>>)
    %barrier3A_26 = arith.constant 0 : index
    tpu.barrier barrier_id(%barrier3A_26)
    %mul3A_27 = arith.constant 6272 : i32
    %mul3A_28 = arith.muli %arg1, %mul3A_27 : i32
    %mul3A_29 = arith.constant 6272 : i32
    %mul3A_30 = arith.muli %arg1, %mul3A_29 : i32
    "tpu.region"() ({
      %run_scoped3A = tpu.sem_alloc : memref<!tpu.dma_semaphore, #tpu.memory_space<semaphore_mem>>
      %dma_start3A = arith.constant 0 : i32
      %dma_start3A_31 = tpu.memref_slice %arg5[%arg0, %mul3A_30, %dma_start3A] : memref<2x100352x16xf32, #tpu.memory_space<hbm>> -> memref<1x6272x16xf32, #tpu.memory_space<hbm>>
      %dma_start3A_32 = tpu.memref_squeeze %dma_start3A_31 : memref<1x6272x16xf32, #tpu.memory_space<hbm>> -> memref<6272x16xf32, #tpu.memory_space<hbm>>
      %dma_start3A_33 = arith.constant 0 : i32
      %dma_start3A_34 = tpu.memref_slice %arg13[%mul3A_28, %dma_start3A_33] : memref<100352x16xf32, #tpu.memory_space<vmem_shared>> -> memref<6272x16xf32, #tpu.memory_space<vmem_shared>>
      tpu.enqueue_dma source(%dma_start3A_34 : memref<6272x16xf32, #tpu.memory_space<vmem_shared>>) target(%dma_start3A_32 : memref<6272x16xf32, #tpu.memory_space<hbm>>) target_semaphore(%run_scoped3A : memref<!tpu.dma_semaphore, #tpu.memory_space<semaphore_mem>>)
      %dma_wait3A_35 = arith.constant 0 : i32
      %dma_wait3A_36 = tpu.memref_slice %arg5[%arg0, %mul3A_30, %dma_wait3A_35] : memref<2x100352x16xf32, #tpu.memory_space<hbm>> -> memref<1x6272x16xf32, #tpu.memory_space<hbm>>
      %dma_wait3A_37 = tpu.memref_squeeze %dma_wait3A_36 : memref<1x6272x16xf32, #tpu.memory_space<hbm>> -> memref<6272x16xf32, #tpu.memory_space<hbm>>
      %dma_wait3A_38 = arith.constant 0 : i32
      %dma_wait3A_39 = tpu.memref_slice %arg13[%mul3A_28, %dma_wait3A_38] : memref<100352x16xf32, #tpu.memory_space<vmem_shared>> -> memref<6272x16xf32, #tpu.memory_space<vmem_shared>>
      tpu.wait_dma2 semaphore(%run_scoped3A : memref<!tpu.dma_semaphore, #tpu.memory_space<semaphore_mem>>) src(%dma_wait3A_39 : memref<6272x16xf32, #tpu.memory_space<vmem_shared>>) dst(%dma_wait3A_37 : memref<6272x16xf32, #tpu.memory_space<hbm>>)
      tpu.yield
    }) : () -> ()
    return
  }
}

#map = affine_map<(d0, d1) -> (0, 0)>
#map1 = affine_map<(d0, d1) -> (0, 0, 0)>
module attributes {stable_mosaic.version = 14 : i64} {
  func.func @_sc_gather_body(%arg0: i32, %arg1: i32, %arg2: memref<100352x16xf32, #tpu.memory_space<hbm>>, %arg3: memref<32x50x1024xi32, #tpu.memory_space<hbm>>, %arg4: memref<32x50x1024xi32, #tpu.memory_space<hbm>>, %arg5: memref<1638400x16xf32, #tpu.memory_space<hbm>>, %arg6: memref<1638400x16xf32, #tpu.memory_space<hbm>>, %arg7: memref<1024xi32, #tpu.memory_space<vmem>>, %arg8: memref<1024xi32, #tpu.memory_space<vmem>>, %arg9: memref<1024x16xf32, #tpu.memory_space<vmem>>, %arg10: memref<1024x16xf32, #tpu.memory_space<vmem>>, %arg11: memref<1024xi32, #tpu.memory_space<vmem>>, %arg12: memref<1024xi32, #tpu.memory_space<vmem>>, %arg13: memref<1024x16xf32, #tpu.memory_space<vmem>>, %arg14: memref<1024x16xf32, #tpu.memory_space<vmem>>, %arg15: memref<!tpu.dma_semaphore, #tpu.memory_space<semaphore_mem>>, %arg16: memref<!tpu.dma_semaphore, #tpu.memory_space<semaphore_mem>>, %arg17: memref<!tpu.dma_semaphore, #tpu.memory_space<semaphore_mem>>, %arg18: memref<!tpu.dma_semaphore, #tpu.memory_space<semaphore_mem>>, %arg19: memref<!tpu.dma_semaphore, #tpu.memory_space<semaphore_mem>>, %arg20: memref<!tpu.dma_semaphore, #tpu.memory_space<semaphore_mem>>, %arg21: memref<!tpu.dma_semaphore, #tpu.memory_space<semaphore_mem>>, %arg22: memref<!tpu.dma_semaphore, #tpu.memory_space<semaphore_mem>>) attributes {dimension_semantics = [#tpu.dimension_semantics<core_parallel>, #tpu.dimension_semantics<subcore_parallel>], iteration_bounds = array<i64: 2, 16>, scalar_prefetch = 0 : i64, scratch_operands = 16 : i64, tpu.core_type = #tpu.core_type<sc_vector_subcore>, window_params = [{transform_indices = #map}, {transform_indices = #map1}, {transform_indices = #map1}, {transform_indices = #map}, {transform_indices = #map}]} {
    %mul3A = arith.constant 16 : i32
    %mul3A_0 = arith.muli %arg0, %mul3A : i32
    %add3A = arith.addi %mul3A_0, %arg1 : i32
    %mul3A_1 = arith.constant 51200 : i32
    %mul3A_2 = arith.muli %add3A, %mul3A_1 : i32
    %scan3A = arith.constant 0 : i32
    %scan3A_3 = arith.constant 0 : i32
    %scan3A_4 = arith.constant 50 : i32
    %scan3A_5 = arith.addi %scan3A_3, %scan3A_4 : i32
    %scan3A_6 = arith.constant 1 : i32
    %scan3A_7 = scf.for %scan3A_24 = %scan3A_3 to %scan3A_5 step %scan3A_6 iter_args(%scan3A_25 = %scan3A) -> (i32)  : i32 {
      %jit3A = arith.constant 2 : i32
      %eq3A = arith.constant 0 : i32
      %eq3A_26 = arith.cmpi eq, %jit3A, %eq3A : i32
      %jit3A_27 = arith.constant 1 : i32
      %select_n3A = arith.select %eq3A_26, %jit3A_27, %jit3A : i32
      %rem3A = arith.remsi %scan3A_24, %select_n3A : i32
      %ne3A = arith.constant 0 : i32
      %ne3A_28 = arith.cmpi ne, %rem3A, %ne3A : i32
      %lt3A = arith.constant 0 : i32
      %lt3A_29 = arith.cmpi slt, %rem3A, %lt3A : i32
      %lt3A_30 = arith.constant 0 : i32
      %lt3A_31 = arith.cmpi slt, %select_n3A, %lt3A_30 : i32
      %ne3A_32 = arith.xori %lt3A_29, %lt3A_31 : i1
      %and3A = arith.andi %ne3A_32, %ne3A_28 : i1
      %add3A_33 = arith.addi %rem3A, %select_n3A : i32
      %select_n3A_34 = arith.select %and3A, %add3A_33, %rem3A : i32
      %eq3A_35 = arith.constant 0 : i32
      %eq3A_36 = arith.cmpi eq, %select_n3A_34, %eq3A_35 : i32
      %convert_element_type3A = arith.extui %eq3A_36 : i1 to i32
      %cond3A = arith.constant 0 : i32
      %cond3A_37 = arith.cmpi ne, %convert_element_type3A, %cond3A : i32
      scf.if %cond3A_37 {
        %ge3A = arith.constant 2 : i32
        %ge3A_60 = arith.cmpi sge, %scan3A_24, %ge3A : i32
        %convert_element_type3A_61 = arith.extui %ge3A_60 : i1 to i32
        %cond3A_62 = arith.constant 0 : i32
        %cond3A_63 = arith.cmpi ne, %convert_element_type3A_61, %cond3A_62 : i32
        scf.if %cond3A_63 {
          %dma_wait3A_89 = arith.constant 0 : i32
          %dma_wait3A_90 = tpu.memref_slice %arg5[%mul3A_2, %dma_wait3A_89] : memref<1638400x16xf32, #tpu.memory_space<hbm>> -> memref<1024x16xf32, #tpu.memory_space<hbm>>
          %dma_wait3A_91 = arith.constant 0 : i32
          %dma_wait3A_92 = tpu.memref_slice %arg5[%mul3A_2, %dma_wait3A_91] : memref<1638400x16xf32, #tpu.memory_space<hbm>> -> memref<1024x16xf32, #tpu.memory_space<hbm>>
          tpu.wait_dma2 semaphore(%arg17 : memref<!tpu.dma_semaphore, #tpu.memory_space<semaphore_mem>>) src(%arg9 : memref<1024x16xf32, #tpu.memory_space<vmem>>) dst(%dma_wait3A_92 : memref<1024x16xf32, #tpu.memory_space<hbm>>)
          %dma_wait3A_93 = arith.constant 0 : i32
          %dma_wait3A_94 = tpu.memref_slice %arg6[%mul3A_2, %dma_wait3A_93] : memref<1638400x16xf32, #tpu.memory_space<hbm>> -> memref<1024x16xf32, #tpu.memory_space<hbm>>
          %dma_wait3A_95 = arith.constant 0 : i32
          %dma_wait3A_96 = tpu.memref_slice %arg6[%mul3A_2, %dma_wait3A_95] : memref<1638400x16xf32, #tpu.memory_space<hbm>> -> memref<1024x16xf32, #tpu.memory_space<hbm>>
          tpu.wait_dma2 semaphore(%arg18 : memref<!tpu.dma_semaphore, #tpu.memory_space<semaphore_mem>>) src(%arg10 : memref<1024x16xf32, #tpu.memory_space<vmem>>) dst(%dma_wait3A_96 : memref<1024x16xf32, #tpu.memory_space<hbm>>)
        } else {
        }
        "tpu.region"() ({
          %run_scoped3A = tpu.sem_alloc : memref<!tpu.dma_semaphore, #tpu.memory_space<semaphore_mem>>
          %dma_start3A_89 = arith.constant 0 : i32
          %dma_start3A_90 = tpu.memref_slice %arg3[%add3A, %scan3A_24, %dma_start3A_89] : memref<32x50x1024xi32, #tpu.memory_space<hbm>> -> memref<1x1x1024xi32, #tpu.memory_space<hbm>>
          %dma_start3A_91 = tpu.memref_squeeze %dma_start3A_90 : memref<1x1x1024xi32, #tpu.memory_space<hbm>> -> memref<1024xi32, #tpu.memory_space<hbm>>
          %dma_start3A_92 = arith.constant 0 : i32
          %dma_start3A_93 = tpu.memref_slice %arg3[%add3A, %scan3A_24, %dma_start3A_92] : memref<32x50x1024xi32, #tpu.memory_space<hbm>> -> memref<1x1x1024xi32, #tpu.memory_space<hbm>>
          %dma_start3A_94 = tpu.memref_squeeze %dma_start3A_93 : memref<1x1x1024xi32, #tpu.memory_space<hbm>> -> memref<1024xi32, #tpu.memory_space<hbm>>
          tpu.enqueue_dma source(%dma_start3A_94 : memref<1024xi32, #tpu.memory_space<hbm>>) target(%arg7 : memref<1024xi32, #tpu.memory_space<vmem>>) target_semaphore(%run_scoped3A : memref<!tpu.dma_semaphore, #tpu.memory_space<semaphore_mem>>)
          %dma_wait3A_95 = arith.constant 0 : i32
          %dma_wait3A_96 = tpu.memref_slice %arg3[%add3A, %scan3A_24, %dma_wait3A_95] : memref<32x50x1024xi32, #tpu.memory_space<hbm>> -> memref<1x1x1024xi32, #tpu.memory_space<hbm>>
          %dma_wait3A_97 = tpu.memref_squeeze %dma_wait3A_96 : memref<1x1x1024xi32, #tpu.memory_space<hbm>> -> memref<1024xi32, #tpu.memory_space<hbm>>
          %dma_wait3A_98 = arith.constant 0 : i32
          %dma_wait3A_99 = tpu.memref_slice %arg3[%add3A, %scan3A_24, %dma_wait3A_98] : memref<32x50x1024xi32, #tpu.memory_space<hbm>> -> memref<1x1x1024xi32, #tpu.memory_space<hbm>>
          %dma_wait3A_100 = tpu.memref_squeeze %dma_wait3A_99 : memref<1x1x1024xi32, #tpu.memory_space<hbm>> -> memref<1024xi32, #tpu.memory_space<hbm>>
          tpu.wait_dma2 semaphore(%run_scoped3A : memref<!tpu.dma_semaphore, #tpu.memory_space<semaphore_mem>>) src(%dma_wait3A_100 : memref<1024xi32, #tpu.memory_space<hbm>>) dst(%arg7 : memref<1024xi32, #tpu.memory_space<vmem>>)
          tpu.yield
        }) : () -> ()
        "tpu.region"() ({
          %run_scoped3A = tpu.sem_alloc : memref<!tpu.dma_semaphore, #tpu.memory_space<semaphore_mem>>
          %dma_start3A_89 = arith.constant 0 : i32
          %dma_start3A_90 = tpu.memref_slice %arg4[%add3A, %scan3A_24, %dma_start3A_89] : memref<32x50x1024xi32, #tpu.memory_space<hbm>> -> memref<1x1x1024xi32, #tpu.memory_space<hbm>>
          %dma_start3A_91 = tpu.memref_squeeze %dma_start3A_90 : memref<1x1x1024xi32, #tpu.memory_space<hbm>> -> memref<1024xi32, #tpu.memory_space<hbm>>
          %dma_start3A_92 = arith.constant 0 : i32
          %dma_start3A_93 = tpu.memref_slice %arg4[%add3A, %scan3A_24, %dma_start3A_92] : memref<32x50x1024xi32, #tpu.memory_space<hbm>> -> memref<1x1x1024xi32, #tpu.memory_space<hbm>>
          %dma_start3A_94 = tpu.memref_squeeze %dma_start3A_93 : memref<1x1x1024xi32, #tpu.memory_space<hbm>> -> memref<1024xi32, #tpu.memory_space<hbm>>
          tpu.enqueue_dma source(%dma_start3A_94 : memref<1024xi32, #tpu.memory_space<hbm>>) target(%arg8 : memref<1024xi32, #tpu.memory_space<vmem>>) target_semaphore(%run_scoped3A : memref<!tpu.dma_semaphore, #tpu.memory_space<semaphore_mem>>)
          %dma_wait3A_95 = arith.constant 0 : i32
          %dma_wait3A_96 = tpu.memref_slice %arg4[%add3A, %scan3A_24, %dma_wait3A_95] : memref<32x50x1024xi32, #tpu.memory_space<hbm>> -> memref<1x1x1024xi32, #tpu.memory_space<hbm>>
          %dma_wait3A_97 = tpu.memref_squeeze %dma_wait3A_96 : memref<1x1x1024xi32, #tpu.memory_space<hbm>> -> memref<1024xi32, #tpu.memory_space<hbm>>
          %dma_wait3A_98 = arith.constant 0 : i32
          %dma_wait3A_99 = tpu.memref_slice %arg4[%add3A, %scan3A_24, %dma_wait3A_98] : memref<32x50x1024xi32, #tpu.memory_space<hbm>> -> memref<1x1x1024xi32, #tpu.memory_space<hbm>>
          %dma_wait3A_100 = tpu.memref_squeeze %dma_wait3A_99 : memref<1x1x1024xi32, #tpu.memory_space<hbm>> -> memref<1024xi32, #tpu.memory_space<hbm>>
          tpu.wait_dma2 semaphore(%run_scoped3A : memref<!tpu.dma_semaphore, #tpu.memory_space<semaphore_mem>>) src(%dma_wait3A_100 : memref<1024xi32, #tpu.memory_space<hbm>>) dst(%arg8 : memref<1024xi32, #tpu.memory_space<vmem>>)
          tpu.yield
        }) : () -> ()
        %dma_start3A = arith.constant 0 : i32
        %dma_start3A_64 = arith.constant 0 : i32
        %dma_start3A_65 = tpu.memref_slice %arg2[%dma_start3A, %dma_start3A_64] : memref<100352x16xf32, #tpu.memory_space<hbm>> -> memref<100352x16xf32, #tpu.memory_space<hbm>>
        tpu.enqueue_indirect_dma source(%dma_start3A_65 : memref<100352x16xf32, #tpu.memory_space<hbm>>) target(%arg9 : memref<1024x16xf32, #tpu.memory_space<vmem>>) offsets(%arg7 : memref<1024xi32, #tpu.memory_space<vmem>>) semaphore(%arg15 : memref<!tpu.dma_semaphore, #tpu.memory_space<semaphore_mem>>)
        %dma_start3A_66 = arith.constant 0 : i32
        %dma_start3A_67 = arith.constant 0 : i32
        %dma_start3A_68 = tpu.memref_slice %arg2[%dma_start3A_66, %dma_start3A_67] : memref<100352x16xf32, #tpu.memory_space<hbm>> -> memref<100352x16xf32, #tpu.memory_space<hbm>>
        tpu.enqueue_indirect_dma source(%dma_start3A_68 : memref<100352x16xf32, #tpu.memory_space<hbm>>) target(%arg10 : memref<1024x16xf32, #tpu.memory_space<vmem>>) offsets(%arg8 : memref<1024xi32, #tpu.memory_space<vmem>>) semaphore(%arg16 : memref<!tpu.dma_semaphore, #tpu.memory_space<semaphore_mem>>)
        %dma_wait3A_69 = arith.constant 0 : i32
        %dma_wait3A_70 = arith.constant 0 : i32
        %dma_wait3A_71 = tpu.memref_slice %arg2[%dma_wait3A_69, %dma_wait3A_70] : memref<100352x16xf32, #tpu.memory_space<hbm>> -> memref<100352x16xf32, #tpu.memory_space<hbm>>
        tpu.wait_indirect_dma semaphore(%arg15 : memref<!tpu.dma_semaphore, #tpu.memory_space<semaphore_mem>>) src(%dma_wait3A_71 : memref<100352x16xf32, #tpu.memory_space<hbm>>) dst(%arg9 : memref<1024x16xf32, #tpu.memory_space<vmem>>)
        %mul3A_72 = arith.constant 1024 : i32
        %mul3A_73 = arith.muli %scan3A_24, %mul3A_72 : i32
        %add3A_74 = arith.addi %mul3A_2, %mul3A_73 : i32
        %dma_start3A_75 = arith.constant 0 : i32
        %dma_start3A_76 = tpu.memref_slice %arg5[%add3A_74, %dma_start3A_75] : memref<1638400x16xf32, #tpu.memory_space<hbm>> -> memref<1024x16xf32, #tpu.memory_space<hbm>>
        %dma_start3A_77 = arith.constant 0 : i32
        %dma_start3A_78 = tpu.memref_slice %arg5[%add3A_74, %dma_start3A_77] : memref<1638400x16xf32, #tpu.memory_space<hbm>> -> memref<1024x16xf32, #tpu.memory_space<hbm>>
        tpu.enqueue_dma source(%arg9 : memref<1024x16xf32, #tpu.memory_space<vmem>>) target(%dma_start3A_78 : memref<1024x16xf32, #tpu.memory_space<hbm>>) target_semaphore(%arg17 : memref<!tpu.dma_semaphore, #tpu.memory_space<semaphore_mem>>)
        %dma_wait3A_79 = arith.constant 0 : i32
        %dma_wait3A_80 = arith.constant 0 : i32
        %dma_wait3A_81 = tpu.memref_slice %arg2[%dma_wait3A_79, %dma_wait3A_80] : memref<100352x16xf32, #tpu.memory_space<hbm>> -> memref<100352x16xf32, #tpu.memory_space<hbm>>
        tpu.wait_indirect_dma semaphore(%arg16 : memref<!tpu.dma_semaphore, #tpu.memory_space<semaphore_mem>>) src(%dma_wait3A_81 : memref<100352x16xf32, #tpu.memory_space<hbm>>) dst(%arg10 : memref<1024x16xf32, #tpu.memory_space<vmem>>)
        %mul3A_82 = arith.constant 1024 : i32
        %mul3A_83 = arith.muli %scan3A_24, %mul3A_82 : i32
        %add3A_84 = arith.addi %mul3A_2, %mul3A_83 : i32
        %dma_start3A_85 = arith.constant 0 : i32
        %dma_start3A_86 = tpu.memref_slice %arg6[%add3A_84, %dma_start3A_85] : memref<1638400x16xf32, #tpu.memory_space<hbm>> -> memref<1024x16xf32, #tpu.memory_space<hbm>>
        %dma_start3A_87 = arith.constant 0 : i32
        %dma_start3A_88 = tpu.memref_slice %arg6[%add3A_84, %dma_start3A_87] : memref<1638400x16xf32, #tpu.memory_space<hbm>> -> memref<1024x16xf32, #tpu.memory_space<hbm>>
        tpu.enqueue_dma source(%arg10 : memref<1024x16xf32, #tpu.memory_space<vmem>>) target(%dma_start3A_88 : memref<1024x16xf32, #tpu.memory_space<hbm>>) target_semaphore(%arg18 : memref<!tpu.dma_semaphore, #tpu.memory_space<semaphore_mem>>)
      } else {
      }
      %jit3A_38 = arith.constant 2 : i32
      %eq3A_39 = arith.constant 0 : i32
      %eq3A_40 = arith.cmpi eq, %jit3A_38, %eq3A_39 : i32
      %jit3A_41 = arith.constant 1 : i32
      %select_n3A_42 = arith.select %eq3A_40, %jit3A_41, %jit3A_38 : i32
      %rem3A_43 = arith.remsi %scan3A_24, %select_n3A_42 : i32
      %ne3A_44 = arith.constant 0 : i32
      %ne3A_45 = arith.cmpi ne, %rem3A_43, %ne3A_44 : i32
      %lt3A_46 = arith.constant 0 : i32
      %lt3A_47 = arith.cmpi slt, %rem3A_43, %lt3A_46 : i32
      %lt3A_48 = arith.constant 0 : i32
      %lt3A_49 = arith.cmpi slt, %select_n3A_42, %lt3A_48 : i32
      %ne3A_50 = arith.xori %lt3A_47, %lt3A_49 : i1
      %and3A_51 = arith.andi %ne3A_50, %ne3A_45 : i1
      %add3A_52 = arith.addi %rem3A_43, %select_n3A_42 : i32
      %select_n3A_53 = arith.select %and3A_51, %add3A_52, %rem3A_43 : i32
      %eq3A_54 = arith.constant 1 : i32
      %eq3A_55 = arith.cmpi eq, %select_n3A_53, %eq3A_54 : i32
      %convert_element_type3A_56 = arith.extui %eq3A_55 : i1 to i32
      %cond3A_57 = arith.constant 0 : i32
      %cond3A_58 = arith.cmpi ne, %convert_element_type3A_56, %cond3A_57 : i32
      scf.if %cond3A_58 {
        %ge3A = arith.constant 2 : i32
        %ge3A_60 = arith.cmpi sge, %scan3A_24, %ge3A : i32
        %convert_element_type3A_61 = arith.extui %ge3A_60 : i1 to i32
        %cond3A_62 = arith.constant 0 : i32
        %cond3A_63 = arith.cmpi ne, %convert_element_type3A_61, %cond3A_62 : i32
        scf.if %cond3A_63 {
          %dma_wait3A_89 = arith.constant 0 : i32
          %dma_wait3A_90 = tpu.memref_slice %arg5[%mul3A_2, %dma_wait3A_89] : memref<1638400x16xf32, #tpu.memory_space<hbm>> -> memref<1024x16xf32, #tpu.memory_space<hbm>>
          %dma_wait3A_91 = arith.constant 0 : i32
          %dma_wait3A_92 = tpu.memref_slice %arg5[%mul3A_2, %dma_wait3A_91] : memref<1638400x16xf32, #tpu.memory_space<hbm>> -> memref<1024x16xf32, #tpu.memory_space<hbm>>
          tpu.wait_dma2 semaphore(%arg21 : memref<!tpu.dma_semaphore, #tpu.memory_space<semaphore_mem>>) src(%arg13 : memref<1024x16xf32, #tpu.memory_space<vmem>>) dst(%dma_wait3A_92 : memref<1024x16xf32, #tpu.memory_space<hbm>>)
          %dma_wait3A_93 = arith.constant 0 : i32
          %dma_wait3A_94 = tpu.memref_slice %arg6[%mul3A_2, %dma_wait3A_93] : memref<1638400x16xf32, #tpu.memory_space<hbm>> -> memref<1024x16xf32, #tpu.memory_space<hbm>>
          %dma_wait3A_95 = arith.constant 0 : i32
          %dma_wait3A_96 = tpu.memref_slice %arg6[%mul3A_2, %dma_wait3A_95] : memref<1638400x16xf32, #tpu.memory_space<hbm>> -> memref<1024x16xf32, #tpu.memory_space<hbm>>
          tpu.wait_dma2 semaphore(%arg22 : memref<!tpu.dma_semaphore, #tpu.memory_space<semaphore_mem>>) src(%arg14 : memref<1024x16xf32, #tpu.memory_space<vmem>>) dst(%dma_wait3A_96 : memref<1024x16xf32, #tpu.memory_space<hbm>>)
        } else {
        }
        "tpu.region"() ({
          %run_scoped3A = tpu.sem_alloc : memref<!tpu.dma_semaphore, #tpu.memory_space<semaphore_mem>>
          %dma_start3A_89 = arith.constant 0 : i32
          %dma_start3A_90 = tpu.memref_slice %arg3[%add3A, %scan3A_24, %dma_start3A_89] : memref<32x50x1024xi32, #tpu.memory_space<hbm>> -> memref<1x1x1024xi32, #tpu.memory_space<hbm>>
          %dma_start3A_91 = tpu.memref_squeeze %dma_start3A_90 : memref<1x1x1024xi32, #tpu.memory_space<hbm>> -> memref<1024xi32, #tpu.memory_space<hbm>>
          %dma_start3A_92 = arith.constant 0 : i32
          %dma_start3A_93 = tpu.memref_slice %arg3[%add3A, %scan3A_24, %dma_start3A_92] : memref<32x50x1024xi32, #tpu.memory_space<hbm>> -> memref<1x1x1024xi32, #tpu.memory_space<hbm>>
          %dma_start3A_94 = tpu.memref_squeeze %dma_start3A_93 : memref<1x1x1024xi32, #tpu.memory_space<hbm>> -> memref<1024xi32, #tpu.memory_space<hbm>>
          tpu.enqueue_dma source(%dma_start3A_94 : memref<1024xi32, #tpu.memory_space<hbm>>) target(%arg11 : memref<1024xi32, #tpu.memory_space<vmem>>) target_semaphore(%run_scoped3A : memref<!tpu.dma_semaphore, #tpu.memory_space<semaphore_mem>>)
          %dma_wait3A_95 = arith.constant 0 : i32
          %dma_wait3A_96 = tpu.memref_slice %arg3[%add3A, %scan3A_24, %dma_wait3A_95] : memref<32x50x1024xi32, #tpu.memory_space<hbm>> -> memref<1x1x1024xi32, #tpu.memory_space<hbm>>
          %dma_wait3A_97 = tpu.memref_squeeze %dma_wait3A_96 : memref<1x1x1024xi32, #tpu.memory_space<hbm>> -> memref<1024xi32, #tpu.memory_space<hbm>>
          %dma_wait3A_98 = arith.constant 0 : i32
          %dma_wait3A_99 = tpu.memref_slice %arg3[%add3A, %scan3A_24, %dma_wait3A_98] : memref<32x50x1024xi32, #tpu.memory_space<hbm>> -> memref<1x1x1024xi32, #tpu.memory_space<hbm>>
          %dma_wait3A_100 = tpu.memref_squeeze %dma_wait3A_99 : memref<1x1x1024xi32, #tpu.memory_space<hbm>> -> memref<1024xi32, #tpu.memory_space<hbm>>
          tpu.wait_dma2 semaphore(%run_scoped3A : memref<!tpu.dma_semaphore, #tpu.memory_space<semaphore_mem>>) src(%dma_wait3A_100 : memref<1024xi32, #tpu.memory_space<hbm>>) dst(%arg11 : memref<1024xi32, #tpu.memory_space<vmem>>)
          tpu.yield
        }) : () -> ()
        "tpu.region"() ({
          %run_scoped3A = tpu.sem_alloc : memref<!tpu.dma_semaphore, #tpu.memory_space<semaphore_mem>>
          %dma_start3A_89 = arith.constant 0 : i32
          %dma_start3A_90 = tpu.memref_slice %arg4[%add3A, %scan3A_24, %dma_start3A_89] : memref<32x50x1024xi32, #tpu.memory_space<hbm>> -> memref<1x1x1024xi32, #tpu.memory_space<hbm>>
          %dma_start3A_91 = tpu.memref_squeeze %dma_start3A_90 : memref<1x1x1024xi32, #tpu.memory_space<hbm>> -> memref<1024xi32, #tpu.memory_space<hbm>>
          %dma_start3A_92 = arith.constant 0 : i32
          %dma_start3A_93 = tpu.memref_slice %arg4[%add3A, %scan3A_24, %dma_start3A_92] : memref<32x50x1024xi32, #tpu.memory_space<hbm>> -> memref<1x1x1024xi32, #tpu.memory_space<hbm>>
          %dma_start3A_94 = tpu.memref_squeeze %dma_start3A_93 : memref<1x1x1024xi32, #tpu.memory_space<hbm>> -> memref<1024xi32, #tpu.memory_space<hbm>>
          tpu.enqueue_dma source(%dma_start3A_94 : memref<1024xi32, #tpu.memory_space<hbm>>) target(%arg12 : memref<1024xi32, #tpu.memory_space<vmem>>) target_semaphore(%run_scoped3A : memref<!tpu.dma_semaphore, #tpu.memory_space<semaphore_mem>>)
          %dma_wait3A_95 = arith.constant 0 : i32
          %dma_wait3A_96 = tpu.memref_slice %arg4[%add3A, %scan3A_24, %dma_wait3A_95] : memref<32x50x1024xi32, #tpu.memory_space<hbm>> -> memref<1x1x1024xi32, #tpu.memory_space<hbm>>
          %dma_wait3A_97 = tpu.memref_squeeze %dma_wait3A_96 : memref<1x1x1024xi32, #tpu.memory_space<hbm>> -> memref<1024xi32, #tpu.memory_space<hbm>>
          %dma_wait3A_98 = arith.constant 0 : i32
          %dma_wait3A_99 = tpu.memref_slice %arg4[%add3A, %scan3A_24, %dma_wait3A_98] : memref<32x50x1024xi32, #tpu.memory_space<hbm>> -> memref<1x1x1024xi32, #tpu.memory_space<hbm>>
          %dma_wait3A_100 = tpu.memref_squeeze %dma_wait3A_99 : memref<1x1x1024xi32, #tpu.memory_space<hbm>> -> memref<1024xi32, #tpu.memory_space<hbm>>
          tpu.wait_dma2 semaphore(%run_scoped3A : memref<!tpu.dma_semaphore, #tpu.memory_space<semaphore_mem>>) src(%dma_wait3A_100 : memref<1024xi32, #tpu.memory_space<hbm>>) dst(%arg12 : memref<1024xi32, #tpu.memory_space<vmem>>)
          tpu.yield
        }) : () -> ()
        %dma_start3A = arith.constant 0 : i32
        %dma_start3A_64 = arith.constant 0 : i32
        %dma_start3A_65 = tpu.memref_slice %arg2[%dma_start3A, %dma_start3A_64] : memref<100352x16xf32, #tpu.memory_space<hbm>> -> memref<100352x16xf32, #tpu.memory_space<hbm>>
        tpu.enqueue_indirect_dma source(%dma_start3A_65 : memref<100352x16xf32, #tpu.memory_space<hbm>>) target(%arg13 : memref<1024x16xf32, #tpu.memory_space<vmem>>) offsets(%arg11 : memref<1024xi32, #tpu.memory_space<vmem>>) semaphore(%arg19 : memref<!tpu.dma_semaphore, #tpu.memory_space<semaphore_mem>>)
        %dma_start3A_66 = arith.constant 0 : i32
        %dma_start3A_67 = arith.constant 0 : i32
        %dma_start3A_68 = tpu.memref_slice %arg2[%dma_start3A_66, %dma_start3A_67] : memref<100352x16xf32, #tpu.memory_space<hbm>> -> memref<100352x16xf32, #tpu.memory_space<hbm>>
        tpu.enqueue_indirect_dma source(%dma_start3A_68 : memref<100352x16xf32, #tpu.memory_space<hbm>>) target(%arg14 : memref<1024x16xf32, #tpu.memory_space<vmem>>) offsets(%arg12 : memref<1024xi32, #tpu.memory_space<vmem>>) semaphore(%arg20 : memref<!tpu.dma_semaphore, #tpu.memory_space<semaphore_mem>>)
        %dma_wait3A_69 = arith.constant 0 : i32
        %dma_wait3A_70 = arith.constant 0 : i32
        %dma_wait3A_71 = tpu.memref_slice %arg2[%dma_wait3A_69, %dma_wait3A_70] : memref<100352x16xf32, #tpu.memory_space<hbm>> -> memref<100352x16xf32, #tpu.memory_space<hbm>>
        tpu.wait_indirect_dma semaphore(%arg19 : memref<!tpu.dma_semaphore, #tpu.memory_space<semaphore_mem>>) src(%dma_wait3A_71 : memref<100352x16xf32, #tpu.memory_space<hbm>>) dst(%arg13 : memref<1024x16xf32, #tpu.memory_space<vmem>>)
        %mul3A_72 = arith.constant 1024 : i32
        %mul3A_73 = arith.muli %scan3A_24, %mul3A_72 : i32
        %add3A_74 = arith.addi %mul3A_2, %mul3A_73 : i32
        %dma_start3A_75 = arith.constant 0 : i32
        %dma_start3A_76 = tpu.memref_slice %arg5[%add3A_74, %dma_start3A_75] : memref<1638400x16xf32, #tpu.memory_space<hbm>> -> memref<1024x16xf32, #tpu.memory_space<hbm>>
        %dma_start3A_77 = arith.constant 0 : i32
        %dma_start3A_78 = tpu.memref_slice %arg5[%add3A_74, %dma_start3A_77] : memref<1638400x16xf32, #tpu.memory_space<hbm>> -> memref<1024x16xf32, #tpu.memory_space<hbm>>
        tpu.enqueue_dma source(%arg13 : memref<1024x16xf32, #tpu.memory_space<vmem>>) target(%dma_start3A_78 : memref<1024x16xf32, #tpu.memory_space<hbm>>) target_semaphore(%arg21 : memref<!tpu.dma_semaphore, #tpu.memory_space<semaphore_mem>>)
        %dma_wait3A_79 = arith.constant 0 : i32
        %dma_wait3A_80 = arith.constant 0 : i32
        %dma_wait3A_81 = tpu.memref_slice %arg2[%dma_wait3A_79, %dma_wait3A_80] : memref<100352x16xf32, #tpu.memory_space<hbm>> -> memref<100352x16xf32, #tpu.memory_space<hbm>>
        tpu.wait_indirect_dma semaphore(%arg20 : memref<!tpu.dma_semaphore, #tpu.memory_space<semaphore_mem>>) src(%dma_wait3A_81 : memref<100352x16xf32, #tpu.memory_space<hbm>>) dst(%arg14 : memref<1024x16xf32, #tpu.memory_space<vmem>>)
        %mul3A_82 = arith.constant 1024 : i32
        %mul3A_83 = arith.muli %scan3A_24, %mul3A_82 : i32
        %add3A_84 = arith.addi %mul3A_2, %mul3A_83 : i32
        %dma_start3A_85 = arith.constant 0 : i32
        %dma_start3A_86 = tpu.memref_slice %arg6[%add3A_84, %dma_start3A_85] : memref<1638400x16xf32, #tpu.memory_space<hbm>> -> memref<1024x16xf32, #tpu.memory_space<hbm>>
        %dma_start3A_87 = arith.constant 0 : i32
        %dma_start3A_88 = tpu.memref_slice %arg6[%add3A_84, %dma_start3A_87] : memref<1638400x16xf32, #tpu.memory_space<hbm>> -> memref<1024x16xf32, #tpu.memory_space<hbm>>
        tpu.enqueue_dma source(%arg14 : memref<1024x16xf32, #tpu.memory_space<vmem>>) target(%dma_start3A_88 : memref<1024x16xf32, #tpu.memory_space<hbm>>) target_semaphore(%arg22 : memref<!tpu.dma_semaphore, #tpu.memory_space<semaphore_mem>>)
      } else {
      }
      %scan3A_59 = arith.constant 0 : i32
      scf.yield %scan3A_59 : i32
    }
    %scan3A_8 = arith.constant 50 : i32
    %dma_wait3A = arith.constant 0 : i32
    %dma_wait3A_9 = tpu.memref_slice %arg5[%mul3A_2, %dma_wait3A] : memref<1638400x16xf32, #tpu.memory_space<hbm>> -> memref<1024x16xf32, #tpu.memory_space<hbm>>
    %dma_wait3A_10 = arith.constant 0 : i32
    %dma_wait3A_11 = tpu.memref_slice %arg5[%mul3A_2, %dma_wait3A_10] : memref<1638400x16xf32, #tpu.memory_space<hbm>> -> memref<1024x16xf32, #tpu.memory_space<hbm>>
    tpu.wait_dma2 semaphore(%arg17 : memref<!tpu.dma_semaphore, #tpu.memory_space<semaphore_mem>>) src(%arg9 : memref<1024x16xf32, #tpu.memory_space<vmem>>) dst(%dma_wait3A_11 : memref<1024x16xf32, #tpu.memory_space<hbm>>)
    %dma_wait3A_12 = arith.constant 0 : i32
    %dma_wait3A_13 = tpu.memref_slice %arg6[%mul3A_2, %dma_wait3A_12] : memref<1638400x16xf32, #tpu.memory_space<hbm>> -> memref<1024x16xf32, #tpu.memory_space<hbm>>
    %dma_wait3A_14 = arith.constant 0 : i32
    %dma_wait3A_15 = tpu.memref_slice %arg6[%mul3A_2, %dma_wait3A_14] : memref<1638400x16xf32, #tpu.memory_space<hbm>> -> memref<1024x16xf32, #tpu.memory_space<hbm>>
    tpu.wait_dma2 semaphore(%arg18 : memref<!tpu.dma_semaphore, #tpu.memory_space<semaphore_mem>>) src(%arg10 : memref<1024x16xf32, #tpu.memory_space<vmem>>) dst(%dma_wait3A_15 : memref<1024x16xf32, #tpu.memory_space<hbm>>)
    %dma_wait3A_16 = arith.constant 0 : i32
    %dma_wait3A_17 = tpu.memref_slice %arg5[%mul3A_2, %dma_wait3A_16] : memref<1638400x16xf32, #tpu.memory_space<hbm>> -> memref<1024x16xf32, #tpu.memory_space<hbm>>
    %dma_wait3A_18 = arith.constant 0 : i32
    %dma_wait3A_19 = tpu.memref_slice %arg5[%mul3A_2, %dma_wait3A_18] : memref<1638400x16xf32, #tpu.memory_space<hbm>> -> memref<1024x16xf32, #tpu.memory_space<hbm>>
    tpu.wait_dma2 semaphore(%arg21 : memref<!tpu.dma_semaphore, #tpu.memory_space<semaphore_mem>>) src(%arg13 : memref<1024x16xf32, #tpu.memory_space<vmem>>) dst(%dma_wait3A_19 : memref<1024x16xf32, #tpu.memory_space<hbm>>)
    %dma_wait3A_20 = arith.constant 0 : i32
    %dma_wait3A_21 = tpu.memref_slice %arg6[%mul3A_2, %dma_wait3A_20] : memref<1638400x16xf32, #tpu.memory_space<hbm>> -> memref<1024x16xf32, #tpu.memory_space<hbm>>
    %dma_wait3A_22 = arith.constant 0 : i32
    %dma_wait3A_23 = tpu.memref_slice %arg6[%mul3A_2, %dma_wait3A_22] : memref<1638400x16xf32, #tpu.memory_space<hbm>> -> memref<1024x16xf32, #tpu.memory_space<hbm>>
    tpu.wait_dma2 semaphore(%arg22 : memref<!tpu.dma_semaphore, #tpu.memory_space<semaphore_mem>>) src(%arg14 : memref<1024x16xf32, #tpu.memory_space<vmem>>) dst(%dma_wait3A_23 : memref<1024x16xf32, #tpu.memory_space<hbm>>)
    return
  }
}

module attributes {stable_mosaic.version = 14 : i64} {
  func.func @_tc_prep_body(%arg0: i32, %arg1: memref<2x256x128xf32, #tpu.memory_space<vmem>>, %arg2: memref<256x128xf32, #tpu.memory_space<vmem>>, %arg3: memref<256x128xf32, #tpu.memory_space<vmem>>, %arg4: memref<256x128xf32, #tpu.memory_space<vmem>>) attributes {dimension_semantics = [#tpu.dimension_semantics<arbitrary>], iteration_bounds = array<i64: 49>, scalar_prefetch = 0 : i64, scratch_operands = 0 : i64, tpu.core_type = #tpu.core_type<tc>, window_params = [{transform_indices = @transform_0, window_bounds = array<i64: 2, 256, 128>}, {transform_indices = @transform_1, window_bounds = array<i64: 256, 128>}, {transform_indices = @transform_2, window_bounds = array<i64: 256, 128>}, {transform_indices = @transform_3, window_bounds = array<i64: 256, 128>}]} {
    %get3A = arith.constant 0 : index
    %get3A_0 = arith.constant 0 : index
    %get3A_1 = arith.constant 0 : index
    %get3A_2 = vector.load %arg1[%get3A, %get3A_0, %get3A_1] : memref<2x256x128xf32, #tpu.memory_space<vmem>>, vector<1x256x128xf32>
    %get3A_3 = vector.shape_cast %get3A_2 : vector<1x256x128xf32> to vector<256x128xf32>
    %get3A_4 = arith.constant 1 : index
    %get3A_5 = arith.constant 0 : index
    %get3A_6 = arith.constant 0 : index
    %get3A_7 = vector.load %arg1[%get3A_4, %get3A_5, %get3A_6] : memref<2x256x128xf32, #tpu.memory_space<vmem>>, vector<1x256x128xf32>
    %get3A_8 = vector.shape_cast %get3A_7 : vector<1x256x128xf32> to vector<256x128xf32>
    %add3A = arith.addf %get3A_3, %get3A_8 : vector<256x128xf32>
    %gt3A = arith.constant 0.000000e+00 : f32
    %gt3A_9 = vector.broadcast %gt3A : f32 to vector<256x128xf32>
    %gt3A_10 = arith.cmpf ogt, %add3A, %gt3A_9 : vector<256x128xf32>
    %max3A = arith.constant 9.99999996E-13 : f32
    %max3A_11 = vector.broadcast %max3A : f32 to vector<256x128xf32>
    %max3A_12 = arith.maximumf %add3A, %max3A_11 : vector<256x128xf32>
    %rsqrt3A = math.rsqrt %max3A_12 : vector<256x128xf32>
    %jit3A = arith.constant 0.000000e+00 : f32
    %broadcast_in_dim3A = vector.broadcast %jit3A : f32 to vector<256x128xf32>
    %select_n3A = arith.select %gt3A_10, %rsqrt3A, %broadcast_in_dim3A : vector<256x128xi1>, vector<256x128xf32>
    %swap3A = arith.constant 0 : index
    %swap3A_13 = arith.constant 0 : index
    %swap3A_14 = vector.load %arg3[%swap3A, %swap3A_13] : memref<256x128xf32, #tpu.memory_space<vmem>>, vector<256x128xf32>
    tpu.vector_store %arg3[%swap3A, %swap3A_13], %select_n3A {strides = array<i32>} : memref<256x128xf32, #tpu.memory_space<vmem>>, vector<256x128xf32>,
    %get3A_15 = arith.constant 0 : index
    %get3A_16 = arith.constant 0 : index
    %get3A_17 = vector.load %arg2[%get3A_15, %get3A_16] : memref<256x128xf32, #tpu.memory_space<vmem>>, vector<256x128xf32>
    %mul3A = arith.mulf %select_n3A, %get3A_17 : vector<256x128xf32>
    %swap3A_18 = arith.constant 0 : index
    %swap3A_19 = arith.constant 0 : index
    %swap3A_20 = vector.load %arg4[%swap3A_18, %swap3A_19] : memref<256x128xf32, #tpu.memory_space<vmem>>, vector<256x128xf32>
    tpu.vector_store %arg4[%swap3A_18, %swap3A_19], %mul3A {strides = array<i32>} : memref<256x128xf32, #tpu.memory_space<vmem>>, vector<256x128xf32>,
    return
  }
  func.func @transform_0(%arg0: i32) -> (i32, i32, i32) {
    %c0_i32 = arith.constant 0 : i32
    %c0_i32_0 = arith.constant 0 : i32
    %c0_i32_1 = arith.constant 0 : i32
    return %c0_i32, %arg0, %c0_i32_0 : i32, i32, i32
  }
  func.func @transform_1(%arg0: i32) -> (i32, i32) {
    %c0_i32 = arith.constant 0 : i32
    %c0_i32_0 = arith.constant 0 : i32
    return %arg0, %c0_i32 : i32, i32
  }
  func.func @transform_2(%arg0: i32) -> (i32, i32) {
    %c0_i32 = arith.constant 0 : i32
    %c0_i32_0 = arith.constant 0 : i32
    return %arg0, %c0_i32 : i32, i32
  }
  func.func @transform_3(%arg0: i32) -> (i32, i32) {
    %c0_i32 = arith.constant 0 : i32
    %c0_i32_0 = arith.constant 0 : i32
    return %arg0, %c0_i32 : i32, i32
  }
}

module attributes {stable_mosaic.version = 14 : i64} {
  func.func @_tc_comb_body(%arg0: i32, %arg1: memref<2x256x128xf32, #tpu.memory_space<vmem>>, %arg2: memref<256x128xf32, #tpu.memory_space<vmem>>, %arg3: memref<256x128xf32, #tpu.memory_space<vmem>>, %arg4: memref<256x128xf32, #tpu.memory_space<vmem>>, %arg5: memref<256x128xf32, #tpu.memory_space<vmem>>) attributes {dimension_semantics = [#tpu.dimension_semantics<arbitrary>], iteration_bounds = array<i64: 49>, scalar_prefetch = 0 : i64, scratch_operands = 0 : i64, tpu.core_type = #tpu.core_type<tc>, window_params = [{transform_indices = @transform_0, window_bounds = array<i64: 2, 256, 128>}, {transform_indices = @transform_1, window_bounds = array<i64: 256, 128>}, {transform_indices = @transform_2, window_bounds = array<i64: 256, 128>}, {transform_indices = @transform_3, window_bounds = array<i64: 256, 128>}, {transform_indices = @transform_4, window_bounds = array<i64: 256, 128>}]} {
    %get3A = arith.constant 0 : index
    %get3A_0 = arith.constant 0 : index
    %get3A_1 = arith.constant 0 : index
    %get3A_2 = vector.load %arg1[%get3A, %get3A_0, %get3A_1] : memref<2x256x128xf32, #tpu.memory_space<vmem>>, vector<1x256x128xf32>
    %get3A_3 = vector.shape_cast %get3A_2 : vector<1x256x128xf32> to vector<256x128xf32>
    %get3A_4 = arith.constant 1 : index
    %get3A_5 = arith.constant 0 : index
    %get3A_6 = arith.constant 0 : index
    %get3A_7 = vector.load %arg1[%get3A_4, %get3A_5, %get3A_6] : memref<2x256x128xf32, #tpu.memory_space<vmem>>, vector<1x256x128xf32>
    %get3A_8 = vector.shape_cast %get3A_7 : vector<1x256x128xf32> to vector<256x128xf32>
    %add3A = arith.addf %get3A_3, %get3A_8 : vector<256x128xf32>
    %get3A_9 = arith.constant 0 : index
    %get3A_10 = arith.constant 0 : index
    %get3A_11 = vector.load %arg2[%get3A_9, %get3A_10] : memref<256x128xf32, #tpu.memory_space<vmem>>, vector<256x128xf32>
    %mul3A = arith.constant -1.000000e+00 : f32
    %mul3A_12 = vector.broadcast %mul3A : f32 to vector<256x128xf32>
    %mul3A_13 = arith.mulf %mul3A_12, %get3A_11 : vector<256x128xf32>
    %mul3A_14 = arith.mulf %mul3A_13, %add3A : vector<256x128xf32>
    %get3A_15 = arith.constant 0 : index
    %get3A_16 = arith.constant 0 : index
    %get3A_17 = vector.load %arg3[%get3A_15, %get3A_16] : memref<256x128xf32, #tpu.memory_space<vmem>>, vector<256x128xf32>
    %mul3A_18 = arith.constant 0.000000e+00 : f32
    %mul3A_19 = vector.broadcast %mul3A_18 : f32 to vector<256x128xf32>
    %mul3A_20 = arith.mulf %mul3A_19, %get3A_17 : vector<256x128xf32>
    %sub3A = arith.subf %mul3A_14, %mul3A_20 : vector<256x128xf32>
    %swap3A = arith.constant 0 : index
    %swap3A_21 = arith.constant 0 : index
    %swap3A_22 = vector.load %arg4[%swap3A, %swap3A_21] : memref<256x128xf32, #tpu.memory_space<vmem>>, vector<256x128xf32>
    tpu.vector_store %arg4[%swap3A, %swap3A_21], %sub3A {strides = array<i32>} : memref<256x128xf32, #tpu.memory_space<vmem>>, vector<256x128xf32>,
    %mul3A_23 = arith.mulf %get3A_11, %sub3A : vector<256x128xf32>
    %swap3A_24 = arith.constant 0 : index
    %swap3A_25 = arith.constant 0 : index
    %swap3A_26 = vector.load %arg5[%swap3A_24, %swap3A_25] : memref<256x128xf32, #tpu.memory_space<vmem>>, vector<256x128xf32>
    tpu.vector_store %arg5[%swap3A_24, %swap3A_25], %mul3A_23 {strides = array<i32>} : memref<256x128xf32, #tpu.memory_space<vmem>>, vector<256x128xf32>,
    return
  }
  func.func @transform_0(%arg0: i32) -> (i32, i32, i32) {
    %c0_i32 = arith.constant 0 : i32
    %c0_i32_0 = arith.constant 0 : i32
    %c0_i32_1 = arith.constant 0 : i32
    return %c0_i32, %arg0, %c0_i32_0 : i32, i32, i32
  }
  func.func @transform_1(%arg0: i32) -> (i32, i32) {
    %c0_i32 = arith.constant 0 : i32
    %c0_i32_0 = arith.constant 0 : i32
    return %arg0, %c0_i32 : i32, i32
  }
  func.func @transform_2(%arg0: i32) -> (i32, i32) {
    %c0_i32 = arith.constant 0 : i32
    %c0_i32_0 = arith.constant 0 : i32
    return %arg0, %c0_i32 : i32, i32
  }
  func.func @transform_3(%arg0: i32) -> (i32, i32) {
    %c0_i32 = arith.constant 0 : i32
    %c0_i32_0 = arith.constant 0 : i32
    return %arg0, %c0_i32 : i32, i32
  }
  func.func @transform_4(%arg0: i32) -> (i32, i32) {
    %c0_i32 = arith.constant 0 : i32
    %c0_i32_0 = arith.constant 0 : i32
    return %arg0, %c0_i32 : i32, i32
  }
}

module attributes {stable_mosaic.version = 14 : i64} {
  func.func @_tc_comb_body(%arg0: i32, %arg1: memref<2x256x128xf32, #tpu.memory_space<vmem>>, %arg2: memref<256x128xf32, #tpu.memory_space<vmem>>, %arg3: memref<256x128xf32, #tpu.memory_space<vmem>>, %arg4: memref<256x128xf32, #tpu.memory_space<vmem>>, %arg5: memref<256x128xf32, #tpu.memory_space<vmem>>) attributes {dimension_semantics = [#tpu.dimension_semantics<arbitrary>], iteration_bounds = array<i64: 49>, scalar_prefetch = 0 : i64, scratch_operands = 0 : i64, tpu.core_type = #tpu.core_type<tc>, window_params = [{transform_indices = @transform_0, window_bounds = array<i64: 2, 256, 128>}, {transform_indices = @transform_1, window_bounds = array<i64: 256, 128>}, {transform_indices = @transform_2, window_bounds = array<i64: 256, 128>}, {transform_indices = @transform_3, window_bounds = array<i64: 256, 128>}, {transform_indices = @transform_4, window_bounds = array<i64: 256, 128>}]} {
    %get3A = arith.constant 0 : index
    %get3A_0 = arith.constant 0 : index
    %get3A_1 = arith.constant 0 : index
    %get3A_2 = vector.load %arg1[%get3A, %get3A_0, %get3A_1] : memref<2x256x128xf32, #tpu.memory_space<vmem>>, vector<1x256x128xf32>
    %get3A_3 = vector.shape_cast %get3A_2 : vector<1x256x128xf32> to vector<256x128xf32>
    %get3A_4 = arith.constant 1 : index
    %get3A_5 = arith.constant 0 : index
    %get3A_6 = arith.constant 0 : index
    %get3A_7 = vector.load %arg1[%get3A_4, %get3A_5, %get3A_6] : memref<2x256x128xf32, #tpu.memory_space<vmem>>, vector<1x256x128xf32>
    %get3A_8 = vector.shape_cast %get3A_7 : vector<1x256x128xf32> to vector<256x128xf32>
    %add3A = arith.addf %get3A_3, %get3A_8 : vector<256x128xf32>
    %get3A_9 = arith.constant 0 : index
    %get3A_10 = arith.constant 0 : index
    %get3A_11 = vector.load %arg2[%get3A_9, %get3A_10] : memref<256x128xf32, #tpu.memory_space<vmem>>, vector<256x128xf32>
    %mul3A = arith.constant -2.000000e+00 : f32
    %mul3A_12 = vector.broadcast %mul3A : f32 to vector<256x128xf32>
    %mul3A_13 = arith.mulf %mul3A_12, %get3A_11 : vector<256x128xf32>
    %mul3A_14 = arith.mulf %mul3A_13, %add3A : vector<256x128xf32>
    %get3A_15 = arith.constant 0 : index
    %get3A_16 = arith.constant 0 : index
    %get3A_17 = vector.load %arg3[%get3A_15, %get3A_16] : memref<256x128xf32, #tpu.memory_space<vmem>>, vector<256x128xf32>
    %mul3A_18 = arith.constant 1.000000e+00 : f32
    %mul3A_19 = vector.broadcast %mul3A_18 : f32 to vector<256x128xf32>
    %mul3A_20 = arith.mulf %mul3A_19, %get3A_17 : vector<256x128xf32>
    %sub3A = arith.subf %mul3A_14, %mul3A_20 : vector<256x128xf32>
    %swap3A = arith.constant 0 : index
    %swap3A_21 = arith.constant 0 : index
    %swap3A_22 = vector.load %arg4[%swap3A, %swap3A_21] : memref<256x128xf32, #tpu.memory_space<vmem>>, vector<256x128xf32>
    tpu.vector_store %arg4[%swap3A, %swap3A_21], %sub3A {strides = array<i32>} : memref<256x128xf32, #tpu.memory_space<vmem>>, vector<256x128xf32>,
    %mul3A_23 = arith.mulf %get3A_11, %sub3A : vector<256x128xf32>
    %swap3A_24 = arith.constant 0 : index
    %swap3A_25 = arith.constant 0 : index
    %swap3A_26 = vector.load %arg5[%swap3A_24, %swap3A_25] : memref<256x128xf32, #tpu.memory_space<vmem>>, vector<256x128xf32>
    tpu.vector_store %arg5[%swap3A_24, %swap3A_25], %mul3A_23 {strides = array<i32>} : memref<256x128xf32, #tpu.memory_space<vmem>>, vector<256x128xf32>,
    return
  }
  func.func @transform_0(%arg0: i32) -> (i32, i32, i32) {
    %c0_i32 = arith.constant 0 : i32
    %c0_i32_0 = arith.constant 0 : i32
    %c0_i32_1 = arith.constant 0 : i32
    return %c0_i32, %arg0, %c0_i32_0 : i32, i32, i32
  }
  func.func @transform_1(%arg0: i32) -> (i32, i32) {
    %c0_i32 = arith.constant 0 : i32
    %c0_i32_0 = arith.constant 0 : i32
    return %arg0, %c0_i32 : i32, i32
  }
  func.func @transform_2(%arg0: i32) -> (i32, i32) {
    %c0_i32 = arith.constant 0 : i32
    %c0_i32_0 = arith.constant 0 : i32
    return %arg0, %c0_i32 : i32, i32
  }
  func.func @transform_3(%arg0: i32) -> (i32, i32) {
    %c0_i32 = arith.constant 0 : i32
    %c0_i32_0 = arith.constant 0 : i32
    return %arg0, %c0_i32 : i32, i32
  }
  func.func @transform_4(%arg0: i32) -> (i32, i32) {
    %c0_i32 = arith.constant 0 : i32
    %c0_i32_0 = arith.constant 0 : i32
    return %arg0, %c0_i32 : i32, i32
  }
}

module attributes {stable_mosaic.version = 14 : i64} {
  func.func @_tc_comb_body(%arg0: i32, %arg1: memref<2x256x128xf32, #tpu.memory_space<vmem>>, %arg2: memref<256x128xf32, #tpu.memory_space<vmem>>, %arg3: memref<256x128xf32, #tpu.memory_space<vmem>>, %arg4: memref<256x128xf32, #tpu.memory_space<vmem>>, %arg5: memref<256x128xf32, #tpu.memory_space<vmem>>) attributes {dimension_semantics = [#tpu.dimension_semantics<arbitrary>], iteration_bounds = array<i64: 49>, scalar_prefetch = 0 : i64, scratch_operands = 0 : i64, tpu.core_type = #tpu.core_type<tc>, window_params = [{transform_indices = @transform_0, window_bounds = array<i64: 2, 256, 128>}, {transform_indices = @transform_1, window_bounds = array<i64: 256, 128>}, {transform_indices = @transform_2, window_bounds = array<i64: 256, 128>}, {transform_indices = @transform_3, window_bounds = array<i64: 256, 128>}, {transform_indices = @transform_4, window_bounds = array<i64: 256, 128>}]} {
    %get3A = arith.constant 0 : index
    %get3A_0 = arith.constant 0 : index
    %get3A_1 = arith.constant 0 : index
    %get3A_2 = vector.load %arg1[%get3A, %get3A_0, %get3A_1] : memref<2x256x128xf32, #tpu.memory_space<vmem>>, vector<1x256x128xf32>
    %get3A_3 = vector.shape_cast %get3A_2 : vector<1x256x128xf32> to vector<256x128xf32>
    %get3A_4 = arith.constant 1 : index
    %get3A_5 = arith.constant 0 : index
    %get3A_6 = arith.constant 0 : index
    %get3A_7 = vector.load %arg1[%get3A_4, %get3A_5, %get3A_6] : memref<2x256x128xf32, #tpu.memory_space<vmem>>, vector<1x256x128xf32>
    %get3A_8 = vector.shape_cast %get3A_7 : vector<1x256x128xf32> to vector<256x128xf32>
    %add3A = arith.addf %get3A_3, %get3A_8 : vector<256x128xf32>
    %get3A_9 = arith.constant 0 : index
    %get3A_10 = arith.constant 0 : index
    %get3A_11 = vector.load %arg2[%get3A_9, %get3A_10] : memref<256x128xf32, #tpu.memory_space<vmem>>, vector<256x128xf32>
    %mul3A = arith.constant -2.000000e+00 : f32
    %mul3A_12 = vector.broadcast %mul3A : f32 to vector<256x128xf32>
    %mul3A_13 = arith.mulf %mul3A_12, %get3A_11 : vector<256x128xf32>
    %mul3A_14 = arith.mulf %mul3A_13, %add3A : vector<256x128xf32>
    %get3A_15 = arith.constant 0 : index
    %get3A_16 = arith.constant 0 : index
    %get3A_17 = vector.load %arg3[%get3A_15, %get3A_16] : memref<256x128xf32, #tpu.memory_space<vmem>>, vector<256x128xf32>
    %mul3A_18 = arith.constant 1.000000e+00 : f32
    %mul3A_19 = vector.broadcast %mul3A_18 : f32 to vector<256x128xf32>
    %mul3A_20 = arith.mulf %mul3A_19, %get3A_17 : vector<256x128xf32>
    %sub3A = arith.subf %mul3A_14, %mul3A_20 : vector<256x128xf32>
    %swap3A = arith.constant 0 : index
    %swap3A_21 = arith.constant 0 : index
    %swap3A_22 = vector.load %arg4[%swap3A, %swap3A_21] : memref<256x128xf32, #tpu.memory_space<vmem>>, vector<256x128xf32>
    tpu.vector_store %arg4[%swap3A, %swap3A_21], %sub3A {strides = array<i32>} : memref<256x128xf32, #tpu.memory_space<vmem>>, vector<256x128xf32>,
    %mul3A_23 = arith.mulf %get3A_11, %sub3A : vector<256x128xf32>
    %swap3A_24 = arith.constant 0 : index
    %swap3A_25 = arith.constant 0 : index
    %swap3A_26 = vector.load %arg5[%swap3A_24, %swap3A_25] : memref<256x128xf32, #tpu.memory_space<vmem>>, vector<256x128xf32>
    tpu.vector_store %arg5[%swap3A_24, %swap3A_25], %mul3A_23 {strides = array<i32>} : memref<256x128xf32, #tpu.memory_space<vmem>>, vector<256x128xf32>,
    return
  }
  func.func @transform_0(%arg0: i32) -> (i32, i32, i32) {
    %c0_i32 = arith.constant 0 : i32
    %c0_i32_0 = arith.constant 0 : i32
    %c0_i32_1 = arith.constant 0 : i32
    return %c0_i32, %arg0, %c0_i32_0 : i32, i32, i32
  }
  func.func @transform_1(%arg0: i32) -> (i32, i32) {
    %c0_i32 = arith.constant 0 : i32
    %c0_i32_0 = arith.constant 0 : i32
    return %arg0, %c0_i32 : i32, i32
  }
  func.func @transform_2(%arg0: i32) -> (i32, i32) {
    %c0_i32 = arith.constant 0 : i32
    %c0_i32_0 = arith.constant 0 : i32
    return %arg0, %c0_i32 : i32, i32
  }
  func.func @transform_3(%arg0: i32) -> (i32, i32) {
    %c0_i32 = arith.constant 0 : i32
    %c0_i32_0 = arith.constant 0 : i32
    return %arg0, %c0_i32 : i32, i32
  }
  func.func @transform_4(%arg0: i32) -> (i32, i32) {
    %c0_i32 = arith.constant 0 : i32
    %c0_i32_0 = arith.constant 0 : i32
    return %arg0, %c0_i32 : i32, i32
  }
}

module attributes {stable_mosaic.version = 14 : i64} {
  func.func @_tc_gates_body(%arg0: i32, %arg1: memref<256x128xf32, #tpu.memory_space<vmem>>, %arg2: memref<256x128xf32, #tpu.memory_space<vmem>>, %arg3: memref<256x128xf32, #tpu.memory_space<vmem>>, %arg4: memref<256x128xf32, #tpu.memory_space<vmem>>, %arg5: memref<256x128xf32, #tpu.memory_space<vmem>>, %arg6: memref<5x128x128xf32, #tpu.memory_space<vmem>>, %arg7: memref<5x128x128xf32, #tpu.memory_space<vmem>>, %arg8: memref<128x128xf32, #tpu.memory_space<vmem>>, %arg9: memref<1x128xf32, #tpu.memory_space<vmem>>, %arg10: memref<1x128xf32, #tpu.memory_space<vmem>>, %arg11: memref<256x128xf32, #tpu.memory_space<vmem>>) attributes {dimension_semantics = [#tpu.dimension_semantics<arbitrary>], iteration_bounds = array<i64: 49>, scalar_prefetch = 0 : i64, scratch_operands = 0 : i64, tpu.core_type = #tpu.core_type<tc>, window_params = [{transform_indices = @transform_0, window_bounds = array<i64: 256, 128>}, {transform_indices = @transform_1, window_bounds = array<i64: 256, 128>}, {transform_indices = @transform_2, window_bounds = array<i64: 256, 128>}, {transform_indices = @transform_3, window_bounds = array<i64: 256, 128>}, {transform_indices = @transform_4, window_bounds = array<i64: 256, 128>}, {pipeline_mode = #tpu.pipeline_mode<synchronous>, transform_indices = @transform_5, window_bounds = array<i64: 5, 128, 128>}, {pipeline_mode = #tpu.pipeline_mode<synchronous>, transform_indices = @transform_6, window_bounds = array<i64: 5, 128, 128>}, {pipeline_mode = #tpu.pipeline_mode<synchronous>, transform_indices = @transform_7, window_bounds = array<i64: 128, 128>}, {pipeline_mode = #tpu.pipeline_mode<synchronous>, transform_indices = @transform_8, window_bounds = array<i64: 1, 128>}, {pipeline_mode = #tpu.pipeline_mode<synchronous>, transform_indices = @transform_9, window_bounds = array<i64: 1, 128>}, {transform_indices = @transform_10, window_bounds = array<i64: 256, 128>}]} {
    %get3A = arith.constant 0 : index
    %get3A_0 = arith.constant 0 : index
    %get3A_1 = vector.load %arg1[%get3A, %get3A_0] : memref<256x128xf32, #tpu.memory_space<vmem>>, vector<256x128xf32>
    %get3A_2 = arith.constant 0 : index
    %get3A_3 = arith.constant 0 : index
    %get3A_4 = vector.load %arg2[%get3A_2, %get3A_3] : memref<256x128xf32, #tpu.memory_space<vmem>>, vector<256x128xf32>
    %get3A_5 = arith.constant 0 : index
    %get3A_6 = arith.constant 0 : index
    %get3A_7 = vector.load %arg3[%get3A_5, %get3A_6] : memref<256x128xf32, #tpu.memory_space<vmem>>, vector<256x128xf32>
    %get3A_8 = arith.constant 0 : index
    %get3A_9 = arith.constant 0 : index
    %get3A_10 = vector.load %arg4[%get3A_8, %get3A_9] : memref<256x128xf32, #tpu.memory_space<vmem>>, vector<256x128xf32>
    %get3A_11 = arith.constant 0 : index
    %get3A_12 = arith.constant 0 : index
    %get3A_13 = vector.load %arg5[%get3A_11, %get3A_12] : memref<256x128xf32, #tpu.memory_space<vmem>>, vector<256x128xf32>
    %get3A_14 = arith.constant 0 : index
    %get3A_15 = arith.constant 0 : index
    %get3A_16 = vector.load %arg9[%get3A_14, %get3A_15] : memref<1x128xf32, #tpu.memory_space<vmem>>, vector<1x128xf32>
    %broadcast_in_dim3A = vector.shape_cast %get3A_16 : vector<1x128xf32> to vector<1x128xf32>
    %broadcast_in_dim3A_17 = vector.broadcast %broadcast_in_dim3A : vector<1x128xf32> to vector<256x128xf32>
    %get3A_18 = arith.constant 0 : index
    %get3A_19 = arith.constant 0 : index
    %get3A_20 = vector.load %arg10[%get3A_18, %get3A_19] : memref<1x128xf32, #tpu.memory_space<vmem>>, vector<1x128xf32>
    %broadcast_in_dim3A_21 = vector.shape_cast %get3A_20 : vector<1x128xf32> to vector<1x128xf32>
    %broadcast_in_dim3A_22 = vector.broadcast %broadcast_in_dim3A_21 : vector<1x128xf32> to vector<256x128xf32>
    %get3A_23 = arith.constant 0 : index
    %get3A_24 = arith.constant 0 : index
    %get3A_25 = arith.constant 0 : index
    %get3A_26 = vector.load %arg6[%get3A_23, %get3A_24, %get3A_25] : memref<5x128x128xf32, #tpu.memory_space<vmem>>, vector<1x128x128xf32>
    %get3A_27 = vector.shape_cast %get3A_26 : vector<1x128x128xf32> to vector<128x128xf32>
    %dot_general3A = arith.constant dense<0.000000e+00> : vector<256x128xf32>
    %dot_general3A_28 = tpu.matmul %get3A_1, %get3A_27, %dot_general3A {dimension_numbers = #tpu.dot_dimension_numbers<[1], [0], [0], [1], [0, 0, 1, 1], [], []>, transpose_lhs_hint = false} : vector<256x128xf32>, vector<128x128xf32>, vector<256x128xf32> -> vector<256x128xf32>
    %add3A = arith.addf %broadcast_in_dim3A_17, %dot_general3A_28 : vector<256x128xf32>
    %get3A_29 = arith.constant 0 : index
    %get3A_30 = arith.constant 0 : index
    %get3A_31 = arith.constant 0 : index
    %get3A_32 = vector.load %arg7[%get3A_29, %get3A_30, %get3A_31] : memref<5x128x128xf32, #tpu.memory_space<vmem>>, vector<1x128x128xf32>
    %get3A_33 = vector.shape_cast %get3A_32 : vector<1x128x128xf32> to vector<128x128xf32>
    %dot_general3A_34 = arith.constant dense<0.000000e+00> : vector<256x128xf32>
    %dot_general3A_35 = tpu.matmul %get3A_1, %get3A_33, %dot_general3A_34 {dimension_numbers = #tpu.dot_dimension_numbers<[1], [0], [0], [1], [0, 0, 1, 1], [], []>, transpose_lhs_hint = false} : vector<256x128xf32>, vector<128x128xf32>, vector<256x128xf32> -> vector<256x128xf32>
    %add3A_36 = arith.addf %broadcast_in_dim3A_22, %dot_general3A_35 : vector<256x128xf32>
    %get3A_37 = arith.constant 1 : index
    %get3A_38 = arith.constant 0 : index
    %get3A_39 = arith.constant 0 : index
    %get3A_40 = vector.load %arg6[%get3A_37, %get3A_38, %get3A_39] : memref<5x128x128xf32, #tpu.memory_space<vmem>>, vector<1x128x128xf32>
    %get3A_41 = vector.shape_cast %get3A_40 : vector<1x128x128xf32> to vector<128x128xf32>
    %dot_general3A_42 = arith.constant dense<0.000000e+00> : vector<256x128xf32>
    %dot_general3A_43 = tpu.matmul %get3A_4, %get3A_41, %dot_general3A_42 {dimension_numbers = #tpu.dot_dimension_numbers<[1], [0], [0], [1], [0, 0, 1, 1], [], []>, transpose_lhs_hint = false} : vector<256x128xf32>, vector<128x128xf32>, vector<256x128xf32> -> vector<256x128xf32>
    %add3A_44 = arith.addf %add3A, %dot_general3A_43 : vector<256x128xf32>
    %get3A_45 = arith.constant 1 : index
    %get3A_46 = arith.constant 0 : index
    %get3A_47 = arith.constant 0 : index
    %get3A_48 = vector.load %arg7[%get3A_45, %get3A_46, %get3A_47] : memref<5x128x128xf32, #tpu.memory_space<vmem>>, vector<1x128x128xf32>
    %get3A_49 = vector.shape_cast %get3A_48 : vector<1x128x128xf32> to vector<128x128xf32>
    %dot_general3A_50 = arith.constant dense<0.000000e+00> : vector<256x128xf32>
    %dot_general3A_51 = tpu.matmul %get3A_4, %get3A_49, %dot_general3A_50 {dimension_numbers = #tpu.dot_dimension_numbers<[1], [0], [0], [1], [0, 0, 1, 1], [], []>, transpose_lhs_hint = false} : vector<256x128xf32>, vector<128x128xf32>, vector<256x128xf32> -> vector<256x128xf32>
    %add3A_52 = arith.addf %add3A_36, %dot_general3A_51 : vector<256x128xf32>
    %get3A_53 = arith.constant 2 : index
    %get3A_54 = arith.constant 0 : index
    %get3A_55 = arith.constant 0 : index
    %get3A_56 = vector.load %arg6[%get3A_53, %get3A_54, %get3A_55] : memref<5x128x128xf32, #tpu.memory_space<vmem>>, vector<1x128x128xf32>
    %get3A_57 = vector.shape_cast %get3A_56 : vector<1x128x128xf32> to vector<128x128xf32>
    %dot_general3A_58 = arith.constant dense<0.000000e+00> : vector<256x128xf32>
    %dot_general3A_59 = tpu.matmul %get3A_7, %get3A_57, %dot_general3A_58 {dimension_numbers = #tpu.dot_dimension_numbers<[1], [0], [0], [1], [0, 0, 1, 1], [], []>, transpose_lhs_hint = false} : vector<256x128xf32>, vector<128x128xf32>, vector<256x128xf32> -> vector<256x128xf32>
    %add3A_60 = arith.addf %add3A_44, %dot_general3A_59 : vector<256x128xf32>
    %get3A_61 = arith.constant 2 : index
    %get3A_62 = arith.constant 0 : index
    %get3A_63 = arith.constant 0 : index
    %get3A_64 = vector.load %arg7[%get3A_61, %get3A_62, %get3A_63] : memref<5x128x128xf32, #tpu.memory_space<vmem>>, vector<1x128x128xf32>
    %get3A_65 = vector.shape_cast %get3A_64 : vector<1x128x128xf32> to vector<128x128xf32>
    %dot_general3A_66 = arith.constant dense<0.000000e+00> : vector<256x128xf32>
    %dot_general3A_67 = tpu.matmul %get3A_7, %get3A_65, %dot_general3A_66 {dimension_numbers = #tpu.dot_dimension_numbers<[1], [0], [0], [1], [0, 0, 1, 1], [], []>, transpose_lhs_hint = false} : vector<256x128xf32>, vector<128x128xf32>, vector<256x128xf32> -> vector<256x128xf32>
    %add3A_68 = arith.addf %add3A_52, %dot_general3A_67 : vector<256x128xf32>
    %get3A_69 = arith.constant 3 : index
    %get3A_70 = arith.constant 0 : index
    %get3A_71 = arith.constant 0 : index
    %get3A_72 = vector.load %arg6[%get3A_69, %get3A_70, %get3A_71] : memref<5x128x128xf32, #tpu.memory_space<vmem>>, vector<1x128x128xf32>
    %get3A_73 = vector.shape_cast %get3A_72 : vector<1x128x128xf32> to vector<128x128xf32>
    %dot_general3A_74 = arith.constant dense<0.000000e+00> : vector<256x128xf32>
    %dot_general3A_75 = tpu.matmul %get3A_10, %get3A_73, %dot_general3A_74 {dimension_numbers = #tpu.dot_dimension_numbers<[1], [0], [0], [1], [0, 0, 1, 1], [], []>, transpose_lhs_hint = false} : vector<256x128xf32>, vector<128x128xf32>, vector<256x128xf32> -> vector<256x128xf32>
    %add3A_76 = arith.addf %add3A_60, %dot_general3A_75 : vector<256x128xf32>
    %get3A_77 = arith.constant 3 : index
    %get3A_78 = arith.constant 0 : index
    %get3A_79 = arith.constant 0 : index
    %get3A_80 = vector.load %arg7[%get3A_77, %get3A_78, %get3A_79] : memref<5x128x128xf32, #tpu.memory_space<vmem>>, vector<1x128x128xf32>
    %get3A_81 = vector.shape_cast %get3A_80 : vector<1x128x128xf32> to vector<128x128xf32>
    %dot_general3A_82 = arith.constant dense<0.000000e+00> : vector<256x128xf32>
    %dot_general3A_83 = tpu.matmul %get3A_10, %get3A_81, %dot_general3A_82 {dimension_numbers = #tpu.dot_dimension_numbers<[1], [0], [0], [1], [0, 0, 1, 1], [], []>, transpose_lhs_hint = false} : vector<256x128xf32>, vector<128x128xf32>, vector<256x128xf32> -> vector<256x128xf32>
    %add3A_84 = arith.addf %add3A_68, %dot_general3A_83 : vector<256x128xf32>
    %get3A_85 = arith.constant 4 : index
    %get3A_86 = arith.constant 0 : index
    %get3A_87 = arith.constant 0 : index
    %get3A_88 = vector.load %arg6[%get3A_85, %get3A_86, %get3A_87] : memref<5x128x128xf32, #tpu.memory_space<vmem>>, vector<1x128x128xf32>
    %get3A_89 = vector.shape_cast %get3A_88 : vector<1x128x128xf32> to vector<128x128xf32>
    %dot_general3A_90 = arith.constant dense<0.000000e+00> : vector<256x128xf32>
    %dot_general3A_91 = tpu.matmul %get3A_13, %get3A_89, %dot_general3A_90 {dimension_numbers = #tpu.dot_dimension_numbers<[1], [0], [0], [1], [0, 0, 1, 1], [], []>, transpose_lhs_hint = false} : vector<256x128xf32>, vector<128x128xf32>, vector<256x128xf32> -> vector<256x128xf32>
    %add3A_92 = arith.addf %add3A_76, %dot_general3A_91 : vector<256x128xf32>
    %get3A_93 = arith.constant 4 : index
    %get3A_94 = arith.constant 0 : index
    %get3A_95 = arith.constant 0 : index
    %get3A_96 = vector.load %arg7[%get3A_93, %get3A_94, %get3A_95] : memref<5x128x128xf32, #tpu.memory_space<vmem>>, vector<1x128x128xf32>
    %get3A_97 = vector.shape_cast %get3A_96 : vector<1x128x128xf32> to vector<128x128xf32>
    %dot_general3A_98 = arith.constant dense<0.000000e+00> : vector<256x128xf32>
    %dot_general3A_99 = tpu.matmul %get3A_13, %get3A_97, %dot_general3A_98 {dimension_numbers = #tpu.dot_dimension_numbers<[1], [0], [0], [1], [0, 0, 1, 1], [], []>, transpose_lhs_hint = false} : vector<256x128xf32>, vector<128x128xf32>, vector<256x128xf32> -> vector<256x128xf32>
    %add3A_100 = arith.addf %add3A_84, %dot_general3A_99 : vector<256x128xf32>
    %logistic3A = arith.negf %add3A_92 : vector<256x128xf32>
    %logistic3A_101 = math.exp %logistic3A : vector<256x128xf32>
    %logistic3A_102 = arith.constant 1.000000e+00 : f32
    %logistic3A_103 = vector.broadcast %logistic3A_102 : f32 to vector<256x128xf32>
    %logistic3A_104 = arith.addf %logistic3A_103, %logistic3A_101 : vector<256x128xf32>
    %logistic3A_105 = arith.divf %logistic3A_103, %logistic3A_104 : vector<256x128xf32>
    %tanh3A = math.tanh %add3A_100 : vector<256x128xf32>
    %sub3A = arith.constant 1.000000e+00 : f32
    %sub3A_106 = vector.broadcast %sub3A : f32 to vector<256x128xf32>
    %sub3A_107 = arith.subf %sub3A_106, %logistic3A_105 : vector<256x128xf32>
    %mul3A = arith.mulf %sub3A_107, %tanh3A : vector<256x128xf32>
    %max3A = arith.constant 0.000000e+00 : f32
    %max3A_108 = vector.broadcast %max3A : f32 to vector<256x128xf32>
    %max3A_109 = arith.maximumf %mul3A, %max3A_108 : vector<256x128xf32>
    %get3A_110 = arith.constant 0 : index
    %get3A_111 = arith.constant 0 : index
    %get3A_112 = vector.load %arg8[%get3A_110, %get3A_111] : memref<128x128xf32, #tpu.memory_space<vmem>>, vector<128x128xf32>
    %dot_general3A_113 = arith.constant dense<0.000000e+00> : vector<256x128xf32>
    %dot_general3A_114 = tpu.matmul %max3A_109, %get3A_112, %dot_general3A_113 {dimension_numbers = #tpu.dot_dimension_numbers<[1], [0], [0], [1], [0, 0, 1, 1], [], []>, transpose_lhs_hint = false} : vector<256x128xf32>, vector<128x128xf32>, vector<256x128xf32> -> vector<256x128xf32>
    %swap3A = arith.constant 0 : index
    %swap3A_115 = arith.constant 0 : index
    %swap3A_116 = vector.load %arg11[%swap3A, %swap3A_115] : memref<256x128xf32, #tpu.memory_space<vmem>>, vector<256x128xf32>
    tpu.vector_store %arg11[%swap3A, %swap3A_115], %dot_general3A_114 {strides = array<i32>} : memref<256x128xf32, #tpu.memory_space<vmem>>, vector<256x128xf32>,
    return
  }
  func.func @transform_0(%arg0: i32) -> (i32, i32) {
    %c0_i32 = arith.constant 0 : i32
    %c0_i32_0 = arith.constant 0 : i32
    return %arg0, %c0_i32 : i32, i32
  }
  func.func @transform_1(%arg0: i32) -> (i32, i32) {
    %c0_i32 = arith.constant 0 : i32
    %c0_i32_0 = arith.constant 0 : i32
    return %arg0, %c0_i32 : i32, i32
  }
  func.func @transform_2(%arg0: i32) -> (i32, i32) {
    %c0_i32 = arith.constant 0 : i32
    %c0_i32_0 = arith.constant 0 : i32
    return %arg0, %c0_i32 : i32, i32
  }
  func.func @transform_3(%arg0: i32) -> (i32, i32) {
    %c0_i32 = arith.constant 0 : i32
    %c0_i32_0 = arith.constant 0 : i32
    return %arg0, %c0_i32 : i32, i32
  }
  func.func @transform_4(%arg0: i32) -> (i32, i32) {
    %c0_i32 = arith.constant 0 : i32
    %c0_i32_0 = arith.constant 0 : i32
    return %arg0, %c0_i32 : i32, i32
  }
  func.func @transform_5(%arg0: i32) -> (i32, i32, i32) {
    %c0_i32 = arith.constant 0 : i32
    %c0_i32_0 = arith.constant 0 : i32
    %c0_i32_1 = arith.constant 0 : i32
    %c0_i32_2 = arith.constant 0 : i32
    return %c0_i32, %c0_i32_0, %c0_i32_1 : i32, i32, i32
  }
  func.func @transform_6(%arg0: i32) -> (i32, i32, i32) {
    %c0_i32 = arith.constant 0 : i32
    %c0_i32_0 = arith.constant 0 : i32
    %c0_i32_1 = arith.constant 0 : i32
    %c0_i32_2 = arith.constant 0 : i32
    return %c0_i32, %c0_i32_0, %c0_i32_1 : i32, i32, i32
  }
  func.func @transform_7(%arg0: i32) -> (i32, i32) {
    %c0_i32 = arith.constant 0 : i32
    %c0_i32_0 = arith.constant 0 : i32
    %c0_i32_1 = arith.constant 0 : i32
    return %c0_i32, %c0_i32_0 : i32, i32
  }
  func.func @transform_8(%arg0: i32) -> (i32, i32) {
    %c0_i32 = arith.constant 0 : i32
    %c0_i32_0 = arith.constant 0 : i32
    %c0_i32_1 = arith.constant 0 : i32
    return %c0_i32, %c0_i32_0 : i32, i32
  }
  func.func @transform_9(%arg0: i32) -> (i32, i32) {
    %c0_i32 = arith.constant 0 : i32
    %c0_i32_0 = arith.constant 0 : i32
    %c0_i32_1 = arith.constant 0 : i32
    return %c0_i32, %c0_i32_0 : i32, i32
  }
  func.func @transform_10(%arg0: i32) -> (i32, i32) {
    %c0_i32 = arith.constant 0 : i32
    %c0_i32_0 = arith.constant 0 : i32
    return %arg0, %c0_i32 : i32, i32
  }
}

module attributes {stable_mosaic.version = 14 : i64} {
  func.func @_tc_mlp_body(%arg0: i32, %arg1: memref<512x128xf32, #tpu.memory_space<vmem>>, %arg2: memref<512x128xf32, #tpu.memory_space<vmem>>, %arg3: memref<128x128xf32, #tpu.memory_space<vmem>>, %arg4: memref<128x128xf32, #tpu.memory_space<vmem>>, %arg5: memref<4x128x128xf32, #tpu.memory_space<vmem>>, %arg6: memref<128x128xf32, #tpu.memory_space<vmem>>, %arg7: memref<6x128xf32, #tpu.memory_space<vmem>>, %arg8: memref<512x128xf32, #tpu.memory_space<vmem>>) attributes {dimension_semantics = [#tpu.dimension_semantics<arbitrary>], iteration_bounds = array<i64: 400>, scalar_prefetch = 0 : i64, scratch_operands = 0 : i64, tpu.core_type = #tpu.core_type<tc>, window_params = [{transform_indices = @transform_0, window_bounds = array<i64: 512, 128>}, {transform_indices = @transform_1, window_bounds = array<i64: 512, 128>}, {pipeline_mode = #tpu.pipeline_mode<synchronous>, transform_indices = @transform_2, window_bounds = array<i64: 128, 128>}, {pipeline_mode = #tpu.pipeline_mode<synchronous>, transform_indices = @transform_3, window_bounds = array<i64: 128, 128>}, {pipeline_mode = #tpu.pipeline_mode<synchronous>, transform_indices = @transform_4, window_bounds = array<i64: 4, 128, 128>}, {pipeline_mode = #tpu.pipeline_mode<synchronous>, transform_indices = @transform_5, window_bounds = array<i64: 128, 128>}, {pipeline_mode = #tpu.pipeline_mode<synchronous>, transform_indices = @transform_6, window_bounds = array<i64: 6, 128>}, {transform_indices = @transform_7, window_bounds = array<i64: 512, 128>}]} {
    %get3A = arith.constant 0 : index
    %get3A_0 = arith.constant 0 : index
    %get3A_1 = vector.load %arg1[%get3A, %get3A_0] : memref<512x128xf32, #tpu.memory_space<vmem>>, vector<512x128xf32>
    %get3A_2 = arith.constant 0 : index
    %get3A_3 = arith.constant 0 : index
    %get3A_4 = vector.load %arg3[%get3A_2, %get3A_3] : memref<128x128xf32, #tpu.memory_space<vmem>>, vector<128x128xf32>
    %dot_general3A = arith.constant dense<0.000000e+00> : vector<512x128xf32>
    %dot_general3A_5 = tpu.matmul %get3A_1, %get3A_4, %dot_general3A {dimension_numbers = #tpu.dot_dimension_numbers<[1], [0], [0], [1], [0, 0, 1, 1], [], []>, transpose_lhs_hint = false} : vector<512x128xf32>, vector<128x128xf32>, vector<512x128xf32> -> vector<512x128xf32>
    %get3A_6 = arith.constant 0 : index
    %get3A_7 = arith.constant 0 : index
    %get3A_8 = vector.load %arg2[%get3A_6, %get3A_7] : memref<512x128xf32, #tpu.memory_space<vmem>>, vector<512x128xf32>
    %get3A_9 = arith.constant 0 : index
    %get3A_10 = arith.constant 0 : index
    %get3A_11 = vector.load %arg4[%get3A_9, %get3A_10] : memref<128x128xf32, #tpu.memory_space<vmem>>, vector<128x128xf32>
    %dot_general3A_12 = arith.constant dense<0.000000e+00> : vector<512x128xf32>
    %dot_general3A_13 = tpu.matmul %get3A_8, %get3A_11, %dot_general3A_12 {dimension_numbers = #tpu.dot_dimension_numbers<[1], [0], [0], [1], [0, 0, 1, 1], [], []>, transpose_lhs_hint = false} : vector<512x128xf32>, vector<128x128xf32>, vector<512x128xf32> -> vector<512x128xf32>
    %add3A = arith.addf %dot_general3A_5, %dot_general3A_13 : vector<512x128xf32>
    %get3A_14 = arith.constant 0 : index
    %get3A_15 = arith.constant 0 : index
    %get3A_16 = vector.load %arg7[%get3A_14, %get3A_15] : memref<6x128xf32, #tpu.memory_space<vmem>>, vector<1x128xf32>
    %get3A_17 = vector.shape_cast %get3A_16 : vector<1x128xf32> to vector<128xf32>
    %broadcast_in_dim3A = vector.shape_cast %get3A_17 : vector<128xf32> to vector<1x128xf32>
    %add3A_18 = vector.broadcast %broadcast_in_dim3A : vector<1x128xf32> to vector<512x128xf32>
    %add3A_19 = arith.addf %add3A, %add3A_18 : vector<512x128xf32>
    %max3A = arith.constant 0.000000e+00 : f32
    %max3A_20 = vector.broadcast %max3A : f32 to vector<512x128xf32>
    %max3A_21 = arith.maximumf %add3A_19, %max3A_20 : vector<512x128xf32>
    %get3A_22 = arith.constant 0 : index
    %get3A_23 = arith.constant 0 : index
    %get3A_24 = arith.constant 0 : index
    %get3A_25 = vector.load %arg5[%get3A_22, %get3A_23, %get3A_24] : memref<4x128x128xf32, #tpu.memory_space<vmem>>, vector<1x128x128xf32>
    %get3A_26 = vector.shape_cast %get3A_25 : vector<1x128x128xf32> to vector<128x128xf32>
    %dot_general3A_27 = arith.constant dense<0.000000e+00> : vector<512x128xf32>
    %dot_general3A_28 = tpu.matmul %max3A_21, %get3A_26, %dot_general3A_27 {dimension_numbers = #tpu.dot_dimension_numbers<[1], [0], [0], [1], [0, 0, 1, 1], [], []>, transpose_lhs_hint = false} : vector<512x128xf32>, vector<128x128xf32>, vector<512x128xf32> -> vector<512x128xf32>
    %get3A_29 = arith.constant 1 : index
    %get3A_30 = arith.constant 0 : index
    %get3A_31 = vector.load %arg7[%get3A_29, %get3A_30] : memref<6x128xf32, #tpu.memory_space<vmem>>, vector<1x128xf32>
    %get3A_32 = vector.shape_cast %get3A_31 : vector<1x128xf32> to vector<128xf32>
    %broadcast_in_dim3A_33 = vector.shape_cast %get3A_32 : vector<128xf32> to vector<1x128xf32>
    %add3A_34 = vector.broadcast %broadcast_in_dim3A_33 : vector<1x128xf32> to vector<512x128xf32>
    %add3A_35 = arith.addf %dot_general3A_28, %add3A_34 : vector<512x128xf32>
    %max3A_36 = arith.constant 0.000000e+00 : f32
    %max3A_37 = vector.broadcast %max3A_36 : f32 to vector<512x128xf32>
    %max3A_38 = arith.maximumf %add3A_35, %max3A_37 : vector<512x128xf32>
    %get3A_39 = arith.constant 1 : index
    %get3A_40 = arith.constant 0 : index
    %get3A_41 = arith.constant 0 : index
    %get3A_42 = vector.load %arg5[%get3A_39, %get3A_40, %get3A_41] : memref<4x128x128xf32, #tpu.memory_space<vmem>>, vector<1x128x128xf32>
    %get3A_43 = vector.shape_cast %get3A_42 : vector<1x128x128xf32> to vector<128x128xf32>
    %dot_general3A_44 = arith.constant dense<0.000000e+00> : vector<512x128xf32>
    %dot_general3A_45 = tpu.matmul %max3A_38, %get3A_43, %dot_general3A_44 {dimension_numbers = #tpu.dot_dimension_numbers<[1], [0], [0], [1], [0, 0, 1, 1], [], []>, transpose_lhs_hint = false} : vector<512x128xf32>, vector<128x128xf32>, vector<512x128xf32> -> vector<512x128xf32>
    %get3A_46 = arith.constant 2 : index
    %get3A_47 = arith.constant 0 : index
    %get3A_48 = vector.load %arg7[%get3A_46, %get3A_47] : memref<6x128xf32, #tpu.memory_space<vmem>>, vector<1x128xf32>
    %get3A_49 = vector.shape_cast %get3A_48 : vector<1x128xf32> to vector<128xf32>
    %broadcast_in_dim3A_50 = vector.shape_cast %get3A_49 : vector<128xf32> to vector<1x128xf32>
    %add3A_51 = vector.broadcast %broadcast_in_dim3A_50 : vector<1x128xf32> to vector<512x128xf32>
    %add3A_52 = arith.addf %dot_general3A_45, %add3A_51 : vector<512x128xf32>
    %max3A_53 = arith.constant 0.000000e+00 : f32
    %max3A_54 = vector.broadcast %max3A_53 : f32 to vector<512x128xf32>
    %max3A_55 = arith.maximumf %add3A_52, %max3A_54 : vector<512x128xf32>
    %get3A_56 = arith.constant 2 : index
    %get3A_57 = arith.constant 0 : index
    %get3A_58 = arith.constant 0 : index
    %get3A_59 = vector.load %arg5[%get3A_56, %get3A_57, %get3A_58] : memref<4x128x128xf32, #tpu.memory_space<vmem>>, vector<1x128x128xf32>
    %get3A_60 = vector.shape_cast %get3A_59 : vector<1x128x128xf32> to vector<128x128xf32>
    %dot_general3A_61 = arith.constant dense<0.000000e+00> : vector<512x128xf32>
    %dot_general3A_62 = tpu.matmul %max3A_55, %get3A_60, %dot_general3A_61 {dimension_numbers = #tpu.dot_dimension_numbers<[1], [0], [0], [1], [0, 0, 1, 1], [], []>, transpose_lhs_hint = false} : vector<512x128xf32>, vector<128x128xf32>, vector<512x128xf32> -> vector<512x128xf32>
    %get3A_63 = arith.constant 3 : index
    %get3A_64 = arith.constant 0 : index
    %get3A_65 = vector.load %arg7[%get3A_63, %get3A_64] : memref<6x128xf32, #tpu.memory_space<vmem>>, vector<1x128xf32>
    %get3A_66 = vector.shape_cast %get3A_65 : vector<1x128xf32> to vector<128xf32>
    %broadcast_in_dim3A_67 = vector.shape_cast %get3A_66 : vector<128xf32> to vector<1x128xf32>
    %add3A_68 = vector.broadcast %broadcast_in_dim3A_67 : vector<1x128xf32> to vector<512x128xf32>
    %add3A_69 = arith.addf %dot_general3A_62, %add3A_68 : vector<512x128xf32>
    %max3A_70 = arith.constant 0.000000e+00 : f32
    %max3A_71 = vector.broadcast %max3A_70 : f32 to vector<512x128xf32>
    %max3A_72 = arith.maximumf %add3A_69, %max3A_71 : vector<512x128xf32>
    %get3A_73 = arith.constant 3 : index
    %get3A_74 = arith.constant 0 : index
    %get3A_75 = arith.constant 0 : index
    %get3A_76 = vector.load %arg5[%get3A_73, %get3A_74, %get3A_75] : memref<4x128x128xf32, #tpu.memory_space<vmem>>, vector<1x128x128xf32>
    %get3A_77 = vector.shape_cast %get3A_76 : vector<1x128x128xf32> to vector<128x128xf32>
    %dot_general3A_78 = arith.constant dense<0.000000e+00> : vector<512x128xf32>
    %dot_general3A_79 = tpu.matmul %max3A_72, %get3A_77, %dot_general3A_78 {dimension_numbers = #tpu.dot_dimension_numbers<[1], [0], [0], [1], [0, 0, 1, 1], [], []>, transpose_lhs_hint = false} : vector<512x128xf32>, vector<128x128xf32>, vector<512x128xf32> -> vector<512x128xf32>
    %get3A_80 = arith.constant 4 : index
    %get3A_81 = arith.constant 0 : index
    %get3A_82 = vector.load %arg7[%get3A_80, %get3A_81] : memref<6x128xf32, #tpu.memory_space<vmem>>, vector<1x128xf32>
    %get3A_83 = vector.shape_cast %get3A_82 : vector<1x128xf32> to vector<128xf32>
    %broadcast_in_dim3A_84 = vector.shape_cast %get3A_83 : vector<128xf32> to vector<1x128xf32>
    %add3A_85 = vector.broadcast %broadcast_in_dim3A_84 : vector<1x128xf32> to vector<512x128xf32>
    %add3A_86 = arith.addf %dot_general3A_79, %add3A_85 : vector<512x128xf32>
    %max3A_87 = arith.constant 0.000000e+00 : f32
    %max3A_88 = vector.broadcast %max3A_87 : f32 to vector<512x128xf32>
    %max3A_89 = arith.maximumf %add3A_86, %max3A_88 : vector<512x128xf32>
    %get3A_90 = arith.constant 0 : index
    %get3A_91 = arith.constant 0 : index
    %get3A_92 = vector.load %arg6[%get3A_90, %get3A_91] : memref<128x128xf32, #tpu.memory_space<vmem>>, vector<128x128xf32>
    %dot_general3A_93 = arith.constant dense<0.000000e+00> : vector<512x128xf32>
    %dot_general3A_94 = tpu.matmul %max3A_89, %get3A_92, %dot_general3A_93 {dimension_numbers = #tpu.dot_dimension_numbers<[1], [0], [0], [1], [0, 0, 1, 1], [], []>, transpose_lhs_hint = false} : vector<512x128xf32>, vector<128x128xf32>, vector<512x128xf32> -> vector<512x128xf32>
    %get3A_95 = arith.constant 5 : index
    %get3A_96 = arith.constant 0 : index
    %get3A_97 = vector.load %arg7[%get3A_95, %get3A_96] : memref<6x128xf32, #tpu.memory_space<vmem>>, vector<1x128xf32>
    %get3A_98 = vector.shape_cast %get3A_97 : vector<1x128xf32> to vector<128xf32>
    %broadcast_in_dim3A_99 = vector.shape_cast %get3A_98 : vector<128xf32> to vector<1x128xf32>
    %add3A_100 = vector.broadcast %broadcast_in_dim3A_99 : vector<1x128xf32> to vector<512x128xf32>
    %add3A_101 = arith.addf %dot_general3A_94, %add3A_100 : vector<512x128xf32>
    %max3A_102 = arith.constant 0.000000e+00 : f32
    %max3A_103 = vector.broadcast %max3A_102 : f32 to vector<512x128xf32>
    %max3A_104 = arith.maximumf %add3A_101, %max3A_103 : vector<512x128xf32>
    %roll3A = arith.constant 1 : i32
    %roll3A_105 = tpu.dynamic_rotate %max3A_104 by %roll3A dim 1 : vector<512x128xf32>, i32 -> vector<512x128xf32>
    %max3A_106 = arith.maximumf %max3A_104, %roll3A_105 : vector<512x128xf32>
    %roll3A_107 = arith.constant 2 : i32
    %roll3A_108 = tpu.dynamic_rotate %max3A_104 by %roll3A_107 dim 1 : vector<512x128xf32>, i32 -> vector<512x128xf32>
    %max3A_109 = arith.maximumf %max3A_106, %roll3A_108 : vector<512x128xf32>
    %roll3A_110 = arith.constant 126 : i32
    %roll3A_111 = tpu.dynamic_rotate %max3A_104 by %roll3A_110 dim 1 : vector<512x128xf32>, i32 -> vector<512x128xf32>
    %max3A_112 = arith.maximumf %max3A_109, %roll3A_111 : vector<512x128xf32>
    %roll3A_113 = arith.constant 127 : i32
    %roll3A_114 = tpu.dynamic_rotate %max3A_104 by %roll3A_113 dim 1 : vector<512x128xf32>, i32 -> vector<512x128xf32>
    %max3A_115 = arith.maximumf %max3A_112, %roll3A_114 : vector<512x128xf32>
    %iota3A = tpu.iota {dimensions = array<i32: 1>} : vector<512x128xi32>
    %jit3A = arith.constant 16 : i32
    %eq3A = arith.constant 0 : i32
    %eq3A_116 = arith.cmpi eq, %jit3A, %eq3A : i32
    %jit3A_117 = arith.constant 1 : i32
    %select_n3A = arith.select %eq3A_116, %jit3A_117, %jit3A : i32
    %rem3A = vector.broadcast %select_n3A : i32 to vector<512x128xi32>
    %rem3A_118 = arith.remsi %iota3A, %rem3A : vector<512x128xi32>
    %ne3A = arith.constant 0 : i32
    %ne3A_119 = vector.broadcast %ne3A : i32 to vector<512x128xi32>
    %ne3A_120 = arith.cmpi ne, %rem3A_118, %ne3A_119 : vector<512x128xi32>
    %lt3A = arith.constant 0 : i32
    %lt3A_121 = vector.broadcast %lt3A : i32 to vector<512x128xi32>
    %lt3A_122 = arith.cmpi slt, %rem3A_118, %lt3A_121 : vector<512x128xi32>
    %lt3A_123 = arith.constant 0 : i32
    %lt3A_124 = arith.cmpi slt, %select_n3A, %lt3A_123 : i32
    %ne3A_125 = vector.broadcast %lt3A_124 : i1 to vector<512x128xi1>
    %ne3A_126 = vector.broadcast %ne3A_125 : vector<512x128xi1> to vector<512x128xi1>
    %ne3A_127 = arith.xori %lt3A_122, %ne3A_126 : vector<512x128xi1>
    %and3A = arith.andi %ne3A_127, %ne3A_120 : vector<512x128xi1>
    %add3A_128 = vector.broadcast %select_n3A : i32 to vector<512x128xi32>
    %add3A_129 = arith.addi %rem3A_118, %add3A_128 : vector<512x128xi32>
    %select_n3A_130 = arith.select %and3A, %add3A_129, %rem3A_118 : vector<512x128xi1>, vector<512x128xi32>
    %lt3A_131 = arith.constant 3 : i32
    %lt3A_132 = vector.broadcast %lt3A_131 : i32 to vector<512x128xi32>
    %lt3A_133 = arith.cmpi slt, %select_n3A_130, %lt3A_132 : vector<512x128xi32>
    %sub3A = arith.subf %max3A_104, %max3A_115 : vector<512x128xf32>
    %exp3A = math.exp %sub3A : vector<512x128xf32>
    %jit3A_134 = arith.constant 0.000000e+00 : f32
    %broadcast_in_dim3A_135 = vector.broadcast %jit3A_134 : f32 to vector<512x128xf32>
    %select_n3A_136 = arith.select %lt3A_133, %exp3A, %broadcast_in_dim3A_135 : vector<512x128xi1>, vector<512x128xf32>
    %roll3A_137 = arith.constant 1 : i32
    %roll3A_138 = tpu.dynamic_rotate %select_n3A_136 by %roll3A_137 dim 1 : vector<512x128xf32>, i32 -> vector<512x128xf32>
    %add3A_139 = arith.addf %select_n3A_136, %roll3A_138 : vector<512x128xf32>
    %roll3A_140 = arith.constant 2 : i32
    %roll3A_141 = tpu.dynamic_rotate %select_n3A_136 by %roll3A_140 dim 1 : vector<512x128xf32>, i32 -> vector<512x128xf32>
    %add3A_142 = arith.addf %add3A_139, %roll3A_141 : vector<512x128xf32>
    %roll3A_143 = arith.constant 126 : i32
    %roll3A_144 = tpu.dynamic_rotate %select_n3A_136 by %roll3A_143 dim 1 : vector<512x128xf32>, i32 -> vector<512x128xf32>
    %add3A_145 = arith.addf %add3A_142, %roll3A_144 : vector<512x128xf32>
    %roll3A_146 = arith.constant 127 : i32
    %roll3A_147 = tpu.dynamic_rotate %select_n3A_136 by %roll3A_146 dim 1 : vector<512x128xf32>, i32 -> vector<512x128xf32>
    %add3A_148 = arith.addf %add3A_145, %roll3A_147 : vector<512x128xf32>
    %gt3A = arith.constant 0.000000e+00 : f32
    %gt3A_149 = vector.broadcast %gt3A : f32 to vector<512x128xf32>
    %gt3A_150 = arith.cmpf ogt, %add3A_148, %gt3A_149 : vector<512x128xf32>
    %jit3A_151 = arith.constant 1.000000e+00 : f32
    %broadcast_in_dim3A_152 = vector.broadcast %jit3A_151 : f32 to vector<512x128xf32>
    %select_n3A_153 = arith.select %gt3A_150, %add3A_148, %broadcast_in_dim3A_152 : vector<512x128xi1>, vector<512x128xf32>
    %div3A = arith.divf %select_n3A_136, %select_n3A_153 : vector<512x128xf32>
    %swap3A = arith.constant 0 : index
    %swap3A_154 = arith.constant 0 : index
    %swap3A_155 = vector.load %arg8[%swap3A, %swap3A_154] : memref<512x128xf32, #tpu.memory_space<vmem>>, vector<512x128xf32>
    tpu.vector_store %arg8[%swap3A, %swap3A_154], %div3A {strides = array<i32>} : memref<512x128xf32, #tpu.memory_space<vmem>>, vector<512x128xf32>,
    return
  }
  func.func @transform_0(%arg0: i32) -> (i32, i32) {
    %c0_i32 = arith.constant 0 : i32
    %c0_i32_0 = arith.constant 0 : i32
    return %arg0, %c0_i32 : i32, i32
  }
  func.func @transform_1(%arg0: i32) -> (i32, i32) {
    %c0_i32 = arith.constant 0 : i32
    %c0_i32_0 = arith.constant 0 : i32
    return %arg0, %c0_i32 : i32, i32
  }
  func.func @transform_2(%arg0: i32) -> (i32, i32) {
    %c0_i32 = arith.constant 0 : i32
    %c0_i32_0 = arith.constant 0 : i32
    %c0_i32_1 = arith.constant 0 : i32
    return %c0_i32, %c0_i32_0 : i32, i32
  }
  func.func @transform_3(%arg0: i32) -> (i32, i32) {
    %c0_i32 = arith.constant 0 : i32
    %c0_i32_0 = arith.constant 0 : i32
    %c0_i32_1 = arith.constant 0 : i32
    return %c0_i32, %c0_i32_0 : i32, i32
  }
  func.func @transform_4(%arg0: i32) -> (i32, i32, i32) {
    %c0_i32 = arith.constant 0 : i32
    %c0_i32_0 = arith.constant 0 : i32
    %c0_i32_1 = arith.constant 0 : i32
    %c0_i32_2 = arith.constant 0 : i32
    return %c0_i32, %c0_i32_0, %c0_i32_1 : i32, i32, i32
  }
  func.func @transform_5(%arg0: i32) -> (i32, i32) {
    %c0_i32 = arith.constant 0 : i32
    %c0_i32_0 = arith.constant 0 : i32
    %c0_i32_1 = arith.constant 0 : i32
    return %c0_i32, %c0_i32_0 : i32, i32
  }
  func.func @transform_6(%arg0: i32) -> (i32, i32) {
    %c0_i32 = arith.constant 0 : i32
    %c0_i32_0 = arith.constant 0 : i32
    %c0_i32_1 = arith.constant 0 : i32
    return %c0_i32, %c0_i32_0 : i32, i32
  }
  func.func @transform_7(%arg0: i32) -> (i32, i32) {
    %c0_i32 = arith.constant 0 : i32
    %c0_i32_0 = arith.constant 0 : i32
    return %arg0, %c0_i32 : i32, i32
  }
}

</mosaic_0001>

<sc_bundles>
// kernel: kernel.15.cloned.1.call-start
scs
__scs_entry_jumppad:
0x0: {  	(pc) =	sbr.rel $0x88, $3  }
0x1: {  	(tag) =	ssettag $0x0;
	lr =	simm.s32 $0x1  }
0x2: {  	[smem:$0x3F8D] =	sst lr;
	_ =	strace $0xD0000000  }
0x3: {  	_ = 	snop  }
0x4: {  	_ = 	snop  }
0x5: {  	_ = 	snop  }
0x6: {  	_ = 	snop  }
0x7: {  	_ = 	snop  }
__scs_overlays_trampoline_lowered:
0x8: {  	[smem:$0x3F9C] =	sst s0  }
0x9: {  	[smem:$0x3F9D] =	sst s1  }
0xa: {  	[smem:$0x3F9E] =	sst s2  }
0xb: {  	[smem:$0x3F9F] =	sst s3  }
0xc: {  	[smem:$0x3FA0] =	sst s4  }
0xd: {  	[smem:$0x3FA1] =	sst s5  }
0xe: {  	[smem:$0x3FA2] =	sst s6  }
0xf: {  	[smem:$0x3FA3] =	sst s7  }
0x10: {  	[smem:$0x3FA4] =	sst s8  }
0x11: {  	[smem:$0x3FA5] =	sst s9;
	s0 =	simm.s32 @!p0 $0x0  }
0x12: {  	s1 =	sld [smem:$0x3F8B];
	s0 =	simm.s32 @p0 $0x1  }
0x13: {  	[smem:$0x3FA6] =	sst s0;
	s0 =	simm.s32 @!p1 $0x0  }
0x14: {  	s2 =	sld [smem:$0x3F8A];
	s0 =	simm.s32 @p1 $0x1  }
0x15: {  	[smem:$0x3FA7] =	sst s0;
	s0 =	simm.s32 @!p2 $0x0  }
0x16: {  	s3 =	sld [smem:$0x3FDB];
	s0 =	simm.s32 @p2 $0x1  }
0x17: {  	s4 =	simm.s32 $0x1BF5;
	[smem:$0x3FA9] =	sst s0  }
0x18: {  	s0 =	sld [smem:$0x3F8C];
	_ =	swait.ge [sflag:s4], $0x0  }
0x19: {  	s7 =	sld [smem:$0x3F8D]  }
0x1a: {  	s8 =	sadd.s32 $0xFFFFE003, lr  }
0x1b: {  	s9 =	sadd.s32 $0xFFFFFEF7, lr;
	s5 =	simm.s32 $0xFFFFFFFF;
	p2 =	slt.u32 s8, $0xFFFFF086  }
0x1c: {  	p1 =	slt.u32 s9, $0xF7A;
	s5 =	simm.s32 @!p2 $0x0  }
0x1d: {  	s5 =	simm.s32 @p1 $0x1;
	p0 =	seq.s32 s7, s2  }
0x1e: {  	s7 =	smul.u32 @!p0 $0xF7A, s2;
	p2 =	seq.s32 @!p0 s5, $0x0  }
0x1f: {  	s9 =	smul.u32 $0xF7A, s1;
	s8 =	simm.s32 @!p0 $0x1BF5;
	p2 =	por !p2, p0  }
0x20: {  	[sflag:s8] =	ssyncset.s32 @!p0 $0xFFFFF086;
	s6 =	sadd.s32 @!p0 s3, s7;
	s7 =	simm.s32 @!p0 $0x108  }
0x21: {  	s3 =	sadd.s32 s3, s9;
	s6 =	sadd.s32 @!p0 $0x88, s6;
	s7 =	simm.s32 @p2 $0x1082  }
0x22: {  	[simem:s7], [sflag:s8] =	dma.local @!p0 [hbm:s6], $0xF7A  }
0x23: {  	s9 =	sor.u32 $0xD0000000, s2;
	s6 =	simm.s32 $0x108;
	_ =	swait.ge @!p0 [sflag:s8], $0x0  }
0x24: {  	s3 =	sadd.s32 $0x88, s3;
	s6 =	simm.s32 @!p1 $0x1082;
	[sflag:s4] =	ssyncset.s32 $0xFFFFF086  }
0x25: {  	[simem:s6], [sflag:s4] =	dma.local [hbm:s3], $0xF7A  }
0x26: {  	[smem:$0x3F8D] =	sst s1;
	(tag) =	ssettag s2;
	_ =	strace s9  }
0x27: {  	s1 =	sld [smem:$0x3F9D]  }
0x28: {  	s2 =	sld [smem:$0x3F9E]  }
0x29: {  	s4 =	sld [smem:$0x3FA0]  }
0x2a: {  	p0 =	seq.s32 s5, $0x0;
	s5 =	sld [smem:$0x3FA1]  }
0x2b: {  	s6 =	sld [smem:$0x3FA2]  }
0x2c: {  	s7 =	sld [smem:$0x3FA3]  }
0x2d: {  	s3 =	simm.s32 $0x108;
	s8 =	sld [smem:$0x3FA4]  }
0x2e: {  	s3 =	simm.s32 @!p0 $0x1082;
	s9 =	sld [smem:$0x3FA5]  }
0x2f: {  	lr =	sadd.s32 s0, s3;
	s0 =	sld [smem:$0x3F9C]  }
0x30: {  	s3 =	sld [smem:$0x3F9F]  }
0x31: {  	[smem:$0x3FA8] =	sst s10  }
0x32: {  	s10 =	sld [smem:$0x3FA6];
	_ =	sdelay $0x3  }
0x33: {  	p0 =	seq.s32 s10, $0x1;
	s10 =	sld [smem:$0x3FA8];
	_ =	sdelay $0x3  }
0x34: {  	[smem:$0x3FA8] =	sst s10  }
0x35: {  	s10 =	sld [smem:$0x3FA7];
	_ =	sdelay $0x3  }
0x36: {  	p1 =	seq.s32 s10, $0x1;
	s10 =	sld [smem:$0x3FA8];
	_ =	sdelay $0x3  }
0x37: {  	[smem:$0x3FA8] =	sst s10  }
0x38: {  	s10 =	sld [smem:$0x3FA9]  }
0x39: {  	_ = 	snop;
	(pc) =	sbr.ind lr, $3  }
0x3a: {  	_ = 	snop  }
0x3b: {  	_ = 	snop  }
0x3c: {  	p2 =	seq.s32 s10, $0x1;
	s10 =	sld [smem:$0x3FA8]  }
0x3d: {  	_ =	shalt  }
0x3e: {  	_ =	shalt  }
0x3f: {  	_ =	shalt  }
0x40: {  	_ =	shalt  }
0x41: {  	_ =	shalt  }
0x42: {  	_ =	shalt  }
0x43: {  	_ =	shalt  }
0x44: {  	_ =	shalt  }
0x45: {  	_ =	shalt  }
0x46: {  	_ =	shalt  }
0x47: {  	_ =	shalt  }
0x48: {  	_ =	shalt  }
0x49: {  	_ =	shalt  }
0x4a: {  	_ =	shalt  }
0x4b: {  	_ =	shalt  }
0x4c: {  	_ =	shalt  }
0x4d: {  	_ =	shalt  }
0x4e: {  	_ =	shalt  }
0x4f: {  	_ =	shalt  }
0x50: {  	_ =	shalt  }
0x51: {  	_ =	shalt  }
0x52: {  	_ =	shalt  }
0x53: {  	_ =	shalt  }
0x54: {  	_ =	shalt  }
0x55: {  	_ =	shalt  }
0x56: {  	_ =	shalt  }
0x57: {  	_ =	shalt  }
0x58: {  	_ =	shalt  }
0x59: {  	_ =	shalt  }
0x5a: {  	_ =	shalt  }
0x5b: {  	_ =	shalt  }
0x5c: {  	_ =	shalt  }
0x5d: {  	_ =	shalt  }
0x5e: {  	_ =	shalt  }
0x5f: {  	_ =	shalt  }
0x60: {  	_ =	shalt  }
0x61: {  	_ =	shalt  }
0x62: {  	_ =	shalt  }
0x63: {  	_ =	shalt  }
0x64: {  	_ =	shalt  }
0x65: {  	_ =	shalt  }
0x66: {  	_ =	shalt  }
0x67: {  	_ =	shalt  }
0x68: {  	_ =	shalt  }
0x69: {  	_ =	shalt  }
0x6a: {  	_ =	shalt  }
0x6b: {  	_ =	shalt  }
0x6c: {  	_ =	shalt  }
0x6d: {  	_ =	shalt  }
0x6e: {  	_ =	shalt  }
0x6f: {  	_ =	shalt  }
0x70: {  	_ =	shalt  }
0x71: {  	_ =	shalt  }
0x72: {  	_ =	shalt  }
0x73: {  	_ =	shalt  }
0x74: {  	_ =	shalt  }
0x75: {  	_ =	shalt  }
0x76: {  	_ =	shalt  }
0x77: {  	_ =	shalt  }
0x78: {  	_ =	shalt  }
0x79: {  	_ =	shalt  }
0x7a: {  	_ =	shalt  }
0x7b: {  	_ =	shalt  }
0x7c: {  	_ =	shalt  }
0x7d: {  	_ =	shalt  }
0x7e: {  	_ =	shalt  }
0x7f: {  	_ =	shalt  }
0x80: {  	_ =	shalt  }
0x81: {  	_ =	shalt  }
0x82: {  	_ =	shalt  }
0x83: {  	_ =	shalt  }
0x84: {  	_ =	shalt  }
0x85: {  	_ =	shalt  }
0x86: {  	_ =	shalt  }
0x87: {  	_ =	shalt  }
.Lfunc_end0:
.L_simem_size_0:
called_computation_lowered:
.L_overlay_start_0:
0x88: {  	s2 =	sld [smem:$0x3FD9]  }
0x89: {  	s3 =	sld [smem:$0x3FFE];
	_ =	sdelay $0x1  }
0x8a: {  	s1 =	srdreg.scid  }
0x8b: {  	s0 =	sand.u32 $0x1, s1  }
0x8c: {  	s17 =	sshll.u32 s0, $0xA;
	s2 =	sadd.s32 s3, s2  }
0x8d: {  	s2 =	sadd.s32 s2, s17  }
0x8e: {  	[smem:$0x3FB4] =	sst s2  }
0x8f: {  	_ = 	snop  }
0x90: {  	s2 =	sld [smem:$0x3FD0];
	(tm) =	ssettm $0x1  }
0x91: {  	s18 =	sld [smem:$0x3FFB];
	_ =	sdelay $0x3  }
0x92: {  	_ =	strace s18  }
0x93: {  	s3 =	sld [smem:$0x3FFC];
	_ =	sdelay $0x3  }
0x94: {  	_ =	strace s3  }
0x95: {  	s3 =	sld [smem:$0x3FFD];
	_ =	sdelay $0x3  }
0x96: {  	_ =	strace s3  }
0x97: {  	_ =	strace $0x8FFFFFFF  }
0x98: {  	s19 =	sld [smem:$0x3FDB];
	_ =	sdelay $0x1  }
0x99: {  	s4 =	simm.s32 $_scs_section_size  }
0x9a: {  	s5 =	simm.s32 $_size__tile_overlayer_lowered;
	s6 =	simm.s32 $_tile_overlayer_lowered  }
0x9b: {  	s22 =	simm.s32 $0x1BFF;
	s21 =	sshll.u32 s6, $0x1;
	s3 =	sadd.s32 s4, s19  }
0x9c: {  	s7 =	simm.s32 $0x0;
	s20 =	sshll.u32 s5, $0x1;
	s5 =	sadd.s32 s21, s3  }
0x9d: {  	[timem:s7], [sflag:s22] =	dma.local [hbm:s5], s20  }
0x9e: {  	_ =	swait.ge [sflag:s22], s20  }
0x9f: {  	s4 =	ssub.s32 $0x0, s20;
	[sflag:s22] =	ssyncset.done $0x0  }
0xa0: {  	[sflag:s22] =	ssyncadd.s32 s4;
	_ =	sdelay $0x1  }
0xa1: {  	s23 =	simm.s32 $0x1B8B  }
0xa2: {  	_ =	swait.ge [sflag:s23], $0x1  }
0xa3: {  	[sflag:s23] =	ssyncset.done $0x0  }
0xa4: {  	s25 =	simm.s32 $0x1B8E;
	s24 =	sld [smem:$0x3FFE];
	[sflag:s23] =	ssyncadd.s32 $0xFFFFFFFF  }
0xa5: {  	s26 =	simm.s32 $execute0_lowered;
	[smem:$0x3FD2] =	sst s25  }
0xa6: {  	s5 =	sshll.u32 s26, $0x1;
	_ =	strace $0x80000046;
	[dreg:$0x1] =	wrdreg $0xFFFFFFFF  }
0xa7: {  	s28 =	simm.s32 $_size_execute0_lowered;
	s3 =	sadd.s32 s3, s5;
	[dreg:$0x0] =	wrdreg $0x0  }
0xa8: {  	s5 =	sshll.u32 s28, $0x1;
	[dreg:$0x2] =	wrdreg s3  }
0xa9: {  	[dreg:$0x3] =	wrdreg s5  }
0xaa: {  	[dreg:$0x4] =	wrdreg $0xC0  }
0xab: {  	_ =	task [dreg:s7], $0x5FFFF  }
0xac: {  	[dreg:$0x1] =	wrdreg $0xFFFFFFFF  }
0xad: {  	[dreg:$0x0] =	wrdreg $0x60  }
0xae: {  	[dreg:$0x2] =	wrdreg s24  }
0xaf: {  	[dreg:$0x3] =	wrdreg s2  }
0xb0: {  	[dreg:$0x4] =	wrdreg $0x2C000  }
0xb1: {  	[dreg:$0x5] =	wrdreg $0x9  }
0xb2: {  	_ =	task.clear_ibuf [dreg:s7], $0x6FFFF;
	_ =	strace $0x90000046  }
0xb3: {  	s29 =	simm.s32 $0x9;
	_ =	strace $0x80000048  }
0xb4: {  	_ =	swait.ge [sflag:s29], $0x1  }
0xb5: {  	[sflag:s29] =	ssyncadd.s32 $0xFFFFFFFF  }
0xb6: {  	_ =	strace $0x90000048  }
0xb7: {  	_ =	sfence  }
0xb8: {  	s30 =	sld [smem:$0x0];
	_ =	sdelay $0x2  }
0xb9: {  	s31 =	sshll.u32 s1, $0xD;
	s1 =	sshrl.u32 s1, $0x2  }
0xba: {  	s3 =	sand.u32 $0x4000, s31;
	s1 =	sadd.s32 s1, s30  }
0xbb: {  	s0 =	sor.u32 s3, s0;
	s1 =	sshll.u32 s1, $0x11  }
0xbc: {  	s0 =	sor.u32 s1, s0  }
0xbd: {  	s0 =	sadd.s32 $0x8F2B, s0  }
0xbe: {  	[sflag:s0] =	ssyncadd.remote.s32 $0x1  }
0xbf: {  	_ =	sfence.sel $0xFFFF  }
0xc0: {  	[dreg:$0x0] =	wrdreg $0xFFFFFFFF;
	(pc) =	sbr.abs _section_cstart, $3  }
0xc1: {  	[dreg:$0x1] =	wrdreg $0xFFFFFFFF  }
0xc2: {  	_ =	task.clear_ibuf [dreg:s7], $0x2FFFF;
	_ =	strace $0x9FFFFFFF  }
0xc3: {  	(tm) =	ssettm $0x7FFFFFFF  }
tec
execute0_lowered:
.L_overlay_start_1:
0x0: {  	(tag) =	ssettag $0x1  }
0x1: {  	s0 =	srdreg.scid;
	s4 =	rddreg [dreg:$0x0]  }
0x2: {  	s6 =	rddreg [dreg:$0x1];
	s5 =	sand.u32 $0x1, s0;
	s0 =	stileid.u32  }
0x3: {  	s2 =	rddreg [dreg:$0x2];
	s3 =	simm.s32 $0x0;
	s8 =	smul.u32 $0x62000, s0  }
0x4: {  	s14 =	simm.s32 $0x1;
	s15 =	simm.s32 $0x2;
	s9 =	smul.u32 $0x188000, s5  }
0x5: {  	s17 =	simm.s32 $0x0;
	[smem:$0x7FF] =	sst s3;
	s11 =	smul.u32 $0x18800, s0  }
0x6: {  	s12 =	sadd.s32 $0x7200, s4;
	s1 =	sshll.u32 s5, $0x4;
	s13 =	smul.u32 $0xC8000, s5  }
0x7: {  	s10 =	ssub.s32 $0x2, s5;
	s28 =	smul.u32 $0xC800, s0;
	s7 =	sor.u32 s0, s1  }
0x8: {  	s1 =	rddreg [dreg:$0x3];
	_ =	strace $0x80000047;
	s24 =	sshrl.u32 s10, $0x1  }
0x9: {  	s7 =	smul.u32 $0xC800, s7;
	s25 =	sshrl.u32 s8, $0x2;
	s26 =	sadd.s32 s11, s9  }
0xa: {  	s10 =	ssub.s32 s10, s24;
	s31 =	sadd.s32 s28, s13;
	s16 =	sadd.s32 s11, s2  }
0xb: {  	s11 =	simm.s32 $0x3;
	s13 =	simm.s32 $0x400;
	s4 =	sadd.s32 s25, s2  }
0xc: {  	s29 =	sshrl.u32 s26, $0x3;
	s9 =	sor.u32 $0x400, s31;
	s16 =	sshrl.u32 s16, $0x3  }
0xd: {  	s5 =	sadd.s32 s6, s29;
	s30 =	sshrl.u32 s7, $0x3;
	s7 =	smax.u32 s10, $0x1  }
0xe: {  	s9 =	sshrl.u32 s9, $0x3;
	s10 =	simm.s32 $0x2400;
	s6 =	sadd.s32 s12, s30  }
0xf: {  	v0 =	vimm.f32 $0.0e+00;
	v1 =	vimm.f32 $1.000000000e+00;
	s9 =	sadd.s32 s9, s12;
	s12 =	simm.s32 $0x200;
	s8 =	sadd.s32 $0x40, s6  }
.LBB2_1:
0x10: {  	s18 =	simm.s32 $0x40;
	s19 =	simm.s32 $0x0  }
.LBB2_2:
0x11: {  	p0 =	sne.s32 s18, $0x1FC0;
	[tilespmem:s19+$0x2400] =	vst v0;
	s19 =	smov.u32 s18;
	s18 =	sadd.s32 $0x40, s18  }
.Ltmp0:
0x12: {  	(pc) =	sbr.rel @p0 .LBB2_2-.Ltmp0, $2  }
0x13: {  	_ =	sdelay $0x2  }
0x14: {  	s19 =	sshra.s32 s19, $0x2  }
0x15: {  	[tilespmem:s19+$0x2400] =	vst v0;
	s18 =	sadd.s32 $0x0, s4  }
0x16: {  	[spmem:s18] =	stream.linear.scatter [tilespmem:s10], [sflag:$0x3], $0x800, $0x38;
	[tilespmem:$0x1B400] =	vst v63  }
0x17: {  	s18 =	simm.s32 $0x2000;
	_ =	swait.ge [sflag:s11], $0x800  }
.LBB2_4:
0x18: {  	s19 =	sshra.s32 s18, $0x2;
	[sflag:s11] =	ssyncset.done $0x0;
	p0 =	sne.s32 s18, $0x60000  }
.Ltmp1:
0x19: {  	s19 =	sadd.s32 s19, s4;
	[sflag:s11] =	ssyncadd.s32 $0xFFFFF800;
	(pc) =	sbr.rel @p0 .LBB2_4-.Ltmp1, $3  }
0x1a: {  	[spmem:s19] =	stream.linear.scatter [tilespmem:s10], [sflag:$0x3], $0x800, $0x38;
	[tilespmem:$0x1B400] =	vst v63  }
0x1b: {  	s18 =	sadd.s32 $0x2000, s18;
	_ =	sdelay $0x1  }
0x1c: {  	_ =	swait.ge [sflag:s11], $0x800  }
0x1d: {  	[sflag:s11] =	ssyncset.done $0x0  }
0x1e: {  	s18 =	simm.s32 $0x40;
	s19 =	simm.s32 $0x0;
	[sflag:s11] =	ssyncadd.s32 $0xFFFFF800  }
.LBB2_6:
0x1f: {  	p0 =	sne.s32 s18, $0x7FC0;
	[tilespmem:s19+$0x400] =	vst v1;
	s19 =	smov.u32 s18;
	s18 =	sadd.s32 $0x40, s18  }
.Ltmp2:
0x20: {  	(pc) =	sbr.rel @p0 .LBB2_6-.Ltmp2, $2  }
0x21: {  	_ =	sdelay $0x2  }
0x22: {  	s19 =	sshra.s32 s19, $0x2  }
0x23: {  	[tilespmem:s19+$0x400] =	vst v1  }
0x24: {  	[bflag:$0x0] =	sbarrier.arrive $0xFFFF  }
0x25: {  	[tilespmem:s3], [sflag:$0x3] =	stream.linear.gather [hbm4b:s6+s3], $0x200, $0x38;
	[tilespmem:$0x1B400] =	vst v63  }
0x26: {  	_ =	swait.ge [sflag:s11], $0x200  }
0x27: {  	[sflag:s11] =	ssyncset.done $0x0  }
0x28: {  	[sflag:s11] =	ssyncadd.s32 $0xFFFFFE00  }
0x29: {  	[spmem:s2] =	stream.indirect.scatter.add.f32 [tilespmem:s13], [sflag:$0x1], $0x10, s3, s12, $0xb8;
	[tilespmem:$0x1B400] =	vst v63  }
0x2a: {  	s18 =	simm.s32 $0x2  }
0x2b: {  	[tilespmem:s12], [sflag:$0x3] =	stream.linear.gather [hbm4b:s8+s3], $0x200, $0x38;
	[tilespmem:$0x1B400] =	vst v63  }
0x2c: {  	s18 =	sand.u32 $0x1, s18;
	_ =	swait.ge [sflag:s11], $0x200  }
0x2d: {  	p0 =	seq.s32 s18, $0x1;
	[sflag:s11] =	ssyncset.done $0x0  }
0x2e: {  	s18 =	simm.s32 @p0 $0x2;
	[sflag:s11] =	ssyncadd.s32 $0xFFFFFE00  }
0x2f: {  	[spmem:s2] =	stream.indirect.scatter.add.f32 [tilespmem:s13], [sflag:$0x2], $0x10, s12, s12, $0xb8;
	[tilespmem:$0x1B400] =	vst v63  }
0x30: {  	_ =	swait.ge @p0 [sflag:s18], $0x2000;
	p0 =	por p0, p0  }
0x31: {  	[sflag:s18] =	ssyncset.done @p0 $0x0;
	s19 =	simm.s32 @p0 $0x3  }
0x32: {  	s20 =	simm.s32 @p0 $0x200;
	[sflag:s18] =	ssyncadd.s32 @p0 $0xFFFFE000;
	s18 =	simm.s32 @p0 $0x0  }
0x33: {  	[tilespmem:s20], [sflag:$0x3] =	stream.linear.gather @p0 [hbm4b:s9+s18], $0x200, $0x38;
	[tilespmem:$0x1B400] =	vst v63  }
0x34: {  	_ =	swait.ge @p0 [sflag:s19], $0x200  }
0x35: {  	s22 =	simm.s32 $0x3;
	[sflag:s19] =	ssyncset.done @p0 $0x0  }
0x36: {  	s21 =	simm.s32 @!p0 $0x1;
	s18 =	simm.s32 @p0 $0x400;
	[sflag:s19] =	ssyncadd.s32 @p0 $0xFFFFFE00  }
0x37: {  	[spmem:s2] =	stream.indirect.scatter.add.f32 @p0 [tilespmem:s18], [sflag:$0x2], $0x10, s20, s20, $0xb8;
	[tilespmem:$0x1B400] =	vst v63  }
0x38: {  	s23 =	sand.u32 $0x1, s22;
	_ =	swait.ge @!p0 [sflag:s21], $0x2000  }
0x39: {  	p2 =	seq.s32 s23, $0x1;
	[sflag:s21] =	ssyncset.done @!p0 $0x0  }
0x3a: {  	s20 =	simm.s32 @!p0 $0x0;
	[sflag:s21] =	ssyncadd.s32 @!p0 $0xFFFFE000;
	s21 =	simm.s32 @!p0 $0x3  }
0x3b: {  	[tilespmem:s20], [sflag:$0x3] =	stream.linear.gather @!p0 [hbm4b:s9+s20], $0x200, $0x38;
	[tilespmem:$0x1B400] =	vst v63  }
0x3c: {  	s22 =	simm.s32 @!p0 $0x400;
	s23 =	simm.s32 @!p0 $0x200;
	_ =	swait.ge @!p0 [sflag:s21], $0x200  }
0x3d: {  	s19 =	simm.s32 $0x4;
	s18 =	sadd.s32 $0x40, s9;
	[sflag:s21] =	ssyncset.done @!p0 $0x0  }
.LBB2_8:
0x3e: {  	s24 =	simm.s32 @p2 $0x2;
	[sflag:s21] =	ssyncadd.s32 @!p0 $0xFFFFFE00  }
0x3f: {  	s25 =	smov.u32 s19;
	s19 =	sadd.s32 $0x1, s19;
	s26 =	smov.u32 s18  }
0x40: {  	[spmem:s2] =	stream.indirect.scatter.add.f32 @!p0 [tilespmem:s22], [sflag:$0x1], $0x10, s20, s23, $0xb8;
	[tilespmem:$0x1B400] =	vst v63  }
0x41: {  	p1 =	sne.s32 s19, $0x64;
	p0 =	por p2, p2;
	_ =	swait.ge @p2 [sflag:s24], $0x2000  }
0x42: {  	s20 =	simm.s32 @p0 $0x3;
	[sflag:s24] =	ssyncset.done @p0 $0x0  }
0x43: {  	s21 =	simm.s32 @p0 $0x0;
	s22 =	simm.s32 @p0 $0x200;
	[sflag:s24] =	ssyncadd.s32 @p0 $0xFFFFE000  }
0x44: {  	[tilespmem:s22], [sflag:$0x3] =	stream.linear.gather @p0 [hbm4b:s18+s21], $0x200, $0x38;
	[tilespmem:$0x1B400] =	vst v63  }
0x45: {  	_ =	swait.ge @p0 [sflag:s20], $0x200  }
0x46: {  	[sflag:s20] =	ssyncset.done @p0 $0x0  }
0x47: {  	s21 =	simm.s32 @!p0 $0x1;
	[sflag:s20] =	ssyncadd.s32 @p0 $0xFFFFFE00;
	s20 =	simm.s32 @p0 $0x400  }
0x48: {  	[spmem:s2] =	stream.indirect.scatter.add.f32 @p0 [tilespmem:s20], [sflag:$0x2], $0x10, s22, s22, $0xb8;
	[tilespmem:$0x1B400] =	vst v63  }
0x49: {  	_ =	swait.ge @!p0 [sflag:s21], $0x2000  }
.Ltmp3:
0x4a: {  	s18 =	sadd.s32 $0x40, s18;
	[sflag:s21] =	ssyncset.done @!p0 $0x0;
	(pc) =	sbr.rel @p1 .LBB2_8-.Ltmp3, $4  }
0x4b: {  	s20 =	simm.s32 @!p0 $0x0;
	[sflag:s21] =	ssyncadd.s32 @!p0 $0xFFFFE000;
	s21 =	simm.s32 @!p0 $0x3  }
0x4c: {  	[tilespmem:s20], [sflag:$0x3] =	stream.linear.gather @!p0 [hbm4b:s26+s20], $0x200, $0x38;
	[tilespmem:$0x1B400] =	vst v63  }
0x4d: {  	s23 =	sand.u32 $0x1, s25;
	s22 =	simm.s32 @!p0 $0x400;
	_ =	swait.ge @!p0 [sflag:s21], $0x200  }
0x4e: {  	p2 =	seq.s32 s23, $0x1;
	s23 =	simm.s32 @!p0 $0x200;
	[sflag:s21] =	ssyncset.done @!p0 $0x0  }
0x4f: {  	s19 =	simm.s32 @p2 $0x2;
	[sflag:s21] =	ssyncadd.s32 @!p0 $0xFFFFFE00  }
0x50: {  	[spmem:s2] =	stream.indirect.scatter.add.f32 @!p0 [tilespmem:s22], [sflag:$0x1], $0x10, s20, s23, $0xb8;
	[tilespmem:$0x1B400] =	vst v63  }
0x51: {  	p0 =	por p2, p2;
	_ =	swait.ge @p2 [sflag:s19], $0x2000  }
0x52: {  	s20 =	simm.s32 @p0 $0x3;
	[sflag:s19] =	ssyncset.done @p0 $0x0  }
0x53: {  	s21 =	simm.s32 @p0 $0x200;
	[sflag:s19] =	ssyncadd.s32 @p0 $0xFFFFE000;
	s19 =	simm.s32 @p0 $0x0  }
0x54: {  	[tilespmem:s21], [sflag:$0x3] =	stream.linear.gather @p0 [hbm4b:s18+s19], $0x200, $0x38;
	[tilespmem:$0x1B400] =	vst v63  }
0x55: {  	_ =	swait.ge @p0 [sflag:s20], $0x200  }
0x56: {  	[sflag:s20] =	ssyncset.done @p0 $0x0  }
0x57: {  	s19 =	simm.s32 @p0 $0x400;
	[sflag:s20] =	ssyncadd.s32 @p0 $0xFFFFFE00;
	s20 =	simm.s32 @!p0 $0x1  }
0x58: {  	[spmem:s2] =	stream.indirect.scatter.add.f32 @p0 [tilespmem:s19], [sflag:$0x2], $0x10, s21, s21, $0xb8;
	[tilespmem:$0x1B400] =	vst v63  }
0x59: {  	_ =	swait.ge @!p0 [sflag:s20], $0x2000  }
0x5a: {  	[sflag:s20] =	ssyncset.done @!p0 $0x0  }
0x5b: {  	s19 =	simm.s32 @!p0 $0x0;
	[sflag:s20] =	ssyncadd.s32 @!p0 $0xFFFFE000;
	s20 =	simm.s32 @!p0 $0x3  }
0x5c: {  	[tilespmem:s19], [sflag:$0x3] =	stream.linear.gather @!p0 [hbm4b:s18+s19], $0x200, $0x38;
	[tilespmem:$0x1B400] =	vst v63  }
0x5d: {  	_ =	swait.ge @!p0 [sflag:s20], $0x200  }
0x5e: {  	[sflag:s20] =	ssyncset.done @!p0 $0x0  }
0x5f: {  	s21 =	simm.s32 @!p0 $0x200;
	s18 =	simm.s32 @!p0 $0x400;
	[sflag:s20] =	ssyncadd.s32 @!p0 $0xFFFFFE00  }
0x60: {  	[spmem:s2] =	stream.indirect.scatter.add.f32 @!p0 [tilespmem:s18], [sflag:$0x1], $0x10, s19, s21, $0xb8;
	[tilespmem:$0x1B400] =	vst v63  }
0x61: {  	_ =	swait.ge [sflag:s14], $0x2000  }
0x62: {  	[sflag:s14] =	ssyncset.done $0x0  }
0x63: {  	[sflag:s14] =	ssyncadd.s32 $0xFFFFE000  }
0x64: {  	_ =	swait.ge [sflag:s15], $0x2000  }
0x65: {  	s17 =	sadd.s32 $0x1, s17;
	[sflag:s15] =	ssyncset.done $0x0  }
0x66: {  	s31 =	sshll.u32 s0, $0x6;
	p0 =	sne.s32 s17, s7;
	[sflag:s15] =	ssyncadd.s32 $0xFFFFE000  }
.Ltmp4:
0x67: {  	s18 =	sor.u32 $0x1C03, s31;
	[bflag:$0x0] =	sbarrier.arrive $0xFFFF;
	(pc) =	sbr.rel @p0 .LBB2_1-.Ltmp4, $4  }
0x68: {  	[hbm:s5], [sflag:s18] =	dma.local [spmem:s16], $0x3100  }
0x69: {  	_ =	swait.ge [sflag:s11], $0x3100  }
0x6a: {  	[sflag:s11] =	ssyncset.done $0x0  }
0x6b: {  	[sflag:s11] =	ssyncadd.s32 $0xFFFFCF00  }
0x6c: {  	_ =	sfence.sel $0x180000  }
0x6d: {  	[bflag:$0x0] =	sbarrier.arrive $0xFFFF  }
0x6e: {  	p0 =	sne.s32 s0, $0x0;
	_ =	strace $0x90000047  }
0x6f: {  	s0 =	sadd.s32 @!p0 $0x100000, s1;
	[bflag:$0x2] =	sbarrier.arrive $0xFFFF  }
0x70: {  	[sflag:s0] =	ssyncadd.tile.s32 @!p0 $0x1;
	_ =	shalt  }
.Lfunc_end2:
_tile_overlayer_lowered:
.L_overlay_start_2:
0x71: {  	(tag) =	ssettag $0x2  }
0x72: {  	s0 =	rddreg [dreg:$0x0];
	s2 =	stileid.u32  }
0x73: {  	s1 =	rddreg [dreg:$0x1];
	p0 =	sne.s32 s2, $0x0  }
0x74: {  	s3 =	rddreg [dreg:$0x2];
	[bflag:$0x3] =	sbarrier.arrive $0xFFFF;
	s2 =	simm.s32 @!p0 $0x1C03  }
0x75: {  	[timem:s3], [sflag:s2] =	dma.local @!p0 [hbm:s0], s1  }
0x76: {  	s0 =	simm.s32 @!p0 $0x3  }
0x77: {  	_ =	swait.ge @!p0 [sflag:s0], s1  }
0x78: {  	s1 =	ssub.s32 @!p0 $0x0, s1;
	[sflag:s0] =	ssyncset.done @!p0 $0x0  }
0x79: {  	[sflag:s0] =	ssyncadd.s32 @!p0 s1  }
0x7a: {  	[bflag:$0x3] =	sbarrier.arrive $0xFFFF  }
0x7b: {  	_ =	shalt  }

// kernel: kernel.18.cloned.1.call-start
scs
__scs_entry_jumppad:
0x0: {  	(pc) =	sbr.rel $0x88, $3  }
0x1: {  	(tag) =	ssettag $0x0;
	lr =	simm.s32 $0x1  }
0x2: {  	[smem:$0x3F8D] =	sst lr;
	_ =	strace $0xD0000000  }
0x3: {  	_ = 	snop  }
0x4: {  	_ = 	snop  }
0x5: {  	_ = 	snop  }
0x6: {  	_ = 	snop  }
0x7: {  	_ = 	snop  }
__scs_overlays_trampoline_lowered:
0x8: {  	[smem:$0x3F9C] =	sst s0  }
0x9: {  	[smem:$0x3F9D] =	sst s1  }
0xa: {  	[smem:$0x3F9E] =	sst s2  }
0xb: {  	[smem:$0x3F9F] =	sst s3  }
0xc: {  	[smem:$0x3FA0] =	sst s4  }
0xd: {  	[smem:$0x3FA1] =	sst s5  }
0xe: {  	[smem:$0x3FA2] =	sst s6  }
0xf: {  	[smem:$0x3FA3] =	sst s7  }
0x10: {  	[smem:$0x3FA4] =	sst s8  }
0x11: {  	[smem:$0x3FA5] =	sst s9;
	s0 =	simm.s32 @!p0 $0x0  }
0x12: {  	s1 =	sld [smem:$0x3F8B];
	s0 =	simm.s32 @p0 $0x1  }
0x13: {  	[smem:$0x3FA6] =	sst s0;
	s0 =	simm.s32 @!p1 $0x0  }
0x14: {  	s2 =	sld [smem:$0x3F8A];
	s0 =	simm.s32 @p1 $0x1  }
0x15: {  	[smem:$0x3FA7] =	sst s0;
	s0 =	simm.s32 @!p2 $0x0  }
0x16: {  	s3 =	sld [smem:$0x3FDB];
	s0 =	simm.s32 @p2 $0x1  }
0x17: {  	s4 =	simm.s32 $0x1BF5;
	[smem:$0x3FA9] =	sst s0  }
0x18: {  	s0 =	sld [smem:$0x3F8C];
	_ =	swait.ge [sflag:s4], $0x0  }
0x19: {  	s7 =	sld [smem:$0x3F8D]  }
0x1a: {  	s8 =	sadd.s32 $0xFFFFE003, lr  }
0x1b: {  	s9 =	sadd.s32 $0xFFFFFEF7, lr;
	s5 =	simm.s32 $0xFFFFFFFF;
	p2 =	slt.u32 s8, $0xFFFFF086  }
0x1c: {  	p1 =	slt.u32 s9, $0xF7A;
	s5 =	simm.s32 @!p2 $0x0  }
0x1d: {  	s5 =	simm.s32 @p1 $0x1;
	p0 =	seq.s32 s7, s2  }
0x1e: {  	s7 =	smul.u32 @!p0 $0xF7A, s2;
	p2 =	seq.s32 @!p0 s5, $0x0  }
0x1f: {  	s9 =	smul.u32 $0xF7A, s1;
	s8 =	simm.s32 @!p0 $0x1BF5;
	p2 =	por !p2, p0  }
0x20: {  	[sflag:s8] =	ssyncset.s32 @!p0 $0xFFFFF086;
	s6 =	sadd.s32 @!p0 s3, s7;
	s7 =	simm.s32 @!p0 $0x108  }
0x21: {  	s3 =	sadd.s32 s3, s9;
	s6 =	sadd.s32 @!p0 $0x88, s6;
	s7 =	simm.s32 @p2 $0x1082  }
0x22: {  	[simem:s7], [sflag:s8] =	dma.local @!p0 [hbm:s6], $0xF7A  }
0x23: {  	s9 =	sor.u32 $0xD0000000, s2;
	s6 =	simm.s32 $0x108;
	_ =	swait.ge @!p0 [sflag:s8], $0x0  }
0x24: {  	s3 =	sadd.s32 $0x88, s3;
	s6 =	simm.s32 @!p1 $0x1082;
	[sflag:s4] =	ssyncset.s32 $0xFFFFF086  }
0x25: {  	[simem:s6], [sflag:s4] =	dma.local [hbm:s3], $0xF7A  }
0x26: {  	[smem:$0x3F8D] =	sst s1;
	(tag) =	ssettag s2;
	_ =	strace s9  }
0x27: {  	s1 =	sld [smem:$0x3F9D]  }
0x28: {  	s2 =	sld [smem:$0x3F9E]  }
0x29: {  	s4 =	sld [smem:$0x3FA0]  }
0x2a: {  	p0 =	seq.s32 s5, $0x0;
	s5 =	sld [smem:$0x3FA1]  }
0x2b: {  	s6 =	sld [smem:$0x3FA2]  }
0x2c: {  	s7 =	sld [smem:$0x3FA3]  }
0x2d: {  	s3 =	simm.s32 $0x108;
	s8 =	sld [smem:$0x3FA4]  }
0x2e: {  	s3 =	simm.s32 @!p0 $0x1082;
	s9 =	sld [smem:$0x3FA5]  }
0x2f: {  	lr =	sadd.s32 s0, s3;
	s0 =	sld [smem:$0x3F9C]  }
0x30: {  	s3 =	sld [smem:$0x3F9F]  }
0x31: {  	[smem:$0x3FA8] =	sst s10  }
0x32: {  	s10 =	sld [smem:$0x3FA6];
	_ =	sdelay $0x3  }
0x33: {  	p0 =	seq.s32 s10, $0x1;
	s10 =	sld [smem:$0x3FA8];
	_ =	sdelay $0x3  }
0x34: {  	[smem:$0x3FA8] =	sst s10  }
0x35: {  	s10 =	sld [smem:$0x3FA7];
	_ =	sdelay $0x3  }
0x36: {  	p1 =	seq.s32 s10, $0x1;
	s10 =	sld [smem:$0x3FA8];
	_ =	sdelay $0x3  }
0x37: {  	[smem:$0x3FA8] =	sst s10  }
0x38: {  	s10 =	sld [smem:$0x3FA9]  }
0x39: {  	_ = 	snop;
	(pc) =	sbr.ind lr, $3  }
0x3a: {  	_ = 	snop  }
0x3b: {  	_ = 	snop  }
0x3c: {  	p2 =	seq.s32 s10, $0x1;
	s10 =	sld [smem:$0x3FA8]  }
0x3d: {  	_ =	shalt  }
0x3e: {  	_ =	shalt  }
0x3f: {  	_ =	shalt  }
0x40: {  	_ =	shalt  }
0x41: {  	_ =	shalt  }
0x42: {  	_ =	shalt  }
0x43: {  	_ =	shalt  }
0x44: {  	_ =	shalt  }
0x45: {  	_ =	shalt  }
0x46: {  	_ =	shalt  }
0x47: {  	_ =	shalt  }
0x48: {  	_ =	shalt  }
0x49: {  	_ =	shalt  }
0x4a: {  	_ =	shalt  }
0x4b: {  	_ =	shalt  }
0x4c: {  	_ =	shalt  }
0x4d: {  	_ =	shalt  }
0x4e: {  	_ =	shalt  }
0x4f: {  	_ =	shalt  }
0x50: {  	_ =	shalt  }
0x51: {  	_ =	shalt  }
0x52: {  	_ =	shalt  }
0x53: {  	_ =	shalt  }
0x54: {  	_ =	shalt  }
0x55: {  	_ =	shalt  }
0x56: {  	_ =	shalt  }
0x57: {  	_ =	shalt  }
0x58: {  	_ =	shalt  }
0x59: {  	_ =	shalt  }
0x5a: {  	_ =	shalt  }
0x5b: {  	_ =	shalt  }
0x5c: {  	_ =	shalt  }
0x5d: {  	_ =	shalt  }
0x5e: {  	_ =	shalt  }
0x5f: {  	_ =	shalt  }
0x60: {  	_ =	shalt  }
0x61: {  	_ =	shalt  }
0x62: {  	_ =	shalt  }
0x63: {  	_ =	shalt  }
0x64: {  	_ =	shalt  }
0x65: {  	_ =	shalt  }
0x66: {  	_ =	shalt  }
0x67: {  	_ =	shalt  }
0x68: {  	_ =	shalt  }
0x69: {  	_ =	shalt  }
0x6a: {  	_ =	shalt  }
0x6b: {  	_ =	shalt  }
0x6c: {  	_ =	shalt  }
0x6d: {  	_ =	shalt  }
0x6e: {  	_ =	shalt  }
0x6f: {  	_ =	shalt  }
0x70: {  	_ =	shalt  }
0x71: {  	_ =	shalt  }
0x72: {  	_ =	shalt  }
0x73: {  	_ =	shalt  }
0x74: {  	_ =	shalt  }
0x75: {  	_ =	shalt  }
0x76: {  	_ =	shalt  }
0x77: {  	_ =	shalt  }
0x78: {  	_ =	shalt  }
0x79: {  	_ =	shalt  }
0x7a: {  	_ =	shalt  }
0x7b: {  	_ =	shalt  }
0x7c: {  	_ =	shalt  }
0x7d: {  	_ =	shalt  }
0x7e: {  	_ =	shalt  }
0x7f: {  	_ =	shalt  }
0x80: {  	_ =	shalt  }
0x81: {  	_ =	shalt  }
0x82: {  	_ =	shalt  }
0x83: {  	_ =	shalt  }
0x84: {  	_ =	shalt  }
0x85: {  	_ =	shalt  }
0x86: {  	_ =	shalt  }
0x87: {  	_ =	shalt  }
.Lfunc_end0:
.L_simem_size_0:
called_computation.1_lowered:
.L_overlay_start_0:
0x88: {  	s2 =	sld [smem:$0x3FD9]  }
0x89: {  	s3 =	sld [smem:$0x3FFE];
	_ =	sdelay $0x1  }
0x8a: {  	s1 =	srdreg.scid  }
0x8b: {  	s0 =	sand.u32 $0x1, s1  }
0x8c: {  	s17 =	sshll.u32 s0, $0xA;
	s2 =	sadd.s32 s3, s2  }
0x8d: {  	s2 =	sadd.s32 s2, s17  }
0x8e: {  	[smem:$0x3FB4] =	sst s2  }
0x8f: {  	_ = 	snop  }
0x90: {  	s2 =	sld [smem:$0x3FD0];
	(tm) =	ssettm $0x1  }
0x91: {  	s18 =	sld [smem:$0x3FFB];
	_ =	sdelay $0x3  }
0x92: {  	_ =	strace s18  }
0x93: {  	s3 =	sld [smem:$0x3FFC];
	_ =	sdelay $0x3  }
0x94: {  	_ =	strace s3  }
0x95: {  	s3 =	sld [smem:$0x3FFD];
	_ =	sdelay $0x3  }
0x96: {  	_ =	strace s3  }
0x97: {  	_ =	strace $0x8FFFFFFF  }
0x98: {  	s19 =	sld [smem:$0x3FDB];
	_ =	sdelay $0x1  }
0x99: {  	s4 =	simm.s32 $_scs_section_size  }
0x9a: {  	s5 =	simm.s32 $_size__tile_overlayer_lowered;
	s6 =	simm.s32 $_tile_overlayer_lowered  }
0x9b: {  	s22 =	simm.s32 $0x1BFF;
	s21 =	sshll.u32 s6, $0x1;
	s3 =	sadd.s32 s4, s19  }
0x9c: {  	s7 =	simm.s32 $0x0;
	s20 =	sshll.u32 s5, $0x1;
	s5 =	sadd.s32 s21, s3  }
0x9d: {  	[timem:s7], [sflag:s22] =	dma.local [hbm:s5], s20  }
0x9e: {  	_ =	swait.ge [sflag:s22], s20  }
0x9f: {  	s4 =	ssub.s32 $0x0, s20;
	[sflag:s22] =	ssyncset.done $0x0  }
0xa0: {  	[sflag:s22] =	ssyncadd.s32 s4;
	_ =	sdelay $0x1  }
0xa1: {  	s23 =	simm.s32 $0x1B8B  }
0xa2: {  	_ =	swait.ge [sflag:s23], $0x1  }
0xa3: {  	[sflag:s23] =	ssyncset.done $0x0  }
0xa4: {  	s25 =	simm.s32 $0x1B8E;
	s24 =	sld [smem:$0x3FFE];
	[sflag:s23] =	ssyncadd.s32 $0xFFFFFFFF  }
0xa5: {  	s26 =	simm.s32 $execute0_lowered;
	[smem:$0x3FD2] =	sst s25  }
0xa6: {  	s5 =	sshll.u32 s26, $0x1;
	_ =	strace $0x80000049;
	[dreg:$0x1] =	wrdreg $0xFFFFFFFF  }
0xa7: {  	s28 =	simm.s32 $_size_execute0_lowered;
	s3 =	sadd.s32 s3, s5;
	[dreg:$0x0] =	wrdreg $0x0  }
0xa8: {  	s5 =	sshll.u32 s28, $0x1;
	[dreg:$0x2] =	wrdreg s3  }
0xa9: {  	[dreg:$0x3] =	wrdreg s5  }
0xaa: {  	[dreg:$0x4] =	wrdreg $0xC0  }
0xab: {  	_ =	task [dreg:s7], $0x5FFFF  }
0xac: {  	[dreg:$0x1] =	wrdreg $0xFFFFFFFF  }
0xad: {  	[dreg:$0x0] =	wrdreg $0x60  }
0xae: {  	[dreg:$0x2] =	wrdreg s24  }
0xaf: {  	[dreg:$0x3] =	wrdreg s2  }
0xb0: {  	[dreg:$0x4] =	wrdreg $0x50000  }
0xb1: {  	[dreg:$0x5] =	wrdreg $0x9  }
0xb2: {  	_ =	task.clear_ibuf [dreg:s7], $0x6FFFF;
	_ =	strace $0x90000049  }
0xb3: {  	s29 =	simm.s32 $0x9;
	_ =	strace $0x8000004B  }
0xb4: {  	_ =	swait.ge [sflag:s29], $0x1  }
0xb5: {  	[sflag:s29] =	ssyncadd.s32 $0xFFFFFFFF  }
0xb6: {  	_ =	strace $0x9000004B  }
0xb7: {  	_ =	sfence  }
0xb8: {  	s30 =	sld [smem:$0x0];
	_ =	sdelay $0x2  }
0xb9: {  	s31 =	sshll.u32 s1, $0xD;
	s1 =	sshrl.u32 s1, $0x2  }
0xba: {  	s3 =	sand.u32 $0x4000, s31;
	s1 =	sadd.s32 s1, s30  }
0xbb: {  	s0 =	sor.u32 s3, s0;
	s1 =	sshll.u32 s1, $0x11  }
0xbc: {  	s0 =	sor.u32 s1, s0  }
0xbd: {  	s0 =	sadd.s32 $0x8F2B, s0  }
0xbe: {  	[sflag:s0] =	ssyncadd.remote.s32 $0x1  }
0xbf: {  	_ =	sfence.sel $0xFFFF  }
0xc0: {  	[dreg:$0x0] =	wrdreg $0xFFFFFFFF;
	(pc) =	sbr.abs _section_cstart, $3  }
0xc1: {  	[dreg:$0x1] =	wrdreg $0xFFFFFFFF  }
0xc2: {  	_ =	task.clear_ibuf [dreg:s7], $0x2FFFF;
	_ =	strace $0x9FFFFFFF  }
0xc3: {  	(tm) =	ssettm $0x7FFFFFFF  }
tec
execute0_lowered:
.L_overlay_start_1:
0x0: {  	(tag) =	ssettag $0x1  }
0x1: {  	s5 =	rddreg [dreg:$0x0]  }
0x2: {  	s6 =	rddreg [dreg:$0x1]  }
0x3: {  	s0 =	srdreg.scid;
	s2 =	rddreg [dreg:$0x2]  }
0x4: {  	s1 =	stileid.u32;
	s3 =	simm.s32 $0x0;
	s13 =	simm.s32 $0x4  }
0x5: {  	s15 =	simm.s32 $0x2400;
	s16 =	simm.s32 $0x2600;
	s8 =	smul.u32 $0xC800, s1  }
0x6: {  	s17 =	simm.s32 $0x200;
	s18 =	simm.s32 $0x2800;
	s10 =	smul.u32 $0x18800, s1  }
0x7: {  	s19 =	simm.s32 $0x3;
	s7 =	sand.u32 $0x1, s0;
	s11 =	smul.u32 $0x62000, s1  }
0x8: {  	s20 =	simm.s32 $0x0;
	s0 =	rddreg [dreg:$0x3];
	s4 =	smul.u32 $0xC8000, s7  }
0x9: {  	[smem:$0x7FF] =	sst s3;
	s9 =	smul.u32 $0x188000, s7;
	s28 =	ssub.s32 $0x2, s7  }
0xa: {  	_ =	strace $0x8000004A;
	s30 =	sshrl.u32 s28, $0x1;
	s31 =	sshrl.u32 s11, $0x2  }
0xb: {  	s14 =	sadd.s32 s10, s2;
	s11 =	simm.s32 $0x5;
	s8 =	sadd.s32 s8, s4  }
.Ltmp0:
0xc: {  	s4 =	sadd.s32 $0x9C200, s5;
	s29 =	sadd.s32 s10, s9;
	(pc) =	sbr.rel .LBB2_1-.Ltmp0, $4  }
0xd: {  	s10 =	simm.s32 $0x4800;
	s14 =	sshrl.u32 s14, $0x3;
	s8 =	sshrl.u32 s8, $0x3  }
0xe: {  	s7 =	sshrl.u32 s29, $0x3;
	s12 =	sadd.s32 s8, s5;
	s8 =	ssub.s32 s28, s30  }
0xf: {  	s5 =	sadd.s32 s31, s2;
	s6 =	sadd.s32 s6, s7;
	s7 =	smax.u32 s8, $0x1  }
0x10: {  	v0 =	vimm.f32 $0.0e+00;
	s8 =	sadd.s32 $0x39200, s12;
	s9 =	sadd.s32 $0x7200, s12;
	s12 =	simm.s32 $0x2  }
.LBB2_9:
0x11: {  	_ =	swait.ge [sflag:s12], $0x2000  }
0x12: {  	[sflag:s12] =	ssyncset.done $0x0  }
0x13: {  	[sflag:s12] =	ssyncadd.s32 $0xFFFFE000  }
0x14: {  	_ =	swait.ge [sflag:s13], $0x2000  }
0x15: {  	s20 =	sadd.s32 $0x1, s20;
	[sflag:s13] =	ssyncset.done $0x0  }
0x16: {  	s21 =	sshll.u32 s1, $0x6;
	p0 =	sne.s32 s20, s7;
	[sflag:s13] =	ssyncadd.s32 $0xFFFFE000  }
.Ltmp1:
0x17: {  	s21 =	sor.u32 $0x1C05, s21;
	[bflag:$0x0] =	sbarrier.arrive $0xFFFF;
	(pc) =	sbr.rel @!p0 .LBB2_10-.Ltmp1, $4  }
0x18: {  	[hbm:s6], [sflag:s21] =	dma.local [spmem:s14], $0x3100  }
0x19: {  	_ =	swait.ge [sflag:s11], $0x3100  }
0x1a: {  	[sflag:s11] =	ssyncset.done $0x0  }
0x1b: {  	[sflag:s11] =	ssyncadd.s32 $0xFFFFCF00  }
.LBB2_1:
0x1c: {  	s21 =	simm.s32 $0x0  }
.LBB2_2:
0x1d: {  	p0 =	sne.s32 s21, $0x1FC0  }
.Ltmp2:
0x1e: {  	_ = 	snop;
	(pc) =	sbr.rel @p0 .LBB2_2-.Ltmp2, $3  }
0x1f: {  	_ =	sdelay $0x1  }
0x20: {  	s22 =	sshra.s32 s21, $0x2  }
0x21: {  	s21 =	sadd.s32 $0x40, s21;
	[tilespmem:s22+$0x4800] =	vst v0  }
0x22: {  	s21 =	sadd.s32 $0x0, s5  }
0x23: {  	[spmem:s21] =	stream.linear.scatter [tilespmem:s10], [sflag:$0x5], $0x800, $0x38;
	[tilespmem:$0x1D800] =	vst v63  }
0x24: {  	s21 =	simm.s32 $0x2000;
	_ =	swait.ge [sflag:s11], $0x800  }
.LBB2_4:
0x25: {  	s22 =	sshra.s32 s21, $0x2;
	[sflag:s11] =	ssyncset.done $0x0;
	p0 =	sne.s32 s21, $0x60000  }
.Ltmp3:
0x26: {  	s22 =	sadd.s32 s22, s5;
	[sflag:s11] =	ssyncadd.s32 $0xFFFFF800;
	(pc) =	sbr.rel @p0 .LBB2_4-.Ltmp3, $3  }
0x27: {  	[spmem:s22] =	stream.linear.scatter [tilespmem:s10], [sflag:$0x5], $0x800, $0x38;
	[tilespmem:$0x1D800] =	vst v63  }
0x28: {  	s21 =	sadd.s32 $0x2000, s21;
	_ =	sdelay $0x1  }
0x29: {  	_ =	swait.ge [sflag:s11], $0x800  }
.Ltmp4:
0x2a: {  	(pc) =	sbr.rel .LBB2_6-.Ltmp4, $4  }
0x2b: {  	[sflag:s11] =	ssyncset.done $0x0  }
0x2c: {  	[sflag:s11] =	ssyncadd.s32 $0xFFFFF800  }
0x2d: {  	[bflag:$0x0] =	sbarrier.arrive $0xFFFF  }
0x2e: {  	s21 =	simm.s32 $0x0;
	s22 =	smov.u32 s9;
	s23 =	smov.u32 s8  }
.LBB2_8:
0x2f: {  	s21 =	sadd.s32 $0x1, s21  }
0x30: {  	p0 =	sne.s32 s21, $0x64  }
.Ltmp5:
0x31: {  	_ = 	snop;
	(pc) =	sbr.rel @!p0 .LBB2_9-.Ltmp5, $2  }
0x32: {  	_ =	sdelay $0x2  }
0x33: {  	s23 =	sadd.s32 $0x40, s23;
	s22 =	sadd.s32 $0x40, s22  }
.LBB2_6:
0x34: {  	s24 =	sand.u32 $0x1, s21  }
0x35: {  	p0 =	seq.s32 s24, $0x1  }
0x36: {  	p1 =	slt.u32 @!p0 s21, $0x2  }
0x37: {  	p1 =	por p1, p0  }
0x38: {  	s25 =	simm.s32 @!p1 $0x2  }
0x39: {  	_ =	swait.ge @!p1 [sflag:s25], $0x2000  }
0x3a: {  	[sflag:s25] =	ssyncset.done @!p1 $0x0  }
0x3b: {  	s26 =	simm.s32 @!p0 $0x5;
	[sflag:s25] =	ssyncadd.s32 @!p1 $0xFFFFE000;
	s25 =	simm.s32 @!p0 $0x0  }
0x3c: {  	[tilespmem:s25], [sflag:$0x5] =	stream.linear.gather @!p0 [hbm4b:s22+s25], $0x200, $0x38;
	[tilespmem:$0x1D800] =	vst v63  }
0x3d: {  	_ =	swait.ge @!p0 [sflag:s26], $0x200  }
0x3e: {  	[sflag:s26] =	ssyncset.done @!p0 $0x0  }
0x3f: {  	s28 =	simm.s32 @!p0 $0x200;
	[sflag:s26] =	ssyncadd.s32 @!p0 $0xFFFFFE00  }
0x40: {  	[tilespmem:s28], [sflag:$0x5] =	stream.linear.gather @!p0 [hbm4b:s23+s25], $0x200, $0x38;
	[tilespmem:$0x1D800] =	vst v63  }
0x41: {  	_ =	swait.ge @!p0 [sflag:s26], $0x200  }
0x42: {  	[sflag:s26] =	ssyncset.done @!p0 $0x0  }
0x43: {  	[sflag:s26] =	ssyncadd.s32 @!p0 $0xFFFFFE00;
	s26 =	simm.s32 @!p0 $0x400  }
0x44: {  	[tilespmem:s26], [sflag:$0x1] =	stream.indirect.gather @!p0 [hbm4b:s4+s28], $0x10, s25, s28, $0xb8;
	[tilespmem:$0x1D800] =	vst v63  }
0x45: {  	s25 =	simm.s32 @!p0 $0x1  }
0x46: {  	_ =	swait.ge @!p0 [sflag:s25], $0x2000  }
0x47: {  	[sflag:s25] =	ssyncset.done @!p0 $0x0  }
0x48: {  	p1 =	seq.s32 @!p0 s24, $0x0;
	[sflag:s25] =	ssyncadd.s32 @!p0 $0xFFFFE000  }
0x49: {  	[spmem:s2] =	stream.indirect.scatter.add.f32 @!p0 [tilespmem:s26], [sflag:$0x2], $0x10, s28, s28, $0xb8;
	[tilespmem:$0x1D800] =	vst v63  }
0x4a: {  	p0 =	por p0, !p1  }
.Ltmp6:
0x4b: {  	_ = 	snop;
	(pc) =	sbr.rel @!p0 .LBB2_8-.Ltmp6, $1  }
0x4c: {  	_ =	sdelay $0x3  }
0x4d: {  	p0 =	slt.u32 s21, $0x2  }
0x4e: {  	s24 =	simm.s32 @!p0 $0x4  }
0x4f: {  	_ =	swait.ge @!p0 [sflag:s24], $0x2000  }
0x50: {  	[sflag:s24] =	ssyncset.done @!p0 $0x0  }
0x51: {  	[sflag:s24] =	ssyncadd.s32 @!p0 $0xFFFFE000  }
0x52: {  	[tilespmem:s15], [sflag:$0x5] =	stream.linear.gather [hbm4b:s22+s3], $0x200, $0x38;
	[tilespmem:$0x1D800] =	vst v63  }
0x53: {  	_ =	swait.ge [sflag:s11], $0x200  }
0x54: {  	[sflag:s11] =	ssyncset.done $0x0  }
0x55: {  	[sflag:s11] =	ssyncadd.s32 $0xFFFFFE00  }
0x56: {  	[tilespmem:s16], [sflag:$0x5] =	stream.linear.gather [hbm4b:s23+s3], $0x200, $0x38;
	[tilespmem:$0x1D800] =	vst v63  }
0x57: {  	_ =	swait.ge [sflag:s11], $0x200  }
0x58: {  	[sflag:s11] =	ssyncset.done $0x0  }
0x59: {  	[sflag:s11] =	ssyncadd.s32 $0xFFFFFE00  }
0x5a: {  	[tilespmem:s18], [sflag:$0x3] =	stream.indirect.gather [hbm4b:s4+s17], $0x10, s15, s17, $0xb8;
	[tilespmem:$0x1D800] =	vst v63  }
.Ltmp7:
0x5b: {  	_ = 	snop;
	(pc) =	sbr.rel .LBB2_8-.Ltmp7, $4  }
0x5c: {  	_ =	swait.ge [sflag:s19], $0x2000  }
0x5d: {  	[sflag:s19] =	ssyncset.done $0x0  }
0x5e: {  	[sflag:s19] =	ssyncadd.s32 $0xFFFFE000  }
0x5f: {  	[spmem:s2] =	stream.indirect.scatter.add.f32 [tilespmem:s18], [sflag:$0x4], $0x10, s16, s17, $0xb8;
	[tilespmem:$0x1D800] =	vst v63  }
.LBB2_10:
0x60: {  	_ =	sfence.sel $0x180000  }
0x61: {  	[bflag:$0x0] =	sbarrier.arrive $0xFFFF  }
0x62: {  	p0 =	sne.s32 s1, $0x0;
	_ =	strace $0x9000004A  }
0x63: {  	s0 =	sadd.s32 @!p0 $0x100000, s0;
	[bflag:$0x2] =	sbarrier.arrive $0xFFFF  }
0x64: {  	[sflag:s0] =	ssyncadd.tile.s32 @!p0 $0x1;
	_ =	shalt  }
.Lfunc_end2:
_tile_overlayer_lowered:
.L_overlay_start_2:
0x65: {  	(tag) =	ssettag $0x2  }
0x66: {  	s0 =	rddreg [dreg:$0x0];
	s2 =	stileid.u32  }
0x67: {  	s1 =	rddreg [dreg:$0x1];
	p0 =	sne.s32 s2, $0x0  }
0x68: {  	s3 =	rddreg [dreg:$0x2];
	[bflag:$0x3] =	sbarrier.arrive $0xFFFF;
	s2 =	simm.s32 @!p0 $0x1C05  }
0x69: {  	[timem:s3], [sflag:s2] =	dma.local @!p0 [hbm:s0], s1  }
0x6a: {  	s0 =	simm.s32 @!p0 $0x5  }
0x6b: {  	_ =	swait.ge @!p0 [sflag:s0], s1  }
0x6c: {  	s1 =	ssub.s32 @!p0 $0x0, s1;
	[sflag:s0] =	ssyncset.done @!p0 $0x0  }
0x6d: {  	[sflag:s0] =	ssyncadd.s32 @!p0 s1  }
0x6e: {  	[bflag:$0x3] =	sbarrier.arrive $0xFFFF  }
0x6f: {  	_ =	shalt  }

// kernel: kernel.21.cloned.1.call-start
scs
__scs_entry_jumppad:
0x0: {  	(pc) =	sbr.rel $0x88, $3  }
0x1: {  	(tag) =	ssettag $0x0;
	lr =	simm.s32 $0x1  }
0x2: {  	[smem:$0x3F8D] =	sst lr;
	_ =	strace $0xD0000000  }
0x3: {  	_ = 	snop  }
0x4: {  	_ = 	snop  }
0x5: {  	_ = 	snop  }
0x6: {  	_ = 	snop  }
0x7: {  	_ = 	snop  }
__scs_overlays_trampoline_lowered:
0x8: {  	[smem:$0x3F9C] =	sst s0  }
0x9: {  	[smem:$0x3F9D] =	sst s1  }
0xa: {  	[smem:$0x3F9E] =	sst s2  }
0xb: {  	[smem:$0x3F9F] =	sst s3  }
0xc: {  	[smem:$0x3FA0] =	sst s4  }
0xd: {  	[smem:$0x3FA1] =	sst s5  }
0xe: {  	[smem:$0x3FA2] =	sst s6  }
0xf: {  	[smem:$0x3FA3] =	sst s7  }
0x10: {  	[smem:$0x3FA4] =	sst s8  }
0x11: {  	[smem:$0x3FA5] =	sst s9;
	s0 =	simm.s32 @!p0 $0x0  }
0x12: {  	s1 =	sld [smem:$0x3F8B];
	s0 =	simm.s32 @p0 $0x1  }
0x13: {  	[smem:$0x3FA6] =	sst s0;
	s0 =	simm.s32 @!p1 $0x0  }
0x14: {  	s2 =	sld [smem:$0x3F8A];
	s0 =	simm.s32 @p1 $0x1  }
0x15: {  	[smem:$0x3FA7] =	sst s0;
	s0 =	simm.s32 @!p2 $0x0  }
0x16: {  	s3 =	sld [smem:$0x3FDB];
	s0 =	simm.s32 @p2 $0x1  }
0x17: {  	s4 =	simm.s32 $0x1BF5;
	[smem:$0x3FA9] =	sst s0  }
0x18: {  	s0 =	sld [smem:$0x3F8C];
	_ =	swait.ge [sflag:s4], $0x0  }
0x19: {  	s7 =	sld [smem:$0x3F8D]  }
0x1a: {  	s8 =	sadd.s32 $0xFFFFE003, lr  }
0x1b: {  	s9 =	sadd.s32 $0xFFFFFEF7, lr;
	s5 =	simm.s32 $0xFFFFFFFF;
	p2 =	slt.u32 s8, $0xFFFFF086  }
0x1c: {  	p1 =	slt.u32 s9, $0xF7A;
	s5 =	simm.s32 @!p2 $0x0  }
0x1d: {  	s5 =	simm.s32 @p1 $0x1;
	p0 =	seq.s32 s7, s2  }
0x1e: {  	s7 =	smul.u32 @!p0 $0xF7A, s2;
	p2 =	seq.s32 @!p0 s5, $0x0  }
0x1f: {  	s9 =	smul.u32 $0xF7A, s1;
	s8 =	simm.s32 @!p0 $0x1BF5;
	p2 =	por !p2, p0  }
0x20: {  	[sflag:s8] =	ssyncset.s32 @!p0 $0xFFFFF086;
	s6 =	sadd.s32 @!p0 s3, s7;
	s7 =	simm.s32 @!p0 $0x108  }
0x21: {  	s3 =	sadd.s32 s3, s9;
	s6 =	sadd.s32 @!p0 $0x88, s6;
	s7 =	simm.s32 @p2 $0x1082  }
0x22: {  	[simem:s7], [sflag:s8] =	dma.local @!p0 [hbm:s6], $0xF7A  }
0x23: {  	s9 =	sor.u32 $0xD0000000, s2;
	s6 =	simm.s32 $0x108;
	_ =	swait.ge @!p0 [sflag:s8], $0x0  }
0x24: {  	s3 =	sadd.s32 $0x88, s3;
	s6 =	simm.s32 @!p1 $0x1082;
	[sflag:s4] =	ssyncset.s32 $0xFFFFF086  }
0x25: {  	[simem:s6], [sflag:s4] =	dma.local [hbm:s3], $0xF7A  }
0x26: {  	[smem:$0x3F8D] =	sst s1;
	(tag) =	ssettag s2;
	_ =	strace s9  }
0x27: {  	s1 =	sld [smem:$0x3F9D]  }
0x28: {  	s2 =	sld [smem:$0x3F9E]  }
0x29: {  	s4 =	sld [smem:$0x3FA0]  }
0x2a: {  	p0 =	seq.s32 s5, $0x0;
	s5 =	sld [smem:$0x3FA1]  }
0x2b: {  	s6 =	sld [smem:$0x3FA2]  }
0x2c: {  	s7 =	sld [smem:$0x3FA3]  }
0x2d: {  	s3 =	simm.s32 $0x108;
	s8 =	sld [smem:$0x3FA4]  }
0x2e: {  	s3 =	simm.s32 @!p0 $0x1082;
	s9 =	sld [smem:$0x3FA5]  }
0x2f: {  	lr =	sadd.s32 s0, s3;
	s0 =	sld [smem:$0x3F9C]  }
0x30: {  	s3 =	sld [smem:$0x3F9F]  }
0x31: {  	[smem:$0x3FA8] =	sst s10  }
0x32: {  	s10 =	sld [smem:$0x3FA6];
	_ =	sdelay $0x3  }
0x33: {  	p0 =	seq.s32 s10, $0x1;
	s10 =	sld [smem:$0x3FA8];
	_ =	sdelay $0x3  }
0x34: {  	[smem:$0x3FA8] =	sst s10  }
0x35: {  	s10 =	sld [smem:$0x3FA7];
	_ =	sdelay $0x3  }
0x36: {  	p1 =	seq.s32 s10, $0x1;
	s10 =	sld [smem:$0x3FA8];
	_ =	sdelay $0x3  }
0x37: {  	[smem:$0x3FA8] =	sst s10  }
0x38: {  	s10 =	sld [smem:$0x3FA9]  }
0x39: {  	_ = 	snop;
	(pc) =	sbr.ind lr, $3  }
0x3a: {  	_ = 	snop  }
0x3b: {  	_ = 	snop  }
0x3c: {  	p2 =	seq.s32 s10, $0x1;
	s10 =	sld [smem:$0x3FA8]  }
0x3d: {  	_ =	shalt  }
0x3e: {  	_ =	shalt  }
0x3f: {  	_ =	shalt  }
0x40: {  	_ =	shalt  }
0x41: {  	_ =	shalt  }
0x42: {  	_ =	shalt  }
0x43: {  	_ =	shalt  }
0x44: {  	_ =	shalt  }
0x45: {  	_ =	shalt  }
0x46: {  	_ =	shalt  }
0x47: {  	_ =	shalt  }
0x48: {  	_ =	shalt  }
0x49: {  	_ =	shalt  }
0x4a: {  	_ =	shalt  }
0x4b: {  	_ =	shalt  }
0x4c: {  	_ =	shalt  }
0x4d: {  	_ =	shalt  }
0x4e: {  	_ =	shalt  }
0x4f: {  	_ =	shalt  }
0x50: {  	_ =	shalt  }
0x51: {  	_ =	shalt  }
0x52: {  	_ =	shalt  }
0x53: {  	_ =	shalt  }
0x54: {  	_ =	shalt  }
0x55: {  	_ =	shalt  }
0x56: {  	_ =	shalt  }
0x57: {  	_ =	shalt  }
0x58: {  	_ =	shalt  }
0x59: {  	_ =	shalt  }
0x5a: {  	_ =	shalt  }
0x5b: {  	_ =	shalt  }
0x5c: {  	_ =	shalt  }
0x5d: {  	_ =	shalt  }
0x5e: {  	_ =	shalt  }
0x5f: {  	_ =	shalt  }
0x60: {  	_ =	shalt  }
0x61: {  	_ =	shalt  }
0x62: {  	_ =	shalt  }
0x63: {  	_ =	shalt  }
0x64: {  	_ =	shalt  }
0x65: {  	_ =	shalt  }
0x66: {  	_ =	shalt  }
0x67: {  	_ =	shalt  }
0x68: {  	_ =	shalt  }
0x69: {  	_ =	shalt  }
0x6a: {  	_ =	shalt  }
0x6b: {  	_ =	shalt  }
0x6c: {  	_ =	shalt  }
0x6d: {  	_ =	shalt  }
0x6e: {  	_ =	shalt  }
0x6f: {  	_ =	shalt  }
0x70: {  	_ =	shalt  }
0x71: {  	_ =	shalt  }
0x72: {  	_ =	shalt  }
0x73: {  	_ =	shalt  }
0x74: {  	_ =	shalt  }
0x75: {  	_ =	shalt  }
0x76: {  	_ =	shalt  }
0x77: {  	_ =	shalt  }
0x78: {  	_ =	shalt  }
0x79: {  	_ =	shalt  }
0x7a: {  	_ =	shalt  }
0x7b: {  	_ =	shalt  }
0x7c: {  	_ =	shalt  }
0x7d: {  	_ =	shalt  }
0x7e: {  	_ =	shalt  }
0x7f: {  	_ =	shalt  }
0x80: {  	_ =	shalt  }
0x81: {  	_ =	shalt  }
0x82: {  	_ =	shalt  }
0x83: {  	_ =	shalt  }
0x84: {  	_ =	shalt  }
0x85: {  	_ =	shalt  }
0x86: {  	_ =	shalt  }
0x87: {  	_ =	shalt  }
.Lfunc_end0:
.L_simem_size_0:
called_computation.2_lowered:
.L_overlay_start_0:
0x88: {  	s2 =	sld [smem:$0x3FD9]  }
0x89: {  	s3 =	sld [smem:$0x3FFE];
	_ =	sdelay $0x1  }
0x8a: {  	s1 =	srdreg.scid  }
0x8b: {  	s0 =	sand.u32 $0x1, s1  }
0x8c: {  	s17 =	sshll.u32 s0, $0xA;
	s2 =	sadd.s32 s3, s2  }
0x8d: {  	s2 =	sadd.s32 s2, s17  }
0x8e: {  	[smem:$0x3FB4] =	sst s2  }
0x8f: {  	_ = 	snop  }
0x90: {  	s2 =	sld [smem:$0x3FD0];
	(tm) =	ssettm $0x1  }
0x91: {  	s18 =	sld [smem:$0x3FFB];
	_ =	sdelay $0x3  }
0x92: {  	_ =	strace s18  }
0x93: {  	s3 =	sld [smem:$0x3FFC];
	_ =	sdelay $0x3  }
0x94: {  	_ =	strace s3  }
0x95: {  	s3 =	sld [smem:$0x3FFD];
	_ =	sdelay $0x3  }
0x96: {  	_ =	strace s3  }
0x97: {  	_ =	strace $0x8FFFFFFF  }
0x98: {  	s19 =	sld [smem:$0x3FDB];
	_ =	sdelay $0x1  }
0x99: {  	s4 =	simm.s32 $_scs_section_size  }
0x9a: {  	s5 =	simm.s32 $_size__tile_overlayer_lowered;
	s6 =	simm.s32 $_tile_overlayer_lowered  }
0x9b: {  	s22 =	simm.s32 $0x1BFF;
	s21 =	sshll.u32 s6, $0x1;
	s3 =	sadd.s32 s4, s19  }
0x9c: {  	s7 =	simm.s32 $0x0;
	s20 =	sshll.u32 s5, $0x1;
	s5 =	sadd.s32 s21, s3  }
0x9d: {  	[timem:s7], [sflag:s22] =	dma.local [hbm:s5], s20  }
0x9e: {  	_ =	swait.ge [sflag:s22], s20  }
0x9f: {  	s4 =	ssub.s32 $0x0, s20;
	[sflag:s22] =	ssyncset.done $0x0  }
0xa0: {  	[sflag:s22] =	ssyncadd.s32 s4;
	_ =	sdelay $0x1  }
0xa1: {  	s23 =	simm.s32 $0x1B8B  }
0xa2: {  	_ =	swait.ge [sflag:s23], $0x1  }
0xa3: {  	[sflag:s23] =	ssyncset.done $0x0  }
0xa4: {  	s25 =	simm.s32 $0x1B8E;
	s24 =	sld [smem:$0x3FFE];
	[sflag:s23] =	ssyncadd.s32 $0xFFFFFFFF  }
0xa5: {  	s26 =	simm.s32 $execute0_lowered;
	[smem:$0x3FD2] =	sst s25  }
0xa6: {  	s5 =	sshll.u32 s26, $0x1;
	_ =	strace $0x8000004C;
	[dreg:$0x1] =	wrdreg $0xFFFFFFFF  }
0xa7: {  	s28 =	simm.s32 $_size_execute0_lowered;
	s3 =	sadd.s32 s3, s5;
	[dreg:$0x0] =	wrdreg $0x0  }
0xa8: {  	s5 =	sshll.u32 s28, $0x1;
	[dreg:$0x2] =	wrdreg s3  }
0xa9: {  	[dreg:$0x3] =	wrdreg s5  }
0xaa: {  	[dreg:$0x4] =	wrdreg $0xC0  }
0xab: {  	_ =	task [dreg:s7], $0x5FFFF  }
0xac: {  	[dreg:$0x1] =	wrdreg $0xFFFFFFFF  }
0xad: {  	[dreg:$0x0] =	wrdreg $0x60  }
0xae: {  	[dreg:$0x2] =	wrdreg s24  }
0xaf: {  	[dreg:$0x3] =	wrdreg s2  }
0xb0: {  	[dreg:$0x4] =	wrdreg $0x50000  }
0xb1: {  	[dreg:$0x5] =	wrdreg $0x9  }
0xb2: {  	_ =	task.clear_ibuf [dreg:s7], $0x6FFFF;
	_ =	strace $0x9000004C  }
0xb3: {  	s29 =	simm.s32 $0x9;
	_ =	strace $0x8000004E  }
0xb4: {  	_ =	swait.ge [sflag:s29], $0x1  }
0xb5: {  	[sflag:s29] =	ssyncadd.s32 $0xFFFFFFFF  }
0xb6: {  	_ =	strace $0x9000004E  }
0xb7: {  	_ =	sfence  }
0xb8: {  	s30 =	sld [smem:$0x0];
	_ =	sdelay $0x2  }
0xb9: {  	s31 =	sshll.u32 s1, $0xD;
	s1 =	sshrl.u32 s1, $0x2  }
0xba: {  	s3 =	sand.u32 $0x4000, s31;
	s1 =	sadd.s32 s1, s30  }
0xbb: {  	s0 =	sor.u32 s3, s0;
	s1 =	sshll.u32 s1, $0x11  }
0xbc: {  	s0 =	sor.u32 s1, s0  }
0xbd: {  	s0 =	sadd.s32 $0x8F2B, s0  }
0xbe: {  	[sflag:s0] =	ssyncadd.remote.s32 $0x1  }
0xbf: {  	_ =	sfence.sel $0xFFFF  }
0xc0: {  	[dreg:$0x0] =	wrdreg $0xFFFFFFFF;
	(pc) =	sbr.abs _section_cstart, $3  }
0xc1: {  	[dreg:$0x1] =	wrdreg $0xFFFFFFFF  }
0xc2: {  	_ =	task.clear_ibuf [dreg:s7], $0x2FFFF;
	_ =	strace $0x9FFFFFFF  }
0xc3: {  	(tm) =	ssettm $0x7FFFFFFF  }
tec
execute0_lowered:
.L_overlay_start_1:
0x0: {  	(tag) =	ssettag $0x1  }
0x1: {  	s5 =	rddreg [dreg:$0x0]  }
0x2: {  	s6 =	rddreg [dreg:$0x1]  }
0x3: {  	s0 =	srdreg.scid;
	s2 =	rddreg [dreg:$0x2]  }
0x4: {  	s1 =	stileid.u32;
	s3 =	simm.s32 $0x0;
	s13 =	simm.s32 $0x4  }
0x5: {  	s15 =	simm.s32 $0x2400;
	s16 =	simm.s32 $0x2600;
	s8 =	smul.u32 $0xC800, s1  }
0x6: {  	s17 =	simm.s32 $0x200;
	s18 =	simm.s32 $0x2800;
	s10 =	smul.u32 $0x18800, s1  }
0x7: {  	s19 =	simm.s32 $0x3;
	s7 =	sand.u32 $0x1, s0;
	s11 =	smul.u32 $0x62000, s1  }
0x8: {  	s20 =	simm.s32 $0x0;
	s0 =	rddreg [dreg:$0x3];
	s4 =	smul.u32 $0xC8000, s7  }
0x9: {  	[smem:$0x7FF] =	sst s3;
	s9 =	smul.u32 $0x188000, s7;
	s28 =	ssub.s32 $0x2, s7  }
0xa: {  	_ =	strace $0x8000004D;
	s30 =	sshrl.u32 s28, $0x1;
	s31 =	sshrl.u32 s11, $0x2  }
0xb: {  	s14 =	sadd.s32 s10, s2;
	s11 =	simm.s32 $0x5;
	s8 =	sadd.s32 s8, s4  }
.Ltmp0:
0xc: {  	s4 =	sadd.s32 $0x9C200, s5;
	s29 =	sadd.s32 s10, s9;
	(pc) =	sbr.rel .LBB2_1-.Ltmp0, $4  }
0xd: {  	s10 =	simm.s32 $0x4800;
	s14 =	sshrl.u32 s14, $0x3;
	s8 =	sshrl.u32 s8, $0x3  }
0xe: {  	s7 =	sshrl.u32 s29, $0x3;
	s12 =	sadd.s32 s8, s5;
	s8 =	ssub.s32 s28, s30  }
0xf: {  	s5 =	sadd.s32 s31, s2;
	s6 =	sadd.s32 s6, s7;
	s7 =	smax.u32 s8, $0x1  }
0x10: {  	v0 =	vimm.f32 $0.0e+00;
	s8 =	sadd.s32 $0x39200, s12;
	s9 =	sadd.s32 $0x7200, s12;
	s12 =	simm.s32 $0x2  }
.LBB2_9:
0x11: {  	_ =	swait.ge [sflag:s12], $0x2000  }
0x12: {  	[sflag:s12] =	ssyncset.done $0x0  }
0x13: {  	[sflag:s12] =	ssyncadd.s32 $0xFFFFE000  }
0x14: {  	_ =	swait.ge [sflag:s13], $0x2000  }
0x15: {  	s20 =	sadd.s32 $0x1, s20;
	[sflag:s13] =	ssyncset.done $0x0  }
0x16: {  	s21 =	sshll.u32 s1, $0x6;
	p0 =	sne.s32 s20, s7;
	[sflag:s13] =	ssyncadd.s32 $0xFFFFE000  }
.Ltmp1:
0x17: {  	s21 =	sor.u32 $0x1C05, s21;
	[bflag:$0x0] =	sbarrier.arrive $0xFFFF;
	(pc) =	sbr.rel @!p0 .LBB2_10-.Ltmp1, $4  }
0x18: {  	[hbm:s6], [sflag:s21] =	dma.local [spmem:s14], $0x3100  }
0x19: {  	_ =	swait.ge [sflag:s11], $0x3100  }
0x1a: {  	[sflag:s11] =	ssyncset.done $0x0  }
0x1b: {  	[sflag:s11] =	ssyncadd.s32 $0xFFFFCF00  }
.LBB2_1:
0x1c: {  	s21 =	simm.s32 $0x0  }
.LBB2_2:
0x1d: {  	p0 =	sne.s32 s21, $0x1FC0  }
.Ltmp2:
0x1e: {  	_ = 	snop;
	(pc) =	sbr.rel @p0 .LBB2_2-.Ltmp2, $3  }
0x1f: {  	_ =	sdelay $0x1  }
0x20: {  	s22 =	sshra.s32 s21, $0x2  }
0x21: {  	s21 =	sadd.s32 $0x40, s21;
	[tilespmem:s22+$0x4800] =	vst v0  }
0x22: {  	s21 =	sadd.s32 $0x0, s5  }
0x23: {  	[spmem:s21] =	stream.linear.scatter [tilespmem:s10], [sflag:$0x5], $0x800, $0x38;
	[tilespmem:$0x1D800] =	vst v63  }
0x24: {  	s21 =	simm.s32 $0x2000;
	_ =	swait.ge [sflag:s11], $0x800  }
.LBB2_4:
0x25: {  	s22 =	sshra.s32 s21, $0x2;
	[sflag:s11] =	ssyncset.done $0x0;
	p0 =	sne.s32 s21, $0x60000  }
.Ltmp3:
0x26: {  	s22 =	sadd.s32 s22, s5;
	[sflag:s11] =	ssyncadd.s32 $0xFFFFF800;
	(pc) =	sbr.rel @p0 .LBB2_4-.Ltmp3, $3  }
0x27: {  	[spmem:s22] =	stream.linear.scatter [tilespmem:s10], [sflag:$0x5], $0x800, $0x38;
	[tilespmem:$0x1D800] =	vst v63  }
0x28: {  	s21 =	sadd.s32 $0x2000, s21;
	_ =	sdelay $0x1  }
0x29: {  	_ =	swait.ge [sflag:s11], $0x800  }
.Ltmp4:
0x2a: {  	(pc) =	sbr.rel .LBB2_6-.Ltmp4, $4  }
0x2b: {  	[sflag:s11] =	ssyncset.done $0x0  }
0x2c: {  	[sflag:s11] =	ssyncadd.s32 $0xFFFFF800  }
0x2d: {  	[bflag:$0x0] =	sbarrier.arrive $0xFFFF  }
0x2e: {  	s21 =	simm.s32 $0x0;
	s22 =	smov.u32 s9;
	s23 =	smov.u32 s8  }
.LBB2_8:
0x2f: {  	s21 =	sadd.s32 $0x1, s21  }
0x30: {  	p0 =	sne.s32 s21, $0x64  }
.Ltmp5:
0x31: {  	_ = 	snop;
	(pc) =	sbr.rel @!p0 .LBB2_9-.Ltmp5, $2  }
0x32: {  	_ =	sdelay $0x2  }
0x33: {  	s23 =	sadd.s32 $0x40, s23;
	s22 =	sadd.s32 $0x40, s22  }
.LBB2_6:
0x34: {  	s24 =	sand.u32 $0x1, s21  }
0x35: {  	p0 =	seq.s32 s24, $0x1  }
0x36: {  	p1 =	slt.u32 @!p0 s21, $0x2  }
0x37: {  	p1 =	por p1, p0  }
0x38: {  	s25 =	simm.s32 @!p1 $0x2  }
0x39: {  	_ =	swait.ge @!p1 [sflag:s25], $0x2000  }
0x3a: {  	[sflag:s25] =	ssyncset.done @!p1 $0x0  }
0x3b: {  	s26 =	simm.s32 @!p0 $0x5;
	[sflag:s25] =	ssyncadd.s32 @!p1 $0xFFFFE000;
	s25 =	simm.s32 @!p0 $0x0  }
0x3c: {  	[tilespmem:s25], [sflag:$0x5] =	stream.linear.gather @!p0 [hbm4b:s22+s25], $0x200, $0x38;
	[tilespmem:$0x1D800] =	vst v63  }
0x3d: {  	_ =	swait.ge @!p0 [sflag:s26], $0x200  }
0x3e: {  	[sflag:s26] =	ssyncset.done @!p0 $0x0  }
0x3f: {  	s28 =	simm.s32 @!p0 $0x200;
	[sflag:s26] =	ssyncadd.s32 @!p0 $0xFFFFFE00  }
0x40: {  	[tilespmem:s28], [sflag:$0x5] =	stream.linear.gather @!p0 [hbm4b:s23+s25], $0x200, $0x38;
	[tilespmem:$0x1D800] =	vst v63  }
0x41: {  	_ =	swait.ge @!p0 [sflag:s26], $0x200  }
0x42: {  	[sflag:s26] =	ssyncset.done @!p0 $0x0  }
0x43: {  	[sflag:s26] =	ssyncadd.s32 @!p0 $0xFFFFFE00;
	s26 =	simm.s32 @!p0 $0x400  }
0x44: {  	[tilespmem:s26], [sflag:$0x1] =	stream.indirect.gather @!p0 [hbm4b:s4+s28], $0x10, s25, s28, $0xb8;
	[tilespmem:$0x1D800] =	vst v63  }
0x45: {  	s25 =	simm.s32 @!p0 $0x1  }
0x46: {  	_ =	swait.ge @!p0 [sflag:s25], $0x2000  }
0x47: {  	[sflag:s25] =	ssyncset.done @!p0 $0x0  }
0x48: {  	p1 =	seq.s32 @!p0 s24, $0x0;
	[sflag:s25] =	ssyncadd.s32 @!p0 $0xFFFFE000  }
0x49: {  	[spmem:s2] =	stream.indirect.scatter.add.f32 @!p0 [tilespmem:s26], [sflag:$0x2], $0x10, s28, s28, $0xb8;
	[tilespmem:$0x1D800] =	vst v63  }
0x4a: {  	p0 =	por p0, !p1  }
.Ltmp6:
0x4b: {  	_ = 	snop;
	(pc) =	sbr.rel @!p0 .LBB2_8-.Ltmp6, $1  }
0x4c: {  	_ =	sdelay $0x3  }
0x4d: {  	p0 =	slt.u32 s21, $0x2  }
0x4e: {  	s24 =	simm.s32 @!p0 $0x4  }
0x4f: {  	_ =	swait.ge @!p0 [sflag:s24], $0x2000  }
0x50: {  	[sflag:s24] =	ssyncset.done @!p0 $0x0  }
0x51: {  	[sflag:s24] =	ssyncadd.s32 @!p0 $0xFFFFE000  }
0x52: {  	[tilespmem:s15], [sflag:$0x5] =	stream.linear.gather [hbm4b:s22+s3], $0x200, $0x38;
	[tilespmem:$0x1D800] =	vst v63  }
0x53: {  	_ =	swait.ge [sflag:s11], $0x200  }
0x54: {  	[sflag:s11] =	ssyncset.done $0x0  }
0x55: {  	[sflag:s11] =	ssyncadd.s32 $0xFFFFFE00  }
0x56: {  	[tilespmem:s16], [sflag:$0x5] =	stream.linear.gather [hbm4b:s23+s3], $0x200, $0x38;
	[tilespmem:$0x1D800] =	vst v63  }
0x57: {  	_ =	swait.ge [sflag:s11], $0x200  }
0x58: {  	[sflag:s11] =	ssyncset.done $0x0  }
0x59: {  	[sflag:s11] =	ssyncadd.s32 $0xFFFFFE00  }
0x5a: {  	[tilespmem:s18], [sflag:$0x3] =	stream.indirect.gather [hbm4b:s4+s17], $0x10, s15, s17, $0xb8;
	[tilespmem:$0x1D800] =	vst v63  }
.Ltmp7:
0x5b: {  	_ = 	snop;
	(pc) =	sbr.rel .LBB2_8-.Ltmp7, $4  }
0x5c: {  	_ =	swait.ge [sflag:s19], $0x2000  }
0x5d: {  	[sflag:s19] =	ssyncset.done $0x0  }
0x5e: {  	[sflag:s19] =	ssyncadd.s32 $0xFFFFE000  }
0x5f: {  	[spmem:s2] =	stream.indirect.scatter.add.f32 [tilespmem:s18], [sflag:$0x4], $0x10, s16, s17, $0xb8;
	[tilespmem:$0x1D800] =	vst v63  }
.LBB2_10:
0x60: {  	_ =	sfence.sel $0x180000  }
0x61: {  	[bflag:$0x0] =	sbarrier.arrive $0xFFFF  }
0x62: {  	p0 =	sne.s32 s1, $0x0;
	_ =	strace $0x9000004D  }
0x63: {  	s0 =	sadd.s32 @!p0 $0x100000, s0;
	[bflag:$0x2] =	sbarrier.arrive $0xFFFF  }
0x64: {  	[sflag:s0] =	ssyncadd.tile.s32 @!p0 $0x1;
	_ =	shalt  }
.Lfunc_end2:
_tile_overlayer_lowered:
.L_overlay_start_2:
0x65: {  	(tag) =	ssettag $0x2  }
0x66: {  	s0 =	rddreg [dreg:$0x0];
	s2 =	stileid.u32  }
0x67: {  	s1 =	rddreg [dreg:$0x1];
	p0 =	sne.s32 s2, $0x0  }
0x68: {  	s3 =	rddreg [dreg:$0x2];
	[bflag:$0x3] =	sbarrier.arrive $0xFFFF;
	s2 =	simm.s32 @!p0 $0x1C05  }
0x69: {  	[timem:s3], [sflag:s2] =	dma.local @!p0 [hbm:s0], s1  }
0x6a: {  	s0 =	simm.s32 @!p0 $0x5  }
0x6b: {  	_ =	swait.ge @!p0 [sflag:s0], s1  }
0x6c: {  	s1 =	ssub.s32 @!p0 $0x0, s1;
	[sflag:s0] =	ssyncset.done @!p0 $0x0  }
0x6d: {  	[sflag:s0] =	ssyncadd.s32 @!p0 s1  }
0x6e: {  	[bflag:$0x3] =	sbarrier.arrive $0xFFFF  }
0x6f: {  	_ =	shalt  }

// kernel: kernel.24.cloned.1.call-start
scs
__scs_entry_jumppad:
0x0: {  	(pc) =	sbr.rel $0x88, $3  }
0x1: {  	(tag) =	ssettag $0x0;
	lr =	simm.s32 $0x1  }
0x2: {  	[smem:$0x3F8D] =	sst lr;
	_ =	strace $0xD0000000  }
0x3: {  	_ = 	snop  }
0x4: {  	_ = 	snop  }
0x5: {  	_ = 	snop  }
0x6: {  	_ = 	snop  }
0x7: {  	_ = 	snop  }
__scs_overlays_trampoline_lowered:
0x8: {  	[smem:$0x3F9C] =	sst s0  }
0x9: {  	[smem:$0x3F9D] =	sst s1  }
0xa: {  	[smem:$0x3F9E] =	sst s2  }
0xb: {  	[smem:$0x3F9F] =	sst s3  }
0xc: {  	[smem:$0x3FA0] =	sst s4  }
0xd: {  	[smem:$0x3FA1] =	sst s5  }
0xe: {  	[smem:$0x3FA2] =	sst s6  }
0xf: {  	[smem:$0x3FA3] =	sst s7  }
0x10: {  	[smem:$0x3FA4] =	sst s8  }
0x11: {  	[smem:$0x3FA5] =	sst s9;
	s0 =	simm.s32 @!p0 $0x0  }
0x12: {  	s1 =	sld [smem:$0x3F8B];
	s0 =	simm.s32 @p0 $0x1  }
0x13: {  	[smem:$0x3FA6] =	sst s0;
	s0 =	simm.s32 @!p1 $0x0  }
0x14: {  	s2 =	sld [smem:$0x3F8A];
	s0 =	simm.s32 @p1 $0x1  }
0x15: {  	[smem:$0x3FA7] =	sst s0;
	s0 =	simm.s32 @!p2 $0x0  }
0x16: {  	s3 =	sld [smem:$0x3FDB];
	s0 =	simm.s32 @p2 $0x1  }
0x17: {  	s4 =	simm.s32 $0x1BF5;
	[smem:$0x3FA9] =	sst s0  }
0x18: {  	s0 =	sld [smem:$0x3F8C];
	_ =	swait.ge [sflag:s4], $0x0  }
0x19: {  	s7 =	sld [smem:$0x3F8D]  }
0x1a: {  	s8 =	sadd.s32 $0xFFFFE003, lr  }
0x1b: {  	s9 =	sadd.s32 $0xFFFFFEF7, lr;
	s5 =	simm.s32 $0xFFFFFFFF;
	p2 =	slt.u32 s8, $0xFFFFF086  }
0x1c: {  	p1 =	slt.u32 s9, $0xF7A;
	s5 =	simm.s32 @!p2 $0x0  }
0x1d: {  	s5 =	simm.s32 @p1 $0x1;
	p0 =	seq.s32 s7, s2  }
0x1e: {  	s7 =	smul.u32 @!p0 $0xF7A, s2;
	p2 =	seq.s32 @!p0 s5, $0x0  }
0x1f: {  	s9 =	smul.u32 $0xF7A, s1;
	s8 =	simm.s32 @!p0 $0x1BF5;
	p2 =	por !p2, p0  }
0x20: {  	[sflag:s8] =	ssyncset.s32 @!p0 $0xFFFFF086;
	s6 =	sadd.s32 @!p0 s3, s7;
	s7 =	simm.s32 @!p0 $0x108  }
0x21: {  	s3 =	sadd.s32 s3, s9;
	s6 =	sadd.s32 @!p0 $0x88, s6;
	s7 =	simm.s32 @p2 $0x1082  }
0x22: {  	[simem:s7], [sflag:s8] =	dma.local @!p0 [hbm:s6], $0xF7A  }
0x23: {  	s9 =	sor.u32 $0xD0000000, s2;
	s6 =	simm.s32 $0x108;
	_ =	swait.ge @!p0 [sflag:s8], $0x0  }
0x24: {  	s3 =	sadd.s32 $0x88, s3;
	s6 =	simm.s32 @!p1 $0x1082;
	[sflag:s4] =	ssyncset.s32 $0xFFFFF086  }
0x25: {  	[simem:s6], [sflag:s4] =	dma.local [hbm:s3], $0xF7A  }
0x26: {  	[smem:$0x3F8D] =	sst s1;
	(tag) =	ssettag s2;
	_ =	strace s9  }
0x27: {  	s1 =	sld [smem:$0x3F9D]  }
0x28: {  	s2 =	sld [smem:$0x3F9E]  }
0x29: {  	s4 =	sld [smem:$0x3FA0]  }
0x2a: {  	p0 =	seq.s32 s5, $0x0;
	s5 =	sld [smem:$0x3FA1]  }
0x2b: {  	s6 =	sld [smem:$0x3FA2]  }
0x2c: {  	s7 =	sld [smem:$0x3FA3]  }
0x2d: {  	s3 =	simm.s32 $0x108;
	s8 =	sld [smem:$0x3FA4]  }
0x2e: {  	s3 =	simm.s32 @!p0 $0x1082;
	s9 =	sld [smem:$0x3FA5]  }
0x2f: {  	lr =	sadd.s32 s0, s3;
	s0 =	sld [smem:$0x3F9C]  }
0x30: {  	s3 =	sld [smem:$0x3F9F]  }
0x31: {  	[smem:$0x3FA8] =	sst s10  }
0x32: {  	s10 =	sld [smem:$0x3FA6];
	_ =	sdelay $0x3  }
0x33: {  	p0 =	seq.s32 s10, $0x1;
	s10 =	sld [smem:$0x3FA8];
	_ =	sdelay $0x3  }
0x34: {  	[smem:$0x3FA8] =	sst s10  }
0x35: {  	s10 =	sld [smem:$0x3FA7];
	_ =	sdelay $0x3  }
0x36: {  	p1 =	seq.s32 s10, $0x1;
	s10 =	sld [smem:$0x3FA8];
	_ =	sdelay $0x3  }
0x37: {  	[smem:$0x3FA8] =	sst s10  }
0x38: {  	s10 =	sld [smem:$0x3FA9]  }
0x39: {  	_ = 	snop;
	(pc) =	sbr.ind lr, $3  }
0x3a: {  	_ = 	snop  }
0x3b: {  	_ = 	snop  }
0x3c: {  	p2 =	seq.s32 s10, $0x1;
	s10 =	sld [smem:$0x3FA8]  }
0x3d: {  	_ =	shalt  }
0x3e: {  	_ =	shalt  }
0x3f: {  	_ =	shalt  }
0x40: {  	_ =	shalt  }
0x41: {  	_ =	shalt  }
0x42: {  	_ =	shalt  }
0x43: {  	_ =	shalt  }
0x44: {  	_ =	shalt  }
0x45: {  	_ =	shalt  }
0x46: {  	_ =	shalt  }
0x47: {  	_ =	shalt  }
0x48: {  	_ =	shalt  }
0x49: {  	_ =	shalt  }
0x4a: {  	_ =	shalt  }
0x4b: {  	_ =	shalt  }
0x4c: {  	_ =	shalt  }
0x4d: {  	_ =	shalt  }
0x4e: {  	_ =	shalt  }
0x4f: {  	_ =	shalt  }
0x50: {  	_ =	shalt  }
0x51: {  	_ =	shalt  }
0x52: {  	_ =	shalt  }
0x53: {  	_ =	shalt  }
0x54: {  	_ =	shalt  }
0x55: {  	_ =	shalt  }
0x56: {  	_ =	shalt  }
0x57: {  	_ =	shalt  }
0x58: {  	_ =	shalt  }
0x59: {  	_ =	shalt  }
0x5a: {  	_ =	shalt  }
0x5b: {  	_ =	shalt  }
0x5c: {  	_ =	shalt  }
0x5d: {  	_ =	shalt  }
0x5e: {  	_ =	shalt  }
0x5f: {  	_ =	shalt  }
0x60: {  	_ =	shalt  }
0x61: {  	_ =	shalt  }
0x62: {  	_ =	shalt  }
0x63: {  	_ =	shalt  }
0x64: {  	_ =	shalt  }
0x65: {  	_ =	shalt  }
0x66: {  	_ =	shalt  }
0x67: {  	_ =	shalt  }
0x68: {  	_ =	shalt  }
0x69: {  	_ =	shalt  }
0x6a: {  	_ =	shalt  }
0x6b: {  	_ =	shalt  }
0x6c: {  	_ =	shalt  }
0x6d: {  	_ =	shalt  }
0x6e: {  	_ =	shalt  }
0x6f: {  	_ =	shalt  }
0x70: {  	_ =	shalt  }
0x71: {  	_ =	shalt  }
0x72: {  	_ =	shalt  }
0x73: {  	_ =	shalt  }
0x74: {  	_ =	shalt  }
0x75: {  	_ =	shalt  }
0x76: {  	_ =	shalt  }
0x77: {  	_ =	shalt  }
0x78: {  	_ =	shalt  }
0x79: {  	_ =	shalt  }
0x7a: {  	_ =	shalt  }
0x7b: {  	_ =	shalt  }
0x7c: {  	_ =	shalt  }
0x7d: {  	_ =	shalt  }
0x7e: {  	_ =	shalt  }
0x7f: {  	_ =	shalt  }
0x80: {  	_ =	shalt  }
0x81: {  	_ =	shalt  }
0x82: {  	_ =	shalt  }
0x83: {  	_ =	shalt  }
0x84: {  	_ =	shalt  }
0x85: {  	_ =	shalt  }
0x86: {  	_ =	shalt  }
0x87: {  	_ =	shalt  }
.Lfunc_end0:
.L_simem_size_0:
called_computation.3_lowered:
.L_overlay_start_0:
0x88: {  	s2 =	sld [smem:$0x3FD9]  }
0x89: {  	s3 =	sld [smem:$0x3FFE];
	_ =	sdelay $0x1  }
0x8a: {  	s1 =	srdreg.scid  }
0x8b: {  	s0 =	sand.u32 $0x1, s1  }
0x8c: {  	s17 =	sshll.u32 s0, $0xA;
	s2 =	sadd.s32 s3, s2  }
0x8d: {  	s2 =	sadd.s32 s2, s17  }
0x8e: {  	[smem:$0x3FB4] =	sst s2  }
0x8f: {  	_ = 	snop  }
0x90: {  	s2 =	sld [smem:$0x3FD0];
	(tm) =	ssettm $0x1  }
0x91: {  	s18 =	sld [smem:$0x3FFB];
	_ =	sdelay $0x3  }
0x92: {  	_ =	strace s18  }
0x93: {  	s3 =	sld [smem:$0x3FFC];
	_ =	sdelay $0x3  }
0x94: {  	_ =	strace s3  }
0x95: {  	s3 =	sld [smem:$0x3FFD];
	_ =	sdelay $0x3  }
0x96: {  	_ =	strace s3  }
0x97: {  	_ =	strace $0x8FFFFFFF  }
0x98: {  	s19 =	sld [smem:$0x3FDB];
	_ =	sdelay $0x1  }
0x99: {  	s4 =	simm.s32 $_scs_section_size  }
0x9a: {  	s5 =	simm.s32 $_size__tile_overlayer_lowered;
	s6 =	simm.s32 $_tile_overlayer_lowered  }
0x9b: {  	s22 =	simm.s32 $0x1BFF;
	s21 =	sshll.u32 s6, $0x1;
	s3 =	sadd.s32 s4, s19  }
0x9c: {  	s7 =	simm.s32 $0x0;
	s20 =	sshll.u32 s5, $0x1;
	s5 =	sadd.s32 s21, s3  }
0x9d: {  	[timem:s7], [sflag:s22] =	dma.local [hbm:s5], s20  }
0x9e: {  	_ =	swait.ge [sflag:s22], s20  }
0x9f: {  	s4 =	ssub.s32 $0x0, s20;
	[sflag:s22] =	ssyncset.done $0x0  }
0xa0: {  	[sflag:s22] =	ssyncadd.s32 s4;
	_ =	sdelay $0x1  }
0xa1: {  	s23 =	simm.s32 $0x1B8B  }
0xa2: {  	_ =	swait.ge [sflag:s23], $0x1  }
0xa3: {  	[sflag:s23] =	ssyncset.done $0x0  }
0xa4: {  	s25 =	simm.s32 $0x1B8E;
	s24 =	sld [smem:$0x3FFE];
	[sflag:s23] =	ssyncadd.s32 $0xFFFFFFFF  }
0xa5: {  	s26 =	simm.s32 $execute0_lowered;
	[smem:$0x3FD2] =	sst s25  }
0xa6: {  	s5 =	sshll.u32 s26, $0x1;
	_ =	strace $0x8000004F;
	[dreg:$0x1] =	wrdreg $0xFFFFFFFF  }
0xa7: {  	s28 =	simm.s32 $_size_execute0_lowered;
	s3 =	sadd.s32 s3, s5;
	[dreg:$0x0] =	wrdreg $0x0  }
0xa8: {  	s5 =	sshll.u32 s28, $0x1;
	[dreg:$0x2] =	wrdreg s3  }
0xa9: {  	[dreg:$0x3] =	wrdreg s5  }
0xaa: {  	[dreg:$0x4] =	wrdreg $0xC0  }
0xab: {  	_ =	task [dreg:s7], $0x5FFFF  }
0xac: {  	[dreg:$0x1] =	wrdreg $0xFFFFFFFF  }
0xad: {  	[dreg:$0x0] =	wrdreg $0x60  }
0xae: {  	[dreg:$0x2] =	wrdreg s24  }
0xaf: {  	[dreg:$0x3] =	wrdreg s2  }
0xb0: {  	[dreg:$0x4] =	wrdreg $0x50000  }
0xb1: {  	[dreg:$0x5] =	wrdreg $0x9  }
0xb2: {  	_ =	task.clear_ibuf [dreg:s7], $0x6FFFF;
	_ =	strace $0x9000004F  }
0xb3: {  	s29 =	simm.s32 $0x9;
	_ =	strace $0x80000051  }
0xb4: {  	_ =	swait.ge [sflag:s29], $0x1  }
0xb5: {  	[sflag:s29] =	ssyncadd.s32 $0xFFFFFFFF  }
0xb6: {  	_ =	strace $0x90000051  }
0xb7: {  	_ =	sfence  }
0xb8: {  	s30 =	sld [smem:$0x0];
	_ =	sdelay $0x2  }
0xb9: {  	s31 =	sshll.u32 s1, $0xD;
	s1 =	sshrl.u32 s1, $0x2  }
0xba: {  	s3 =	sand.u32 $0x4000, s31;
	s1 =	sadd.s32 s1, s30  }
0xbb: {  	s0 =	sor.u32 s3, s0;
	s1 =	sshll.u32 s1, $0x11  }
0xbc: {  	s0 =	sor.u32 s1, s0  }
0xbd: {  	s0 =	sadd.s32 $0x8F2B, s0  }
0xbe: {  	[sflag:s0] =	ssyncadd.remote.s32 $0x1  }
0xbf: {  	_ =	sfence.sel $0xFFFF  }
0xc0: {  	[dreg:$0x0] =	wrdreg $0xFFFFFFFF;
	(pc) =	sbr.abs _section_cstart, $3  }
0xc1: {  	[dreg:$0x1] =	wrdreg $0xFFFFFFFF  }
0xc2: {  	_ =	task.clear_ibuf [dreg:s7], $0x2FFFF;
	_ =	strace $0x9FFFFFFF  }
0xc3: {  	(tm) =	ssettm $0x7FFFFFFF  }
tec
execute0_lowered:
.L_overlay_start_1:
0x0: {  	(tag) =	ssettag $0x1  }
0x1: {  	s5 =	rddreg [dreg:$0x0]  }
0x2: {  	s6 =	rddreg [dreg:$0x1]  }
0x3: {  	s0 =	srdreg.scid;
	s2 =	rddreg [dreg:$0x2]  }
0x4: {  	s1 =	stileid.u32;
	s3 =	simm.s32 $0x0;
	s13 =	simm.s32 $0x4  }
0x5: {  	s15 =	simm.s32 $0x2400;
	s16 =	simm.s32 $0x2600;
	s8 =	smul.u32 $0xC800, s1  }
0x6: {  	s17 =	simm.s32 $0x200;
	s18 =	simm.s32 $0x2800;
	s10 =	smul.u32 $0x18800, s1  }
0x7: {  	s19 =	simm.s32 $0x3;
	s7 =	sand.u32 $0x1, s0;
	s11 =	smul.u32 $0x62000, s1  }
0x8: {  	s20 =	simm.s32 $0x0;
	s0 =	rddreg [dreg:$0x3];
	s4 =	smul.u32 $0xC8000, s7  }
0x9: {  	[smem:$0x7FF] =	sst s3;
	s9 =	smul.u32 $0x188000, s7;
	s28 =	ssub.s32 $0x2, s7  }
0xa: {  	_ =	strace $0x80000050;
	s30 =	sshrl.u32 s28, $0x1;
	s31 =	sshrl.u32 s11, $0x2  }
0xb: {  	s14 =	sadd.s32 s10, s2;
	s11 =	simm.s32 $0x5;
	s8 =	sadd.s32 s8, s4  }
.Ltmp0:
0xc: {  	s4 =	sadd.s32 $0x9C200, s5;
	s29 =	sadd.s32 s10, s9;
	(pc) =	sbr.rel .LBB2_1-.Ltmp0, $4  }
0xd: {  	s10 =	simm.s32 $0x4800;
	s14 =	sshrl.u32 s14, $0x3;
	s8 =	sshrl.u32 s8, $0x3  }
0xe: {  	s7 =	sshrl.u32 s29, $0x3;
	s12 =	sadd.s32 s8, s5;
	s8 =	ssub.s32 s28, s30  }
0xf: {  	s5 =	sadd.s32 s31, s2;
	s6 =	sadd.s32 s6, s7;
	s7 =	smax.u32 s8, $0x1  }
0x10: {  	v0 =	vimm.f32 $0.0e+00;
	s8 =	sadd.s32 $0x39200, s12;
	s9 =	sadd.s32 $0x7200, s12;
	s12 =	simm.s32 $0x2  }
.LBB2_9:
0x11: {  	_ =	swait.ge [sflag:s12], $0x2000  }
0x12: {  	[sflag:s12] =	ssyncset.done $0x0  }
0x13: {  	[sflag:s12] =	ssyncadd.s32 $0xFFFFE000  }
0x14: {  	_ =	swait.ge [sflag:s13], $0x2000  }
0x15: {  	s20 =	sadd.s32 $0x1, s20;
	[sflag:s13] =	ssyncset.done $0x0  }
0x16: {  	s21 =	sshll.u32 s1, $0x6;
	p0 =	sne.s32 s20, s7;
	[sflag:s13] =	ssyncadd.s32 $0xFFFFE000  }
.Ltmp1:
0x17: {  	s21 =	sor.u32 $0x1C05, s21;
	[bflag:$0x0] =	sbarrier.arrive $0xFFFF;
	(pc) =	sbr.rel @!p0 .LBB2_10-.Ltmp1, $4  }
0x18: {  	[hbm:s6], [sflag:s21] =	dma.local [spmem:s14], $0x3100  }
0x19: {  	_ =	swait.ge [sflag:s11], $0x3100  }
0x1a: {  	[sflag:s11] =	ssyncset.done $0x0  }
0x1b: {  	[sflag:s11] =	ssyncadd.s32 $0xFFFFCF00  }
.LBB2_1:
0x1c: {  	s21 =	simm.s32 $0x0  }
.LBB2_2:
0x1d: {  	p0 =	sne.s32 s21, $0x1FC0  }
.Ltmp2:
0x1e: {  	_ = 	snop;
	(pc) =	sbr.rel @p0 .LBB2_2-.Ltmp2, $3  }
0x1f: {  	_ =	sdelay $0x1  }
0x20: {  	s22 =	sshra.s32 s21, $0x2  }
0x21: {  	s21 =	sadd.s32 $0x40, s21;
	[tilespmem:s22+$0x4800] =	vst v0  }
0x22: {  	s21 =	sadd.s32 $0x0, s5  }
0x23: {  	[spmem:s21] =	stream.linear.scatter [tilespmem:s10], [sflag:$0x5], $0x800, $0x38;
	[tilespmem:$0x1D800] =	vst v63  }
0x24: {  	s21 =	simm.s32 $0x2000;
	_ =	swait.ge [sflag:s11], $0x800  }
.LBB2_4:
0x25: {  	s22 =	sshra.s32 s21, $0x2;
	[sflag:s11] =	ssyncset.done $0x0;
	p0 =	sne.s32 s21, $0x60000  }
.Ltmp3:
0x26: {  	s22 =	sadd.s32 s22, s5;
	[sflag:s11] =	ssyncadd.s32 $0xFFFFF800;
	(pc) =	sbr.rel @p0 .LBB2_4-.Ltmp3, $3  }
0x27: {  	[spmem:s22] =	stream.linear.scatter [tilespmem:s10], [sflag:$0x5], $0x800, $0x38;
	[tilespmem:$0x1D800] =	vst v63  }
0x28: {  	s21 =	sadd.s32 $0x2000, s21;
	_ =	sdelay $0x1  }
0x29: {  	_ =	swait.ge [sflag:s11], $0x800  }
.Ltmp4:
0x2a: {  	(pc) =	sbr.rel .LBB2_6-.Ltmp4, $4  }
0x2b: {  	[sflag:s11] =	ssyncset.done $0x0  }
0x2c: {  	[sflag:s11] =	ssyncadd.s32 $0xFFFFF800  }
0x2d: {  	[bflag:$0x0] =	sbarrier.arrive $0xFFFF  }
0x2e: {  	s21 =	simm.s32 $0x0;
	s22 =	smov.u32 s9;
	s23 =	smov.u32 s8  }
.LBB2_8:
0x2f: {  	s21 =	sadd.s32 $0x1, s21  }
0x30: {  	p0 =	sne.s32 s21, $0x64  }
.Ltmp5:
0x31: {  	_ = 	snop;
	(pc) =	sbr.rel @!p0 .LBB2_9-.Ltmp5, $2  }
0x32: {  	_ =	sdelay $0x2  }
0x33: {  	s23 =	sadd.s32 $0x40, s23;
	s22 =	sadd.s32 $0x40, s22  }
.LBB2_6:
0x34: {  	s24 =	sand.u32 $0x1, s21  }
0x35: {  	p0 =	seq.s32 s24, $0x1  }
0x36: {  	p1 =	slt.u32 @!p0 s21, $0x2  }
0x37: {  	p1 =	por p1, p0  }
0x38: {  	s25 =	simm.s32 @!p1 $0x2  }
0x39: {  	_ =	swait.ge @!p1 [sflag:s25], $0x2000  }
0x3a: {  	[sflag:s25] =	ssyncset.done @!p1 $0x0  }
0x3b: {  	s26 =	simm.s32 @!p0 $0x5;
	[sflag:s25] =	ssyncadd.s32 @!p1 $0xFFFFE000;
	s25 =	simm.s32 @!p0 $0x0  }
0x3c: {  	[tilespmem:s25], [sflag:$0x5] =	stream.linear.gather @!p0 [hbm4b:s22+s25], $0x200, $0x38;
	[tilespmem:$0x1D800] =	vst v63  }
0x3d: {  	_ =	swait.ge @!p0 [sflag:s26], $0x200  }
0x3e: {  	[sflag:s26] =	ssyncset.done @!p0 $0x0  }
0x3f: {  	s28 =	simm.s32 @!p0 $0x200;
	[sflag:s26] =	ssyncadd.s32 @!p0 $0xFFFFFE00  }
0x40: {  	[tilespmem:s28], [sflag:$0x5] =	stream.linear.gather @!p0 [hbm4b:s23+s25], $0x200, $0x38;
	[tilespmem:$0x1D800] =	vst v63  }
0x41: {  	_ =	swait.ge @!p0 [sflag:s26], $0x200  }
0x42: {  	[sflag:s26] =	ssyncset.done @!p0 $0x0  }
0x43: {  	[sflag:s26] =	ssyncadd.s32 @!p0 $0xFFFFFE00;
	s26 =	simm.s32 @!p0 $0x400  }
0x44: {  	[tilespmem:s26], [sflag:$0x1] =	stream.indirect.gather @!p0 [hbm4b:s4+s28], $0x10, s25, s28, $0xb8;
	[tilespmem:$0x1D800] =	vst v63  }
0x45: {  	s25 =	simm.s32 @!p0 $0x1  }
0x46: {  	_ =	swait.ge @!p0 [sflag:s25], $0x2000  }
0x47: {  	[sflag:s25] =	ssyncset.done @!p0 $0x0  }
0x48: {  	p1 =	seq.s32 @!p0 s24, $0x0;
	[sflag:s25] =	ssyncadd.s32 @!p0 $0xFFFFE000  }
0x49: {  	[spmem:s2] =	stream.indirect.scatter.add.f32 @!p0 [tilespmem:s26], [sflag:$0x2], $0x10, s28, s28, $0xb8;
	[tilespmem:$0x1D800] =	vst v63  }
0x4a: {  	p0 =	por p0, !p1  }
.Ltmp6:
0x4b: {  	_ = 	snop;
	(pc) =	sbr.rel @!p0 .LBB2_8-.Ltmp6, $1  }
0x4c: {  	_ =	sdelay $0x3  }
0x4d: {  	p0 =	slt.u32 s21, $0x2  }
0x4e: {  	s24 =	simm.s32 @!p0 $0x4  }
0x4f: {  	_ =	swait.ge @!p0 [sflag:s24], $0x2000  }
0x50: {  	[sflag:s24] =	ssyncset.done @!p0 $0x0  }
0x51: {  	[sflag:s24] =	ssyncadd.s32 @!p0 $0xFFFFE000  }
0x52: {  	[tilespmem:s15], [sflag:$0x5] =	stream.linear.gather [hbm4b:s22+s3], $0x200, $0x38;
	[tilespmem:$0x1D800] =	vst v63  }
0x53: {  	_ =	swait.ge [sflag:s11], $0x200  }
0x54: {  	[sflag:s11] =	ssyncset.done $0x0  }
0x55: {  	[sflag:s11] =	ssyncadd.s32 $0xFFFFFE00  }
0x56: {  	[tilespmem:s16], [sflag:$0x5] =	stream.linear.gather [hbm4b:s23+s3], $0x200, $0x38;
	[tilespmem:$0x1D800] =	vst v63  }
0x57: {  	_ =	swait.ge [sflag:s11], $0x200  }
0x58: {  	[sflag:s11] =	ssyncset.done $0x0  }
0x59: {  	[sflag:s11] =	ssyncadd.s32 $0xFFFFFE00  }
0x5a: {  	[tilespmem:s18], [sflag:$0x3] =	stream.indirect.gather [hbm4b:s4+s17], $0x10, s15, s17, $0xb8;
	[tilespmem:$0x1D800] =	vst v63  }
.Ltmp7:
0x5b: {  	_ = 	snop;
	(pc) =	sbr.rel .LBB2_8-.Ltmp7, $4  }
0x5c: {  	_ =	swait.ge [sflag:s19], $0x2000  }
0x5d: {  	[sflag:s19] =	ssyncset.done $0x0  }
0x5e: {  	[sflag:s19] =	ssyncadd.s32 $0xFFFFE000  }
0x5f: {  	[spmem:s2] =	stream.indirect.scatter.add.f32 [tilespmem:s18], [sflag:$0x4], $0x10, s16, s17, $0xb8;
	[tilespmem:$0x1D800] =	vst v63  }
.LBB2_10:
0x60: {  	_ =	sfence.sel $0x180000  }
0x61: {  	[bflag:$0x0] =	sbarrier.arrive $0xFFFF  }
0x62: {  	p0 =	sne.s32 s1, $0x0;
	_ =	strace $0x90000050  }
0x63: {  	s0 =	sadd.s32 @!p0 $0x100000, s0;
	[bflag:$0x2] =	sbarrier.arrive $0xFFFF  }
0x64: {  	[sflag:s0] =	ssyncadd.tile.s32 @!p0 $0x1;
	_ =	shalt  }
.Lfunc_end2:
_tile_overlayer_lowered:
.L_overlay_start_2:
0x65: {  	(tag) =	ssettag $0x2  }
0x66: {  	s0 =	rddreg [dreg:$0x0];
	s2 =	stileid.u32  }
0x67: {  	s1 =	rddreg [dreg:$0x1];
	p0 =	sne.s32 s2, $0x0  }
0x68: {  	s3 =	rddreg [dreg:$0x2];
	[bflag:$0x3] =	sbarrier.arrive $0xFFFF;
	s2 =	simm.s32 @!p0 $0x1C05  }
0x69: {  	[timem:s3], [sflag:s2] =	dma.local @!p0 [hbm:s0], s1  }
0x6a: {  	s0 =	simm.s32 @!p0 $0x5  }
0x6b: {  	_ =	swait.ge @!p0 [sflag:s0], s1  }
0x6c: {  	s1 =	ssub.s32 @!p0 $0x0, s1;
	[sflag:s0] =	ssyncset.done @!p0 $0x0  }
0x6d: {  	[sflag:s0] =	ssyncadd.s32 @!p0 s1  }
0x6e: {  	[bflag:$0x3] =	sbarrier.arrive $0xFFFF  }
0x6f: {  	_ =	shalt  }

// kernel: kernel.27.cloned.1.call-start
scs
__scs_entry_jumppad:
0x0: {  	(pc) =	sbr.rel $0x88, $3  }
0x1: {  	(tag) =	ssettag $0x0;
	lr =	simm.s32 $0x1  }
0x2: {  	[smem:$0x3F8D] =	sst lr;
	_ =	strace $0xD0000000  }
0x3: {  	_ = 	snop  }
0x4: {  	_ = 	snop  }
0x5: {  	_ = 	snop  }
0x6: {  	_ = 	snop  }
0x7: {  	_ = 	snop  }
__scs_overlays_trampoline_lowered:
0x8: {  	[smem:$0x3F9C] =	sst s0  }
0x9: {  	[smem:$0x3F9D] =	sst s1  }
0xa: {  	[smem:$0x3F9E] =	sst s2  }
0xb: {  	[smem:$0x3F9F] =	sst s3  }
0xc: {  	[smem:$0x3FA0] =	sst s4  }
0xd: {  	[smem:$0x3FA1] =	sst s5  }
0xe: {  	[smem:$0x3FA2] =	sst s6  }
0xf: {  	[smem:$0x3FA3] =	sst s7  }
0x10: {  	[smem:$0x3FA4] =	sst s8  }
0x11: {  	[smem:$0x3FA5] =	sst s9;
	s0 =	simm.s32 @!p0 $0x0  }
0x12: {  	s1 =	sld [smem:$0x3F8B];
	s0 =	simm.s32 @p0 $0x1  }
0x13: {  	[smem:$0x3FA6] =	sst s0;
	s0 =	simm.s32 @!p1 $0x0  }
0x14: {  	s2 =	sld [smem:$0x3F8A];
	s0 =	simm.s32 @p1 $0x1  }
0x15: {  	[smem:$0x3FA7] =	sst s0;
	s0 =	simm.s32 @!p2 $0x0  }
0x16: {  	s3 =	sld [smem:$0x3FDB];
	s0 =	simm.s32 @p2 $0x1  }
0x17: {  	s4 =	simm.s32 $0x1BF5;
	[smem:$0x3FA9] =	sst s0  }
0x18: {  	s0 =	sld [smem:$0x3F8C];
	_ =	swait.ge [sflag:s4], $0x0  }
0x19: {  	s7 =	sld [smem:$0x3F8D]  }
0x1a: {  	s8 =	sadd.s32 $0xFFFFE003, lr  }
0x1b: {  	s9 =	sadd.s32 $0xFFFFFEF7, lr;
	s5 =	simm.s32 $0xFFFFFFFF;
	p2 =	slt.u32 s8, $0xFFFFF086  }
0x1c: {  	p1 =	slt.u32 s9, $0xF7A;
	s5 =	simm.s32 @!p2 $0x0  }
0x1d: {  	s5 =	simm.s32 @p1 $0x1;
	p0 =	seq.s32 s7, s2  }
0x1e: {  	s7 =	smul.u32 @!p0 $0xF7A, s2;
	p2 =	seq.s32 @!p0 s5, $0x0  }
0x1f: {  	s9 =	smul.u32 $0xF7A, s1;
	s8 =	simm.s32 @!p0 $0x1BF5;
	p2 =	por !p2, p0  }
0x20: {  	[sflag:s8] =	ssyncset.s32 @!p0 $0xFFFFF086;
	s6 =	sadd.s32 @!p0 s3, s7;
	s7 =	simm.s32 @!p0 $0x108  }
0x21: {  	s3 =	sadd.s32 s3, s9;
	s6 =	sadd.s32 @!p0 $0x88, s6;
	s7 =	simm.s32 @p2 $0x1082  }
0x22: {  	[simem:s7], [sflag:s8] =	dma.local @!p0 [hbm:s6], $0xF7A  }
0x23: {  	s9 =	sor.u32 $0xD0000000, s2;
	s6 =	simm.s32 $0x108;
	_ =	swait.ge @!p0 [sflag:s8], $0x0  }
0x24: {  	s3 =	sadd.s32 $0x88, s3;
	s6 =	simm.s32 @!p1 $0x1082;
	[sflag:s4] =	ssyncset.s32 $0xFFFFF086  }
0x25: {  	[simem:s6], [sflag:s4] =	dma.local [hbm:s3], $0xF7A  }
0x26: {  	[smem:$0x3F8D] =	sst s1;
	(tag) =	ssettag s2;
	_ =	strace s9  }
0x27: {  	s1 =	sld [smem:$0x3F9D]  }
0x28: {  	s2 =	sld [smem:$0x3F9E]  }
0x29: {  	s4 =	sld [smem:$0x3FA0]  }
0x2a: {  	p0 =	seq.s32 s5, $0x0;
	s5 =	sld [smem:$0x3FA1]  }
0x2b: {  	s6 =	sld [smem:$0x3FA2]  }
0x2c: {  	s7 =	sld [smem:$0x3FA3]  }
0x2d: {  	s3 =	simm.s32 $0x108;
	s8 =	sld [smem:$0x3FA4]  }
0x2e: {  	s3 =	simm.s32 @!p0 $0x1082;
	s9 =	sld [smem:$0x3FA5]  }
0x2f: {  	lr =	sadd.s32 s0, s3;
	s0 =	sld [smem:$0x3F9C]  }
0x30: {  	s3 =	sld [smem:$0x3F9F]  }
0x31: {  	[smem:$0x3FA8] =	sst s10  }
0x32: {  	s10 =	sld [smem:$0x3FA6];
	_ =	sdelay $0x3  }
0x33: {  	p0 =	seq.s32 s10, $0x1;
	s10 =	sld [smem:$0x3FA8];
	_ =	sdelay $0x3  }
0x34: {  	[smem:$0x3FA8] =	sst s10  }
0x35: {  	s10 =	sld [smem:$0x3FA7];
	_ =	sdelay $0x3  }
0x36: {  	p1 =	seq.s32 s10, $0x1;
	s10 =	sld [smem:$0x3FA8];
	_ =	sdelay $0x3  }
0x37: {  	[smem:$0x3FA8] =	sst s10  }
0x38: {  	s10 =	sld [smem:$0x3FA9]  }
0x39: {  	_ = 	snop;
	(pc) =	sbr.ind lr, $3  }
0x3a: {  	_ = 	snop  }
0x3b: {  	_ = 	snop  }
0x3c: {  	p2 =	seq.s32 s10, $0x1;
	s10 =	sld [smem:$0x3FA8]  }
0x3d: {  	_ =	shalt  }
0x3e: {  	_ =	shalt  }
0x3f: {  	_ =	shalt  }
0x40: {  	_ =	shalt  }
0x41: {  	_ =	shalt  }
0x42: {  	_ =	shalt  }
0x43: {  	_ =	shalt  }
0x44: {  	_ =	shalt  }
0x45: {  	_ =	shalt  }
0x46: {  	_ =	shalt  }
0x47: {  	_ =	shalt  }
0x48: {  	_ =	shalt  }
0x49: {  	_ =	shalt  }
0x4a: {  	_ =	shalt  }
0x4b: {  	_ =	shalt  }
0x4c: {  	_ =	shalt  }
0x4d: {  	_ =	shalt  }
0x4e: {  	_ =	shalt  }
0x4f: {  	_ =	shalt  }
0x50: {  	_ =	shalt  }
0x51: {  	_ =	shalt  }
0x52: {  	_ =	shalt  }
0x53: {  	_ =	shalt  }
0x54: {  	_ =	shalt  }
0x55: {  	_ =	shalt  }
0x56: {  	_ =	shalt  }
0x57: {  	_ =	shalt  }
0x58: {  	_ =	shalt  }
0x59: {  	_ =	shalt  }
0x5a: {  	_ =	shalt  }
0x5b: {  	_ =	shalt  }
0x5c: {  	_ =	shalt  }
0x5d: {  	_ =	shalt  }
0x5e: {  	_ =	shalt  }
0x5f: {  	_ =	shalt  }
0x60: {  	_ =	shalt  }
0x61: {  	_ =	shalt  }
0x62: {  	_ =	shalt  }
0x63: {  	_ =	shalt  }
0x64: {  	_ =	shalt  }
0x65: {  	_ =	shalt  }
0x66: {  	_ =	shalt  }
0x67: {  	_ =	shalt  }
0x68: {  	_ =	shalt  }
0x69: {  	_ =	shalt  }
0x6a: {  	_ =	shalt  }
0x6b: {  	_ =	shalt  }
0x6c: {  	_ =	shalt  }
0x6d: {  	_ =	shalt  }
0x6e: {  	_ =	shalt  }
0x6f: {  	_ =	shalt  }
0x70: {  	_ =	shalt  }
0x71: {  	_ =	shalt  }
0x72: {  	_ =	shalt  }
0x73: {  	_ =	shalt  }
0x74: {  	_ =	shalt  }
0x75: {  	_ =	shalt  }
0x76: {  	_ =	shalt  }
0x77: {  	_ =	shalt  }
0x78: {  	_ =	shalt  }
0x79: {  	_ =	shalt  }
0x7a: {  	_ =	shalt  }
0x7b: {  	_ =	shalt  }
0x7c: {  	_ =	shalt  }
0x7d: {  	_ =	shalt  }
0x7e: {  	_ =	shalt  }
0x7f: {  	_ =	shalt  }
0x80: {  	_ =	shalt  }
0x81: {  	_ =	shalt  }
0x82: {  	_ =	shalt  }
0x83: {  	_ =	shalt  }
0x84: {  	_ =	shalt  }
0x85: {  	_ =	shalt  }
0x86: {  	_ =	shalt  }
0x87: {  	_ =	shalt  }
.Lfunc_end0:
.L_simem_size_0:
called_computation.4_lowered:
.L_overlay_start_0:
0x88: {  	s2 =	sld [smem:$0x3FD9]  }
0x89: {  	s3 =	sld [smem:$0x3FFE];
	_ =	sdelay $0x1  }
0x8a: {  	s1 =	srdreg.scid  }
0x8b: {  	s0 =	sand.u32 $0x1, s1  }
0x8c: {  	s17 =	sshll.u32 s0, $0xA;
	s2 =	sadd.s32 s3, s2  }
0x8d: {  	s2 =	sadd.s32 s2, s17  }
0x8e: {  	[smem:$0x3FB4] =	sst s2  }
0x8f: {  	_ = 	snop  }
0x90: {  	s2 =	sld [smem:$0x3FD0];
	(tm) =	ssettm $0x1  }
0x91: {  	s18 =	sld [smem:$0x3FFB];
	_ =	sdelay $0x3  }
0x92: {  	_ =	strace s18  }
0x93: {  	s3 =	sld [smem:$0x3FFC];
	_ =	sdelay $0x3  }
0x94: {  	_ =	strace s3  }
0x95: {  	s3 =	sld [smem:$0x3FFD];
	_ =	sdelay $0x3  }
0x96: {  	_ =	strace s3  }
0x97: {  	_ =	strace $0x8FFFFFFF  }
0x98: {  	s19 =	sld [smem:$0x3FDB];
	_ =	sdelay $0x1  }
0x99: {  	s4 =	simm.s32 $_scs_section_size  }
0x9a: {  	s5 =	simm.s32 $_size__tile_overlayer_lowered;
	s6 =	simm.s32 $_tile_overlayer_lowered  }
0x9b: {  	s22 =	simm.s32 $0x1BFF;
	s21 =	sshll.u32 s6, $0x1;
	s3 =	sadd.s32 s4, s19  }
0x9c: {  	s7 =	simm.s32 $0x0;
	s20 =	sshll.u32 s5, $0x1;
	s5 =	sadd.s32 s21, s3  }
0x9d: {  	[timem:s7], [sflag:s22] =	dma.local [hbm:s5], s20  }
0x9e: {  	_ =	swait.ge [sflag:s22], s20  }
0x9f: {  	s4 =	ssub.s32 $0x0, s20;
	[sflag:s22] =	ssyncset.done $0x0  }
0xa0: {  	[sflag:s22] =	ssyncadd.s32 s4;
	_ =	sdelay $0x1  }
0xa1: {  	s23 =	simm.s32 $0x1B8B  }
0xa2: {  	_ =	swait.ge [sflag:s23], $0x1  }
0xa3: {  	[sflag:s23] =	ssyncset.done $0x0  }
0xa4: {  	s25 =	simm.s32 $0x1B8E;
	s24 =	sld [smem:$0x3FFE];
	[sflag:s23] =	ssyncadd.s32 $0xFFFFFFFF  }
0xa5: {  	s26 =	simm.s32 $execute0_lowered;
	[smem:$0x3FD2] =	sst s25  }
0xa6: {  	s5 =	sshll.u32 s26, $0x1;
	_ =	strace $0x80000052;
	[dreg:$0x1] =	wrdreg $0xFFFFFFFF  }
0xa7: {  	s28 =	simm.s32 $_size_execute0_lowered;
	s3 =	sadd.s32 s3, s5;
	[dreg:$0x0] =	wrdreg $0x0  }
0xa8: {  	s5 =	sshll.u32 s28, $0x1;
	[dreg:$0x2] =	wrdreg s3  }
0xa9: {  	[dreg:$0x3] =	wrdreg s5  }
0xaa: {  	[dreg:$0x4] =	wrdreg $0xC0  }
0xab: {  	_ =	task [dreg:s7], $0x5FFFF  }
0xac: {  	[dreg:$0x1] =	wrdreg $0xFFFFFFFF  }
0xad: {  	[dreg:$0x0] =	wrdreg $0x60  }
0xae: {  	[dreg:$0x2] =	wrdreg s24  }
0xaf: {  	[dreg:$0x3] =	wrdreg s2  }
0xb0: {  	[dreg:$0x4] =	wrdreg $0x50000  }
0xb1: {  	[dreg:$0x5] =	wrdreg $0x9  }
0xb2: {  	_ =	task.clear_ibuf [dreg:s7], $0x6FFFF;
	_ =	strace $0x90000052  }
0xb3: {  	s29 =	simm.s32 $0x9;
	_ =	strace $0x80000054  }
0xb4: {  	_ =	swait.ge [sflag:s29], $0x1  }
0xb5: {  	[sflag:s29] =	ssyncadd.s32 $0xFFFFFFFF  }
0xb6: {  	_ =	strace $0x90000054  }
0xb7: {  	_ =	sfence  }
0xb8: {  	s30 =	sld [smem:$0x0];
	_ =	sdelay $0x2  }
0xb9: {  	s31 =	sshll.u32 s1, $0xD;
	s1 =	sshrl.u32 s1, $0x2  }
0xba: {  	s3 =	sand.u32 $0x4000, s31;
	s1 =	sadd.s32 s1, s30  }
0xbb: {  	s0 =	sor.u32 s3, s0;
	s1 =	sshll.u32 s1, $0x11  }
0xbc: {  	s0 =	sor.u32 s1, s0  }
0xbd: {  	s0 =	sadd.s32 $0x8F2B, s0  }
0xbe: {  	[sflag:s0] =	ssyncadd.remote.s32 $0x1  }
0xbf: {  	_ =	sfence.sel $0xFFFF  }
0xc0: {  	[dreg:$0x0] =	wrdreg $0xFFFFFFFF;
	(pc) =	sbr.abs _section_cstart, $3  }
0xc1: {  	[dreg:$0x1] =	wrdreg $0xFFFFFFFF  }
0xc2: {  	_ =	task.clear_ibuf [dreg:s7], $0x2FFFF;
	_ =	strace $0x9FFFFFFF  }
0xc3: {  	(tm) =	ssettm $0x7FFFFFFF  }
tec
execute0_lowered:
.L_overlay_start_1:
0x0: {  	(tag) =	ssettag $0x1  }
0x1: {  	s5 =	rddreg [dreg:$0x0]  }
0x2: {  	s6 =	rddreg [dreg:$0x1]  }
0x3: {  	s0 =	srdreg.scid;
	s2 =	rddreg [dreg:$0x2]  }
0x4: {  	s1 =	stileid.u32;
	s3 =	simm.s32 $0x0;
	s13 =	simm.s32 $0x4  }
0x5: {  	s15 =	simm.s32 $0x2400;
	s16 =	simm.s32 $0x2600;
	s8 =	smul.u32 $0xC800, s1  }
0x6: {  	s17 =	simm.s32 $0x200;
	s18 =	simm.s32 $0x2800;
	s10 =	smul.u32 $0x18800, s1  }
0x7: {  	s19 =	simm.s32 $0x3;
	s7 =	sand.u32 $0x1, s0;
	s11 =	smul.u32 $0x62000, s1  }
0x8: {  	s20 =	simm.s32 $0x0;
	s0 =	rddreg [dreg:$0x3];
	s4 =	smul.u32 $0xC8000, s7  }
0x9: {  	[smem:$0x7FF] =	sst s3;
	s9 =	smul.u32 $0x188000, s7;
	s28 =	ssub.s32 $0x2, s7  }
0xa: {  	_ =	strace $0x80000053;
	s30 =	sshrl.u32 s28, $0x1;
	s31 =	sshrl.u32 s11, $0x2  }
0xb: {  	s14 =	sadd.s32 s10, s2;
	s11 =	simm.s32 $0x5;
	s8 =	sadd.s32 s8, s4  }
.Ltmp0:
0xc: {  	s4 =	sadd.s32 $0x9C200, s5;
	s29 =	sadd.s32 s10, s9;
	(pc) =	sbr.rel .LBB2_1-.Ltmp0, $4  }
0xd: {  	s10 =	simm.s32 $0x4800;
	s14 =	sshrl.u32 s14, $0x3;
	s8 =	sshrl.u32 s8, $0x3  }
0xe: {  	s7 =	sshrl.u32 s29, $0x3;
	s12 =	sadd.s32 s8, s5;
	s8 =	ssub.s32 s28, s30  }
0xf: {  	s5 =	sadd.s32 s31, s2;
	s6 =	sadd.s32 s6, s7;
	s7 =	smax.u32 s8, $0x1  }
0x10: {  	v0 =	vimm.f32 $0.0e+00;
	s8 =	sadd.s32 $0x39200, s12;
	s9 =	sadd.s32 $0x7200, s12;
	s12 =	simm.s32 $0x2  }
.LBB2_9:
0x11: {  	_ =	swait.ge [sflag:s12], $0x2000  }
0x12: {  	[sflag:s12] =	ssyncset.done $0x0  }
0x13: {  	[sflag:s12] =	ssyncadd.s32 $0xFFFFE000  }
0x14: {  	_ =	swait.ge [sflag:s13], $0x2000  }
0x15: {  	s20 =	sadd.s32 $0x1, s20;
	[sflag:s13] =	ssyncset.done $0x0  }
0x16: {  	s21 =	sshll.u32 s1, $0x6;
	p0 =	sne.s32 s20, s7;
	[sflag:s13] =	ssyncadd.s32 $0xFFFFE000  }
.Ltmp1:
0x17: {  	s21 =	sor.u32 $0x1C05, s21;
	[bflag:$0x0] =	sbarrier.arrive $0xFFFF;
	(pc) =	sbr.rel @!p0 .LBB2_10-.Ltmp1, $4  }
0x18: {  	[hbm:s6], [sflag:s21] =	dma.local [spmem:s14], $0x3100  }
0x19: {  	_ =	swait.ge [sflag:s11], $0x3100  }
0x1a: {  	[sflag:s11] =	ssyncset.done $0x0  }
0x1b: {  	[sflag:s11] =	ssyncadd.s32 $0xFFFFCF00  }
.LBB2_1:
0x1c: {  	s21 =	simm.s32 $0x0  }
.LBB2_2:
0x1d: {  	p0 =	sne.s32 s21, $0x1FC0  }
.Ltmp2:
0x1e: {  	_ = 	snop;
	(pc) =	sbr.rel @p0 .LBB2_2-.Ltmp2, $3  }
0x1f: {  	_ =	sdelay $0x1  }
0x20: {  	s22 =	sshra.s32 s21, $0x2  }
0x21: {  	s21 =	sadd.s32 $0x40, s21;
	[tilespmem:s22+$0x4800] =	vst v0  }
0x22: {  	s21 =	sadd.s32 $0x0, s5  }
0x23: {  	[spmem:s21] =	stream.linear.scatter [tilespmem:s10], [sflag:$0x5], $0x800, $0x38;
	[tilespmem:$0x1D800] =	vst v63  }
0x24: {  	s21 =	simm.s32 $0x2000;
	_ =	swait.ge [sflag:s11], $0x800  }
.LBB2_4:
0x25: {  	s22 =	sshra.s32 s21, $0x2;
	[sflag:s11] =	ssyncset.done $0x0;
	p0 =	sne.s32 s21, $0x60000  }
.Ltmp3:
0x26: {  	s22 =	sadd.s32 s22, s5;
	[sflag:s11] =	ssyncadd.s32 $0xFFFFF800;
	(pc) =	sbr.rel @p0 .LBB2_4-.Ltmp3, $3  }
0x27: {  	[spmem:s22] =	stream.linear.scatter [tilespmem:s10], [sflag:$0x5], $0x800, $0x38;
	[tilespmem:$0x1D800] =	vst v63  }
0x28: {  	s21 =	sadd.s32 $0x2000, s21;
	_ =	sdelay $0x1  }
0x29: {  	_ =	swait.ge [sflag:s11], $0x800  }
.Ltmp4:
0x2a: {  	(pc) =	sbr.rel .LBB2_6-.Ltmp4, $4  }
0x2b: {  	[sflag:s11] =	ssyncset.done $0x0  }
0x2c: {  	[sflag:s11] =	ssyncadd.s32 $0xFFFFF800  }
0x2d: {  	[bflag:$0x0] =	sbarrier.arrive $0xFFFF  }
0x2e: {  	s21 =	simm.s32 $0x0;
	s22 =	smov.u32 s9;
	s23 =	smov.u32 s8  }
.LBB2_8:
0x2f: {  	s21 =	sadd.s32 $0x1, s21  }
0x30: {  	p0 =	sne.s32 s21, $0x64  }
.Ltmp5:
0x31: {  	_ = 	snop;
	(pc) =	sbr.rel @!p0 .LBB2_9-.Ltmp5, $2  }
0x32: {  	_ =	sdelay $0x2  }
0x33: {  	s23 =	sadd.s32 $0x40, s23;
	s22 =	sadd.s32 $0x40, s22  }
.LBB2_6:
0x34: {  	s24 =	sand.u32 $0x1, s21  }
0x35: {  	p0 =	seq.s32 s24, $0x1  }
0x36: {  	p1 =	slt.u32 @!p0 s21, $0x2  }
0x37: {  	p1 =	por p1, p0  }
0x38: {  	s25 =	simm.s32 @!p1 $0x2  }
0x39: {  	_ =	swait.ge @!p1 [sflag:s25], $0x2000  }
0x3a: {  	[sflag:s25] =	ssyncset.done @!p1 $0x0  }
0x3b: {  	s26 =	simm.s32 @!p0 $0x5;
	[sflag:s25] =	ssyncadd.s32 @!p1 $0xFFFFE000;
	s25 =	simm.s32 @!p0 $0x0  }
0x3c: {  	[tilespmem:s25], [sflag:$0x5] =	stream.linear.gather @!p0 [hbm4b:s22+s25], $0x200, $0x38;
	[tilespmem:$0x1D800] =	vst v63  }
0x3d: {  	_ =	swait.ge @!p0 [sflag:s26], $0x200  }
0x3e: {  	[sflag:s26] =	ssyncset.done @!p0 $0x0  }
0x3f: {  	s28 =	simm.s32 @!p0 $0x200;
	[sflag:s26] =	ssyncadd.s32 @!p0 $0xFFFFFE00  }
0x40: {  	[tilespmem:s28], [sflag:$0x5] =	stream.linear.gather @!p0 [hbm4b:s23+s25], $0x200, $0x38;
	[tilespmem:$0x1D800] =	vst v63  }
0x41: {  	_ =	swait.ge @!p0 [sflag:s26], $0x200  }
0x42: {  	[sflag:s26] =	ssyncset.done @!p0 $0x0  }
0x43: {  	[sflag:s26] =	ssyncadd.s32 @!p0 $0xFFFFFE00;
	s26 =	simm.s32 @!p0 $0x400  }
0x44: {  	[tilespmem:s26], [sflag:$0x1] =	stream.indirect.gather @!p0 [hbm4b:s4+s28], $0x10, s25, s28, $0xb8;
	[tilespmem:$0x1D800] =	vst v63  }
0x45: {  	s25 =	simm.s32 @!p0 $0x1  }
0x46: {  	_ =	swait.ge @!p0 [sflag:s25], $0x2000  }
0x47: {  	[sflag:s25] =	ssyncset.done @!p0 $0x0  }
0x48: {  	p1 =	seq.s32 @!p0 s24, $0x0;
	[sflag:s25] =	ssyncadd.s32 @!p0 $0xFFFFE000  }
0x49: {  	[spmem:s2] =	stream.indirect.scatter.add.f32 @!p0 [tilespmem:s26], [sflag:$0x2], $0x10, s28, s28, $0xb8;
	[tilespmem:$0x1D800] =	vst v63  }
0x4a: {  	p0 =	por p0, !p1  }
.Ltmp6:
0x4b: {  	_ = 	snop;
	(pc) =	sbr.rel @!p0 .LBB2_8-.Ltmp6, $1  }
0x4c: {  	_ =	sdelay $0x3  }
0x4d: {  	p0 =	slt.u32 s21, $0x2  }
0x4e: {  	s24 =	simm.s32 @!p0 $0x4  }
0x4f: {  	_ =	swait.ge @!p0 [sflag:s24], $0x2000  }
0x50: {  	[sflag:s24] =	ssyncset.done @!p0 $0x0  }
0x51: {  	[sflag:s24] =	ssyncadd.s32 @!p0 $0xFFFFE000  }
0x52: {  	[tilespmem:s15], [sflag:$0x5] =	stream.linear.gather [hbm4b:s22+s3], $0x200, $0x38;
	[tilespmem:$0x1D800] =	vst v63  }
0x53: {  	_ =	swait.ge [sflag:s11], $0x200  }
0x54: {  	[sflag:s11] =	ssyncset.done $0x0  }
0x55: {  	[sflag:s11] =	ssyncadd.s32 $0xFFFFFE00  }
0x56: {  	[tilespmem:s16], [sflag:$0x5] =	stream.linear.gather [hbm4b:s23+s3], $0x200, $0x38;
	[tilespmem:$0x1D800] =	vst v63  }
0x57: {  	_ =	swait.ge [sflag:s11], $0x200  }
0x58: {  	[sflag:s11] =	ssyncset.done $0x0  }
0x59: {  	[sflag:s11] =	ssyncadd.s32 $0xFFFFFE00  }
0x5a: {  	[tilespmem:s18], [sflag:$0x3] =	stream.indirect.gather [hbm4b:s4+s17], $0x10, s15, s17, $0xb8;
	[tilespmem:$0x1D800] =	vst v63  }
.Ltmp7:
0x5b: {  	_ = 	snop;
	(pc) =	sbr.rel .LBB2_8-.Ltmp7, $4  }
0x5c: {  	_ =	swait.ge [sflag:s19], $0x2000  }
0x5d: {  	[sflag:s19] =	ssyncset.done $0x0  }
0x5e: {  	[sflag:s19] =	ssyncadd.s32 $0xFFFFE000  }
0x5f: {  	[spmem:s2] =	stream.indirect.scatter.add.f32 [tilespmem:s18], [sflag:$0x4], $0x10, s16, s17, $0xb8;
	[tilespmem:$0x1D800] =	vst v63  }
.LBB2_10:
0x60: {  	_ =	sfence.sel $0x180000  }
0x61: {  	[bflag:$0x0] =	sbarrier.arrive $0xFFFF  }
0x62: {  	p0 =	sne.s32 s1, $0x0;
	_ =	strace $0x90000053  }
0x63: {  	s0 =	sadd.s32 @!p0 $0x100000, s0;
	[bflag:$0x2] =	sbarrier.arrive $0xFFFF  }
0x64: {  	[sflag:s0] =	ssyncadd.tile.s32 @!p0 $0x1;
	_ =	shalt  }
.Lfunc_end2:
_tile_overlayer_lowered:
.L_overlay_start_2:
0x65: {  	(tag) =	ssettag $0x2  }
0x66: {  	s0 =	rddreg [dreg:$0x0];
	s2 =	stileid.u32  }
0x67: {  	s1 =	rddreg [dreg:$0x1];
	p0 =	sne.s32 s2, $0x0  }
0x68: {  	s3 =	rddreg [dreg:$0x2];
	[bflag:$0x3] =	sbarrier.arrive $0xFFFF;
	s2 =	simm.s32 @!p0 $0x1C05  }
0x69: {  	[timem:s3], [sflag:s2] =	dma.local @!p0 [hbm:s0], s1  }
0x6a: {  	s0 =	simm.s32 @!p0 $0x5  }
0x6b: {  	_ =	swait.ge @!p0 [sflag:s0], s1  }
0x6c: {  	s1 =	ssub.s32 @!p0 $0x0, s1;
	[sflag:s0] =	ssyncset.done @!p0 $0x0  }
0x6d: {  	[sflag:s0] =	ssyncadd.s32 @!p0 s1  }
0x6e: {  	[bflag:$0x3] =	sbarrier.arrive $0xFFFF  }
0x6f: {  	_ =	shalt  }

// kernel: kernel.30.cloned.1.call-start
scs
__scs_entry_jumppad:
0x0: {  	(pc) =	sbr.rel $0x88, $3  }
0x1: {  	(tag) =	ssettag $0x0;
	lr =	simm.s32 $0x1  }
0x2: {  	[smem:$0x3F8D] =	sst lr;
	_ =	strace $0xD0000000  }
0x3: {  	_ = 	snop  }
0x4: {  	_ = 	snop  }
0x5: {  	_ = 	snop  }
0x6: {  	_ = 	snop  }
0x7: {  	_ = 	snop  }
__scs_overlays_trampoline_lowered:
0x8: {  	[smem:$0x3F9C] =	sst s0  }
0x9: {  	[smem:$0x3F9D] =	sst s1  }
0xa: {  	[smem:$0x3F9E] =	sst s2  }
0xb: {  	[smem:$0x3F9F] =	sst s3  }
0xc: {  	[smem:$0x3FA0] =	sst s4  }
0xd: {  	[smem:$0x3FA1] =	sst s5  }
0xe: {  	[smem:$0x3FA2] =	sst s6  }
0xf: {  	[smem:$0x3FA3] =	sst s7  }
0x10: {  	[smem:$0x3FA4] =	sst s8  }
0x11: {  	[smem:$0x3FA5] =	sst s9;
	s0 =	simm.s32 @!p0 $0x0  }
0x12: {  	s1 =	sld [smem:$0x3F8B];
	s0 =	simm.s32 @p0 $0x1  }
0x13: {  	[smem:$0x3FA6] =	sst s0;
	s0 =	simm.s32 @!p1 $0x0  }
0x14: {  	s2 =	sld [smem:$0x3F8A];
	s0 =	simm.s32 @p1 $0x1  }
0x15: {  	[smem:$0x3FA7] =	sst s0;
	s0 =	simm.s32 @!p2 $0x0  }
0x16: {  	s3 =	sld [smem:$0x3FDB];
	s0 =	simm.s32 @p2 $0x1  }
0x17: {  	s4 =	simm.s32 $0x1BF5;
	[smem:$0x3FA9] =	sst s0  }
0x18: {  	s0 =	sld [smem:$0x3F8C];
	_ =	swait.ge [sflag:s4], $0x0  }
0x19: {  	s7 =	sld [smem:$0x3F8D]  }
0x1a: {  	s8 =	sadd.s32 $0xFFFFE003, lr  }
0x1b: {  	s9 =	sadd.s32 $0xFFFFFEF7, lr;
	s5 =	simm.s32 $0xFFFFFFFF;
	p2 =	slt.u32 s8, $0xFFFFF086  }
0x1c: {  	p1 =	slt.u32 s9, $0xF7A;
	s5 =	simm.s32 @!p2 $0x0  }
0x1d: {  	s5 =	simm.s32 @p1 $0x1;
	p0 =	seq.s32 s7, s2  }
0x1e: {  	s7 =	smul.u32 @!p0 $0xF7A, s2;
	p2 =	seq.s32 @!p0 s5, $0x0  }
0x1f: {  	s9 =	smul.u32 $0xF7A, s1;
	s8 =	simm.s32 @!p0 $0x1BF5;
	p2 =	por !p2, p0  }
0x20: {  	[sflag:s8] =	ssyncset.s32 @!p0 $0xFFFFF086;
	s6 =	sadd.s32 @!p0 s3, s7;
	s7 =	simm.s32 @!p0 $0x108  }
0x21: {  	s3 =	sadd.s32 s3, s9;
	s6 =	sadd.s32 @!p0 $0x88, s6;
	s7 =	simm.s32 @p2 $0x1082  }
0x22: {  	[simem:s7], [sflag:s8] =	dma.local @!p0 [hbm:s6], $0xF7A  }
0x23: {  	s9 =	sor.u32 $0xD0000000, s2;
	s6 =	simm.s32 $0x108;
	_ =	swait.ge @!p0 [sflag:s8], $0x0  }
0x24: {  	s3 =	sadd.s32 $0x88, s3;
	s6 =	simm.s32 @!p1 $0x1082;
	[sflag:s4] =	ssyncset.s32 $0xFFFFF086  }
0x25: {  	[simem:s6], [sflag:s4] =	dma.local [hbm:s3], $0xF7A  }
0x26: {  	[smem:$0x3F8D] =	sst s1;
	(tag) =	ssettag s2;
	_ =	strace s9  }
0x27: {  	s1 =	sld [smem:$0x3F9D]  }
0x28: {  	s2 =	sld [smem:$0x3F9E]  }
0x29: {  	s4 =	sld [smem:$0x3FA0]  }
0x2a: {  	p0 =	seq.s32 s5, $0x0;
	s5 =	sld [smem:$0x3FA1]  }
0x2b: {  	s6 =	sld [smem:$0x3FA2]  }
0x2c: {  	s7 =	sld [smem:$0x3FA3]  }
0x2d: {  	s3 =	simm.s32 $0x108;
	s8 =	sld [smem:$0x3FA4]  }
0x2e: {  	s3 =	simm.s32 @!p0 $0x1082;
	s9 =	sld [smem:$0x3FA5]  }
0x2f: {  	lr =	sadd.s32 s0, s3;
	s0 =	sld [smem:$0x3F9C]  }
0x30: {  	s3 =	sld [smem:$0x3F9F]  }
0x31: {  	[smem:$0x3FA8] =	sst s10  }
0x32: {  	s10 =	sld [smem:$0x3FA6];
	_ =	sdelay $0x3  }
0x33: {  	p0 =	seq.s32 s10, $0x1;
	s10 =	sld [smem:$0x3FA8];
	_ =	sdelay $0x3  }
0x34: {  	[smem:$0x3FA8] =	sst s10  }
0x35: {  	s10 =	sld [smem:$0x3FA7];
	_ =	sdelay $0x3  }
0x36: {  	p1 =	seq.s32 s10, $0x1;
	s10 =	sld [smem:$0x3FA8];
	_ =	sdelay $0x3  }
0x37: {  	[smem:$0x3FA8] =	sst s10  }
0x38: {  	s10 =	sld [smem:$0x3FA9]  }
0x39: {  	_ = 	snop;
	(pc) =	sbr.ind lr, $3  }
0x3a: {  	_ = 	snop  }
0x3b: {  	_ = 	snop  }
0x3c: {  	p2 =	seq.s32 s10, $0x1;
	s10 =	sld [smem:$0x3FA8]  }
0x3d: {  	_ =	shalt  }
0x3e: {  	_ =	shalt  }
0x3f: {  	_ =	shalt  }
0x40: {  	_ =	shalt  }
0x41: {  	_ =	shalt  }
0x42: {  	_ =	shalt  }
0x43: {  	_ =	shalt  }
0x44: {  	_ =	shalt  }
0x45: {  	_ =	shalt  }
0x46: {  	_ =	shalt  }
0x47: {  	_ =	shalt  }
0x48: {  	_ =	shalt  }
0x49: {  	_ =	shalt  }
0x4a: {  	_ =	shalt  }
0x4b: {  	_ =	shalt  }
0x4c: {  	_ =	shalt  }
0x4d: {  	_ =	shalt  }
0x4e: {  	_ =	shalt  }
0x4f: {  	_ =	shalt  }
0x50: {  	_ =	shalt  }
0x51: {  	_ =	shalt  }
0x52: {  	_ =	shalt  }
0x53: {  	_ =	shalt  }
0x54: {  	_ =	shalt  }
0x55: {  	_ =	shalt  }
0x56: {  	_ =	shalt  }
0x57: {  	_ =	shalt  }
0x58: {  	_ =	shalt  }
0x59: {  	_ =	shalt  }
0x5a: {  	_ =	shalt  }
0x5b: {  	_ =	shalt  }
0x5c: {  	_ =	shalt  }
0x5d: {  	_ =	shalt  }
0x5e: {  	_ =	shalt  }
0x5f: {  	_ =	shalt  }
0x60: {  	_ =	shalt  }
0x61: {  	_ =	shalt  }
0x62: {  	_ =	shalt  }
0x63: {  	_ =	shalt  }
0x64: {  	_ =	shalt  }
0x65: {  	_ =	shalt  }
0x66: {  	_ =	shalt  }
0x67: {  	_ =	shalt  }
0x68: {  	_ =	shalt  }
0x69: {  	_ =	shalt  }
0x6a: {  	_ =	shalt  }
0x6b: {  	_ =	shalt  }
0x6c: {  	_ =	shalt  }
0x6d: {  	_ =	shalt  }
0x6e: {  	_ =	shalt  }
0x6f: {  	_ =	shalt  }
0x70: {  	_ =	shalt  }
0x71: {  	_ =	shalt  }
0x72: {  	_ =	shalt  }
0x73: {  	_ =	shalt  }
0x74: {  	_ =	shalt  }
0x75: {  	_ =	shalt  }
0x76: {  	_ =	shalt  }
0x77: {  	_ =	shalt  }
0x78: {  	_ =	shalt  }
0x79: {  	_ =	shalt  }
0x7a: {  	_ =	shalt  }
0x7b: {  	_ =	shalt  }
0x7c: {  	_ =	shalt  }
0x7d: {  	_ =	shalt  }
0x7e: {  	_ =	shalt  }
0x7f: {  	_ =	shalt  }
0x80: {  	_ =	shalt  }
0x81: {  	_ =	shalt  }
0x82: {  	_ =	shalt  }
0x83: {  	_ =	shalt  }
0x84: {  	_ =	shalt  }
0x85: {  	_ =	shalt  }
0x86: {  	_ =	shalt  }
0x87: {  	_ =	shalt  }
.Lfunc_end0:
.L_simem_size_0:
called_computation.5_lowered:
.L_overlay_start_0:
0x88: {  	s2 =	sld [smem:$0x3FD9]  }
0x89: {  	s3 =	sld [smem:$0x3FFE];
	_ =	sdelay $0x1  }
0x8a: {  	s1 =	srdreg.scid  }
0x8b: {  	s0 =	sand.u32 $0x1, s1  }
0x8c: {  	s17 =	sshll.u32 s0, $0xA;
	s2 =	sadd.s32 s3, s2  }
0x8d: {  	s2 =	sadd.s32 s2, s17  }
0x8e: {  	[smem:$0x3FB4] =	sst s2  }
0x8f: {  	_ = 	snop  }
0x90: {  	s2 =	sld [smem:$0x3FD0];
	(tm) =	ssettm $0x1  }
0x91: {  	s18 =	sld [smem:$0x3FFB];
	_ =	sdelay $0x3  }
0x92: {  	_ =	strace s18  }
0x93: {  	s3 =	sld [smem:$0x3FFC];
	_ =	sdelay $0x3  }
0x94: {  	_ =	strace s3  }
0x95: {  	s3 =	sld [smem:$0x3FFD];
	_ =	sdelay $0x3  }
0x96: {  	_ =	strace s3  }
0x97: {  	_ =	strace $0x8FFFFFFF  }
0x98: {  	s19 =	sld [smem:$0x3FDB];
	_ =	sdelay $0x1  }
0x99: {  	s4 =	simm.s32 $_scs_section_size  }
0x9a: {  	s5 =	simm.s32 $_size__tile_overlayer_lowered;
	s6 =	simm.s32 $_tile_overlayer_lowered  }
0x9b: {  	s22 =	simm.s32 $0x1BFF;
	s21 =	sshll.u32 s6, $0x1;
	s3 =	sadd.s32 s4, s19  }
0x9c: {  	s7 =	simm.s32 $0x0;
	s20 =	sshll.u32 s5, $0x1;
	s5 =	sadd.s32 s21, s3  }
0x9d: {  	[timem:s7], [sflag:s22] =	dma.local [hbm:s5], s20  }
0x9e: {  	_ =	swait.ge [sflag:s22], s20  }
0x9f: {  	s4 =	ssub.s32 $0x0, s20;
	[sflag:s22] =	ssyncset.done $0x0  }
0xa0: {  	[sflag:s22] =	ssyncadd.s32 s4;
	_ =	sdelay $0x1  }
0xa1: {  	s23 =	simm.s32 $0x1B8B  }
0xa2: {  	_ =	swait.ge [sflag:s23], $0x1  }
0xa3: {  	[sflag:s23] =	ssyncset.done $0x0  }
0xa4: {  	s25 =	simm.s32 $0x1B8E;
	s24 =	sld [smem:$0x3FFE];
	[sflag:s23] =	ssyncadd.s32 $0xFFFFFFFF  }
0xa5: {  	s26 =	simm.s32 $execute0_lowered;
	[smem:$0x3FD2] =	sst s25  }
0xa6: {  	s5 =	sshll.u32 s26, $0x1;
	_ =	strace $0x80000055;
	[dreg:$0x1] =	wrdreg $0xFFFFFFFF  }
0xa7: {  	s28 =	simm.s32 $_size_execute0_lowered;
	s3 =	sadd.s32 s3, s5;
	[dreg:$0x0] =	wrdreg $0x0  }
0xa8: {  	s5 =	sshll.u32 s28, $0x1;
	[dreg:$0x2] =	wrdreg s3  }
0xa9: {  	[dreg:$0x3] =	wrdreg s5  }
0xaa: {  	[dreg:$0x4] =	wrdreg $0xC0  }
0xab: {  	_ =	task [dreg:s7], $0x5FFFF  }
0xac: {  	[dreg:$0x1] =	wrdreg $0xFFFFFFFF  }
0xad: {  	[dreg:$0x0] =	wrdreg $0x60  }
0xae: {  	[dreg:$0x2] =	wrdreg s2  }
0xaf: {  	[dreg:$0x3] =	wrdreg s24  }
0xb0: {  	[dreg:$0x4] =	wrdreg $0x9  }
0xb1: {  	_ =	task.clear_ibuf [dreg:s7], $0x5FFFF;
	_ =	strace $0x90000055  }
0xb2: {  	s29 =	simm.s32 $0x9;
	_ =	strace $0x80000057  }
0xb3: {  	_ =	swait.ge [sflag:s29], $0x1  }
0xb4: {  	[sflag:s29] =	ssyncadd.s32 $0xFFFFFFFF  }
0xb5: {  	_ =	strace $0x90000057  }
0xb6: {  	_ =	sfence  }
0xb7: {  	s30 =	sld [smem:$0x0];
	_ =	sdelay $0x2  }
0xb8: {  	s31 =	sshll.u32 s1, $0xD;
	s1 =	sshrl.u32 s1, $0x2  }
0xb9: {  	s3 =	sand.u32 $0x4000, s31;
	s1 =	sadd.s32 s1, s30  }
0xba: {  	s0 =	sor.u32 s3, s0;
	s1 =	sshll.u32 s1, $0x11  }
0xbb: {  	s0 =	sor.u32 s1, s0  }
0xbc: {  	s0 =	sadd.s32 $0x8F2B, s0  }
0xbd: {  	[sflag:s0] =	ssyncadd.remote.s32 $0x1  }
0xbe: {  	_ =	sfence.sel $0xFFFF  }
0xbf: {  	[dreg:$0x0] =	wrdreg $0xFFFFFFFF;
	(pc) =	sbr.abs _section_cstart, $3  }
0xc0: {  	[dreg:$0x1] =	wrdreg $0xFFFFFFFF  }
0xc1: {  	_ =	task.clear_ibuf [dreg:s7], $0x2FFFF;
	_ =	strace $0x9FFFFFFF  }
0xc2: {  	(tm) =	ssettm $0x7FFFFFFF  }
0xc3: {  	_ =	shalt  }
tec
execute0_lowered:
.L_overlay_start_1:
0x0: {  	(tag) =	ssettag $0x1  }
0x1: {  	s2 =	rddreg [dreg:$0x0]  }
0x2: {  	s0 =	srdreg.scid;
	s5 =	rddreg [dreg:$0x1]  }
0x3: {  	s26 =	stileid.u32;
	s3 =	simm.s32 $0x0;
	s12 =	simm.s32 $0x3  }
0x4: {  	s13 =	simm.s32 $0x4;
	s14 =	simm.s32 $0x7;
	s15 =	simm.s32 $0x8  }
0x5: {  	s16 =	simm.s32 $0x8800;
	s17 =	simm.s32 $0x9;
	s18 =	simm.s32 $0x8C00  }
0x6: {  	s19 =	simm.s32 $0x400;
	s20 =	simm.s32 $0x9000;
	s21 =	simm.s32 $0xD000  }
0x7: {  	s22 =	simm.s32 $0x5;
	s23 =	simm.s32 $0x6;
	s7 =	smul.u32 $0xC800, s26  }
0x8: {  	s24 =	simm.s32 $0x0;
	s4 =	sand.u32 $0x1, s0;
	s9 =	smul.u32 $0x19000, s26  }
0x9: {  	[smem:$0x7FF] =	sst s3;
	s6 =	smul.u32 $0xC8000, s4;
	s8 =	ssub.s32 $0x2, s4  }
0xa: {  	_ =	strace $0x80000056;
	s28 =	smul.u32 $0x190000, s4;
	s29 =	sshrl.u32 s8, $0x1  }
.Ltmp0:
0xb: {  	s6 =	sadd.s32 s7, s6;
	s8 =	ssub.s32 s8, s29;
	(pc) =	sbr.rel .LBB2_1-.Ltmp0, $4  }
0xc: {  	s4 =	sadd.s32 $0x6B200, s5;
	s6 =	sshrl.u32 s6, $0x3;
	s30 =	smax.u32 s8, $0x1  }
0xd: {  	s11 =	sadd.s32 s6, s5;
	s5 =	sadd.s32 $0x38B200, s5;
	s6 =	sadd.s32 s9, s28  }
0xe: {  	[dreg:$0x3] =	wrdreg s30;
	s8 =	sadd.s32 s5, s6;
	s31 =	sadd.s32 $0x39200, s11  }
0xf: {  	s9 =	sadd.s32 s4, s6;
	s11 =	sadd.s32 $0x7200, s11;
	[dreg:$0x4] =	wrdreg s31  }
.LBB2_5:
0x10: {  	_ =	swait.ge [sflag:s12], $0x4000  }
0x11: {  	[sflag:s12] =	ssyncset.done $0x0  }
0x12: {  	[sflag:s12] =	ssyncadd.s32 $0xFFFFC000  }
0x13: {  	_ =	swait.ge [sflag:s13], $0x4000  }
0x14: {  	[sflag:s13] =	ssyncset.done $0x0  }
0x15: {  	[sflag:s13] =	ssyncadd.s32 $0xFFFFC000  }
0x16: {  	_ =	swait.ge [sflag:s14], $0x4000  }
0x17: {  	[sflag:s14] =	ssyncset.done $0x0  }
0x18: {  	[sflag:s14] =	ssyncadd.s32 $0xFFFFC000  }
0x19: {  	_ =	swait.ge [sflag:s15], $0x4000  }
0x1a: {  	s24 =	sadd.s32 $0x1, s24;
	s0 =	rddreg [dreg:$0x3]  }
0x1b: {  	p0 =	sne.s32 s24, s0  }
.Ltmp1:
0x1c: {  	_ = 	snop;
	(pc) =	sbr.rel @!p0 .LBB2_6-.Ltmp1, $3  }
0x1d: {  	_ =	sdelay $0x1  }
0x1e: {  	[sflag:s15] =	ssyncset.done $0x0  }
0x1f: {  	[sflag:s15] =	ssyncadd.s32 $0xFFFFC000  }
.LBB2_1:
.Ltmp2:
0x20: {  	(pc) =	sbr.rel .LBB2_2-.Ltmp2, $3  }
0x21: {  	_ =	sdelay $0x1  }
0x22: {  	s25 =	smov.u32 s11  }
0x23: {  	s26 =	rddreg [dreg:$0x4];
	s28 =	simm.s32 $0x0;
	s29 =	simm.s32 $0x0  }
.LBB2_4:
0x24: {  	s28 =	sadd.s32 $0x800, s28  }
0x25: {  	p0 =	sne.s32 s28, $0x19000  }
.Ltmp3:
0x26: {  	_ = 	snop;
	(pc) =	sbr.rel @!p0 .LBB2_5-.Ltmp3, $2  }
0x27: {  	_ =	sdelay $0x2  }
0x28: {  	s29 =	sadd.s32 $0x1, s29;
	s26 =	sadd.s32 $0x80, s26;
	s25 =	sadd.s32 $0x80, s25  }
.LBB2_2:
0x29: {  	s30 =	sand.u32 $0x1, s29  }
0x2a: {  	p0 =	seq.s32 s30, $0x1  }
0x2b: {  	p1 =	slt.u32 @!p0 s29, $0x2  }
0x2c: {  	p1 =	por p1, p0  }
0x2d: {  	s31 =	simm.s32 @!p1 $0x3  }
0x2e: {  	_ =	swait.ge @!p1 [sflag:s31], $0x4000  }
0x2f: {  	[sflag:s31] =	ssyncset.done @!p1 $0x0  }
0x30: {  	[sflag:s31] =	ssyncadd.s32 @!p1 $0xFFFFC000;
	s31 =	simm.s32 @!p1 $0x4  }
0x31: {  	_ =	swait.ge @!p1 [sflag:s31], $0x4000  }
0x32: {  	[sflag:s31] =	ssyncset.done @!p1 $0x0  }
0x33: {  	s0 =	simm.s32 @!p0 $0x9;
	[sflag:s31] =	ssyncadd.s32 @!p1 $0xFFFFC000;
	s31 =	simm.s32 @!p0 $0x0  }
0x34: {  	[tilespmem:s31], [sflag:$0x9] =	stream.linear.gather @!p0 [hbm4b:s25+s31], $0x400, $0x38;
	[tilespmem:$0x11000] =	vst v63  }
0x35: {  	_ =	swait.ge @!p0 [sflag:s0], $0x400  }
0x36: {  	[sflag:s0] =	ssyncset.done @!p0 $0x0  }
0x37: {  	s1 =	simm.s32 @!p0 $0x400;
	[sflag:s0] =	ssyncadd.s32 @!p0 $0xFFFFFC00  }
0x38: {  	[tilespmem:s1], [sflag:$0x9] =	stream.linear.gather @!p0 [hbm4b:s26+s31], $0x400, $0x38;
	[tilespmem:$0x11000] =	vst v63  }
0x39: {  	_ =	swait.ge @!p0 [sflag:s0], $0x400  }
0x3a: {  	[sflag:s0] =	ssyncset.done @!p0 $0x0  }
0x3b: {  	[sflag:s0] =	ssyncadd.s32 @!p0 $0xFFFFFC00;
	s0 =	simm.s32 @!p0 $0x800  }
0x3c: {  	[tilespmem:s0], [sflag:$0x1] =	stream.indirect.gather @!p0 [hbm4b:s2+s1], $0x10, s31, s1, $0xb8;
	[tilespmem:$0x11000] =	vst v63  }
0x3d: {  	s7 =	simm.s32 @!p0 $0x4800  }
0x3e: {  	[tilespmem:s7], [sflag:$0x2] =	stream.indirect.gather @!p0 [hbm4b:s2+s1], $0x10, s1, s1, $0xb8;
	[tilespmem:$0x11000] =	vst v63  }
0x3f: {  	s1 =	simm.s32 @!p0 $0x1  }
0x40: {  	s10 =	sadd.s32 @!p0 s28, s6;
	_ =	swait.ge @!p0 [sflag:s1], $0x4000  }
0x41: {  	s10 =	sand.u32 @!p0 $0x1FFFF000, s10;
	[sflag:s1] =	ssyncset.done @!p0 $0x0  }
0x42: {  	[sflag:s1] =	ssyncadd.s32 @!p0 $0xFFFFC000;
	s1 =	sadd.s32 @!p0 s4, s10  }
0x43: {  	[hbm4b:s1+s31] =	stream.linear.scatter @!p0 [tilespmem:s0], [sflag:$0x3], $0x4000, $0x38;
	[tilespmem:$0x11000] =	vst v63  }
0x44: {  	s0 =	simm.s32 @!p0 $0x2  }
0x45: {  	_ =	swait.ge @!p0 [sflag:s0], $0x4000  }
0x46: {  	[sflag:s0] =	ssyncset.done @!p0 $0x0  }
0x47: {  	p1 =	seq.s32 @!p0 s30, $0x0;
	[sflag:s0] =	ssyncadd.s32 @!p0 $0xFFFFC000;
	s0 =	sadd.s32 @!p0 s5, s10  }
0x48: {  	[hbm4b:s0+s31] =	stream.linear.scatter @!p0 [tilespmem:s7], [sflag:$0x4], $0x4000, $0x38;
	[tilespmem:$0x11000] =	vst v63  }
0x49: {  	p0 =	por p0, !p1  }
.Ltmp4:
0x4a: {  	_ = 	snop;
	(pc) =	sbr.rel @!p0 .LBB2_4-.Ltmp4, $1  }
0x4b: {  	_ =	sdelay $0x3  }
0x4c: {  	p0 =	slt.u32 s29, $0x2  }
0x4d: {  	s0 =	simm.s32 @!p0 $0x7  }
0x4e: {  	_ =	swait.ge @!p0 [sflag:s0], $0x4000  }
0x4f: {  	[sflag:s0] =	ssyncset.done @!p0 $0x0  }
0x50: {  	[sflag:s0] =	ssyncadd.s32 @!p0 $0xFFFFC000;
	s0 =	simm.s32 @!p0 $0x8  }
0x51: {  	_ =	swait.ge @!p0 [sflag:s0], $0x4000  }
0x52: {  	[sflag:s0] =	ssyncset.done @!p0 $0x0  }
0x53: {  	[sflag:s0] =	ssyncadd.s32 @!p0 $0xFFFFC000  }
0x54: {  	[tilespmem:s16], [sflag:$0x9] =	stream.linear.gather [hbm4b:s25+s3], $0x400, $0x38;
	[tilespmem:$0x11000] =	vst v63  }
0x55: {  	_ =	swait.ge [sflag:s17], $0x400  }
0x56: {  	[sflag:s17] =	ssyncset.done $0x0  }
0x57: {  	[sflag:s17] =	ssyncadd.s32 $0xFFFFFC00  }
0x58: {  	[tilespmem:s18], [sflag:$0x9] =	stream.linear.gather [hbm4b:s26+s3], $0x400, $0x38;
	[tilespmem:$0x11000] =	vst v63  }
0x59: {  	_ =	swait.ge [sflag:s17], $0x400  }
0x5a: {  	[sflag:s17] =	ssyncset.done $0x0  }
0x5b: {  	[sflag:s17] =	ssyncadd.s32 $0xFFFFFC00  }
0x5c: {  	[tilespmem:s20], [sflag:$0x5] =	stream.indirect.gather [hbm4b:s2+s19], $0x10, s16, s19, $0xb8;
	[tilespmem:$0x11000] =	vst v63  }
0x5d: {  	_ = 	snop  }
0x5e: {  	[tilespmem:s21], [sflag:$0x6] =	stream.indirect.gather [hbm4b:s2+s19], $0x10, s18, s19, $0xb8;
	[tilespmem:$0x11000] =	vst v63  }
0x5f: {  	_ =	swait.ge [sflag:s22], $0x4000  }
0x60: {  	[sflag:s22] =	ssyncset.done $0x0  }
0x61: {  	s30 =	sadd.s32 s28, s9;
	[sflag:s22] =	ssyncadd.s32 $0xFFFFC000  }
0x62: {  	[hbm4b:s30+s3] =	stream.linear.scatter [tilespmem:s20], [sflag:$0x7], $0x4000, $0x38;
	[tilespmem:$0x11000] =	vst v63  }
.Ltmp5:
0x63: {  	_ = 	snop;
	(pc) =	sbr.rel .LBB2_4-.Ltmp5, $4  }
0x64: {  	_ =	swait.ge [sflag:s23], $0x4000  }
0x65: {  	[sflag:s23] =	ssyncset.done $0x0  }
0x66: {  	s31 =	sadd.s32 s28, s8;
	[sflag:s23] =	ssyncadd.s32 $0xFFFFC000  }
0x67: {  	[hbm4b:s31+s3] =	stream.linear.scatter [tilespmem:s21], [sflag:$0x8], $0x4000, $0x38;
	[tilespmem:$0x11000] =	vst v63  }
.LBB2_6:
0x68: {  	_ =	sfence.sel $0x180000  }
0x69: {  	[bflag:$0x0] =	sbarrier.arrive $0xFFFF  }
0x6a: {  	_ =	strace $0x90000056  }
0x6b: {  	s0 =	stileid.u32;
	[bflag:$0x2] =	sbarrier.arrive $0xFFFF  }
0x6c: {  	p0 =	sne.s32 s0, $0x0;
	s0 =	rddreg [dreg:$0x2]  }
0x6d: {  	s0 =	sadd.s32 @!p0 $0x100000, s0  }
0x6e: {  	[sflag:s0] =	ssyncadd.tile.s32 @!p0 $0x1;
	_ =	shalt  }
.Lfunc_end2:
_tile_overlayer_lowered:
.L_overlay_start_2:
0x6f: {  	(tag) =	ssettag $0x2  }
0x70: {  	s0 =	rddreg [dreg:$0x0];
	s2 =	stileid.u32  }
0x71: {  	s1 =	rddreg [dreg:$0x1];
	p0 =	sne.s32 s2, $0x0  }
0x72: {  	s3 =	rddreg [dreg:$0x2];
	[bflag:$0x3] =	sbarrier.arrive $0xFFFF;
	s2 =	simm.s32 @!p0 $0x1C09  }
0x73: {  	[timem:s3], [sflag:s2] =	dma.local @!p0 [hbm:s0], s1  }
0x74: {  	s0 =	simm.s32 @!p0 $0x9  }
0x75: {  	_ =	swait.ge @!p0 [sflag:s0], s1  }
0x76: {  	s1 =	ssub.s32 @!p0 $0x0, s1;
	[sflag:s0] =	ssyncset.done @!p0 $0x0  }
0x77: {  	[sflag:s0] =	ssyncadd.s32 @!p0 s1  }
0x78: {  	[bflag:$0x3] =	sbarrier.arrive $0xFFFF  }
0x79: {  	_ =	shalt  }

</sc_bundles>
